<compile_context>
chip_gen: v7x
topology: tpu7x:2x2x1
jax: 0.10.2.dev20260603
libtpu: 0.0.44.dev20260713+nightly
codegen_flags: <defaults>
</compile_context>

<pallas_src>
import functools
import numpy as np
import jax
import jax.numpy as jnp
from jax import lax
from jax.experimental import pallas as pl
from jax.experimental.pallas import tpu as pltpu
from jax.experimental.pallas import tpu_sc as plsc

B = 16; SEQ = 1536; D = 32; EMB = 32; HID = 128; PRED = 96; TOPM = 32; NW = 2
WIN = 1024; HOP = 512; NF = 513; N = 1024; FPAD = 640
NBD = B * D

_t = np.arange(N)[:, None]
_f = np.arange(FPAD)[None, :]
_ang = 2.0 * np.pi * (_t * _f) / N
COS = np.where(_f < NF, np.cos(_ang), 0.0).astype(np.float32)
SIN = np.where(_f < NF, np.sin(_ang), 0.0).astype(np.float32)
_alpha = np.where((np.arange(FPAD) % 512 == 0) & (np.arange(FPAD) < NF), 1.0, 2.0)
ALPHA = (np.where(np.arange(FPAD) < NF, _alpha, 0.0) / N).astype(np.float32)
CSA = np.stack([
    (COS * ALPHA[None, :]).reshape(2, 512, FPAD),
    (SIN * ALPHA[None, :]).reshape(2, 512, FPAD),
])
QMAP = np.array([[0, 1, 2, 3, 4, 1, 0, 3, 2, 5],
                 [2, 3, 0, 1, 6, 3, 2, 1, 0, 7]], dtype=np.int32)
CSIGN = np.array([[1., -1., -1., -1., 1.], [1., -1., 1., 1., 1.]], np.float32)
SSIGN = np.array([[-1., -1., -1., 1., -1.], [-1., -1., 1., -1., -1.]], np.float32)

_F32 = jnp.float32


def _k1_body(xw_ref, cos_ref, sin_ref, fre_ref, fim_ref, amp_ref):
    xb = xw_ref[0]
    dn = (((0,), (0,)), ((), ()))
    fre = lax.dot_general(xb, cos_ref[...], dn, preferred_element_type=_F32, precision=lax.Precision.HIGHEST)
    fim = -lax.dot_general(xb, sin_ref[...], dn, preferred_element_type=_F32, precision=lax.Precision.HIGHEST)
    fre_ref[0] = fre
    fim_ref[0] = fim
    col = lax.broadcasted_iota(jnp.int32, (D, FPAD), 1)
    amp_ref[0] = jnp.where(col < NF, fre * fre + fim * fim, -1.0)


def _k1(xw, cos, sin):
    g = B * NW
    return pl.pallas_call(
        _k1_body,
        grid=(g,),
        in_specs=[
            pl.BlockSpec((1, N, D), lambda i: (i, 0, 0)),
            pl.BlockSpec((N, FPAD), lambda i: (0, 0)),
            pl.BlockSpec((N, FPAD), lambda i: (0, 0)),
        ],
        out_specs=[
            pl.BlockSpec((1, D, FPAD), lambda i: (i, 0, 0)),
            pl.BlockSpec((1, D, FPAD), lambda i: (i, 0, 0)),
            pl.BlockSpec((1, D, FPAD), lambda i: (i, 0, 0)),
        ],
        out_shape=[jax.ShapeDtypeStruct((g, D, FPAD), _F32)] * 3,
    )(xw, cos, sin)


def _k2a_body(amp_ref, fre_ref, fim_ref, idx_ref, val_ref, asc_ref):
    asc_ref[0] = amp_ref[0, 0]
    asc_ref[1] = amp_ref[0, 1]
    f0r = fre_ref[0, 0]
    f0i = fim_ref[0, 0]
    f1r = fre_ref[0, 1]
    f1i = fim_ref[0, 1]
    iota = lax.broadcasted_iota(jnp.int32, (D, FPAD), 1)
    lane64 = lax.broadcasted_iota(jnp.int32, (D, 2 * TOPM), 1)
    lane128 = lax.broadcasted_iota(jnp.int32, (D, 4 * TOPM), 1)

    def body(m, carry):
        idxs, vals = carry
        a0 = asc_ref[0]
        a1 = asc_ref[1]
        mx0 = jnp.max(a0, axis=1, keepdims=True)
        mx1 = jnp.max(a1, axis=1, keepdims=True)
        i0 = jnp.min(jnp.where(a0 == mx0, iota, FPAD), axis=1, keepdims=True)
        i1 = jnp.min(jnp.where(a1 == mx1, iota, FPAD), axis=1, keepdims=True)
        oh0 = (iota == i0)
        oh1 = (iota == i1)
        pv = jnp.sum(jnp.where(oh0, f0r, 0.0), axis=1, keepdims=True)
        qv = jnp.sum(jnp.where(oh0, f0i, 0.0), axis=1, keepdims=True)
        rv = jnp.sum(jnp.where(oh1, f1r, 0.0), axis=1, keepdims=True)
        sv = jnp.sum(jnp.where(oh1, f1i, 0.0), axis=1, keepdims=True)
        idxs = jnp.where(lane64 == m, i0, idxs)
        idxs = jnp.where(lane64 == TOPM + m, i1, idxs)
        vals = jnp.where(lane128 == m, pv, vals)
        vals = jnp.where(lane128 == TOPM + m, qv, vals)
        vals = jnp.where(lane128 == 2 * TOPM + m, rv, vals)
        vals = jnp.where(lane128 == 3 * TOPM + m, sv, vals)
        asc_ref[0] = jnp.where(oh0, -1.0, a0)
        asc_ref[1] = jnp.where(oh1, -1.0, a1)
        return idxs, vals

    idxs0 = jnp.zeros((D, 2 * TOPM), jnp.int32)
    vals0 = jnp.zeros((D, 4 * TOPM), _F32)
    idxs, vals = lax.fori_loop(0, TOPM, body, (idxs0, vals0))
    idx_ref[0] = idxs

    pv_ = vals[:, :TOPM]
    qv_ = vals[:, TOPM:2 * TOPM]
    rv_ = vals[:, 2 * TOPM:3 * TOPM]
    sv_ = vals[:, 3 * TOPM:]
    val_ref[0] = jnp.concatenate(
        [pv_, qv_, rv_, sv_, pv_, qv_, rv_, sv_], axis=1)


def _k2a(amp, fre, fim):
    return pl.pallas_call(
        _k2a_body,
        grid=(B,),
        in_specs=[pl.BlockSpec((1, NW, D, FPAD), lambda i: (i, 0, 0, 0))] * 3,
        out_specs=[pl.BlockSpec((1, D, 2 * TOPM), lambda i: (i, 0, 0)),
                   pl.BlockSpec((1, D, 8 * TOPM), lambda i: (i, 0, 0))],
        out_shape=[jax.ShapeDtypeStruct((B, D, 2 * TOPM), jnp.int32),
                   jax.ShapeDtypeStruct((B, D, 8 * TOPM), _F32)],
        scratch_shapes=[pltpu.VMEM((2, D, FPAD), _F32)],
    )(amp, fre, fim)


_SC_ROWS = NBD // 32


def _k2b_body(idx_hbm, val_hbm, out_hbm, vbuf, idxv, valv, zero16):
    nc = 2
    wid = lax.axis_index("s") * nc + lax.axis_index("c")
    zero16[...] = jnp.zeros((16,), _F32)
    for c in range(10 * FPAD // 16):
        vbuf[pl.ds(c * 16, 16)] = zero16[...]

    def row_body(r, _):
        row = wid * _SC_ROWS + r
        pltpu.sync_copy(idx_hbm.at[row], idxv)
        pltpu.sync_copy(val_hbm.at[row], valv)
        ones = jnp.full((16,), 1.0, _F32)
        for half in range(2):
            i0 = idxv[pl.ds(half * 16, 16)]
            i1 = idxv[pl.ds(TOPM + half * 16, 16)]
            pvA = valv[pl.ds(half * 16, 16)]
            qvA = valv[pl.ds(TOPM + half * 16, 16)]
            rvA = valv[pl.ds(2 * TOPM + half * 16, 16)]
            svA = valv[pl.ds(3 * TOPM + half * 16, 16)]
            pvB = valv[pl.ds(4 * TOPM + half * 16, 16)]
            qvB = valv[pl.ds(5 * TOPM + half * 16, 16)]
            rvB = valv[pl.ds(6 * TOPM + half * 16, 16)]
            svB = valv[pl.ds(7 * TOPM + half * 16, 16)]
            for k, v in ((0, pvA), (1, qvA), (2, rvA), (3, svA), (4, ones)):
                plsc.store_scatter(vbuf, [i0 + k * FPAD], v)
            for k, v in ((5, pvB), (6, qvB), (7, rvB), (8, svB), (9, ones)):
                plsc.store_scatter(vbuf, [i1 + k * FPAD], v)
        pltpu.sync_copy(vbuf, out_hbm.at[row])
        z = jnp.zeros((16,), _F32)
        for half in range(2):
            i0 = idxv[pl.ds(half * 16, 16)]
            i1 = idxv[pl.ds(TOPM + half * 16, 16)]
            for k in range(5):
                plsc.store_scatter(vbuf, [i0 + k * FPAD], z)
            for k in range(5, 10):
                plsc.store_scatter(vbuf, [i1 + k * FPAD], z)
        return 0

    lax.fori_loop(0, _SC_ROWS, row_body, 0)


def _k2b(idx2, val2):
    mesh = plsc.VectorSubcoreMesh(core_axis_name="c", subcore_axis_name="s")
    f = pl.kernel(
        _k2b_body,
        mesh=mesh,
        out_type=jax.ShapeDtypeStruct((NBD, 10 * FPAD), _F32),
        scratch_types=[pltpu.VMEM((10 * FPAD,), _F32),
                       pltpu.VMEM((2 * TOPM,), jnp.int32),
                       pltpu.VMEM((8 * TOPM,), _F32),
                       pltpu.VMEM((16,), _F32)],
        compiler_params=pltpu.CompilerParams(needs_layout_passes=False),
    )
    return f(idx2, val2)


def _k3a_body(emb_ref, wr_ref, wi_ref, wj_ref, wk_ref,
              br_ref, bi_ref, bj_ref, bk_ref, w1t_ref, w1u_ref):
    e1 = emb_ref[...]
    dn = (((1,), (0,)), ((), ()))
    rows = [lax.dot_general(e1, wr_ref[...], dn, preferred_element_type=_F32, precision=lax.Precision.HIGHEST),
            lax.dot_general(e1, wi_ref[...], dn, preferred_element_type=_F32, precision=lax.Precision.HIGHEST),
            lax.dot_general(e1, wj_ref[...], dn, preferred_element_type=_F32, precision=lax.Precision.HIGHEST),
            lax.dot_general(e1, wk_ref[...], dn, preferred_element_type=_F32, precision=lax.Precision.HIGHEST),
            br_ref[...], bi_ref[...], bj_ref[...], bk_ref[...]]
    u = jnp.concatenate(rows, axis=0)
    w1u_ref[...] = lax.dot_general(u, w1t_ref[...], dn,
                                   preferred_element_type=_F32, precision=lax.Precision.HIGHEST)


def _k3a(emb1, Wr, Wi, Wj, Wk, br1, bi1, bj1, bk1, w1t):
    nb = 12
    blk = (SEQ * HID) // nb
    return pl.pallas_call(
        _k3a_body,
        grid=(nb,),
        in_specs=[pl.BlockSpec((1, EMB), lambda i: (0, 0))] +
                 [pl.BlockSpec((EMB, EMB), lambda i: (0, 0))] * 4 +
                 [pl.BlockSpec((1, EMB), lambda i: (0, 0))] * 4 +
                 [pl.BlockSpec((EMB, blk), lambda i: (0, i))],
        out_specs=pl.BlockSpec((8, blk), lambda i: (0, i)),
        out_shape=jax.ShapeDtypeStruct((8, SEQ * HID), _F32),
    )(emb1, Wr, Wi, Wj, Wk, br1, bi1, bj1, bk1, w1t)


def _k3b_body2(csa_ref, w1u_ref, out_ref):
    w = pl.program_id(0)
    half = pl.program_id(2)
    scale = jnp.where((w + half) % 2 == 0, 1.0, 0.5)
    a = w1u_ref[0, 0] * scale
    dn = (((0,), (0,)), ((), ()))
    part = lax.dot_general(csa_ref[0, 0], a, dn, preferred_element_type=_F32, precision=lax.Precision.HIGHEST)

    @pl.when(half == 0)
    def _():
        out_ref[0, 0] = part

    @pl.when(half != 0)
    def _():
        out_ref[0, 0] += part


def _qsel(w, jj):
    trig = jj // 5
    qpos = jj % 5
    c = 2 * w + trig
    return jnp.where(qpos < 4, jnp.bitwise_xor(qpos, c), 4 + c)


def _k3b2(csa, w1u4):
    return pl.pallas_call(
        _k3b_body2,
        grid=(2, 10, 2),
        in_specs=[
            pl.BlockSpec((1, 1, 512, FPAD),
                         lambda w, jj, h: (jj // 5, h, 0, 0)),
            pl.BlockSpec((1, 1, 512, HID),
                         lambda w, jj, h: (_qsel(w, jj), w + h, 0, 0)),
        ],
        out_specs=pl.BlockSpec((1, 1, FPAD, HID),
                               lambda w, jj, h: (w, jj, 0, 0)),
        out_shape=jax.ShapeDtypeStruct((2, 10, FPAD, HID), _F32),
    )(csa, w1u4)


def _k4_body(v_ref, t_ref, b1_ref, w2_ref, b2_ref, out_ref):
    dn = (((1,), (0,)), ((), ()))
    hpre = lax.dot_general(v_ref[...], t_ref[...], dn,
                           preferred_element_type=_F32, precision=lax.Precision.HIGHEST) + b1_ref[...]
    h = jnp.where(hpre >= 0.0, hpre, 0.01 * hpre)
    out_ref[...] = lax.dot_general(h, w2_ref[...], dn,
                                   preferred_element_type=_F32, precision=lax.Precision.HIGHEST) + b2_ref[...]


def _k4(vflat, tflat, b1, W2, b2):
    return pl.pallas_call(
        _k4_body,
        grid=(1,),
        in_specs=[
            pl.BlockSpec((NBD, 10 * FPAD), lambda i: (0, 0)),
            pl.BlockSpec((10 * FPAD, HID), lambda i: (0, 0)),
            pl.BlockSpec((1, HID), lambda i: (0, 0)),
            pl.BlockSpec((HID, PRED), lambda i: (0, 0)),
            pl.BlockSpec((1, PRED), lambda i: (0, 0)),
        ],
        out_specs=pl.BlockSpec((NBD, PRED), lambda i: (0, 0)),
        out_shape=jax.ShapeDtypeStruct((NBD, PRED), _F32),
    )(vflat, tflat, b1, W2, b2)


def kernel(x, embeddings, Wr, Wi, Wj, Wk, br, bi, bj, bk, W1, b1, W2, b2):
    cos, sin, csa = jnp.asarray(COS), jnp.asarray(SIN), jnp.asarray(CSA)
    xw = jnp.stack([x[:, :N, :], x[:, HOP:HOP + N, :]], axis=1)
    xw = xw.reshape(B * NW, N, D)
    fre, fim, amp = _k1(xw, cos, sin)
    fre = fre.reshape(B, NW, D, FPAD)
    fim = fim.reshape(B, NW, D, FPAD)
    amp = amp.reshape(B, NW, D, FPAD)
    idx2, val2 = _k2a(amp, fre, fim)
    vflat = _k2b(idx2.reshape(NBD, 2 * TOPM), val2.reshape(NBD, 8 * TOPM))
    w1t = jnp.transpose(W1.reshape(SEQ, EMB, HID), (1, 0, 2)).reshape(EMB, -1)
    w1u = _k3a(embeddings, Wr, Wi, Wj, Wk, br[None], bi[None],
                  bj[None], bk[None], w1t)
    w1u4 = w1u.reshape(8, 3, 512, HID)
    cwsw = _k3b2(csa, w1u4)
    csign = jnp.asarray(CSIGN)[:, :, None, None]
    ssign = jnp.asarray(SSIGN)[:, :, None, None]
    t_tab = csign * cwsw[:, :5] + ssign * cwsw[:, 5:]
    tflat = t_tab.reshape(10 * FPAD, HID)
    out = _k4(vflat, tflat, b1[None], W2, b2[None])
    return jnp.transpose(out.reshape(B, D, PRED), (0, 2, 1))

# --- scband reference (transcript-rebuilt; emitter-appended) ---
"""Pipeline reference for scband-model-55886114455791 (READ-ONLY COPY).

The authoritative reference and input builder live on the scoring server;
editing this copy changes nothing except your own understanding.
"""

import jax, jax.numpy as jnp
import numpy as np

B = 16; SEQ = 1536; D = 32; EMB = 32; HID = 128; PRED = 96; TOPM = 32; NW = 2; SCALE = 0.02
WIN = 2 * SEQ // (NW + 1)
HOP = WIN // 2
LOSS = SEQ - (2 * HOP + HOP * (NW - 1))
NF = WIN // 2 + 1


def setup_inputs(seed: int = 0) -> dict:
    key = jax.random.key(seed)
    ks = jax.random.split(key, 14)
    inp = {}
    inp["x"] = jax.random.normal(ks[0], (B, SEQ, D), dtype=jnp.float32)
    inp["embeddings"] = jax.random.normal(ks[1], (1, EMB), dtype=jnp.float32)
    for i, name in enumerate(["Wr", "Wi", "Wj", "Wk"]):
        inp[name] = SCALE * jax.random.normal(ks[2 + i], (EMB, EMB), dtype=jnp.float32)
    for i, name in enumerate(["br", "bi", "bj", "bk"]):
        inp[name] = SCALE * jax.random.normal(ks[6 + i], (EMB,), dtype=jnp.float32)
    fin = (SEQ - LOSS) * EMB
    inp["W1"] = jax.random.uniform(ks[10], (fin, HID), jnp.float32, -1.0, 1.0) / np.sqrt(fin)
    inp["b1"] = jnp.zeros((HID,), jnp.float32)
    inp["W2"] = jax.random.uniform(ks[11], (HID, PRED), jnp.float32, -1.0, 1.0) / np.sqrt(HID)
    inp["b2"] = jnp.zeros((PRED,), jnp.float32)
    return inp


def reference(x, embeddings, Wr, Wi, Wj, Wk, br, bi, bj, bk, W1, b1, W2, b2):
    # tokenEmb: [B,T,N] -> [B,N,T,1] * [1,EMB] -> [B,D,SEQ,EMB]
    xe = jnp.transpose(x, (0, 2, 1))[..., None] * embeddings
    # SFT1: overlapping windows along seq axis, rfft along axis -2
    windows = [xe[:, :, s:s + WIN, :] for s in range(0, NW * HOP, HOP)]
    fx = jnp.stack([jnp.fft.rfft(w, axis=-2) for w in windows], axis=2)  # [B,D,NW,NF,EMB] complex64
    # SelectMFrequencies: top-M by amplitude along freq axis (dim=3), per trailing EMB position
    amps_t = jnp.moveaxis(jnp.abs(fx), 3, -1)  # [B,D,NW,EMB,NF]
    _, idx = jax.lax.top_k(amps_t, TOPM)  # [B,D,NW,EMB,TOPM]
    fx_t = jnp.moveaxis(fx, 3, -1)
    top = jnp.moveaxis(jnp.take_along_axis(fx_t, idx, axis=-1), -1, 3)  # [B,D,NW,TOPM,EMB]
    # QuatMLP: treat the 2 complex windows as a quaternion (a + b i + c j + d k); Hamilton-product linear layer
    a = jnp.real(top[:, :, 0]); b_ = jnp.imag(top[:, :, 0])
    c = jnp.real(top[:, :, 1]); d = jnp.imag(top[:, :, 1])
    o_r = a @ Wr - b_ @ Wi - c @ Wj - d @ Wk + br
    o_i = a @ Wi + b_ @ Wr + c @ Wk - d @ Wj + bi
    o_j = a @ Wj - b_ @ Wk + c @ Wr + d @ Wi + bj
    o_k = a @ Wk + b_ @ Wj - c @ Wi + d @ Wr + bk
    y = jnp.stack([jax.lax.complex(o_r, o_i), jax.lax.complex(o_j, o_k)], axis=2)  # [B,D,NW,TOPM,EMB]
    # pad: scatter top-M frequencies back to full spectrum with zeros elsewhere
    y_t = jnp.moveaxis(y, 3, -1)  # [B,D,NW,EMB,TOPM]
    flat_idx = idx.reshape(-1, TOPM)
    flat_src = y_t.reshape(-1, TOPM)
    rows = jnp.arange(flat_idx.shape[0])[:, None]
    padded = jnp.zeros((flat_idx.shape[0], NF), dtype=y_t.dtype).at[rows, flat_idx].set(flat_src)
    fxp = jnp.moveaxis(padded.reshape(y_t.shape[:-1] + (NF,)), -1, 3)  # [B,D,NW,NF,EMB]
    # ISFT1: irfft + overlap-average reconstruction
    iw = jnp.fft.irfft(fxp, axis=-2)  # [B,D,NW,WIN,EMB]
    half = iw.shape[-2] // 2
    rec = [iw[:, :, 0, :half, :]]
    for i in range(1, NW):
        rec.append((iw[:, :, i, :half, :] + iw[:, :, i - 1, half:, :]) / 2.0)
    rec.append(iw[:, :, NW - 1, half:, :])
    xt = jnp.concatenate(rec, axis=-2)  # [B,D,SEQ-LOSS,EMB]
    # fc head
    h = jax.nn.leaky_relu(xt.reshape(B, D, -1) @ W1 + b1, 0.01)
    out = h @ W2 + b2  # [B,D,PRED]
    return jnp.transpose(out, (0, 2, 1))  # [B,PRED,D]

if __name__ == "__main__":
    import jax
    _d = setup_inputs()
    print(jax.jit(kernel)(*tuple(_d.values())))

</pallas_src>

<mosaic_0001>
#map = affine_map<(d0, d1) -> (0, 0)>
module attributes {stable_mosaic.version = 14 : i64} {
  func.func @_k2b_body(%arg0: i32, %arg1: i32, %arg2: memref<512x64xi32, #tpu.memory_space<hbm>>, %arg3: memref<512x256xf32, #tpu.memory_space<hbm>>, %arg4: memref<512x6400xf32, #tpu.memory_space<hbm>>, %arg5: memref<6400xf32, #tpu.memory_space<vmem>>, %arg6: memref<64xi32, #tpu.memory_space<vmem>>, %arg7: memref<256xf32, #tpu.memory_space<vmem>>, %arg8: memref<16xf32, #tpu.memory_space<vmem>>) attributes {dimension_semantics = [#tpu.dimension_semantics<core_parallel>, #tpu.dimension_semantics<subcore_parallel>], iteration_bounds = array<i64: 2, 16>, scalar_prefetch = 0 : i64, scratch_operands = 4 : i64, tpu.core_type = #tpu.core_type<sc_vector_subcore>, window_params = [{transform_indices = #map}, {transform_indices = #map}, {transform_indices = #map}]} {
    %mul3A = arith.constant 2 : i32
    %mul3A_0 = arith.muli %arg1, %mul3A : i32
    %add3A = arith.addi %mul3A_0, %arg0 : i32
    %broadcast_in_dim3A = arith.constant 0.000000e+00 : f32
    %broadcast_in_dim3A_1 = vector.broadcast %broadcast_in_dim3A : f32 to vector<16xf32>
    %swap3A = arith.constant 0 : index
    %swap3A_2 = tpu.vector_load %arg8[%swap3A] {strides = array<i32>} : memref<16xf32, #tpu.memory_space<vmem>>, vector<16xf32>,
    tpu.vector_store %arg8[%swap3A], %broadcast_in_dim3A_1 {strides = array<i32>} : memref<16xf32, #tpu.memory_space<vmem>>, vector<16xf32>,
    %get3A = arith.constant 0 : index
    %get3A_3 = tpu.vector_load %arg8[%get3A] {strides = array<i32>} : memref<16xf32, #tpu.memory_space<vmem>>, vector<16xf32>,
    %swap3A_4 = arith.constant 0 : index
    %swap3A_5 = tpu.vector_load %arg5[%swap3A_4] {strides = array<i32>} : memref<6400xf32, #tpu.memory_space<vmem>>, vector<16xf32>,
    tpu.vector_store %arg5[%swap3A_4], %get3A_3 {strides = array<i32>} : memref<6400xf32, #tpu.memory_space<vmem>>, vector<16xf32>,
    %get3A_6 = arith.constant 0 : index
    %get3A_7 = tpu.vector_load %arg8[%get3A_6] {strides = array<i32>} : memref<16xf32, #tpu.memory_space<vmem>>, vector<16xf32>,
    %swap3A_8 = arith.constant 16 : index
    %swap3A_9 = tpu.vector_load %arg5[%swap3A_8] {strides = array<i32>} : memref<6400xf32, #tpu.memory_space<vmem>>, vector<16xf32>,
    tpu.vector_store %arg5[%swap3A_8], %get3A_7 {strides = array<i32>} : memref<6400xf32, #tpu.memory_space<vmem>>, vector<16xf32>,
    %get3A_10 = arith.constant 0 : index
    %get3A_11 = tpu.vector_load %arg8[%get3A_10] {strides = array<i32>} : memref<16xf32, #tpu.memory_space<vmem>>, vector<16xf32>,
    %swap3A_12 = arith.constant 32 : index
    %swap3A_13 = tpu.vector_load %arg5[%swap3A_12] {strides = array<i32>} : memref<6400xf32, #tpu.memory_space<vmem>>, vector<16xf32>,
    tpu.vector_store %arg5[%swap3A_12], %get3A_11 {strides = array<i32>} : memref<6400xf32, #tpu.memory_space<vmem>>, vector<16xf32>,
    %get3A_14 = arith.constant 0 : index
    %get3A_15 = tpu.vector_load %arg8[%get3A_14] {strides = array<i32>} : memref<16xf32, #tpu.memory_space<vmem>>, vector<16xf32>,
    %swap3A_16 = arith.constant 48 : index
    %swap3A_17 = tpu.vector_load %arg5[%swap3A_16] {strides = array<i32>} : memref<6400xf32, #tpu.memory_space<vmem>>, vector<16xf32>,
    tpu.vector_store %arg5[%swap3A_16], %get3A_15 {strides = array<i32>} : memref<6400xf32, #tpu.memory_space<vmem>>, vector<16xf32>,
    %get3A_18 = arith.constant 0 : index
    %get3A_19 = tpu.vector_load %arg8[%get3A_18] {strides = array<i32>} : memref<16xf32, #tpu.memory_space<vmem>>, vector<16xf32>,
    %swap3A_20 = arith.constant 64 : index
    %swap3A_21 = tpu.vector_load %arg5[%swap3A_20] {strides = array<i32>} : memref<6400xf32, #tpu.memory_space<vmem>>, vector<16xf32>,
    tpu.vector_store %arg5[%swap3A_20], %get3A_19 {strides = array<i32>} : memref<6400xf32, #tpu.memory_space<vmem>>, vector<16xf32>,
    %get3A_22 = arith.constant 0 : index
    %get3A_23 = tpu.vector_load %arg8[%get3A_22] {strides = array<i32>} : memref<16xf32, #tpu.memory_space<vmem>>, vector<16xf32>,
    %swap3A_24 = arith.constant 80 : index
    %swap3A_25 = tpu.vector_load %arg5[%swap3A_24] {strides = array<i32>} : memref<6400xf32, #tpu.memory_space<vmem>>, vector<16xf32>,
    tpu.vector_store %arg5[%swap3A_24], %get3A_23 {strides = array<i32>} : memref<6400xf32, #tpu.memory_space<vmem>>, vector<16xf32>,
    %get3A_26 = arith.constant 0 : index
    %get3A_27 = tpu.vector_load %arg8[%get3A_26] {strides = array<i32>} : memref<16xf32, #tpu.memory_space<vmem>>, vector<16xf32>,
    %swap3A_28 = arith.constant 96 : index
    %swap3A_29 = tpu.vector_load %arg5[%swap3A_28] {strides = array<i32>} : memref<6400xf32, #tpu.memory_space<vmem>>, vector<16xf32>,
    tpu.vector_store %arg5[%swap3A_28], %get3A_27 {strides = array<i32>} : memref<6400xf32, #tpu.memory_space<vmem>>, vector<16xf32>,
    %get3A_30 = arith.constant 0 : index
    %get3A_31 = tpu.vector_load %arg8[%get3A_30] {strides = array<i32>} : memref<16xf32, #tpu.memory_space<vmem>>, vector<16xf32>,
    %swap3A_32 = arith.constant 112 : index
    %swap3A_33 = tpu.vector_load %arg5[%swap3A_32] {strides = array<i32>} : memref<6400xf32, #tpu.memory_space<vmem>>, vector<16xf32>,
    tpu.vector_store %arg5[%swap3A_32], %get3A_31 {strides = array<i32>} : memref<6400xf32, #tpu.memory_space<vmem>>, vector<16xf32>,
    %get3A_34 = arith.constant 0 : index
    %get3A_35 = tpu.vector_load %arg8[%get3A_34] {strides = array<i32>} : memref<16xf32, #tpu.memory_space<vmem>>, vector<16xf32>,
    %swap3A_36 = arith.constant 128 : index
    %swap3A_37 = tpu.vector_load %arg5[%swap3A_36] {strides = array<i32>} : memref<6400xf32, #tpu.memory_space<vmem>>, vector<16xf32>,
    tpu.vector_store %arg5[%swap3A_36], %get3A_35 {strides = array<i32>} : memref<6400xf32, #tpu.memory_space<vmem>>, vector<16xf32>,
    %get3A_38 = arith.constant 0 : index
    %get3A_39 = tpu.vector_load %arg8[%get3A_38] {strides = array<i32>} : memref<16xf32, #tpu.memory_space<vmem>>, vector<16xf32>,
    %swap3A_40 = arith.constant 144 : index
    %swap3A_41 = tpu.vector_load %arg5[%swap3A_40] {strides = array<i32>} : memref<6400xf32, #tpu.memory_space<vmem>>, vector<16xf32>,
    tpu.vector_store %arg5[%swap3A_40], %get3A_39 {strides = array<i32>} : memref<6400xf32, #tpu.memory_space<vmem>>, vector<16xf32>,
    %get3A_42 = arith.constant 0 : index
    %get3A_43 = tpu.vector_load %arg8[%get3A_42] {strides = array<i32>} : memref<16xf32, #tpu.memory_space<vmem>>, vector<16xf32>,
    %swap3A_44 = arith.constant 160 : index
    %swap3A_45 = tpu.vector_load %arg5[%swap3A_44] {strides = array<i32>} : memref<6400xf32, #tpu.memory_space<vmem>>, vector<16xf32>,
    tpu.vector_store %arg5[%swap3A_44], %get3A_43 {strides = array<i32>} : memref<6400xf32, #tpu.memory_space<vmem>>, vector<16xf32>,
    %get3A_46 = arith.constant 0 : index
    %get3A_47 = tpu.vector_load %arg8[%get3A_46] {strides = array<i32>} : memref<16xf32, #tpu.memory_space<vmem>>, vector<16xf32>,
    %swap3A_48 = arith.constant 176 : index
    %swap3A_49 = tpu.vector_load %arg5[%swap3A_48] {strides = array<i32>} : memref<6400xf32, #tpu.memory_space<vmem>>, vector<16xf32>,
    tpu.vector_store %arg5[%swap3A_48], %get3A_47 {strides = array<i32>} : memref<6400xf32, #tpu.memory_space<vmem>>, vector<16xf32>,
    %get3A_50 = arith.constant 0 : index
    %get3A_51 = tpu.vector_load %arg8[%get3A_50] {strides = array<i32>} : memref<16xf32, #tpu.memory_space<vmem>>, vector<16xf32>,
    %swap3A_52 = arith.constant 192 : index
    %swap3A_53 = tpu.vector_load %arg5[%swap3A_52] {strides = array<i32>} : memref<6400xf32, #tpu.memory_space<vmem>>, vector<16xf32>,
    tpu.vector_store %arg5[%swap3A_52], %get3A_51 {strides = array<i32>} : memref<6400xf32, #tpu.memory_space<vmem>>, vector<16xf32>,
    %get3A_54 = arith.constant 0 : index
    %get3A_55 = tpu.vector_load %arg8[%get3A_54] {strides = array<i32>} : memref<16xf32, #tpu.memory_space<vmem>>, vector<16xf32>,
    %swap3A_56 = arith.constant 208 : index
    %swap3A_57 = tpu.vector_load %arg5[%swap3A_56] {strides = array<i32>} : memref<6400xf32, #tpu.memory_space<vmem>>, vector<16xf32>,
    tpu.vector_store %arg5[%swap3A_56], %get3A_55 {strides = array<i32>} : memref<6400xf32, #tpu.memory_space<vmem>>, vector<16xf32>,
    %get3A_58 = arith.constant 0 : index
    %get3A_59 = tpu.vector_load %arg8[%get3A_58] {strides = array<i32>} : memref<16xf32, #tpu.memory_space<vmem>>, vector<16xf32>,
    %swap3A_60 = arith.constant 224 : index
    %swap3A_61 = tpu.vector_load %arg5[%swap3A_60] {strides = array<i32>} : memref<6400xf32, #tpu.memory_space<vmem>>, vector<16xf32>,
    tpu.vector_store %arg5[%swap3A_60], %get3A_59 {strides = array<i32>} : memref<6400xf32, #tpu.memory_space<vmem>>, vector<16xf32>,
    %get3A_62 = arith.constant 0 : index
    %get3A_63 = tpu.vector_load %arg8[%get3A_62] {strides = array<i32>} : memref<16xf32, #tpu.memory_space<vmem>>, vector<16xf32>,
    %swap3A_64 = arith.constant 240 : index
    %swap3A_65 = tpu.vector_load %arg5[%swap3A_64] {strides = array<i32>} : memref<6400xf32, #tpu.memory_space<vmem>>, vector<16xf32>,
    tpu.vector_store %arg5[%swap3A_64], %get3A_63 {strides = array<i32>} : memref<6400xf32, #tpu.memory_space<vmem>>, vector<16xf32>,
    %get3A_66 = arith.constant 0 : index
    %get3A_67 = tpu.vector_load %arg8[%get3A_66] {strides = array<i32>} : memref<16xf32, #tpu.memory_space<vmem>>, vector<16xf32>,
    %swap3A_68 = arith.constant 256 : index
    %swap3A_69 = tpu.vector_load %arg5[%swap3A_68] {strides = array<i32>} : memref<6400xf32, #tpu.memory_space<vmem>>, vector<16xf32>,
    tpu.vector_store %arg5[%swap3A_68], %get3A_67 {strides = array<i32>} : memref<6400xf32, #tpu.memory_space<vmem>>, vector<16xf32>,
    %get3A_70 = arith.constant 0 : index
    %get3A_71 = tpu.vector_load %arg8[%get3A_70] {strides = array<i32>} : memref<16xf32, #tpu.memory_space<vmem>>, vector<16xf32>,
    %swap3A_72 = arith.constant 272 : index
    %swap3A_73 = tpu.vector_load %arg5[%swap3A_72] {strides = array<i32>} : memref<6400xf32, #tpu.memory_space<vmem>>, vector<16xf32>,
    tpu.vector_store %arg5[%swap3A_72], %get3A_71 {strides = array<i32>} : memref<6400xf32, #tpu.memory_space<vmem>>, vector<16xf32>,
    %get3A_74 = arith.constant 0 : index
    %get3A_75 = tpu.vector_load %arg8[%get3A_74] {strides = array<i32>} : memref<16xf32, #tpu.memory_space<vmem>>, vector<16xf32>,
    %swap3A_76 = arith.constant 288 : index
    %swap3A_77 = tpu.vector_load %arg5[%swap3A_76] {strides = array<i32>} : memref<6400xf32, #tpu.memory_space<vmem>>, vector<16xf32>,
    tpu.vector_store %arg5[%swap3A_76], %get3A_75 {strides = array<i32>} : memref<6400xf32, #tpu.memory_space<vmem>>, vector<16xf32>,
    %get3A_78 = arith.constant 0 : index
    %get3A_79 = tpu.vector_load %arg8[%get3A_78] {strides = array<i32>} : memref<16xf32, #tpu.memory_space<vmem>>, vector<16xf32>,
    %swap3A_80 = arith.constant 304 : index
    %swap3A_81 = tpu.vector_load %arg5[%swap3A_80] {strides = array<i32>} : memref<6400xf32, #tpu.memory_space<vmem>>, vector<16xf32>,
    tpu.vector_store %arg5[%swap3A_80], %get3A_79 {strides = array<i32>} : memref<6400xf32, #tpu.memory_space<vmem>>, vector<16xf32>,
    %get3A_82 = arith.constant 0 : index
    %get3A_83 = tpu.vector_load %arg8[%get3A_82] {strides = array<i32>} : memref<16xf32, #tpu.memory_space<vmem>>, vector<16xf32>,
    %swap3A_84 = arith.constant 320 : index
    %swap3A_85 = tpu.vector_load %arg5[%swap3A_84] {strides = array<i32>} : memref<6400xf32, #tpu.memory_space<vmem>>, vector<16xf32>,
    tpu.vector_store %arg5[%swap3A_84], %get3A_83 {strides = array<i32>} : memref<6400xf32, #tpu.memory_space<vmem>>, vector<16xf32>,
    %get3A_86 = arith.constant 0 : index
    %get3A_87 = tpu.vector_load %arg8[%get3A_86] {strides = array<i32>} : memref<16xf32, #tpu.memory_space<vmem>>, vector<16xf32>,
    %swap3A_88 = arith.constant 336 : index
    %swap3A_89 = tpu.vector_load %arg5[%swap3A_88] {strides = array<i32>} : memref<6400xf32, #tpu.memory_space<vmem>>, vector<16xf32>,
    tpu.vector_store %arg5[%swap3A_88], %get3A_87 {strides = array<i32>} : memref<6400xf32, #tpu.memory_space<vmem>>, vector<16xf32>,
    %get3A_90 = arith.constant 0 : index
    %get3A_91 = tpu.vector_load %arg8[%get3A_90] {strides = array<i32>} : memref<16xf32, #tpu.memory_space<vmem>>, vector<16xf32>,
    %swap3A_92 = arith.constant 352 : index
    %swap3A_93 = tpu.vector_load %arg5[%swap3A_92] {strides = array<i32>} : memref<6400xf32, #tpu.memory_space<vmem>>, vector<16xf32>,
    tpu.vector_store %arg5[%swap3A_92], %get3A_91 {strides = array<i32>} : memref<6400xf32, #tpu.memory_space<vmem>>, vector<16xf32>,
    %get3A_94 = arith.constant 0 : index
    %get3A_95 = tpu.vector_load %arg8[%get3A_94] {strides = array<i32>} : memref<16xf32, #tpu.memory_space<vmem>>, vector<16xf32>,
    %swap3A_96 = arith.constant 368 : index
    %swap3A_97 = tpu.vector_load %arg5[%swap3A_96] {strides = array<i32>} : memref<6400xf32, #tpu.memory_space<vmem>>, vector<16xf32>,
    tpu.vector_store %arg5[%swap3A_96], %get3A_95 {strides = array<i32>} : memref<6400xf32, #tpu.memory_space<vmem>>, vector<16xf32>,
    %get3A_98 = arith.constant 0 : index
    %get3A_99 = tpu.vector_load %arg8[%get3A_98] {strides = array<i32>} : memref<16xf32, #tpu.memory_space<vmem>>, vector<16xf32>,
    %swap3A_100 = arith.constant 384 : index
    %swap3A_101 = tpu.vector_load %arg5[%swap3A_100] {strides = array<i32>} : memref<6400xf32, #tpu.memory_space<vmem>>, vector<16xf32>,
    tpu.vector_store %arg5[%swap3A_100], %get3A_99 {strides = array<i32>} : memref<6400xf32, #tpu.memory_space<vmem>>, vector<16xf32>,
    %get3A_102 = arith.constant 0 : index
    %get3A_103 = tpu.vector_load %arg8[%get3A_102] {strides = array<i32>} : memref<16xf32, #tpu.memory_space<vmem>>, vector<16xf32>,
    %swap3A_104 = arith.constant 400 : index
    %swap3A_105 = tpu.vector_load %arg5[%swap3A_104] {strides = array<i32>} : memref<6400xf32, #tpu.memory_space<vmem>>, vector<16xf32>,
    tpu.vector_store %arg5[%swap3A_104], %get3A_103 {strides = array<i32>} : memref<6400xf32, #tpu.memory_space<vmem>>, vector<16xf32>,
    %get3A_106 = arith.constant 0 : index
    %get3A_107 = tpu.vector_load %arg8[%get3A_106] {strides = array<i32>} : memref<16xf32, #tpu.memory_space<vmem>>, vector<16xf32>,
    %swap3A_108 = arith.constant 416 : index
    %swap3A_109 = tpu.vector_load %arg5[%swap3A_108] {strides = array<i32>} : memref<6400xf32, #tpu.memory_space<vmem>>, vector<16xf32>,
    tpu.vector_store %arg5[%swap3A_108], %get3A_107 {strides = array<i32>} : memref<6400xf32, #tpu.memory_space<vmem>>, vector<16xf32>,
    %get3A_110 = arith.constant 0 : index
    %get3A_111 = tpu.vector_load %arg8[%get3A_110] {strides = array<i32>} : memref<16xf32, #tpu.memory_space<vmem>>, vector<16xf32>,
    %swap3A_112 = arith.constant 432 : index
    %swap3A_113 = tpu.vector_load %arg5[%swap3A_112] {strides = array<i32>} : memref<6400xf32, #tpu.memory_space<vmem>>, vector<16xf32>,
    tpu.vector_store %arg5[%swap3A_112], %get3A_111 {strides = array<i32>} : memref<6400xf32, #tpu.memory_space<vmem>>, vector<16xf32>,
    %get3A_114 = arith.constant 0 : index
    %get3A_115 = tpu.vector_load %arg8[%get3A_114] {strides = array<i32>} : memref<16xf32, #tpu.memory_space<vmem>>, vector<16xf32>,
    %swap3A_116 = arith.constant 448 : index
    %swap3A_117 = tpu.vector_load %arg5[%swap3A_116] {strides = array<i32>} : memref<6400xf32, #tpu.memory_space<vmem>>, vector<16xf32>,
    tpu.vector_store %arg5[%swap3A_116], %get3A_115 {strides = array<i32>} : memref<6400xf32, #tpu.memory_space<vmem>>, vector<16xf32>,
    %get3A_118 = arith.constant 0 : index
    %get3A_119 = tpu.vector_load %arg8[%get3A_118] {strides = array<i32>} : memref<16xf32, #tpu.memory_space<vmem>>, vector<16xf32>,
    %swap3A_120 = arith.constant 464 : index
    %swap3A_121 = tpu.vector_load %arg5[%swap3A_120] {strides = array<i32>} : memref<6400xf32, #tpu.memory_space<vmem>>, vector<16xf32>,
    tpu.vector_store %arg5[%swap3A_120], %get3A_119 {strides = array<i32>} : memref<6400xf32, #tpu.memory_space<vmem>>, vector<16xf32>,
    %get3A_122 = arith.constant 0 : index
    %get3A_123 = tpu.vector_load %arg8[%get3A_122] {strides = array<i32>} : memref<16xf32, #tpu.memory_space<vmem>>, vector<16xf32>,
    %swap3A_124 = arith.constant 480 : index
    %swap3A_125 = tpu.vector_load %arg5[%swap3A_124] {strides = array<i32>} : memref<6400xf32, #tpu.memory_space<vmem>>, vector<16xf32>,
    tpu.vector_store %arg5[%swap3A_124], %get3A_123 {strides = array<i32>} : memref<6400xf32, #tpu.memory_space<vmem>>, vector<16xf32>,
    %get3A_126 = arith.constant 0 : index
    %get3A_127 = tpu.vector_load %arg8[%get3A_126] {strides = array<i32>} : memref<16xf32, #tpu.memory_space<vmem>>, vector<16xf32>,
    %swap3A_128 = arith.constant 496 : index
    %swap3A_129 = tpu.vector_load %arg5[%swap3A_128] {strides = array<i32>} : memref<6400xf32, #tpu.memory_space<vmem>>, vector<16xf32>,
    tpu.vector_store %arg5[%swap3A_128], %get3A_127 {strides = array<i32>} : memref<6400xf32, #tpu.memory_space<vmem>>, vector<16xf32>,
    %get3A_130 = arith.constant 0 : index
    %get3A_131 = tpu.vector_load %arg8[%get3A_130] {strides = array<i32>} : memref<16xf32, #tpu.memory_space<vmem>>, vector<16xf32>,
    %swap3A_132 = arith.constant 512 : index
    %swap3A_133 = tpu.vector_load %arg5[%swap3A_132] {strides = array<i32>} : memref<6400xf32, #tpu.memory_space<vmem>>, vector<16xf32>,
    tpu.vector_store %arg5[%swap3A_132], %get3A_131 {strides = array<i32>} : memref<6400xf32, #tpu.memory_space<vmem>>, vector<16xf32>,
    %get3A_134 = arith.constant 0 : index
    %get3A_135 = tpu.vector_load %arg8[%get3A_134] {strides = array<i32>} : memref<16xf32, #tpu.memory_space<vmem>>, vector<16xf32>,
    %swap3A_136 = arith.constant 528 : index
    %swap3A_137 = tpu.vector_load %arg5[%swap3A_136] {strides = array<i32>} : memref<6400xf32, #tpu.memory_space<vmem>>, vector<16xf32>,
    tpu.vector_store %arg5[%swap3A_136], %get3A_135 {strides = array<i32>} : memref<6400xf32, #tpu.memory_space<vmem>>, vector<16xf32>,
    %get3A_138 = arith.constant 0 : index
    %get3A_139 = tpu.vector_load %arg8[%get3A_138] {strides = array<i32>} : memref<16xf32, #tpu.memory_space<vmem>>, vector<16xf32>,
    %swap3A_140 = arith.constant 544 : index
    %swap3A_141 = tpu.vector_load %arg5[%swap3A_140] {strides = array<i32>} : memref<6400xf32, #tpu.memory_space<vmem>>, vector<16xf32>,
    tpu.vector_store %arg5[%swap3A_140], %get3A_139 {strides = array<i32>} : memref<6400xf32, #tpu.memory_space<vmem>>, vector<16xf32>,
    %get3A_142 = arith.constant 0 : index
    %get3A_143 = tpu.vector_load %arg8[%get3A_142] {strides = array<i32>} : memref<16xf32, #tpu.memory_space<vmem>>, vector<16xf32>,
    %swap3A_144 = arith.constant 560 : index
    %swap3A_145 = tpu.vector_load %arg5[%swap3A_144] {strides = array<i32>} : memref<6400xf32, #tpu.memory_space<vmem>>, vector<16xf32>,
    tpu.vector_store %arg5[%swap3A_144], %get3A_143 {strides = array<i32>} : memref<6400xf32, #tpu.memory_space<vmem>>, vector<16xf32>,
    %get3A_146 = arith.constant 0 : index
    %get3A_147 = tpu.vector_load %arg8[%get3A_146] {strides = array<i32>} : memref<16xf32, #tpu.memory_space<vmem>>, vector<16xf32>,
    %swap3A_148 = arith.constant 576 : index
    %swap3A_149 = tpu.vector_load %arg5[%swap3A_148] {strides = array<i32>} : memref<6400xf32, #tpu.memory_space<vmem>>, vector<16xf32>,
    tpu.vector_store %arg5[%swap3A_148], %get3A_147 {strides = array<i32>} : memref<6400xf32, #tpu.memory_space<vmem>>, vector<16xf32>,
    %get3A_150 = arith.constant 0 : index
    %get3A_151 = tpu.vector_load %arg8[%get3A_150] {strides = array<i32>} : memref<16xf32, #tpu.memory_space<vmem>>, vector<16xf32>,
    %swap3A_152 = arith.constant 592 : index
    %swap3A_153 = tpu.vector_load %arg5[%swap3A_152] {strides = array<i32>} : memref<6400xf32, #tpu.memory_space<vmem>>, vector<16xf32>,
    tpu.vector_store %arg5[%swap3A_152], %get3A_151 {strides = array<i32>} : memref<6400xf32, #tpu.memory_space<vmem>>, vector<16xf32>,
    %get3A_154 = arith.constant 0 : index
    %get3A_155 = tpu.vector_load %arg8[%get3A_154] {strides = array<i32>} : memref<16xf32, #tpu.memory_space<vmem>>, vector<16xf32>,
    %swap3A_156 = arith.constant 608 : index
    %swap3A_157 = tpu.vector_load %arg5[%swap3A_156] {strides = array<i32>} : memref<6400xf32, #tpu.memory_space<vmem>>, vector<16xf32>,
    tpu.vector_store %arg5[%swap3A_156], %get3A_155 {strides = array<i32>} : memref<6400xf32, #tpu.memory_space<vmem>>, vector<16xf32>,
    %get3A_158 = arith.constant 0 : index
    %get3A_159 = tpu.vector_load %arg8[%get3A_158] {strides = array<i32>} : memref<16xf32, #tpu.memory_space<vmem>>, vector<16xf32>,
    %swap3A_160 = arith.constant 624 : index
    %swap3A_161 = tpu.vector_load %arg5[%swap3A_160] {strides = array<i32>} : memref<6400xf32, #tpu.memory_space<vmem>>, vector<16xf32>,
    tpu.vector_store %arg5[%swap3A_160], %get3A_159 {strides = array<i32>} : memref<6400xf32, #tpu.memory_space<vmem>>, vector<16xf32>,
    %get3A_162 = arith.constant 0 : index
    %get3A_163 = tpu.vector_load %arg8[%get3A_162] {strides = array<i32>} : memref<16xf32, #tpu.memory_space<vmem>>, vector<16xf32>,
    %swap3A_164 = arith.constant 640 : index
    %swap3A_165 = tpu.vector_load %arg5[%swap3A_164] {strides = array<i32>} : memref<6400xf32, #tpu.memory_space<vmem>>, vector<16xf32>,
    tpu.vector_store %arg5[%swap3A_164], %get3A_163 {strides = array<i32>} : memref<6400xf32, #tpu.memory_space<vmem>>, vector<16xf32>,
    %get3A_166 = arith.constant 0 : index
    %get3A_167 = tpu.vector_load %arg8[%get3A_166] {strides = array<i32>} : memref<16xf32, #tpu.memory_space<vmem>>, vector<16xf32>,
    %swap3A_168 = arith.constant 656 : index
    %swap3A_169 = tpu.vector_load %arg5[%swap3A_168] {strides = array<i32>} : memref<6400xf32, #tpu.memory_space<vmem>>, vector<16xf32>,
    tpu.vector_store %arg5[%swap3A_168], %get3A_167 {strides = array<i32>} : memref<6400xf32, #tpu.memory_space<vmem>>, vector<16xf32>,
    %get3A_170 = arith.constant 0 : index
    %get3A_171 = tpu.vector_load %arg8[%get3A_170] {strides = array<i32>} : memref<16xf32, #tpu.memory_space<vmem>>, vector<16xf32>,
    %swap3A_172 = arith.constant 672 : index
    %swap3A_173 = tpu.vector_load %arg5[%swap3A_172] {strides = array<i32>} : memref<6400xf32, #tpu.memory_space<vmem>>, vector<16xf32>,
    tpu.vector_store %arg5[%swap3A_172], %get3A_171 {strides = array<i32>} : memref<6400xf32, #tpu.memory_space<vmem>>, vector<16xf32>,
    %get3A_174 = arith.constant 0 : index
    %get3A_175 = tpu.vector_load %arg8[%get3A_174] {strides = array<i32>} : memref<16xf32, #tpu.memory_space<vmem>>, vector<16xf32>,
    %swap3A_176 = arith.constant 688 : index
    %swap3A_177 = tpu.vector_load %arg5[%swap3A_176] {strides = array<i32>} : memref<6400xf32, #tpu.memory_space<vmem>>, vector<16xf32>,
    tpu.vector_store %arg5[%swap3A_176], %get3A_175 {strides = array<i32>} : memref<6400xf32, #tpu.memory_space<vmem>>, vector<16xf32>,
    %get3A_178 = arith.constant 0 : index
    %get3A_179 = tpu.vector_load %arg8[%get3A_178] {strides = array<i32>} : memref<16xf32, #tpu.memory_space<vmem>>, vector<16xf32>,
    %swap3A_180 = arith.constant 704 : index
    %swap3A_181 = tpu.vector_load %arg5[%swap3A_180] {strides = array<i32>} : memref<6400xf32, #tpu.memory_space<vmem>>, vector<16xf32>,
    tpu.vector_store %arg5[%swap3A_180], %get3A_179 {strides = array<i32>} : memref<6400xf32, #tpu.memory_space<vmem>>, vector<16xf32>,
    %get3A_182 = arith.constant 0 : index
    %get3A_183 = tpu.vector_load %arg8[%get3A_182] {strides = array<i32>} : memref<16xf32, #tpu.memory_space<vmem>>, vector<16xf32>,
    %swap3A_184 = arith.constant 720 : index
    %swap3A_185 = tpu.vector_load %arg5[%swap3A_184] {strides = array<i32>} : memref<6400xf32, #tpu.memory_space<vmem>>, vector<16xf32>,
    tpu.vector_store %arg5[%swap3A_184], %get3A_183 {strides = array<i32>} : memref<6400xf32, #tpu.memory_space<vmem>>, vector<16xf32>,
    %get3A_186 = arith.constant 0 : index
    %get3A_187 = tpu.vector_load %arg8[%get3A_186] {strides = array<i32>} : memref<16xf32, #tpu.memory_space<vmem>>, vector<16xf32>,
    %swap3A_188 = arith.constant 736 : index
    %swap3A_189 = tpu.vector_load %arg5[%swap3A_188] {strides = array<i32>} : memref<6400xf32, #tpu.memory_space<vmem>>, vector<16xf32>,
    tpu.vector_store %arg5[%swap3A_188], %get3A_187 {strides = array<i32>} : memref<6400xf32, #tpu.memory_space<vmem>>, vector<16xf32>,
    %get3A_190 = arith.constant 0 : index
    %get3A_191 = tpu.vector_load %arg8[%get3A_190] {strides = array<i32>} : memref<16xf32, #tpu.memory_space<vmem>>, vector<16xf32>,
    %swap3A_192 = arith.constant 752 : index
    %swap3A_193 = tpu.vector_load %arg5[%swap3A_192] {strides = array<i32>} : memref<6400xf32, #tpu.memory_space<vmem>>, vector<16xf32>,
    tpu.vector_store %arg5[%swap3A_192], %get3A_191 {strides = array<i32>} : memref<6400xf32, #tpu.memory_space<vmem>>, vector<16xf32>,
    %get3A_194 = arith.constant 0 : index
    %get3A_195 = tpu.vector_load %arg8[%get3A_194] {strides = array<i32>} : memref<16xf32, #tpu.memory_space<vmem>>, vector<16xf32>,
    %swap3A_196 = arith.constant 768 : index
    %swap3A_197 = tpu.vector_load %arg5[%swap3A_196] {strides = array<i32>} : memref<6400xf32, #tpu.memory_space<vmem>>, vector<16xf32>,
    tpu.vector_store %arg5[%swap3A_196], %get3A_195 {strides = array<i32>} : memref<6400xf32, #tpu.memory_space<vmem>>, vector<16xf32>,
    %get3A_198 = arith.constant 0 : index
    %get3A_199 = tpu.vector_load %arg8[%get3A_198] {strides = array<i32>} : memref<16xf32, #tpu.memory_space<vmem>>, vector<16xf32>,
    %swap3A_200 = arith.constant 784 : index
    %swap3A_201 = tpu.vector_load %arg5[%swap3A_200] {strides = array<i32>} : memref<6400xf32, #tpu.memory_space<vmem>>, vector<16xf32>,
    tpu.vector_store %arg5[%swap3A_200], %get3A_199 {strides = array<i32>} : memref<6400xf32, #tpu.memory_space<vmem>>, vector<16xf32>,
    %get3A_202 = arith.constant 0 : index
    %get3A_203 = tpu.vector_load %arg8[%get3A_202] {strides = array<i32>} : memref<16xf32, #tpu.memory_space<vmem>>, vector<16xf32>,
    %swap3A_204 = arith.constant 800 : index
    %swap3A_205 = tpu.vector_load %arg5[%swap3A_204] {strides = array<i32>} : memref<6400xf32, #tpu.memory_space<vmem>>, vector<16xf32>,
    tpu.vector_store %arg5[%swap3A_204], %get3A_203 {strides = array<i32>} : memref<6400xf32, #tpu.memory_space<vmem>>, vector<16xf32>,
    %get3A_206 = arith.constant 0 : index
    %get3A_207 = tpu.vector_load %arg8[%get3A_206] {strides = array<i32>} : memref<16xf32, #tpu.memory_space<vmem>>, vector<16xf32>,
    %swap3A_208 = arith.constant 816 : index
    %swap3A_209 = tpu.vector_load %arg5[%swap3A_208] {strides = array<i32>} : memref<6400xf32, #tpu.memory_space<vmem>>, vector<16xf32>,
    tpu.vector_store %arg5[%swap3A_208], %get3A_207 {strides = array<i32>} : memref<6400xf32, #tpu.memory_space<vmem>>, vector<16xf32>,
    %get3A_210 = arith.constant 0 : index
    %get3A_211 = tpu.vector_load %arg8[%get3A_210] {strides = array<i32>} : memref<16xf32, #tpu.memory_space<vmem>>, vector<16xf32>,
    %swap3A_212 = arith.constant 832 : index
    %swap3A_213 = tpu.vector_load %arg5[%swap3A_212] {strides = array<i32>} : memref<6400xf32, #tpu.memory_space<vmem>>, vector<16xf32>,
    tpu.vector_store %arg5[%swap3A_212], %get3A_211 {strides = array<i32>} : memref<6400xf32, #tpu.memory_space<vmem>>, vector<16xf32>,
    %get3A_214 = arith.constant 0 : index
    %get3A_215 = tpu.vector_load %arg8[%get3A_214] {strides = array<i32>} : memref<16xf32, #tpu.memory_space<vmem>>, vector<16xf32>,
    %swap3A_216 = arith.constant 848 : index
    %swap3A_217 = tpu.vector_load %arg5[%swap3A_216] {strides = array<i32>} : memref<6400xf32, #tpu.memory_space<vmem>>, vector<16xf32>,
    tpu.vector_store %arg5[%swap3A_216], %get3A_215 {strides = array<i32>} : memref<6400xf32, #tpu.memory_space<vmem>>, vector<16xf32>,
    %get3A_218 = arith.constant 0 : index
    %get3A_219 = tpu.vector_load %arg8[%get3A_218] {strides = array<i32>} : memref<16xf32, #tpu.memory_space<vmem>>, vector<16xf32>,
    %swap3A_220 = arith.constant 864 : index
    %swap3A_221 = tpu.vector_load %arg5[%swap3A_220] {strides = array<i32>} : memref<6400xf32, #tpu.memory_space<vmem>>, vector<16xf32>,
    tpu.vector_store %arg5[%swap3A_220], %get3A_219 {strides = array<i32>} : memref<6400xf32, #tpu.memory_space<vmem>>, vector<16xf32>,
    %get3A_222 = arith.constant 0 : index
    %get3A_223 = tpu.vector_load %arg8[%get3A_222] {strides = array<i32>} : memref<16xf32, #tpu.memory_space<vmem>>, vector<16xf32>,
    %swap3A_224 = arith.constant 880 : index
    %swap3A_225 = tpu.vector_load %arg5[%swap3A_224] {strides = array<i32>} : memref<6400xf32, #tpu.memory_space<vmem>>, vector<16xf32>,
    tpu.vector_store %arg5[%swap3A_224], %get3A_223 {strides = array<i32>} : memref<6400xf32, #tpu.memory_space<vmem>>, vector<16xf32>,
    %get3A_226 = arith.constant 0 : index
    %get3A_227 = tpu.vector_load %arg8[%get3A_226] {strides = array<i32>} : memref<16xf32, #tpu.memory_space<vmem>>, vector<16xf32>,
    %swap3A_228 = arith.constant 896 : index
    %swap3A_229 = tpu.vector_load %arg5[%swap3A_228] {strides = array<i32>} : memref<6400xf32, #tpu.memory_space<vmem>>, vector<16xf32>,
    tpu.vector_store %arg5[%swap3A_228], %get3A_227 {strides = array<i32>} : memref<6400xf32, #tpu.memory_space<vmem>>, vector<16xf32>,
    %get3A_230 = arith.constant 0 : index
    %get3A_231 = tpu.vector_load %arg8[%get3A_230] {strides = array<i32>} : memref<16xf32, #tpu.memory_space<vmem>>, vector<16xf32>,
    %swap3A_232 = arith.constant 912 : index
    %swap3A_233 = tpu.vector_load %arg5[%swap3A_232] {strides = array<i32>} : memref<6400xf32, #tpu.memory_space<vmem>>, vector<16xf32>,
    tpu.vector_store %arg5[%swap3A_232], %get3A_231 {strides = array<i32>} : memref<6400xf32, #tpu.memory_space<vmem>>, vector<16xf32>,
    %get3A_234 = arith.constant 0 : index
    %get3A_235 = tpu.vector_load %arg8[%get3A_234] {strides = array<i32>} : memref<16xf32, #tpu.memory_space<vmem>>, vector<16xf32>,
    %swap3A_236 = arith.constant 928 : index
    %swap3A_237 = tpu.vector_load %arg5[%swap3A_236] {strides = array<i32>} : memref<6400xf32, #tpu.memory_space<vmem>>, vector<16xf32>,
    tpu.vector_store %arg5[%swap3A_236], %get3A_235 {strides = array<i32>} : memref<6400xf32, #tpu.memory_space<vmem>>, vector<16xf32>,
    %get3A_238 = arith.constant 0 : index
    %get3A_239 = tpu.vector_load %arg8[%get3A_238] {strides = array<i32>} : memref<16xf32, #tpu.memory_space<vmem>>, vector<16xf32>,
    %swap3A_240 = arith.constant 944 : index
    %swap3A_241 = tpu.vector_load %arg5[%swap3A_240] {strides = array<i32>} : memref<6400xf32, #tpu.memory_space<vmem>>, vector<16xf32>,
    tpu.vector_store %arg5[%swap3A_240], %get3A_239 {strides = array<i32>} : memref<6400xf32, #tpu.memory_space<vmem>>, vector<16xf32>,
    %get3A_242 = arith.constant 0 : index
    %get3A_243 = tpu.vector_load %arg8[%get3A_242] {strides = array<i32>} : memref<16xf32, #tpu.memory_space<vmem>>, vector<16xf32>,
    %swap3A_244 = arith.constant 960 : index
    %swap3A_245 = tpu.vector_load %arg5[%swap3A_244] {strides = array<i32>} : memref<6400xf32, #tpu.memory_space<vmem>>, vector<16xf32>,
    tpu.vector_store %arg5[%swap3A_244], %get3A_243 {strides = array<i32>} : memref<6400xf32, #tpu.memory_space<vmem>>, vector<16xf32>,
    %get3A_246 = arith.constant 0 : index
    %get3A_247 = tpu.vector_load %arg8[%get3A_246] {strides = array<i32>} : memref<16xf32, #tpu.memory_space<vmem>>, vector<16xf32>,
    %swap3A_248 = arith.constant 976 : index
    %swap3A_249 = tpu.vector_load %arg5[%swap3A_248] {strides = array<i32>} : memref<6400xf32, #tpu.memory_space<vmem>>, vector<16xf32>,
    tpu.vector_store %arg5[%swap3A_248], %get3A_247 {strides = array<i32>} : memref<6400xf32, #tpu.memory_space<vmem>>, vector<16xf32>,
    %get3A_250 = arith.constant 0 : index
    %get3A_251 = tpu.vector_load %arg8[%get3A_250] {strides = array<i32>} : memref<16xf32, #tpu.memory_space<vmem>>, vector<16xf32>,
    %swap3A_252 = arith.constant 992 : index
    %swap3A_253 = tpu.vector_load %arg5[%swap3A_252] {strides = array<i32>} : memref<6400xf32, #tpu.memory_space<vmem>>, vector<16xf32>,
    tpu.vector_store %arg5[%swap3A_252], %get3A_251 {strides = array<i32>} : memref<6400xf32, #tpu.memory_space<vmem>>, vector<16xf32>,
    %get3A_254 = arith.constant 0 : index
    %get3A_255 = tpu.vector_load %arg8[%get3A_254] {strides = array<i32>} : memref<16xf32, #tpu.memory_space<vmem>>, vector<16xf32>,
    %swap3A_256 = arith.constant 1008 : index
    %swap3A_257 = tpu.vector_load %arg5[%swap3A_256] {strides = array<i32>} : memref<6400xf32, #tpu.memory_space<vmem>>, vector<16xf32>,
    tpu.vector_store %arg5[%swap3A_256], %get3A_255 {strides = array<i32>} : memref<6400xf32, #tpu.memory_space<vmem>>, vector<16xf32>,
    %get3A_258 = arith.constant 0 : index
    %get3A_259 = tpu.vector_load %arg8[%get3A_258] {strides = array<i32>} : memref<16xf32, #tpu.memory_space<vmem>>, vector<16xf32>,
    %swap3A_260 = arith.constant 1024 : index
    %swap3A_261 = tpu.vector_load %arg5[%swap3A_260] {strides = array<i32>} : memref<6400xf32, #tpu.memory_space<vmem>>, vector<16xf32>,
    tpu.vector_store %arg5[%swap3A_260], %get3A_259 {strides = array<i32>} : memref<6400xf32, #tpu.memory_space<vmem>>, vector<16xf32>,
    %get3A_262 = arith.constant 0 : index
    %get3A_263 = tpu.vector_load %arg8[%get3A_262] {strides = array<i32>} : memref<16xf32, #tpu.memory_space<vmem>>, vector<16xf32>,
    %swap3A_264 = arith.constant 1040 : index
    %swap3A_265 = tpu.vector_load %arg5[%swap3A_264] {strides = array<i32>} : memref<6400xf32, #tpu.memory_space<vmem>>, vector<16xf32>,
    tpu.vector_store %arg5[%swap3A_264], %get3A_263 {strides = array<i32>} : memref<6400xf32, #tpu.memory_space<vmem>>, vector<16xf32>,
    %get3A_266 = arith.constant 0 : index
    %get3A_267 = tpu.vector_load %arg8[%get3A_266] {strides = array<i32>} : memref<16xf32, #tpu.memory_space<vmem>>, vector<16xf32>,
    %swap3A_268 = arith.constant 1056 : index
    %swap3A_269 = tpu.vector_load %arg5[%swap3A_268] {strides = array<i32>} : memref<6400xf32, #tpu.memory_space<vmem>>, vector<16xf32>,
    tpu.vector_store %arg5[%swap3A_268], %get3A_267 {strides = array<i32>} : memref<6400xf32, #tpu.memory_space<vmem>>, vector<16xf32>,
    %get3A_270 = arith.constant 0 : index
    %get3A_271 = tpu.vector_load %arg8[%get3A_270] {strides = array<i32>} : memref<16xf32, #tpu.memory_space<vmem>>, vector<16xf32>,
    %swap3A_272 = arith.constant 1072 : index
    %swap3A_273 = tpu.vector_load %arg5[%swap3A_272] {strides = array<i32>} : memref<6400xf32, #tpu.memory_space<vmem>>, vector<16xf32>,
    tpu.vector_store %arg5[%swap3A_272], %get3A_271 {strides = array<i32>} : memref<6400xf32, #tpu.memory_space<vmem>>, vector<16xf32>,
    %get3A_274 = arith.constant 0 : index
    %get3A_275 = tpu.vector_load %arg8[%get3A_274] {strides = array<i32>} : memref<16xf32, #tpu.memory_space<vmem>>, vector<16xf32>,
    %swap3A_276 = arith.constant 1088 : index
    %swap3A_277 = tpu.vector_load %arg5[%swap3A_276] {strides = array<i32>} : memref<6400xf32, #tpu.memory_space<vmem>>, vector<16xf32>,
    tpu.vector_store %arg5[%swap3A_276], %get3A_275 {strides = array<i32>} : memref<6400xf32, #tpu.memory_space<vmem>>, vector<16xf32>,
    %get3A_278 = arith.constant 0 : index
    %get3A_279 = tpu.vector_load %arg8[%get3A_278] {strides = array<i32>} : memref<16xf32, #tpu.memory_space<vmem>>, vector<16xf32>,
    %swap3A_280 = arith.constant 1104 : index
    %swap3A_281 = tpu.vector_load %arg5[%swap3A_280] {strides = array<i32>} : memref<6400xf32, #tpu.memory_space<vmem>>, vector<16xf32>,
    tpu.vector_store %arg5[%swap3A_280], %get3A_279 {strides = array<i32>} : memref<6400xf32, #tpu.memory_space<vmem>>, vector<16xf32>,
    %get3A_282 = arith.constant 0 : index
    %get3A_283 = tpu.vector_load %arg8[%get3A_282] {strides = array<i32>} : memref<16xf32, #tpu.memory_space<vmem>>, vector<16xf32>,
    %swap3A_284 = arith.constant 1120 : index
    %swap3A_285 = tpu.vector_load %arg5[%swap3A_284] {strides = array<i32>} : memref<6400xf32, #tpu.memory_space<vmem>>, vector<16xf32>,
    tpu.vector_store %arg5[%swap3A_284], %get3A_283 {strides = array<i32>} : memref<6400xf32, #tpu.memory_space<vmem>>, vector<16xf32>,
    %get3A_286 = arith.constant 0 : index
    %get3A_287 = tpu.vector_load %arg8[%get3A_286] {strides = array<i32>} : memref<16xf32, #tpu.memory_space<vmem>>, vector<16xf32>,
    %swap3A_288 = arith.constant 1136 : index
    %swap3A_289 = tpu.vector_load %arg5[%swap3A_288] {strides = array<i32>} : memref<6400xf32, #tpu.memory_space<vmem>>, vector<16xf32>,
    tpu.vector_store %arg5[%swap3A_288], %get3A_287 {strides = array<i32>} : memref<6400xf32, #tpu.memory_space<vmem>>, vector<16xf32>,
    %get3A_290 = arith.constant 0 : index
    %get3A_291 = tpu.vector_load %arg8[%get3A_290] {strides = array<i32>} : memref<16xf32, #tpu.memory_space<vmem>>, vector<16xf32>,
    %swap3A_292 = arith.constant 1152 : index
    %swap3A_293 = tpu.vector_load %arg5[%swap3A_292] {strides = array<i32>} : memref<6400xf32, #tpu.memory_space<vmem>>, vector<16xf32>,
    tpu.vector_store %arg5[%swap3A_292], %get3A_291 {strides = array<i32>} : memref<6400xf32, #tpu.memory_space<vmem>>, vector<16xf32>,
    %get3A_294 = arith.constant 0 : index
    %get3A_295 = tpu.vector_load %arg8[%get3A_294] {strides = array<i32>} : memref<16xf32, #tpu.memory_space<vmem>>, vector<16xf32>,
    %swap3A_296 = arith.constant 1168 : index
    %swap3A_297 = tpu.vector_load %arg5[%swap3A_296] {strides = array<i32>} : memref<6400xf32, #tpu.memory_space<vmem>>, vector<16xf32>,
    tpu.vector_store %arg5[%swap3A_296], %get3A_295 {strides = array<i32>} : memref<6400xf32, #tpu.memory_space<vmem>>, vector<16xf32>,
    %get3A_298 = arith.constant 0 : index
    %get3A_299 = tpu.vector_load %arg8[%get3A_298] {strides = array<i32>} : memref<16xf32, #tpu.memory_space<vmem>>, vector<16xf32>,
    %swap3A_300 = arith.constant 1184 : index
    %swap3A_301 = tpu.vector_load %arg5[%swap3A_300] {strides = array<i32>} : memref<6400xf32, #tpu.memory_space<vmem>>, vector<16xf32>,
    tpu.vector_store %arg5[%swap3A_300], %get3A_299 {strides = array<i32>} : memref<6400xf32, #tpu.memory_space<vmem>>, vector<16xf32>,
    %get3A_302 = arith.constant 0 : index
    %get3A_303 = tpu.vector_load %arg8[%get3A_302] {strides = array<i32>} : memref<16xf32, #tpu.memory_space<vmem>>, vector<16xf32>,
    %swap3A_304 = arith.constant 1200 : index
    %swap3A_305 = tpu.vector_load %arg5[%swap3A_304] {strides = array<i32>} : memref<6400xf32, #tpu.memory_space<vmem>>, vector<16xf32>,
    tpu.vector_store %arg5[%swap3A_304], %get3A_303 {strides = array<i32>} : memref<6400xf32, #tpu.memory_space<vmem>>, vector<16xf32>,
    %get3A_306 = arith.constant 0 : index
    %get3A_307 = tpu.vector_load %arg8[%get3A_306] {strides = array<i32>} : memref<16xf32, #tpu.memory_space<vmem>>, vector<16xf32>,
    %swap3A_308 = arith.constant 1216 : index
    %swap3A_309 = tpu.vector_load %arg5[%swap3A_308] {strides = array<i32>} : memref<6400xf32, #tpu.memory_space<vmem>>, vector<16xf32>,
    tpu.vector_store %arg5[%swap3A_308], %get3A_307 {strides = array<i32>} : memref<6400xf32, #tpu.memory_space<vmem>>, vector<16xf32>,
    %get3A_310 = arith.constant 0 : index
    %get3A_311 = tpu.vector_load %arg8[%get3A_310] {strides = array<i32>} : memref<16xf32, #tpu.memory_space<vmem>>, vector<16xf32>,
    %swap3A_312 = arith.constant 1232 : index
    %swap3A_313 = tpu.vector_load %arg5[%swap3A_312] {strides = array<i32>} : memref<6400xf32, #tpu.memory_space<vmem>>, vector<16xf32>,
    tpu.vector_store %arg5[%swap3A_312], %get3A_311 {strides = array<i32>} : memref<6400xf32, #tpu.memory_space<vmem>>, vector<16xf32>,
    %get3A_314 = arith.constant 0 : index
    %get3A_315 = tpu.vector_load %arg8[%get3A_314] {strides = array<i32>} : memref<16xf32, #tpu.memory_space<vmem>>, vector<16xf32>,
    %swap3A_316 = arith.constant 1248 : index
    %swap3A_317 = tpu.vector_load %arg5[%swap3A_316] {strides = array<i32>} : memref<6400xf32, #tpu.memory_space<vmem>>, vector<16xf32>,
    tpu.vector_store %arg5[%swap3A_316], %get3A_315 {strides = array<i32>} : memref<6400xf32, #tpu.memory_space<vmem>>, vector<16xf32>,
    %get3A_318 = arith.constant 0 : index
    %get3A_319 = tpu.vector_load %arg8[%get3A_318] {strides = array<i32>} : memref<16xf32, #tpu.memory_space<vmem>>, vector<16xf32>,
    %swap3A_320 = arith.constant 1264 : index
    %swap3A_321 = tpu.vector_load %arg5[%swap3A_320] {strides = array<i32>} : memref<6400xf32, #tpu.memory_space<vmem>>, vector<16xf32>,
    tpu.vector_store %arg5[%swap3A_320], %get3A_319 {strides = array<i32>} : memref<6400xf32, #tpu.memory_space<vmem>>, vector<16xf32>,
    %get3A_322 = arith.constant 0 : index
    %get3A_323 = tpu.vector_load %arg8[%get3A_322] {strides = array<i32>} : memref<16xf32, #tpu.memory_space<vmem>>, vector<16xf32>,
    %swap3A_324 = arith.constant 1280 : index
    %swap3A_325 = tpu.vector_load %arg5[%swap3A_324] {strides = array<i32>} : memref<6400xf32, #tpu.memory_space<vmem>>, vector<16xf32>,
    tpu.vector_store %arg5[%swap3A_324], %get3A_323 {strides = array<i32>} : memref<6400xf32, #tpu.memory_space<vmem>>, vector<16xf32>,
    %get3A_326 = arith.constant 0 : index
    %get3A_327 = tpu.vector_load %arg8[%get3A_326] {strides = array<i32>} : memref<16xf32, #tpu.memory_space<vmem>>, vector<16xf32>,
    %swap3A_328 = arith.constant 1296 : index
    %swap3A_329 = tpu.vector_load %arg5[%swap3A_328] {strides = array<i32>} : memref<6400xf32, #tpu.memory_space<vmem>>, vector<16xf32>,
    tpu.vector_store %arg5[%swap3A_328], %get3A_327 {strides = array<i32>} : memref<6400xf32, #tpu.memory_space<vmem>>, vector<16xf32>,
    %get3A_330 = arith.constant 0 : index
    %get3A_331 = tpu.vector_load %arg8[%get3A_330] {strides = array<i32>} : memref<16xf32, #tpu.memory_space<vmem>>, vector<16xf32>,
    %swap3A_332 = arith.constant 1312 : index
    %swap3A_333 = tpu.vector_load %arg5[%swap3A_332] {strides = array<i32>} : memref<6400xf32, #tpu.memory_space<vmem>>, vector<16xf32>,
    tpu.vector_store %arg5[%swap3A_332], %get3A_331 {strides = array<i32>} : memref<6400xf32, #tpu.memory_space<vmem>>, vector<16xf32>,
    %get3A_334 = arith.constant 0 : index
    %get3A_335 = tpu.vector_load %arg8[%get3A_334] {strides = array<i32>} : memref<16xf32, #tpu.memory_space<vmem>>, vector<16xf32>,
    %swap3A_336 = arith.constant 1328 : index
    %swap3A_337 = tpu.vector_load %arg5[%swap3A_336] {strides = array<i32>} : memref<6400xf32, #tpu.memory_space<vmem>>, vector<16xf32>,
    tpu.vector_store %arg5[%swap3A_336], %get3A_335 {strides = array<i32>} : memref<6400xf32, #tpu.memory_space<vmem>>, vector<16xf32>,
    %get3A_338 = arith.constant 0 : index
    %get3A_339 = tpu.vector_load %arg8[%get3A_338] {strides = array<i32>} : memref<16xf32, #tpu.memory_space<vmem>>, vector<16xf32>,
    %swap3A_340 = arith.constant 1344 : index
    %swap3A_341 = tpu.vector_load %arg5[%swap3A_340] {strides = array<i32>} : memref<6400xf32, #tpu.memory_space<vmem>>, vector<16xf32>,
    tpu.vector_store %arg5[%swap3A_340], %get3A_339 {strides = array<i32>} : memref<6400xf32, #tpu.memory_space<vmem>>, vector<16xf32>,
    %get3A_342 = arith.constant 0 : index
    %get3A_343 = tpu.vector_load %arg8[%get3A_342] {strides = array<i32>} : memref<16xf32, #tpu.memory_space<vmem>>, vector<16xf32>,
    %swap3A_344 = arith.constant 1360 : index
    %swap3A_345 = tpu.vector_load %arg5[%swap3A_344] {strides = array<i32>} : memref<6400xf32, #tpu.memory_space<vmem>>, vector<16xf32>,
    tpu.vector_store %arg5[%swap3A_344], %get3A_343 {strides = array<i32>} : memref<6400xf32, #tpu.memory_space<vmem>>, vector<16xf32>,
    %get3A_346 = arith.constant 0 : index
    %get3A_347 = tpu.vector_load %arg8[%get3A_346] {strides = array<i32>} : memref<16xf32, #tpu.memory_space<vmem>>, vector<16xf32>,
    %swap3A_348 = arith.constant 1376 : index
    %swap3A_349 = tpu.vector_load %arg5[%swap3A_348] {strides = array<i32>} : memref<6400xf32, #tpu.memory_space<vmem>>, vector<16xf32>,
    tpu.vector_store %arg5[%swap3A_348], %get3A_347 {strides = array<i32>} : memref<6400xf32, #tpu.memory_space<vmem>>, vector<16xf32>,
    %get3A_350 = arith.constant 0 : index
    %get3A_351 = tpu.vector_load %arg8[%get3A_350] {strides = array<i32>} : memref<16xf32, #tpu.memory_space<vmem>>, vector<16xf32>,
    %swap3A_352 = arith.constant 1392 : index
    %swap3A_353 = tpu.vector_load %arg5[%swap3A_352] {strides = array<i32>} : memref<6400xf32, #tpu.memory_space<vmem>>, vector<16xf32>,
    tpu.vector_store %arg5[%swap3A_352], %get3A_351 {strides = array<i32>} : memref<6400xf32, #tpu.memory_space<vmem>>, vector<16xf32>,
    %get3A_354 = arith.constant 0 : index
    %get3A_355 = tpu.vector_load %arg8[%get3A_354] {strides = array<i32>} : memref<16xf32, #tpu.memory_space<vmem>>, vector<16xf32>,
    %swap3A_356 = arith.constant 1408 : index
    %swap3A_357 = tpu.vector_load %arg5[%swap3A_356] {strides = array<i32>} : memref<6400xf32, #tpu.memory_space<vmem>>, vector<16xf32>,
    tpu.vector_store %arg5[%swap3A_356], %get3A_355 {strides = array<i32>} : memref<6400xf32, #tpu.memory_space<vmem>>, vector<16xf32>,
    %get3A_358 = arith.constant 0 : index
    %get3A_359 = tpu.vector_load %arg8[%get3A_358] {strides = array<i32>} : memref<16xf32, #tpu.memory_space<vmem>>, vector<16xf32>,
    %swap3A_360 = arith.constant 1424 : index
    %swap3A_361 = tpu.vector_load %arg5[%swap3A_360] {strides = array<i32>} : memref<6400xf32, #tpu.memory_space<vmem>>, vector<16xf32>,
    tpu.vector_store %arg5[%swap3A_360], %get3A_359 {strides = array<i32>} : memref<6400xf32, #tpu.memory_space<vmem>>, vector<16xf32>,
    %get3A_362 = arith.constant 0 : index
    %get3A_363 = tpu.vector_load %arg8[%get3A_362] {strides = array<i32>} : memref<16xf32, #tpu.memory_space<vmem>>, vector<16xf32>,
    %swap3A_364 = arith.constant 1440 : index
    %swap3A_365 = tpu.vector_load %arg5[%swap3A_364] {strides = array<i32>} : memref<6400xf32, #tpu.memory_space<vmem>>, vector<16xf32>,
    tpu.vector_store %arg5[%swap3A_364], %get3A_363 {strides = array<i32>} : memref<6400xf32, #tpu.memory_space<vmem>>, vector<16xf32>,
    %get3A_366 = arith.constant 0 : index
    %get3A_367 = tpu.vector_load %arg8[%get3A_366] {strides = array<i32>} : memref<16xf32, #tpu.memory_space<vmem>>, vector<16xf32>,
    %swap3A_368 = arith.constant 1456 : index
    %swap3A_369 = tpu.vector_load %arg5[%swap3A_368] {strides = array<i32>} : memref<6400xf32, #tpu.memory_space<vmem>>, vector<16xf32>,
    tpu.vector_store %arg5[%swap3A_368], %get3A_367 {strides = array<i32>} : memref<6400xf32, #tpu.memory_space<vmem>>, vector<16xf32>,
    %get3A_370 = arith.constant 0 : index
    %get3A_371 = tpu.vector_load %arg8[%get3A_370] {strides = array<i32>} : memref<16xf32, #tpu.memory_space<vmem>>, vector<16xf32>,
    %swap3A_372 = arith.constant 1472 : index
    %swap3A_373 = tpu.vector_load %arg5[%swap3A_372] {strides = array<i32>} : memref<6400xf32, #tpu.memory_space<vmem>>, vector<16xf32>,
    tpu.vector_store %arg5[%swap3A_372], %get3A_371 {strides = array<i32>} : memref<6400xf32, #tpu.memory_space<vmem>>, vector<16xf32>,
    %get3A_374 = arith.constant 0 : index
    %get3A_375 = tpu.vector_load %arg8[%get3A_374] {strides = array<i32>} : memref<16xf32, #tpu.memory_space<vmem>>, vector<16xf32>,
    %swap3A_376 = arith.constant 1488 : index
    %swap3A_377 = tpu.vector_load %arg5[%swap3A_376] {strides = array<i32>} : memref<6400xf32, #tpu.memory_space<vmem>>, vector<16xf32>,
    tpu.vector_store %arg5[%swap3A_376], %get3A_375 {strides = array<i32>} : memref<6400xf32, #tpu.memory_space<vmem>>, vector<16xf32>,
    %get3A_378 = arith.constant 0 : index
    %get3A_379 = tpu.vector_load %arg8[%get3A_378] {strides = array<i32>} : memref<16xf32, #tpu.memory_space<vmem>>, vector<16xf32>,
    %swap3A_380 = arith.constant 1504 : index
    %swap3A_381 = tpu.vector_load %arg5[%swap3A_380] {strides = array<i32>} : memref<6400xf32, #tpu.memory_space<vmem>>, vector<16xf32>,
    tpu.vector_store %arg5[%swap3A_380], %get3A_379 {strides = array<i32>} : memref<6400xf32, #tpu.memory_space<vmem>>, vector<16xf32>,
    %get3A_382 = arith.constant 0 : index
    %get3A_383 = tpu.vector_load %arg8[%get3A_382] {strides = array<i32>} : memref<16xf32, #tpu.memory_space<vmem>>, vector<16xf32>,
    %swap3A_384 = arith.constant 1520 : index
    %swap3A_385 = tpu.vector_load %arg5[%swap3A_384] {strides = array<i32>} : memref<6400xf32, #tpu.memory_space<vmem>>, vector<16xf32>,
    tpu.vector_store %arg5[%swap3A_384], %get3A_383 {strides = array<i32>} : memref<6400xf32, #tpu.memory_space<vmem>>, vector<16xf32>,
    %get3A_386 = arith.constant 0 : index
    %get3A_387 = tpu.vector_load %arg8[%get3A_386] {strides = array<i32>} : memref<16xf32, #tpu.memory_space<vmem>>, vector<16xf32>,
    %swap3A_388 = arith.constant 1536 : index
    %swap3A_389 = tpu.vector_load %arg5[%swap3A_388] {strides = array<i32>} : memref<6400xf32, #tpu.memory_space<vmem>>, vector<16xf32>,
    tpu.vector_store %arg5[%swap3A_388], %get3A_387 {strides = array<i32>} : memref<6400xf32, #tpu.memory_space<vmem>>, vector<16xf32>,
    %get3A_390 = arith.constant 0 : index
    %get3A_391 = tpu.vector_load %arg8[%get3A_390] {strides = array<i32>} : memref<16xf32, #tpu.memory_space<vmem>>, vector<16xf32>,
    %swap3A_392 = arith.constant 1552 : index
    %swap3A_393 = tpu.vector_load %arg5[%swap3A_392] {strides = array<i32>} : memref<6400xf32, #tpu.memory_space<vmem>>, vector<16xf32>,
    tpu.vector_store %arg5[%swap3A_392], %get3A_391 {strides = array<i32>} : memref<6400xf32, #tpu.memory_space<vmem>>, vector<16xf32>,
    %get3A_394 = arith.constant 0 : index
    %get3A_395 = tpu.vector_load %arg8[%get3A_394] {strides = array<i32>} : memref<16xf32, #tpu.memory_space<vmem>>, vector<16xf32>,
    %swap3A_396 = arith.constant 1568 : index
    %swap3A_397 = tpu.vector_load %arg5[%swap3A_396] {strides = array<i32>} : memref<6400xf32, #tpu.memory_space<vmem>>, vector<16xf32>,
    tpu.vector_store %arg5[%swap3A_396], %get3A_395 {strides = array<i32>} : memref<6400xf32, #tpu.memory_space<vmem>>, vector<16xf32>,
    %get3A_398 = arith.constant 0 : index
    %get3A_399 = tpu.vector_load %arg8[%get3A_398] {strides = array<i32>} : memref<16xf32, #tpu.memory_space<vmem>>, vector<16xf32>,
    %swap3A_400 = arith.constant 1584 : index
    %swap3A_401 = tpu.vector_load %arg5[%swap3A_400] {strides = array<i32>} : memref<6400xf32, #tpu.memory_space<vmem>>, vector<16xf32>,
    tpu.vector_store %arg5[%swap3A_400], %get3A_399 {strides = array<i32>} : memref<6400xf32, #tpu.memory_space<vmem>>, vector<16xf32>,
    %get3A_402 = arith.constant 0 : index
    %get3A_403 = tpu.vector_load %arg8[%get3A_402] {strides = array<i32>} : memref<16xf32, #tpu.memory_space<vmem>>, vector<16xf32>,
    %swap3A_404 = arith.constant 1600 : index
    %swap3A_405 = tpu.vector_load %arg5[%swap3A_404] {strides = array<i32>} : memref<6400xf32, #tpu.memory_space<vmem>>, vector<16xf32>,
    tpu.vector_store %arg5[%swap3A_404], %get3A_403 {strides = array<i32>} : memref<6400xf32, #tpu.memory_space<vmem>>, vector<16xf32>,
    %get3A_406 = arith.constant 0 : index
    %get3A_407 = tpu.vector_load %arg8[%get3A_406] {strides = array<i32>} : memref<16xf32, #tpu.memory_space<vmem>>, vector<16xf32>,
    %swap3A_408 = arith.constant 1616 : index
    %swap3A_409 = tpu.vector_load %arg5[%swap3A_408] {strides = array<i32>} : memref<6400xf32, #tpu.memory_space<vmem>>, vector<16xf32>,
    tpu.vector_store %arg5[%swap3A_408], %get3A_407 {strides = array<i32>} : memref<6400xf32, #tpu.memory_space<vmem>>, vector<16xf32>,
    %get3A_410 = arith.constant 0 : index
    %get3A_411 = tpu.vector_load %arg8[%get3A_410] {strides = array<i32>} : memref<16xf32, #tpu.memory_space<vmem>>, vector<16xf32>,
    %swap3A_412 = arith.constant 1632 : index
    %swap3A_413 = tpu.vector_load %arg5[%swap3A_412] {strides = array<i32>} : memref<6400xf32, #tpu.memory_space<vmem>>, vector<16xf32>,
    tpu.vector_store %arg5[%swap3A_412], %get3A_411 {strides = array<i32>} : memref<6400xf32, #tpu.memory_space<vmem>>, vector<16xf32>,
    %get3A_414 = arith.constant 0 : index
    %get3A_415 = tpu.vector_load %arg8[%get3A_414] {strides = array<i32>} : memref<16xf32, #tpu.memory_space<vmem>>, vector<16xf32>,
    %swap3A_416 = arith.constant 1648 : index
    %swap3A_417 = tpu.vector_load %arg5[%swap3A_416] {strides = array<i32>} : memref<6400xf32, #tpu.memory_space<vmem>>, vector<16xf32>,
    tpu.vector_store %arg5[%swap3A_416], %get3A_415 {strides = array<i32>} : memref<6400xf32, #tpu.memory_space<vmem>>, vector<16xf32>,
    %get3A_418 = arith.constant 0 : index
    %get3A_419 = tpu.vector_load %arg8[%get3A_418] {strides = array<i32>} : memref<16xf32, #tpu.memory_space<vmem>>, vector<16xf32>,
    %swap3A_420 = arith.constant 1664 : index
    %swap3A_421 = tpu.vector_load %arg5[%swap3A_420] {strides = array<i32>} : memref<6400xf32, #tpu.memory_space<vmem>>, vector<16xf32>,
    tpu.vector_store %arg5[%swap3A_420], %get3A_419 {strides = array<i32>} : memref<6400xf32, #tpu.memory_space<vmem>>, vector<16xf32>,
    %get3A_422 = arith.constant 0 : index
    %get3A_423 = tpu.vector_load %arg8[%get3A_422] {strides = array<i32>} : memref<16xf32, #tpu.memory_space<vmem>>, vector<16xf32>,
    %swap3A_424 = arith.constant 1680 : index
    %swap3A_425 = tpu.vector_load %arg5[%swap3A_424] {strides = array<i32>} : memref<6400xf32, #tpu.memory_space<vmem>>, vector<16xf32>,
    tpu.vector_store %arg5[%swap3A_424], %get3A_423 {strides = array<i32>} : memref<6400xf32, #tpu.memory_space<vmem>>, vector<16xf32>,
    %get3A_426 = arith.constant 0 : index
    %get3A_427 = tpu.vector_load %arg8[%get3A_426] {strides = array<i32>} : memref<16xf32, #tpu.memory_space<vmem>>, vector<16xf32>,
    %swap3A_428 = arith.constant 1696 : index
    %swap3A_429 = tpu.vector_load %arg5[%swap3A_428] {strides = array<i32>} : memref<6400xf32, #tpu.memory_space<vmem>>, vector<16xf32>,
    tpu.vector_store %arg5[%swap3A_428], %get3A_427 {strides = array<i32>} : memref<6400xf32, #tpu.memory_space<vmem>>, vector<16xf32>,
    %get3A_430 = arith.constant 0 : index
    %get3A_431 = tpu.vector_load %arg8[%get3A_430] {strides = array<i32>} : memref<16xf32, #tpu.memory_space<vmem>>, vector<16xf32>,
    %swap3A_432 = arith.constant 1712 : index
    %swap3A_433 = tpu.vector_load %arg5[%swap3A_432] {strides = array<i32>} : memref<6400xf32, #tpu.memory_space<vmem>>, vector<16xf32>,
    tpu.vector_store %arg5[%swap3A_432], %get3A_431 {strides = array<i32>} : memref<6400xf32, #tpu.memory_space<vmem>>, vector<16xf32>,
    %get3A_434 = arith.constant 0 : index
    %get3A_435 = tpu.vector_load %arg8[%get3A_434] {strides = array<i32>} : memref<16xf32, #tpu.memory_space<vmem>>, vector<16xf32>,
    %swap3A_436 = arith.constant 1728 : index
    %swap3A_437 = tpu.vector_load %arg5[%swap3A_436] {strides = array<i32>} : memref<6400xf32, #tpu.memory_space<vmem>>, vector<16xf32>,
    tpu.vector_store %arg5[%swap3A_436], %get3A_435 {strides = array<i32>} : memref<6400xf32, #tpu.memory_space<vmem>>, vector<16xf32>,
    %get3A_438 = arith.constant 0 : index
    %get3A_439 = tpu.vector_load %arg8[%get3A_438] {strides = array<i32>} : memref<16xf32, #tpu.memory_space<vmem>>, vector<16xf32>,
    %swap3A_440 = arith.constant 1744 : index
    %swap3A_441 = tpu.vector_load %arg5[%swap3A_440] {strides = array<i32>} : memref<6400xf32, #tpu.memory_space<vmem>>, vector<16xf32>,
    tpu.vector_store %arg5[%swap3A_440], %get3A_439 {strides = array<i32>} : memref<6400xf32, #tpu.memory_space<vmem>>, vector<16xf32>,
    %get3A_442 = arith.constant 0 : index
    %get3A_443 = tpu.vector_load %arg8[%get3A_442] {strides = array<i32>} : memref<16xf32, #tpu.memory_space<vmem>>, vector<16xf32>,
    %swap3A_444 = arith.constant 1760 : index
    %swap3A_445 = tpu.vector_load %arg5[%swap3A_444] {strides = array<i32>} : memref<6400xf32, #tpu.memory_space<vmem>>, vector<16xf32>,
    tpu.vector_store %arg5[%swap3A_444], %get3A_443 {strides = array<i32>} : memref<6400xf32, #tpu.memory_space<vmem>>, vector<16xf32>,
    %get3A_446 = arith.constant 0 : index
    %get3A_447 = tpu.vector_load %arg8[%get3A_446] {strides = array<i32>} : memref<16xf32, #tpu.memory_space<vmem>>, vector<16xf32>,
    %swap3A_448 = arith.constant 1776 : index
    %swap3A_449 = tpu.vector_load %arg5[%swap3A_448] {strides = array<i32>} : memref<6400xf32, #tpu.memory_space<vmem>>, vector<16xf32>,
    tpu.vector_store %arg5[%swap3A_448], %get3A_447 {strides = array<i32>} : memref<6400xf32, #tpu.memory_space<vmem>>, vector<16xf32>,
    %get3A_450 = arith.constant 0 : index
    %get3A_451 = tpu.vector_load %arg8[%get3A_450] {strides = array<i32>} : memref<16xf32, #tpu.memory_space<vmem>>, vector<16xf32>,
    %swap3A_452 = arith.constant 1792 : index
    %swap3A_453 = tpu.vector_load %arg5[%swap3A_452] {strides = array<i32>} : memref<6400xf32, #tpu.memory_space<vmem>>, vector<16xf32>,
    tpu.vector_store %arg5[%swap3A_452], %get3A_451 {strides = array<i32>} : memref<6400xf32, #tpu.memory_space<vmem>>, vector<16xf32>,
    %get3A_454 = arith.constant 0 : index
    %get3A_455 = tpu.vector_load %arg8[%get3A_454] {strides = array<i32>} : memref<16xf32, #tpu.memory_space<vmem>>, vector<16xf32>,
    %swap3A_456 = arith.constant 1808 : index
    %swap3A_457 = tpu.vector_load %arg5[%swap3A_456] {strides = array<i32>} : memref<6400xf32, #tpu.memory_space<vmem>>, vector<16xf32>,
    tpu.vector_store %arg5[%swap3A_456], %get3A_455 {strides = array<i32>} : memref<6400xf32, #tpu.memory_space<vmem>>, vector<16xf32>,
    %get3A_458 = arith.constant 0 : index
    %get3A_459 = tpu.vector_load %arg8[%get3A_458] {strides = array<i32>} : memref<16xf32, #tpu.memory_space<vmem>>, vector<16xf32>,
    %swap3A_460 = arith.constant 1824 : index
    %swap3A_461 = tpu.vector_load %arg5[%swap3A_460] {strides = array<i32>} : memref<6400xf32, #tpu.memory_space<vmem>>, vector<16xf32>,
    tpu.vector_store %arg5[%swap3A_460], %get3A_459 {strides = array<i32>} : memref<6400xf32, #tpu.memory_space<vmem>>, vector<16xf32>,
    %get3A_462 = arith.constant 0 : index
    %get3A_463 = tpu.vector_load %arg8[%get3A_462] {strides = array<i32>} : memref<16xf32, #tpu.memory_space<vmem>>, vector<16xf32>,
    %swap3A_464 = arith.constant 1840 : index
    %swap3A_465 = tpu.vector_load %arg5[%swap3A_464] {strides = array<i32>} : memref<6400xf32, #tpu.memory_space<vmem>>, vector<16xf32>,
    tpu.vector_store %arg5[%swap3A_464], %get3A_463 {strides = array<i32>} : memref<6400xf32, #tpu.memory_space<vmem>>, vector<16xf32>,
    %get3A_466 = arith.constant 0 : index
    %get3A_467 = tpu.vector_load %arg8[%get3A_466] {strides = array<i32>} : memref<16xf32, #tpu.memory_space<vmem>>, vector<16xf32>,
    %swap3A_468 = arith.constant 1856 : index
    %swap3A_469 = tpu.vector_load %arg5[%swap3A_468] {strides = array<i32>} : memref<6400xf32, #tpu.memory_space<vmem>>, vector<16xf32>,
    tpu.vector_store %arg5[%swap3A_468], %get3A_467 {strides = array<i32>} : memref<6400xf32, #tpu.memory_space<vmem>>, vector<16xf32>,
    %get3A_470 = arith.constant 0 : index
    %get3A_471 = tpu.vector_load %arg8[%get3A_470] {strides = array<i32>} : memref<16xf32, #tpu.memory_space<vmem>>, vector<16xf32>,
    %swap3A_472 = arith.constant 1872 : index
    %swap3A_473 = tpu.vector_load %arg5[%swap3A_472] {strides = array<i32>} : memref<6400xf32, #tpu.memory_space<vmem>>, vector<16xf32>,
    tpu.vector_store %arg5[%swap3A_472], %get3A_471 {strides = array<i32>} : memref<6400xf32, #tpu.memory_space<vmem>>, vector<16xf32>,
    %get3A_474 = arith.constant 0 : index
    %get3A_475 = tpu.vector_load %arg8[%get3A_474] {strides = array<i32>} : memref<16xf32, #tpu.memory_space<vmem>>, vector<16xf32>,
    %swap3A_476 = arith.constant 1888 : index
    %swap3A_477 = tpu.vector_load %arg5[%swap3A_476] {strides = array<i32>} : memref<6400xf32, #tpu.memory_space<vmem>>, vector<16xf32>,
    tpu.vector_store %arg5[%swap3A_476], %get3A_475 {strides = array<i32>} : memref<6400xf32, #tpu.memory_space<vmem>>, vector<16xf32>,
    %get3A_478 = arith.constant 0 : index
    %get3A_479 = tpu.vector_load %arg8[%get3A_478] {strides = array<i32>} : memref<16xf32, #tpu.memory_space<vmem>>, vector<16xf32>,
    %swap3A_480 = arith.constant 1904 : index
    %swap3A_481 = tpu.vector_load %arg5[%swap3A_480] {strides = array<i32>} : memref<6400xf32, #tpu.memory_space<vmem>>, vector<16xf32>,
    tpu.vector_store %arg5[%swap3A_480], %get3A_479 {strides = array<i32>} : memref<6400xf32, #tpu.memory_space<vmem>>, vector<16xf32>,
    %get3A_482 = arith.constant 0 : index
    %get3A_483 = tpu.vector_load %arg8[%get3A_482] {strides = array<i32>} : memref<16xf32, #tpu.memory_space<vmem>>, vector<16xf32>,
    %swap3A_484 = arith.constant 1920 : index
    %swap3A_485 = tpu.vector_load %arg5[%swap3A_484] {strides = array<i32>} : memref<6400xf32, #tpu.memory_space<vmem>>, vector<16xf32>,
    tpu.vector_store %arg5[%swap3A_484], %get3A_483 {strides = array<i32>} : memref<6400xf32, #tpu.memory_space<vmem>>, vector<16xf32>,
    %get3A_486 = arith.constant 0 : index
    %get3A_487 = tpu.vector_load %arg8[%get3A_486] {strides = array<i32>} : memref<16xf32, #tpu.memory_space<vmem>>, vector<16xf32>,
    %swap3A_488 = arith.constant 1936 : index
    %swap3A_489 = tpu.vector_load %arg5[%swap3A_488] {strides = array<i32>} : memref<6400xf32, #tpu.memory_space<vmem>>, vector<16xf32>,
    tpu.vector_store %arg5[%swap3A_488], %get3A_487 {strides = array<i32>} : memref<6400xf32, #tpu.memory_space<vmem>>, vector<16xf32>,
    %get3A_490 = arith.constant 0 : index
    %get3A_491 = tpu.vector_load %arg8[%get3A_490] {strides = array<i32>} : memref<16xf32, #tpu.memory_space<vmem>>, vector<16xf32>,
    %swap3A_492 = arith.constant 1952 : index
    %swap3A_493 = tpu.vector_load %arg5[%swap3A_492] {strides = array<i32>} : memref<6400xf32, #tpu.memory_space<vmem>>, vector<16xf32>,
    tpu.vector_store %arg5[%swap3A_492], %get3A_491 {strides = array<i32>} : memref<6400xf32, #tpu.memory_space<vmem>>, vector<16xf32>,
    %get3A_494 = arith.constant 0 : index
    %get3A_495 = tpu.vector_load %arg8[%get3A_494] {strides = array<i32>} : memref<16xf32, #tpu.memory_space<vmem>>, vector<16xf32>,
    %swap3A_496 = arith.constant 1968 : index
    %swap3A_497 = tpu.vector_load %arg5[%swap3A_496] {strides = array<i32>} : memref<6400xf32, #tpu.memory_space<vmem>>, vector<16xf32>,
    tpu.vector_store %arg5[%swap3A_496], %get3A_495 {strides = array<i32>} : memref<6400xf32, #tpu.memory_space<vmem>>, vector<16xf32>,
    %get3A_498 = arith.constant 0 : index
    %get3A_499 = tpu.vector_load %arg8[%get3A_498] {strides = array<i32>} : memref<16xf32, #tpu.memory_space<vmem>>, vector<16xf32>,
    %swap3A_500 = arith.constant 1984 : index
    %swap3A_501 = tpu.vector_load %arg5[%swap3A_500] {strides = array<i32>} : memref<6400xf32, #tpu.memory_space<vmem>>, vector<16xf32>,
    tpu.vector_store %arg5[%swap3A_500], %get3A_499 {strides = array<i32>} : memref<6400xf32, #tpu.memory_space<vmem>>, vector<16xf32>,
    %get3A_502 = arith.constant 0 : index
    %get3A_503 = tpu.vector_load %arg8[%get3A_502] {strides = array<i32>} : memref<16xf32, #tpu.memory_space<vmem>>, vector<16xf32>,
    %swap3A_504 = arith.constant 2000 : index
    %swap3A_505 = tpu.vector_load %arg5[%swap3A_504] {strides = array<i32>} : memref<6400xf32, #tpu.memory_space<vmem>>, vector<16xf32>,
    tpu.vector_store %arg5[%swap3A_504], %get3A_503 {strides = array<i32>} : memref<6400xf32, #tpu.memory_space<vmem>>, vector<16xf32>,
    %get3A_506 = arith.constant 0 : index
    %get3A_507 = tpu.vector_load %arg8[%get3A_506] {strides = array<i32>} : memref<16xf32, #tpu.memory_space<vmem>>, vector<16xf32>,
    %swap3A_508 = arith.constant 2016 : index
    %swap3A_509 = tpu.vector_load %arg5[%swap3A_508] {strides = array<i32>} : memref<6400xf32, #tpu.memory_space<vmem>>, vector<16xf32>,
    tpu.vector_store %arg5[%swap3A_508], %get3A_507 {strides = array<i32>} : memref<6400xf32, #tpu.memory_space<vmem>>, vector<16xf32>,
    %get3A_510 = arith.constant 0 : index
    %get3A_511 = tpu.vector_load %arg8[%get3A_510] {strides = array<i32>} : memref<16xf32, #tpu.memory_space<vmem>>, vector<16xf32>,
    %swap3A_512 = arith.constant 2032 : index
    %swap3A_513 = tpu.vector_load %arg5[%swap3A_512] {strides = array<i32>} : memref<6400xf32, #tpu.memory_space<vmem>>, vector<16xf32>,
    tpu.vector_store %arg5[%swap3A_512], %get3A_511 {strides = array<i32>} : memref<6400xf32, #tpu.memory_space<vmem>>, vector<16xf32>,
    %get3A_514 = arith.constant 0 : index
    %get3A_515 = tpu.vector_load %arg8[%get3A_514] {strides = array<i32>} : memref<16xf32, #tpu.memory_space<vmem>>, vector<16xf32>,
    %swap3A_516 = arith.constant 2048 : index
    %swap3A_517 = tpu.vector_load %arg5[%swap3A_516] {strides = array<i32>} : memref<6400xf32, #tpu.memory_space<vmem>>, vector<16xf32>,
    tpu.vector_store %arg5[%swap3A_516], %get3A_515 {strides = array<i32>} : memref<6400xf32, #tpu.memory_space<vmem>>, vector<16xf32>,
    %get3A_518 = arith.constant 0 : index
    %get3A_519 = tpu.vector_load %arg8[%get3A_518] {strides = array<i32>} : memref<16xf32, #tpu.memory_space<vmem>>, vector<16xf32>,
    %swap3A_520 = arith.constant 2064 : index
    %swap3A_521 = tpu.vector_load %arg5[%swap3A_520] {strides = array<i32>} : memref<6400xf32, #tpu.memory_space<vmem>>, vector<16xf32>,
    tpu.vector_store %arg5[%swap3A_520], %get3A_519 {strides = array<i32>} : memref<6400xf32, #tpu.memory_space<vmem>>, vector<16xf32>,
    %get3A_522 = arith.constant 0 : index
    %get3A_523 = tpu.vector_load %arg8[%get3A_522] {strides = array<i32>} : memref<16xf32, #tpu.memory_space<vmem>>, vector<16xf32>,
    %swap3A_524 = arith.constant 2080 : index
    %swap3A_525 = tpu.vector_load %arg5[%swap3A_524] {strides = array<i32>} : memref<6400xf32, #tpu.memory_space<vmem>>, vector<16xf32>,
    tpu.vector_store %arg5[%swap3A_524], %get3A_523 {strides = array<i32>} : memref<6400xf32, #tpu.memory_space<vmem>>, vector<16xf32>,
    %get3A_526 = arith.constant 0 : index
    %get3A_527 = tpu.vector_load %arg8[%get3A_526] {strides = array<i32>} : memref<16xf32, #tpu.memory_space<vmem>>, vector<16xf32>,
    %swap3A_528 = arith.constant 2096 : index
    %swap3A_529 = tpu.vector_load %arg5[%swap3A_528] {strides = array<i32>} : memref<6400xf32, #tpu.memory_space<vmem>>, vector<16xf32>,
    tpu.vector_store %arg5[%swap3A_528], %get3A_527 {strides = array<i32>} : memref<6400xf32, #tpu.memory_space<vmem>>, vector<16xf32>,
    %get3A_530 = arith.constant 0 : index
    %get3A_531 = tpu.vector_load %arg8[%get3A_530] {strides = array<i32>} : memref<16xf32, #tpu.memory_space<vmem>>, vector<16xf32>,
    %swap3A_532 = arith.constant 2112 : index
    %swap3A_533 = tpu.vector_load %arg5[%swap3A_532] {strides = array<i32>} : memref<6400xf32, #tpu.memory_space<vmem>>, vector<16xf32>,
    tpu.vector_store %arg5[%swap3A_532], %get3A_531 {strides = array<i32>} : memref<6400xf32, #tpu.memory_space<vmem>>, vector<16xf32>,
    %get3A_534 = arith.constant 0 : index
    %get3A_535 = tpu.vector_load %arg8[%get3A_534] {strides = array<i32>} : memref<16xf32, #tpu.memory_space<vmem>>, vector<16xf32>,
    %swap3A_536 = arith.constant 2128 : index
    %swap3A_537 = tpu.vector_load %arg5[%swap3A_536] {strides = array<i32>} : memref<6400xf32, #tpu.memory_space<vmem>>, vector<16xf32>,
    tpu.vector_store %arg5[%swap3A_536], %get3A_535 {strides = array<i32>} : memref<6400xf32, #tpu.memory_space<vmem>>, vector<16xf32>,
    %get3A_538 = arith.constant 0 : index
    %get3A_539 = tpu.vector_load %arg8[%get3A_538] {strides = array<i32>} : memref<16xf32, #tpu.memory_space<vmem>>, vector<16xf32>,
    %swap3A_540 = arith.constant 2144 : index
    %swap3A_541 = tpu.vector_load %arg5[%swap3A_540] {strides = array<i32>} : memref<6400xf32, #tpu.memory_space<vmem>>, vector<16xf32>,
    tpu.vector_store %arg5[%swap3A_540], %get3A_539 {strides = array<i32>} : memref<6400xf32, #tpu.memory_space<vmem>>, vector<16xf32>,
    %get3A_542 = arith.constant 0 : index
    %get3A_543 = tpu.vector_load %arg8[%get3A_542] {strides = array<i32>} : memref<16xf32, #tpu.memory_space<vmem>>, vector<16xf32>,
    %swap3A_544 = arith.constant 2160 : index
    %swap3A_545 = tpu.vector_load %arg5[%swap3A_544] {strides = array<i32>} : memref<6400xf32, #tpu.memory_space<vmem>>, vector<16xf32>,
    tpu.vector_store %arg5[%swap3A_544], %get3A_543 {strides = array<i32>} : memref<6400xf32, #tpu.memory_space<vmem>>, vector<16xf32>,
    %get3A_546 = arith.constant 0 : index
    %get3A_547 = tpu.vector_load %arg8[%get3A_546] {strides = array<i32>} : memref<16xf32, #tpu.memory_space<vmem>>, vector<16xf32>,
    %swap3A_548 = arith.constant 2176 : index
    %swap3A_549 = tpu.vector_load %arg5[%swap3A_548] {strides = array<i32>} : memref<6400xf32, #tpu.memory_space<vmem>>, vector<16xf32>,
    tpu.vector_store %arg5[%swap3A_548], %get3A_547 {strides = array<i32>} : memref<6400xf32, #tpu.memory_space<vmem>>, vector<16xf32>,
    %get3A_550 = arith.constant 0 : index
    %get3A_551 = tpu.vector_load %arg8[%get3A_550] {strides = array<i32>} : memref<16xf32, #tpu.memory_space<vmem>>, vector<16xf32>,
    %swap3A_552 = arith.constant 2192 : index
    %swap3A_553 = tpu.vector_load %arg5[%swap3A_552] {strides = array<i32>} : memref<6400xf32, #tpu.memory_space<vmem>>, vector<16xf32>,
    tpu.vector_store %arg5[%swap3A_552], %get3A_551 {strides = array<i32>} : memref<6400xf32, #tpu.memory_space<vmem>>, vector<16xf32>,
    %get3A_554 = arith.constant 0 : index
    %get3A_555 = tpu.vector_load %arg8[%get3A_554] {strides = array<i32>} : memref<16xf32, #tpu.memory_space<vmem>>, vector<16xf32>,
    %swap3A_556 = arith.constant 2208 : index
    %swap3A_557 = tpu.vector_load %arg5[%swap3A_556] {strides = array<i32>} : memref<6400xf32, #tpu.memory_space<vmem>>, vector<16xf32>,
    tpu.vector_store %arg5[%swap3A_556], %get3A_555 {strides = array<i32>} : memref<6400xf32, #tpu.memory_space<vmem>>, vector<16xf32>,
    %get3A_558 = arith.constant 0 : index
    %get3A_559 = tpu.vector_load %arg8[%get3A_558] {strides = array<i32>} : memref<16xf32, #tpu.memory_space<vmem>>, vector<16xf32>,
    %swap3A_560 = arith.constant 2224 : index
    %swap3A_561 = tpu.vector_load %arg5[%swap3A_560] {strides = array<i32>} : memref<6400xf32, #tpu.memory_space<vmem>>, vector<16xf32>,
    tpu.vector_store %arg5[%swap3A_560], %get3A_559 {strides = array<i32>} : memref<6400xf32, #tpu.memory_space<vmem>>, vector<16xf32>,
    %get3A_562 = arith.constant 0 : index
    %get3A_563 = tpu.vector_load %arg8[%get3A_562] {strides = array<i32>} : memref<16xf32, #tpu.memory_space<vmem>>, vector<16xf32>,
    %swap3A_564 = arith.constant 2240 : index
    %swap3A_565 = tpu.vector_load %arg5[%swap3A_564] {strides = array<i32>} : memref<6400xf32, #tpu.memory_space<vmem>>, vector<16xf32>,
    tpu.vector_store %arg5[%swap3A_564], %get3A_563 {strides = array<i32>} : memref<6400xf32, #tpu.memory_space<vmem>>, vector<16xf32>,
    %get3A_566 = arith.constant 0 : index
    %get3A_567 = tpu.vector_load %arg8[%get3A_566] {strides = array<i32>} : memref<16xf32, #tpu.memory_space<vmem>>, vector<16xf32>,
    %swap3A_568 = arith.constant 2256 : index
    %swap3A_569 = tpu.vector_load %arg5[%swap3A_568] {strides = array<i32>} : memref<6400xf32, #tpu.memory_space<vmem>>, vector<16xf32>,
    tpu.vector_store %arg5[%swap3A_568], %get3A_567 {strides = array<i32>} : memref<6400xf32, #tpu.memory_space<vmem>>, vector<16xf32>,
    %get3A_570 = arith.constant 0 : index
    %get3A_571 = tpu.vector_load %arg8[%get3A_570] {strides = array<i32>} : memref<16xf32, #tpu.memory_space<vmem>>, vector<16xf32>,
    %swap3A_572 = arith.constant 2272 : index
    %swap3A_573 = tpu.vector_load %arg5[%swap3A_572] {strides = array<i32>} : memref<6400xf32, #tpu.memory_space<vmem>>, vector<16xf32>,
    tpu.vector_store %arg5[%swap3A_572], %get3A_571 {strides = array<i32>} : memref<6400xf32, #tpu.memory_space<vmem>>, vector<16xf32>,
    %get3A_574 = arith.constant 0 : index
    %get3A_575 = tpu.vector_load %arg8[%get3A_574] {strides = array<i32>} : memref<16xf32, #tpu.memory_space<vmem>>, vector<16xf32>,
    %swap3A_576 = arith.constant 2288 : index
    %swap3A_577 = tpu.vector_load %arg5[%swap3A_576] {strides = array<i32>} : memref<6400xf32, #tpu.memory_space<vmem>>, vector<16xf32>,
    tpu.vector_store %arg5[%swap3A_576], %get3A_575 {strides = array<i32>} : memref<6400xf32, #tpu.memory_space<vmem>>, vector<16xf32>,
    %get3A_578 = arith.constant 0 : index
    %get3A_579 = tpu.vector_load %arg8[%get3A_578] {strides = array<i32>} : memref<16xf32, #tpu.memory_space<vmem>>, vector<16xf32>,
    %swap3A_580 = arith.constant 2304 : index
    %swap3A_581 = tpu.vector_load %arg5[%swap3A_580] {strides = array<i32>} : memref<6400xf32, #tpu.memory_space<vmem>>, vector<16xf32>,
    tpu.vector_store %arg5[%swap3A_580], %get3A_579 {strides = array<i32>} : memref<6400xf32, #tpu.memory_space<vmem>>, vector<16xf32>,
    %get3A_582 = arith.constant 0 : index
    %get3A_583 = tpu.vector_load %arg8[%get3A_582] {strides = array<i32>} : memref<16xf32, #tpu.memory_space<vmem>>, vector<16xf32>,
    %swap3A_584 = arith.constant 2320 : index
    %swap3A_585 = tpu.vector_load %arg5[%swap3A_584] {strides = array<i32>} : memref<6400xf32, #tpu.memory_space<vmem>>, vector<16xf32>,
    tpu.vector_store %arg5[%swap3A_584], %get3A_583 {strides = array<i32>} : memref<6400xf32, #tpu.memory_space<vmem>>, vector<16xf32>,
    %get3A_586 = arith.constant 0 : index
    %get3A_587 = tpu.vector_load %arg8[%get3A_586] {strides = array<i32>} : memref<16xf32, #tpu.memory_space<vmem>>, vector<16xf32>,
    %swap3A_588 = arith.constant 2336 : index
    %swap3A_589 = tpu.vector_load %arg5[%swap3A_588] {strides = array<i32>} : memref<6400xf32, #tpu.memory_space<vmem>>, vector<16xf32>,
    tpu.vector_store %arg5[%swap3A_588], %get3A_587 {strides = array<i32>} : memref<6400xf32, #tpu.memory_space<vmem>>, vector<16xf32>,
    %get3A_590 = arith.constant 0 : index
    %get3A_591 = tpu.vector_load %arg8[%get3A_590] {strides = array<i32>} : memref<16xf32, #tpu.memory_space<vmem>>, vector<16xf32>,
    %swap3A_592 = arith.constant 2352 : index
    %swap3A_593 = tpu.vector_load %arg5[%swap3A_592] {strides = array<i32>} : memref<6400xf32, #tpu.memory_space<vmem>>, vector<16xf32>,
    tpu.vector_store %arg5[%swap3A_592], %get3A_591 {strides = array<i32>} : memref<6400xf32, #tpu.memory_space<vmem>>, vector<16xf32>,
    %get3A_594 = arith.constant 0 : index
    %get3A_595 = tpu.vector_load %arg8[%get3A_594] {strides = array<i32>} : memref<16xf32, #tpu.memory_space<vmem>>, vector<16xf32>,
    %swap3A_596 = arith.constant 2368 : index
    %swap3A_597 = tpu.vector_load %arg5[%swap3A_596] {strides = array<i32>} : memref<6400xf32, #tpu.memory_space<vmem>>, vector<16xf32>,
    tpu.vector_store %arg5[%swap3A_596], %get3A_595 {strides = array<i32>} : memref<6400xf32, #tpu.memory_space<vmem>>, vector<16xf32>,
    %get3A_598 = arith.constant 0 : index
    %get3A_599 = tpu.vector_load %arg8[%get3A_598] {strides = array<i32>} : memref<16xf32, #tpu.memory_space<vmem>>, vector<16xf32>,
    %swap3A_600 = arith.constant 2384 : index
    %swap3A_601 = tpu.vector_load %arg5[%swap3A_600] {strides = array<i32>} : memref<6400xf32, #tpu.memory_space<vmem>>, vector<16xf32>,
    tpu.vector_store %arg5[%swap3A_600], %get3A_599 {strides = array<i32>} : memref<6400xf32, #tpu.memory_space<vmem>>, vector<16xf32>,
    %get3A_602 = arith.constant 0 : index
    %get3A_603 = tpu.vector_load %arg8[%get3A_602] {strides = array<i32>} : memref<16xf32, #tpu.memory_space<vmem>>, vector<16xf32>,
    %swap3A_604 = arith.constant 2400 : index
    %swap3A_605 = tpu.vector_load %arg5[%swap3A_604] {strides = array<i32>} : memref<6400xf32, #tpu.memory_space<vmem>>, vector<16xf32>,
    tpu.vector_store %arg5[%swap3A_604], %get3A_603 {strides = array<i32>} : memref<6400xf32, #tpu.memory_space<vmem>>, vector<16xf32>,
    %get3A_606 = arith.constant 0 : index
    %get3A_607 = tpu.vector_load %arg8[%get3A_606] {strides = array<i32>} : memref<16xf32, #tpu.memory_space<vmem>>, vector<16xf32>,
    %swap3A_608 = arith.constant 2416 : index
    %swap3A_609 = tpu.vector_load %arg5[%swap3A_608] {strides = array<i32>} : memref<6400xf32, #tpu.memory_space<vmem>>, vector<16xf32>,
    tpu.vector_store %arg5[%swap3A_608], %get3A_607 {strides = array<i32>} : memref<6400xf32, #tpu.memory_space<vmem>>, vector<16xf32>,
    %get3A_610 = arith.constant 0 : index
    %get3A_611 = tpu.vector_load %arg8[%get3A_610] {strides = array<i32>} : memref<16xf32, #tpu.memory_space<vmem>>, vector<16xf32>,
    %swap3A_612 = arith.constant 2432 : index
    %swap3A_613 = tpu.vector_load %arg5[%swap3A_612] {strides = array<i32>} : memref<6400xf32, #tpu.memory_space<vmem>>, vector<16xf32>,
    tpu.vector_store %arg5[%swap3A_612], %get3A_611 {strides = array<i32>} : memref<6400xf32, #tpu.memory_space<vmem>>, vector<16xf32>,
    %get3A_614 = arith.constant 0 : index
    %get3A_615 = tpu.vector_load %arg8[%get3A_614] {strides = array<i32>} : memref<16xf32, #tpu.memory_space<vmem>>, vector<16xf32>,
    %swap3A_616 = arith.constant 2448 : index
    %swap3A_617 = tpu.vector_load %arg5[%swap3A_616] {strides = array<i32>} : memref<6400xf32, #tpu.memory_space<vmem>>, vector<16xf32>,
    tpu.vector_store %arg5[%swap3A_616], %get3A_615 {strides = array<i32>} : memref<6400xf32, #tpu.memory_space<vmem>>, vector<16xf32>,
    %get3A_618 = arith.constant 0 : index
    %get3A_619 = tpu.vector_load %arg8[%get3A_618] {strides = array<i32>} : memref<16xf32, #tpu.memory_space<vmem>>, vector<16xf32>,
    %swap3A_620 = arith.constant 2464 : index
    %swap3A_621 = tpu.vector_load %arg5[%swap3A_620] {strides = array<i32>} : memref<6400xf32, #tpu.memory_space<vmem>>, vector<16xf32>,
    tpu.vector_store %arg5[%swap3A_620], %get3A_619 {strides = array<i32>} : memref<6400xf32, #tpu.memory_space<vmem>>, vector<16xf32>,
    %get3A_622 = arith.constant 0 : index
    %get3A_623 = tpu.vector_load %arg8[%get3A_622] {strides = array<i32>} : memref<16xf32, #tpu.memory_space<vmem>>, vector<16xf32>,
    %swap3A_624 = arith.constant 2480 : index
    %swap3A_625 = tpu.vector_load %arg5[%swap3A_624] {strides = array<i32>} : memref<6400xf32, #tpu.memory_space<vmem>>, vector<16xf32>,
    tpu.vector_store %arg5[%swap3A_624], %get3A_623 {strides = array<i32>} : memref<6400xf32, #tpu.memory_space<vmem>>, vector<16xf32>,
    %get3A_626 = arith.constant 0 : index
    %get3A_627 = tpu.vector_load %arg8[%get3A_626] {strides = array<i32>} : memref<16xf32, #tpu.memory_space<vmem>>, vector<16xf32>,
    %swap3A_628 = arith.constant 2496 : index
    %swap3A_629 = tpu.vector_load %arg5[%swap3A_628] {strides = array<i32>} : memref<6400xf32, #tpu.memory_space<vmem>>, vector<16xf32>,
    tpu.vector_store %arg5[%swap3A_628], %get3A_627 {strides = array<i32>} : memref<6400xf32, #tpu.memory_space<vmem>>, vector<16xf32>,
    %get3A_630 = arith.constant 0 : index
    %get3A_631 = tpu.vector_load %arg8[%get3A_630] {strides = array<i32>} : memref<16xf32, #tpu.memory_space<vmem>>, vector<16xf32>,
    %swap3A_632 = arith.constant 2512 : index
    %swap3A_633 = tpu.vector_load %arg5[%swap3A_632] {strides = array<i32>} : memref<6400xf32, #tpu.memory_space<vmem>>, vector<16xf32>,
    tpu.vector_store %arg5[%swap3A_632], %get3A_631 {strides = array<i32>} : memref<6400xf32, #tpu.memory_space<vmem>>, vector<16xf32>,
    %get3A_634 = arith.constant 0 : index
    %get3A_635 = tpu.vector_load %arg8[%get3A_634] {strides = array<i32>} : memref<16xf32, #tpu.memory_space<vmem>>, vector<16xf32>,
    %swap3A_636 = arith.constant 2528 : index
    %swap3A_637 = tpu.vector_load %arg5[%swap3A_636] {strides = array<i32>} : memref<6400xf32, #tpu.memory_space<vmem>>, vector<16xf32>,
    tpu.vector_store %arg5[%swap3A_636], %get3A_635 {strides = array<i32>} : memref<6400xf32, #tpu.memory_space<vmem>>, vector<16xf32>,
    %get3A_638 = arith.constant 0 : index
    %get3A_639 = tpu.vector_load %arg8[%get3A_638] {strides = array<i32>} : memref<16xf32, #tpu.memory_space<vmem>>, vector<16xf32>,
    %swap3A_640 = arith.constant 2544 : index
    %swap3A_641 = tpu.vector_load %arg5[%swap3A_640] {strides = array<i32>} : memref<6400xf32, #tpu.memory_space<vmem>>, vector<16xf32>,
    tpu.vector_store %arg5[%swap3A_640], %get3A_639 {strides = array<i32>} : memref<6400xf32, #tpu.memory_space<vmem>>, vector<16xf32>,
    %get3A_642 = arith.constant 0 : index
    %get3A_643 = tpu.vector_load %arg8[%get3A_642] {strides = array<i32>} : memref<16xf32, #tpu.memory_space<vmem>>, vector<16xf32>,
    %swap3A_644 = arith.constant 2560 : index
    %swap3A_645 = tpu.vector_load %arg5[%swap3A_644] {strides = array<i32>} : memref<6400xf32, #tpu.memory_space<vmem>>, vector<16xf32>,
    tpu.vector_store %arg5[%swap3A_644], %get3A_643 {strides = array<i32>} : memref<6400xf32, #tpu.memory_space<vmem>>, vector<16xf32>,
    %get3A_646 = arith.constant 0 : index
    %get3A_647 = tpu.vector_load %arg8[%get3A_646] {strides = array<i32>} : memref<16xf32, #tpu.memory_space<vmem>>, vector<16xf32>,
    %swap3A_648 = arith.constant 2576 : index
    %swap3A_649 = tpu.vector_load %arg5[%swap3A_648] {strides = array<i32>} : memref<6400xf32, #tpu.memory_space<vmem>>, vector<16xf32>,
    tpu.vector_store %arg5[%swap3A_648], %get3A_647 {strides = array<i32>} : memref<6400xf32, #tpu.memory_space<vmem>>, vector<16xf32>,
    %get3A_650 = arith.constant 0 : index
    %get3A_651 = tpu.vector_load %arg8[%get3A_650] {strides = array<i32>} : memref<16xf32, #tpu.memory_space<vmem>>, vector<16xf32>,
    %swap3A_652 = arith.constant 2592 : index
    %swap3A_653 = tpu.vector_load %arg5[%swap3A_652] {strides = array<i32>} : memref<6400xf32, #tpu.memory_space<vmem>>, vector<16xf32>,
    tpu.vector_store %arg5[%swap3A_652], %get3A_651 {strides = array<i32>} : memref<6400xf32, #tpu.memory_space<vmem>>, vector<16xf32>,
    %get3A_654 = arith.constant 0 : index
    %get3A_655 = tpu.vector_load %arg8[%get3A_654] {strides = array<i32>} : memref<16xf32, #tpu.memory_space<vmem>>, vector<16xf32>,
    %swap3A_656 = arith.constant 2608 : index
    %swap3A_657 = tpu.vector_load %arg5[%swap3A_656] {strides = array<i32>} : memref<6400xf32, #tpu.memory_space<vmem>>, vector<16xf32>,
    tpu.vector_store %arg5[%swap3A_656], %get3A_655 {strides = array<i32>} : memref<6400xf32, #tpu.memory_space<vmem>>, vector<16xf32>,
    %get3A_658 = arith.constant 0 : index
    %get3A_659 = tpu.vector_load %arg8[%get3A_658] {strides = array<i32>} : memref<16xf32, #tpu.memory_space<vmem>>, vector<16xf32>,
    %swap3A_660 = arith.constant 2624 : index
    %swap3A_661 = tpu.vector_load %arg5[%swap3A_660] {strides = array<i32>} : memref<6400xf32, #tpu.memory_space<vmem>>, vector<16xf32>,
    tpu.vector_store %arg5[%swap3A_660], %get3A_659 {strides = array<i32>} : memref<6400xf32, #tpu.memory_space<vmem>>, vector<16xf32>,
    %get3A_662 = arith.constant 0 : index
    %get3A_663 = tpu.vector_load %arg8[%get3A_662] {strides = array<i32>} : memref<16xf32, #tpu.memory_space<vmem>>, vector<16xf32>,
    %swap3A_664 = arith.constant 2640 : index
    %swap3A_665 = tpu.vector_load %arg5[%swap3A_664] {strides = array<i32>} : memref<6400xf32, #tpu.memory_space<vmem>>, vector<16xf32>,
    tpu.vector_store %arg5[%swap3A_664], %get3A_663 {strides = array<i32>} : memref<6400xf32, #tpu.memory_space<vmem>>, vector<16xf32>,
    %get3A_666 = arith.constant 0 : index
    %get3A_667 = tpu.vector_load %arg8[%get3A_666] {strides = array<i32>} : memref<16xf32, #tpu.memory_space<vmem>>, vector<16xf32>,
    %swap3A_668 = arith.constant 2656 : index
    %swap3A_669 = tpu.vector_load %arg5[%swap3A_668] {strides = array<i32>} : memref<6400xf32, #tpu.memory_space<vmem>>, vector<16xf32>,
    tpu.vector_store %arg5[%swap3A_668], %get3A_667 {strides = array<i32>} : memref<6400xf32, #tpu.memory_space<vmem>>, vector<16xf32>,
    %get3A_670 = arith.constant 0 : index
    %get3A_671 = tpu.vector_load %arg8[%get3A_670] {strides = array<i32>} : memref<16xf32, #tpu.memory_space<vmem>>, vector<16xf32>,
    %swap3A_672 = arith.constant 2672 : index
    %swap3A_673 = tpu.vector_load %arg5[%swap3A_672] {strides = array<i32>} : memref<6400xf32, #tpu.memory_space<vmem>>, vector<16xf32>,
    tpu.vector_store %arg5[%swap3A_672], %get3A_671 {strides = array<i32>} : memref<6400xf32, #tpu.memory_space<vmem>>, vector<16xf32>,
    %get3A_674 = arith.constant 0 : index
    %get3A_675 = tpu.vector_load %arg8[%get3A_674] {strides = array<i32>} : memref<16xf32, #tpu.memory_space<vmem>>, vector<16xf32>,
    %swap3A_676 = arith.constant 2688 : index
    %swap3A_677 = tpu.vector_load %arg5[%swap3A_676] {strides = array<i32>} : memref<6400xf32, #tpu.memory_space<vmem>>, vector<16xf32>,
    tpu.vector_store %arg5[%swap3A_676], %get3A_675 {strides = array<i32>} : memref<6400xf32, #tpu.memory_space<vmem>>, vector<16xf32>,
    %get3A_678 = arith.constant 0 : index
    %get3A_679 = tpu.vector_load %arg8[%get3A_678] {strides = array<i32>} : memref<16xf32, #tpu.memory_space<vmem>>, vector<16xf32>,
    %swap3A_680 = arith.constant 2704 : index
    %swap3A_681 = tpu.vector_load %arg5[%swap3A_680] {strides = array<i32>} : memref<6400xf32, #tpu.memory_space<vmem>>, vector<16xf32>,
    tpu.vector_store %arg5[%swap3A_680], %get3A_679 {strides = array<i32>} : memref<6400xf32, #tpu.memory_space<vmem>>, vector<16xf32>,
    %get3A_682 = arith.constant 0 : index
    %get3A_683 = tpu.vector_load %arg8[%get3A_682] {strides = array<i32>} : memref<16xf32, #tpu.memory_space<vmem>>, vector<16xf32>,
    %swap3A_684 = arith.constant 2720 : index
    %swap3A_685 = tpu.vector_load %arg5[%swap3A_684] {strides = array<i32>} : memref<6400xf32, #tpu.memory_space<vmem>>, vector<16xf32>,
    tpu.vector_store %arg5[%swap3A_684], %get3A_683 {strides = array<i32>} : memref<6400xf32, #tpu.memory_space<vmem>>, vector<16xf32>,
    %get3A_686 = arith.constant 0 : index
    %get3A_687 = tpu.vector_load %arg8[%get3A_686] {strides = array<i32>} : memref<16xf32, #tpu.memory_space<vmem>>, vector<16xf32>,
    %swap3A_688 = arith.constant 2736 : index
    %swap3A_689 = tpu.vector_load %arg5[%swap3A_688] {strides = array<i32>} : memref<6400xf32, #tpu.memory_space<vmem>>, vector<16xf32>,
    tpu.vector_store %arg5[%swap3A_688], %get3A_687 {strides = array<i32>} : memref<6400xf32, #tpu.memory_space<vmem>>, vector<16xf32>,
    %get3A_690 = arith.constant 0 : index
    %get3A_691 = tpu.vector_load %arg8[%get3A_690] {strides = array<i32>} : memref<16xf32, #tpu.memory_space<vmem>>, vector<16xf32>,
    %swap3A_692 = arith.constant 2752 : index
    %swap3A_693 = tpu.vector_load %arg5[%swap3A_692] {strides = array<i32>} : memref<6400xf32, #tpu.memory_space<vmem>>, vector<16xf32>,
    tpu.vector_store %arg5[%swap3A_692], %get3A_691 {strides = array<i32>} : memref<6400xf32, #tpu.memory_space<vmem>>, vector<16xf32>,
    %get3A_694 = arith.constant 0 : index
    %get3A_695 = tpu.vector_load %arg8[%get3A_694] {strides = array<i32>} : memref<16xf32, #tpu.memory_space<vmem>>, vector<16xf32>,
    %swap3A_696 = arith.constant 2768 : index
    %swap3A_697 = tpu.vector_load %arg5[%swap3A_696] {strides = array<i32>} : memref<6400xf32, #tpu.memory_space<vmem>>, vector<16xf32>,
    tpu.vector_store %arg5[%swap3A_696], %get3A_695 {strides = array<i32>} : memref<6400xf32, #tpu.memory_space<vmem>>, vector<16xf32>,
    %get3A_698 = arith.constant 0 : index
    %get3A_699 = tpu.vector_load %arg8[%get3A_698] {strides = array<i32>} : memref<16xf32, #tpu.memory_space<vmem>>, vector<16xf32>,
    %swap3A_700 = arith.constant 2784 : index
    %swap3A_701 = tpu.vector_load %arg5[%swap3A_700] {strides = array<i32>} : memref<6400xf32, #tpu.memory_space<vmem>>, vector<16xf32>,
    tpu.vector_store %arg5[%swap3A_700], %get3A_699 {strides = array<i32>} : memref<6400xf32, #tpu.memory_space<vmem>>, vector<16xf32>,
    %get3A_702 = arith.constant 0 : index
    %get3A_703 = tpu.vector_load %arg8[%get3A_702] {strides = array<i32>} : memref<16xf32, #tpu.memory_space<vmem>>, vector<16xf32>,
    %swap3A_704 = arith.constant 2800 : index
    %swap3A_705 = tpu.vector_load %arg5[%swap3A_704] {strides = array<i32>} : memref<6400xf32, #tpu.memory_space<vmem>>, vector<16xf32>,
    tpu.vector_store %arg5[%swap3A_704], %get3A_703 {strides = array<i32>} : memref<6400xf32, #tpu.memory_space<vmem>>, vector<16xf32>,
    %get3A_706 = arith.constant 0 : index
    %get3A_707 = tpu.vector_load %arg8[%get3A_706] {strides = array<i32>} : memref<16xf32, #tpu.memory_space<vmem>>, vector<16xf32>,
    %swap3A_708 = arith.constant 2816 : index
    %swap3A_709 = tpu.vector_load %arg5[%swap3A_708] {strides = array<i32>} : memref<6400xf32, #tpu.memory_space<vmem>>, vector<16xf32>,
    tpu.vector_store %arg5[%swap3A_708], %get3A_707 {strides = array<i32>} : memref<6400xf32, #tpu.memory_space<vmem>>, vector<16xf32>,
    %get3A_710 = arith.constant 0 : index
    %get3A_711 = tpu.vector_load %arg8[%get3A_710] {strides = array<i32>} : memref<16xf32, #tpu.memory_space<vmem>>, vector<16xf32>,
    %swap3A_712 = arith.constant 2832 : index
    %swap3A_713 = tpu.vector_load %arg5[%swap3A_712] {strides = array<i32>} : memref<6400xf32, #tpu.memory_space<vmem>>, vector<16xf32>,
    tpu.vector_store %arg5[%swap3A_712], %get3A_711 {strides = array<i32>} : memref<6400xf32, #tpu.memory_space<vmem>>, vector<16xf32>,
    %get3A_714 = arith.constant 0 : index
    %get3A_715 = tpu.vector_load %arg8[%get3A_714] {strides = array<i32>} : memref<16xf32, #tpu.memory_space<vmem>>, vector<16xf32>,
    %swap3A_716 = arith.constant 2848 : index
    %swap3A_717 = tpu.vector_load %arg5[%swap3A_716] {strides = array<i32>} : memref<6400xf32, #tpu.memory_space<vmem>>, vector<16xf32>,
    tpu.vector_store %arg5[%swap3A_716], %get3A_715 {strides = array<i32>} : memref<6400xf32, #tpu.memory_space<vmem>>, vector<16xf32>,
    %get3A_718 = arith.constant 0 : index
    %get3A_719 = tpu.vector_load %arg8[%get3A_718] {strides = array<i32>} : memref<16xf32, #tpu.memory_space<vmem>>, vector<16xf32>,
    %swap3A_720 = arith.constant 2864 : index
    %swap3A_721 = tpu.vector_load %arg5[%swap3A_720] {strides = array<i32>} : memref<6400xf32, #tpu.memory_space<vmem>>, vector<16xf32>,
    tpu.vector_store %arg5[%swap3A_720], %get3A_719 {strides = array<i32>} : memref<6400xf32, #tpu.memory_space<vmem>>, vector<16xf32>,
    %get3A_722 = arith.constant 0 : index
    %get3A_723 = tpu.vector_load %arg8[%get3A_722] {strides = array<i32>} : memref<16xf32, #tpu.memory_space<vmem>>, vector<16xf32>,
    %swap3A_724 = arith.constant 2880 : index
    %swap3A_725 = tpu.vector_load %arg5[%swap3A_724] {strides = array<i32>} : memref<6400xf32, #tpu.memory_space<vmem>>, vector<16xf32>,
    tpu.vector_store %arg5[%swap3A_724], %get3A_723 {strides = array<i32>} : memref<6400xf32, #tpu.memory_space<vmem>>, vector<16xf32>,
    %get3A_726 = arith.constant 0 : index
    %get3A_727 = tpu.vector_load %arg8[%get3A_726] {strides = array<i32>} : memref<16xf32, #tpu.memory_space<vmem>>, vector<16xf32>,
    %swap3A_728 = arith.constant 2896 : index
    %swap3A_729 = tpu.vector_load %arg5[%swap3A_728] {strides = array<i32>} : memref<6400xf32, #tpu.memory_space<vmem>>, vector<16xf32>,
    tpu.vector_store %arg5[%swap3A_728], %get3A_727 {strides = array<i32>} : memref<6400xf32, #tpu.memory_space<vmem>>, vector<16xf32>,
    %get3A_730 = arith.constant 0 : index
    %get3A_731 = tpu.vector_load %arg8[%get3A_730] {strides = array<i32>} : memref<16xf32, #tpu.memory_space<vmem>>, vector<16xf32>,
    %swap3A_732 = arith.constant 2912 : index
    %swap3A_733 = tpu.vector_load %arg5[%swap3A_732] {strides = array<i32>} : memref<6400xf32, #tpu.memory_space<vmem>>, vector<16xf32>,
    tpu.vector_store %arg5[%swap3A_732], %get3A_731 {strides = array<i32>} : memref<6400xf32, #tpu.memory_space<vmem>>, vector<16xf32>,
    %get3A_734 = arith.constant 0 : index
    %get3A_735 = tpu.vector_load %arg8[%get3A_734] {strides = array<i32>} : memref<16xf32, #tpu.memory_space<vmem>>, vector<16xf32>,
    %swap3A_736 = arith.constant 2928 : index
    %swap3A_737 = tpu.vector_load %arg5[%swap3A_736] {strides = array<i32>} : memref<6400xf32, #tpu.memory_space<vmem>>, vector<16xf32>,
    tpu.vector_store %arg5[%swap3A_736], %get3A_735 {strides = array<i32>} : memref<6400xf32, #tpu.memory_space<vmem>>, vector<16xf32>,
    %get3A_738 = arith.constant 0 : index
    %get3A_739 = tpu.vector_load %arg8[%get3A_738] {strides = array<i32>} : memref<16xf32, #tpu.memory_space<vmem>>, vector<16xf32>,
    %swap3A_740 = arith.constant 2944 : index
    %swap3A_741 = tpu.vector_load %arg5[%swap3A_740] {strides = array<i32>} : memref<6400xf32, #tpu.memory_space<vmem>>, vector<16xf32>,
    tpu.vector_store %arg5[%swap3A_740], %get3A_739 {strides = array<i32>} : memref<6400xf32, #tpu.memory_space<vmem>>, vector<16xf32>,
    %get3A_742 = arith.constant 0 : index
    %get3A_743 = tpu.vector_load %arg8[%get3A_742] {strides = array<i32>} : memref<16xf32, #tpu.memory_space<vmem>>, vector<16xf32>,
    %swap3A_744 = arith.constant 2960 : index
    %swap3A_745 = tpu.vector_load %arg5[%swap3A_744] {strides = array<i32>} : memref<6400xf32, #tpu.memory_space<vmem>>, vector<16xf32>,
    tpu.vector_store %arg5[%swap3A_744], %get3A_743 {strides = array<i32>} : memref<6400xf32, #tpu.memory_space<vmem>>, vector<16xf32>,
    %get3A_746 = arith.constant 0 : index
    %get3A_747 = tpu.vector_load %arg8[%get3A_746] {strides = array<i32>} : memref<16xf32, #tpu.memory_space<vmem>>, vector<16xf32>,
    %swap3A_748 = arith.constant 2976 : index
    %swap3A_749 = tpu.vector_load %arg5[%swap3A_748] {strides = array<i32>} : memref<6400xf32, #tpu.memory_space<vmem>>, vector<16xf32>,
    tpu.vector_store %arg5[%swap3A_748], %get3A_747 {strides = array<i32>} : memref<6400xf32, #tpu.memory_space<vmem>>, vector<16xf32>,
    %get3A_750 = arith.constant 0 : index
    %get3A_751 = tpu.vector_load %arg8[%get3A_750] {strides = array<i32>} : memref<16xf32, #tpu.memory_space<vmem>>, vector<16xf32>,
    %swap3A_752 = arith.constant 2992 : index
    %swap3A_753 = tpu.vector_load %arg5[%swap3A_752] {strides = array<i32>} : memref<6400xf32, #tpu.memory_space<vmem>>, vector<16xf32>,
    tpu.vector_store %arg5[%swap3A_752], %get3A_751 {strides = array<i32>} : memref<6400xf32, #tpu.memory_space<vmem>>, vector<16xf32>,
    %get3A_754 = arith.constant 0 : index
    %get3A_755 = tpu.vector_load %arg8[%get3A_754] {strides = array<i32>} : memref<16xf32, #tpu.memory_space<vmem>>, vector<16xf32>,
    %swap3A_756 = arith.constant 3008 : index
    %swap3A_757 = tpu.vector_load %arg5[%swap3A_756] {strides = array<i32>} : memref<6400xf32, #tpu.memory_space<vmem>>, vector<16xf32>,
    tpu.vector_store %arg5[%swap3A_756], %get3A_755 {strides = array<i32>} : memref<6400xf32, #tpu.memory_space<vmem>>, vector<16xf32>,
    %get3A_758 = arith.constant 0 : index
    %get3A_759 = tpu.vector_load %arg8[%get3A_758] {strides = array<i32>} : memref<16xf32, #tpu.memory_space<vmem>>, vector<16xf32>,
    %swap3A_760 = arith.constant 3024 : index
    %swap3A_761 = tpu.vector_load %arg5[%swap3A_760] {strides = array<i32>} : memref<6400xf32, #tpu.memory_space<vmem>>, vector<16xf32>,
    tpu.vector_store %arg5[%swap3A_760], %get3A_759 {strides = array<i32>} : memref<6400xf32, #tpu.memory_space<vmem>>, vector<16xf32>,
    %get3A_762 = arith.constant 0 : index
    %get3A_763 = tpu.vector_load %arg8[%get3A_762] {strides = array<i32>} : memref<16xf32, #tpu.memory_space<vmem>>, vector<16xf32>,
    %swap3A_764 = arith.constant 3040 : index
    %swap3A_765 = tpu.vector_load %arg5[%swap3A_764] {strides = array<i32>} : memref<6400xf32, #tpu.memory_space<vmem>>, vector<16xf32>,
    tpu.vector_store %arg5[%swap3A_764], %get3A_763 {strides = array<i32>} : memref<6400xf32, #tpu.memory_space<vmem>>, vector<16xf32>,
    %get3A_766 = arith.constant 0 : index
    %get3A_767 = tpu.vector_load %arg8[%get3A_766] {strides = array<i32>} : memref<16xf32, #tpu.memory_space<vmem>>, vector<16xf32>,
    %swap3A_768 = arith.constant 3056 : index
    %swap3A_769 = tpu.vector_load %arg5[%swap3A_768] {strides = array<i32>} : memref<6400xf32, #tpu.memory_space<vmem>>, vector<16xf32>,
    tpu.vector_store %arg5[%swap3A_768], %get3A_767 {strides = array<i32>} : memref<6400xf32, #tpu.memory_space<vmem>>, vector<16xf32>,
    %get3A_770 = arith.constant 0 : index
    %get3A_771 = tpu.vector_load %arg8[%get3A_770] {strides = array<i32>} : memref<16xf32, #tpu.memory_space<vmem>>, vector<16xf32>,
    %swap3A_772 = arith.constant 3072 : index
    %swap3A_773 = tpu.vector_load %arg5[%swap3A_772] {strides = array<i32>} : memref<6400xf32, #tpu.memory_space<vmem>>, vector<16xf32>,
    tpu.vector_store %arg5[%swap3A_772], %get3A_771 {strides = array<i32>} : memref<6400xf32, #tpu.memory_space<vmem>>, vector<16xf32>,
    %get3A_774 = arith.constant 0 : index
    %get3A_775 = tpu.vector_load %arg8[%get3A_774] {strides = array<i32>} : memref<16xf32, #tpu.memory_space<vmem>>, vector<16xf32>,
    %swap3A_776 = arith.constant 3088 : index
    %swap3A_777 = tpu.vector_load %arg5[%swap3A_776] {strides = array<i32>} : memref<6400xf32, #tpu.memory_space<vmem>>, vector<16xf32>,
    tpu.vector_store %arg5[%swap3A_776], %get3A_775 {strides = array<i32>} : memref<6400xf32, #tpu.memory_space<vmem>>, vector<16xf32>,
    %get3A_778 = arith.constant 0 : index
    %get3A_779 = tpu.vector_load %arg8[%get3A_778] {strides = array<i32>} : memref<16xf32, #tpu.memory_space<vmem>>, vector<16xf32>,
    %swap3A_780 = arith.constant 3104 : index
    %swap3A_781 = tpu.vector_load %arg5[%swap3A_780] {strides = array<i32>} : memref<6400xf32, #tpu.memory_space<vmem>>, vector<16xf32>,
    tpu.vector_store %arg5[%swap3A_780], %get3A_779 {strides = array<i32>} : memref<6400xf32, #tpu.memory_space<vmem>>, vector<16xf32>,
    %get3A_782 = arith.constant 0 : index
    %get3A_783 = tpu.vector_load %arg8[%get3A_782] {strides = array<i32>} : memref<16xf32, #tpu.memory_space<vmem>>, vector<16xf32>,
    %swap3A_784 = arith.constant 3120 : index
    %swap3A_785 = tpu.vector_load %arg5[%swap3A_784] {strides = array<i32>} : memref<6400xf32, #tpu.memory_space<vmem>>, vector<16xf32>,
    tpu.vector_store %arg5[%swap3A_784], %get3A_783 {strides = array<i32>} : memref<6400xf32, #tpu.memory_space<vmem>>, vector<16xf32>,
    %get3A_786 = arith.constant 0 : index
    %get3A_787 = tpu.vector_load %arg8[%get3A_786] {strides = array<i32>} : memref<16xf32, #tpu.memory_space<vmem>>, vector<16xf32>,
    %swap3A_788 = arith.constant 3136 : index
    %swap3A_789 = tpu.vector_load %arg5[%swap3A_788] {strides = array<i32>} : memref<6400xf32, #tpu.memory_space<vmem>>, vector<16xf32>,
    tpu.vector_store %arg5[%swap3A_788], %get3A_787 {strides = array<i32>} : memref<6400xf32, #tpu.memory_space<vmem>>, vector<16xf32>,
    %get3A_790 = arith.constant 0 : index
    %get3A_791 = tpu.vector_load %arg8[%get3A_790] {strides = array<i32>} : memref<16xf32, #tpu.memory_space<vmem>>, vector<16xf32>,
    %swap3A_792 = arith.constant 3152 : index
    %swap3A_793 = tpu.vector_load %arg5[%swap3A_792] {strides = array<i32>} : memref<6400xf32, #tpu.memory_space<vmem>>, vector<16xf32>,
    tpu.vector_store %arg5[%swap3A_792], %get3A_791 {strides = array<i32>} : memref<6400xf32, #tpu.memory_space<vmem>>, vector<16xf32>,
    %get3A_794 = arith.constant 0 : index
    %get3A_795 = tpu.vector_load %arg8[%get3A_794] {strides = array<i32>} : memref<16xf32, #tpu.memory_space<vmem>>, vector<16xf32>,
    %swap3A_796 = arith.constant 3168 : index
    %swap3A_797 = tpu.vector_load %arg5[%swap3A_796] {strides = array<i32>} : memref<6400xf32, #tpu.memory_space<vmem>>, vector<16xf32>,
    tpu.vector_store %arg5[%swap3A_796], %get3A_795 {strides = array<i32>} : memref<6400xf32, #tpu.memory_space<vmem>>, vector<16xf32>,
    %get3A_798 = arith.constant 0 : index
    %get3A_799 = tpu.vector_load %arg8[%get3A_798] {strides = array<i32>} : memref<16xf32, #tpu.memory_space<vmem>>, vector<16xf32>,
    %swap3A_800 = arith.constant 3184 : index
    %swap3A_801 = tpu.vector_load %arg5[%swap3A_800] {strides = array<i32>} : memref<6400xf32, #tpu.memory_space<vmem>>, vector<16xf32>,
    tpu.vector_store %arg5[%swap3A_800], %get3A_799 {strides = array<i32>} : memref<6400xf32, #tpu.memory_space<vmem>>, vector<16xf32>,
    %get3A_802 = arith.constant 0 : index
    %get3A_803 = tpu.vector_load %arg8[%get3A_802] {strides = array<i32>} : memref<16xf32, #tpu.memory_space<vmem>>, vector<16xf32>,
    %swap3A_804 = arith.constant 3200 : index
    %swap3A_805 = tpu.vector_load %arg5[%swap3A_804] {strides = array<i32>} : memref<6400xf32, #tpu.memory_space<vmem>>, vector<16xf32>,
    tpu.vector_store %arg5[%swap3A_804], %get3A_803 {strides = array<i32>} : memref<6400xf32, #tpu.memory_space<vmem>>, vector<16xf32>,
    %get3A_806 = arith.constant 0 : index
    %get3A_807 = tpu.vector_load %arg8[%get3A_806] {strides = array<i32>} : memref<16xf32, #tpu.memory_space<vmem>>, vector<16xf32>,
    %swap3A_808 = arith.constant 3216 : index
    %swap3A_809 = tpu.vector_load %arg5[%swap3A_808] {strides = array<i32>} : memref<6400xf32, #tpu.memory_space<vmem>>, vector<16xf32>,
    tpu.vector_store %arg5[%swap3A_808], %get3A_807 {strides = array<i32>} : memref<6400xf32, #tpu.memory_space<vmem>>, vector<16xf32>,
    %get3A_810 = arith.constant 0 : index
    %get3A_811 = tpu.vector_load %arg8[%get3A_810] {strides = array<i32>} : memref<16xf32, #tpu.memory_space<vmem>>, vector<16xf32>,
    %swap3A_812 = arith.constant 3232 : index
    %swap3A_813 = tpu.vector_load %arg5[%swap3A_812] {strides = array<i32>} : memref<6400xf32, #tpu.memory_space<vmem>>, vector<16xf32>,
    tpu.vector_store %arg5[%swap3A_812], %get3A_811 {strides = array<i32>} : memref<6400xf32, #tpu.memory_space<vmem>>, vector<16xf32>,
    %get3A_814 = arith.constant 0 : index
    %get3A_815 = tpu.vector_load %arg8[%get3A_814] {strides = array<i32>} : memref<16xf32, #tpu.memory_space<vmem>>, vector<16xf32>,
    %swap3A_816 = arith.constant 3248 : index
    %swap3A_817 = tpu.vector_load %arg5[%swap3A_816] {strides = array<i32>} : memref<6400xf32, #tpu.memory_space<vmem>>, vector<16xf32>,
    tpu.vector_store %arg5[%swap3A_816], %get3A_815 {strides = array<i32>} : memref<6400xf32, #tpu.memory_space<vmem>>, vector<16xf32>,
    %get3A_818 = arith.constant 0 : index
    %get3A_819 = tpu.vector_load %arg8[%get3A_818] {strides = array<i32>} : memref<16xf32, #tpu.memory_space<vmem>>, vector<16xf32>,
    %swap3A_820 = arith.constant 3264 : index
    %swap3A_821 = tpu.vector_load %arg5[%swap3A_820] {strides = array<i32>} : memref<6400xf32, #tpu.memory_space<vmem>>, vector<16xf32>,
    tpu.vector_store %arg5[%swap3A_820], %get3A_819 {strides = array<i32>} : memref<6400xf32, #tpu.memory_space<vmem>>, vector<16xf32>,
    %get3A_822 = arith.constant 0 : index
    %get3A_823 = tpu.vector_load %arg8[%get3A_822] {strides = array<i32>} : memref<16xf32, #tpu.memory_space<vmem>>, vector<16xf32>,
    %swap3A_824 = arith.constant 3280 : index
    %swap3A_825 = tpu.vector_load %arg5[%swap3A_824] {strides = array<i32>} : memref<6400xf32, #tpu.memory_space<vmem>>, vector<16xf32>,
    tpu.vector_store %arg5[%swap3A_824], %get3A_823 {strides = array<i32>} : memref<6400xf32, #tpu.memory_space<vmem>>, vector<16xf32>,
    %get3A_826 = arith.constant 0 : index
    %get3A_827 = tpu.vector_load %arg8[%get3A_826] {strides = array<i32>} : memref<16xf32, #tpu.memory_space<vmem>>, vector<16xf32>,
    %swap3A_828 = arith.constant 3296 : index
    %swap3A_829 = tpu.vector_load %arg5[%swap3A_828] {strides = array<i32>} : memref<6400xf32, #tpu.memory_space<vmem>>, vector<16xf32>,
    tpu.vector_store %arg5[%swap3A_828], %get3A_827 {strides = array<i32>} : memref<6400xf32, #tpu.memory_space<vmem>>, vector<16xf32>,
    %get3A_830 = arith.constant 0 : index
    %get3A_831 = tpu.vector_load %arg8[%get3A_830] {strides = array<i32>} : memref<16xf32, #tpu.memory_space<vmem>>, vector<16xf32>,
    %swap3A_832 = arith.constant 3312 : index
    %swap3A_833 = tpu.vector_load %arg5[%swap3A_832] {strides = array<i32>} : memref<6400xf32, #tpu.memory_space<vmem>>, vector<16xf32>,
    tpu.vector_store %arg5[%swap3A_832], %get3A_831 {strides = array<i32>} : memref<6400xf32, #tpu.memory_space<vmem>>, vector<16xf32>,
    %get3A_834 = arith.constant 0 : index
    %get3A_835 = tpu.vector_load %arg8[%get3A_834] {strides = array<i32>} : memref<16xf32, #tpu.memory_space<vmem>>, vector<16xf32>,
    %swap3A_836 = arith.constant 3328 : index
    %swap3A_837 = tpu.vector_load %arg5[%swap3A_836] {strides = array<i32>} : memref<6400xf32, #tpu.memory_space<vmem>>, vector<16xf32>,
    tpu.vector_store %arg5[%swap3A_836], %get3A_835 {strides = array<i32>} : memref<6400xf32, #tpu.memory_space<vmem>>, vector<16xf32>,
    %get3A_838 = arith.constant 0 : index
    %get3A_839 = tpu.vector_load %arg8[%get3A_838] {strides = array<i32>} : memref<16xf32, #tpu.memory_space<vmem>>, vector<16xf32>,
    %swap3A_840 = arith.constant 3344 : index
    %swap3A_841 = tpu.vector_load %arg5[%swap3A_840] {strides = array<i32>} : memref<6400xf32, #tpu.memory_space<vmem>>, vector<16xf32>,
    tpu.vector_store %arg5[%swap3A_840], %get3A_839 {strides = array<i32>} : memref<6400xf32, #tpu.memory_space<vmem>>, vector<16xf32>,
    %get3A_842 = arith.constant 0 : index
    %get3A_843 = tpu.vector_load %arg8[%get3A_842] {strides = array<i32>} : memref<16xf32, #tpu.memory_space<vmem>>, vector<16xf32>,
    %swap3A_844 = arith.constant 3360 : index
    %swap3A_845 = tpu.vector_load %arg5[%swap3A_844] {strides = array<i32>} : memref<6400xf32, #tpu.memory_space<vmem>>, vector<16xf32>,
    tpu.vector_store %arg5[%swap3A_844], %get3A_843 {strides = array<i32>} : memref<6400xf32, #tpu.memory_space<vmem>>, vector<16xf32>,
    %get3A_846 = arith.constant 0 : index
    %get3A_847 = tpu.vector_load %arg8[%get3A_846] {strides = array<i32>} : memref<16xf32, #tpu.memory_space<vmem>>, vector<16xf32>,
    %swap3A_848 = arith.constant 3376 : index
    %swap3A_849 = tpu.vector_load %arg5[%swap3A_848] {strides = array<i32>} : memref<6400xf32, #tpu.memory_space<vmem>>, vector<16xf32>,
    tpu.vector_store %arg5[%swap3A_848], %get3A_847 {strides = array<i32>} : memref<6400xf32, #tpu.memory_space<vmem>>, vector<16xf32>,
    %get3A_850 = arith.constant 0 : index
    %get3A_851 = tpu.vector_load %arg8[%get3A_850] {strides = array<i32>} : memref<16xf32, #tpu.memory_space<vmem>>, vector<16xf32>,
    %swap3A_852 = arith.constant 3392 : index
    %swap3A_853 = tpu.vector_load %arg5[%swap3A_852] {strides = array<i32>} : memref<6400xf32, #tpu.memory_space<vmem>>, vector<16xf32>,
    tpu.vector_store %arg5[%swap3A_852], %get3A_851 {strides = array<i32>} : memref<6400xf32, #tpu.memory_space<vmem>>, vector<16xf32>,
    %get3A_854 = arith.constant 0 : index
    %get3A_855 = tpu.vector_load %arg8[%get3A_854] {strides = array<i32>} : memref<16xf32, #tpu.memory_space<vmem>>, vector<16xf32>,
    %swap3A_856 = arith.constant 3408 : index
    %swap3A_857 = tpu.vector_load %arg5[%swap3A_856] {strides = array<i32>} : memref<6400xf32, #tpu.memory_space<vmem>>, vector<16xf32>,
    tpu.vector_store %arg5[%swap3A_856], %get3A_855 {strides = array<i32>} : memref<6400xf32, #tpu.memory_space<vmem>>, vector<16xf32>,
    %get3A_858 = arith.constant 0 : index
    %get3A_859 = tpu.vector_load %arg8[%get3A_858] {strides = array<i32>} : memref<16xf32, #tpu.memory_space<vmem>>, vector<16xf32>,
    %swap3A_860 = arith.constant 3424 : index
    %swap3A_861 = tpu.vector_load %arg5[%swap3A_860] {strides = array<i32>} : memref<6400xf32, #tpu.memory_space<vmem>>, vector<16xf32>,
    tpu.vector_store %arg5[%swap3A_860], %get3A_859 {strides = array<i32>} : memref<6400xf32, #tpu.memory_space<vmem>>, vector<16xf32>,
    %get3A_862 = arith.constant 0 : index
    %get3A_863 = tpu.vector_load %arg8[%get3A_862] {strides = array<i32>} : memref<16xf32, #tpu.memory_space<vmem>>, vector<16xf32>,
    %swap3A_864 = arith.constant 3440 : index
    %swap3A_865 = tpu.vector_load %arg5[%swap3A_864] {strides = array<i32>} : memref<6400xf32, #tpu.memory_space<vmem>>, vector<16xf32>,
    tpu.vector_store %arg5[%swap3A_864], %get3A_863 {strides = array<i32>} : memref<6400xf32, #tpu.memory_space<vmem>>, vector<16xf32>,
    %get3A_866 = arith.constant 0 : index
    %get3A_867 = tpu.vector_load %arg8[%get3A_866] {strides = array<i32>} : memref<16xf32, #tpu.memory_space<vmem>>, vector<16xf32>,
    %swap3A_868 = arith.constant 3456 : index
    %swap3A_869 = tpu.vector_load %arg5[%swap3A_868] {strides = array<i32>} : memref<6400xf32, #tpu.memory_space<vmem>>, vector<16xf32>,
    tpu.vector_store %arg5[%swap3A_868], %get3A_867 {strides = array<i32>} : memref<6400xf32, #tpu.memory_space<vmem>>, vector<16xf32>,
    %get3A_870 = arith.constant 0 : index
    %get3A_871 = tpu.vector_load %arg8[%get3A_870] {strides = array<i32>} : memref<16xf32, #tpu.memory_space<vmem>>, vector<16xf32>,
    %swap3A_872 = arith.constant 3472 : index
    %swap3A_873 = tpu.vector_load %arg5[%swap3A_872] {strides = array<i32>} : memref<6400xf32, #tpu.memory_space<vmem>>, vector<16xf32>,
    tpu.vector_store %arg5[%swap3A_872], %get3A_871 {strides = array<i32>} : memref<6400xf32, #tpu.memory_space<vmem>>, vector<16xf32>,
    %get3A_874 = arith.constant 0 : index
    %get3A_875 = tpu.vector_load %arg8[%get3A_874] {strides = array<i32>} : memref<16xf32, #tpu.memory_space<vmem>>, vector<16xf32>,
    %swap3A_876 = arith.constant 3488 : index
    %swap3A_877 = tpu.vector_load %arg5[%swap3A_876] {strides = array<i32>} : memref<6400xf32, #tpu.memory_space<vmem>>, vector<16xf32>,
    tpu.vector_store %arg5[%swap3A_876], %get3A_875 {strides = array<i32>} : memref<6400xf32, #tpu.memory_space<vmem>>, vector<16xf32>,
    %get3A_878 = arith.constant 0 : index
    %get3A_879 = tpu.vector_load %arg8[%get3A_878] {strides = array<i32>} : memref<16xf32, #tpu.memory_space<vmem>>, vector<16xf32>,
    %swap3A_880 = arith.constant 3504 : index
    %swap3A_881 = tpu.vector_load %arg5[%swap3A_880] {strides = array<i32>} : memref<6400xf32, #tpu.memory_space<vmem>>, vector<16xf32>,
    tpu.vector_store %arg5[%swap3A_880], %get3A_879 {strides = array<i32>} : memref<6400xf32, #tpu.memory_space<vmem>>, vector<16xf32>,
    %get3A_882 = arith.constant 0 : index
    %get3A_883 = tpu.vector_load %arg8[%get3A_882] {strides = array<i32>} : memref<16xf32, #tpu.memory_space<vmem>>, vector<16xf32>,
    %swap3A_884 = arith.constant 3520 : index
    %swap3A_885 = tpu.vector_load %arg5[%swap3A_884] {strides = array<i32>} : memref<6400xf32, #tpu.memory_space<vmem>>, vector<16xf32>,
    tpu.vector_store %arg5[%swap3A_884], %get3A_883 {strides = array<i32>} : memref<6400xf32, #tpu.memory_space<vmem>>, vector<16xf32>,
    %get3A_886 = arith.constant 0 : index
    %get3A_887 = tpu.vector_load %arg8[%get3A_886] {strides = array<i32>} : memref<16xf32, #tpu.memory_space<vmem>>, vector<16xf32>,
    %swap3A_888 = arith.constant 3536 : index
    %swap3A_889 = tpu.vector_load %arg5[%swap3A_888] {strides = array<i32>} : memref<6400xf32, #tpu.memory_space<vmem>>, vector<16xf32>,
    tpu.vector_store %arg5[%swap3A_888], %get3A_887 {strides = array<i32>} : memref<6400xf32, #tpu.memory_space<vmem>>, vector<16xf32>,
    %get3A_890 = arith.constant 0 : index
    %get3A_891 = tpu.vector_load %arg8[%get3A_890] {strides = array<i32>} : memref<16xf32, #tpu.memory_space<vmem>>, vector<16xf32>,
    %swap3A_892 = arith.constant 3552 : index
    %swap3A_893 = tpu.vector_load %arg5[%swap3A_892] {strides = array<i32>} : memref<6400xf32, #tpu.memory_space<vmem>>, vector<16xf32>,
    tpu.vector_store %arg5[%swap3A_892], %get3A_891 {strides = array<i32>} : memref<6400xf32, #tpu.memory_space<vmem>>, vector<16xf32>,
    %get3A_894 = arith.constant 0 : index
    %get3A_895 = tpu.vector_load %arg8[%get3A_894] {strides = array<i32>} : memref<16xf32, #tpu.memory_space<vmem>>, vector<16xf32>,
    %swap3A_896 = arith.constant 3568 : index
    %swap3A_897 = tpu.vector_load %arg5[%swap3A_896] {strides = array<i32>} : memref<6400xf32, #tpu.memory_space<vmem>>, vector<16xf32>,
    tpu.vector_store %arg5[%swap3A_896], %get3A_895 {strides = array<i32>} : memref<6400xf32, #tpu.memory_space<vmem>>, vector<16xf32>,
    %get3A_898 = arith.constant 0 : index
    %get3A_899 = tpu.vector_load %arg8[%get3A_898] {strides = array<i32>} : memref<16xf32, #tpu.memory_space<vmem>>, vector<16xf32>,
    %swap3A_900 = arith.constant 3584 : index
    %swap3A_901 = tpu.vector_load %arg5[%swap3A_900] {strides = array<i32>} : memref<6400xf32, #tpu.memory_space<vmem>>, vector<16xf32>,
    tpu.vector_store %arg5[%swap3A_900], %get3A_899 {strides = array<i32>} : memref<6400xf32, #tpu.memory_space<vmem>>, vector<16xf32>,
    %get3A_902 = arith.constant 0 : index
    %get3A_903 = tpu.vector_load %arg8[%get3A_902] {strides = array<i32>} : memref<16xf32, #tpu.memory_space<vmem>>, vector<16xf32>,
    %swap3A_904 = arith.constant 3600 : index
    %swap3A_905 = tpu.vector_load %arg5[%swap3A_904] {strides = array<i32>} : memref<6400xf32, #tpu.memory_space<vmem>>, vector<16xf32>,
    tpu.vector_store %arg5[%swap3A_904], %get3A_903 {strides = array<i32>} : memref<6400xf32, #tpu.memory_space<vmem>>, vector<16xf32>,
    %get3A_906 = arith.constant 0 : index
    %get3A_907 = tpu.vector_load %arg8[%get3A_906] {strides = array<i32>} : memref<16xf32, #tpu.memory_space<vmem>>, vector<16xf32>,
    %swap3A_908 = arith.constant 3616 : index
    %swap3A_909 = tpu.vector_load %arg5[%swap3A_908] {strides = array<i32>} : memref<6400xf32, #tpu.memory_space<vmem>>, vector<16xf32>,
    tpu.vector_store %arg5[%swap3A_908], %get3A_907 {strides = array<i32>} : memref<6400xf32, #tpu.memory_space<vmem>>, vector<16xf32>,
    %get3A_910 = arith.constant 0 : index
    %get3A_911 = tpu.vector_load %arg8[%get3A_910] {strides = array<i32>} : memref<16xf32, #tpu.memory_space<vmem>>, vector<16xf32>,
    %swap3A_912 = arith.constant 3632 : index
    %swap3A_913 = tpu.vector_load %arg5[%swap3A_912] {strides = array<i32>} : memref<6400xf32, #tpu.memory_space<vmem>>, vector<16xf32>,
    tpu.vector_store %arg5[%swap3A_912], %get3A_911 {strides = array<i32>} : memref<6400xf32, #tpu.memory_space<vmem>>, vector<16xf32>,
    %get3A_914 = arith.constant 0 : index
    %get3A_915 = tpu.vector_load %arg8[%get3A_914] {strides = array<i32>} : memref<16xf32, #tpu.memory_space<vmem>>, vector<16xf32>,
    %swap3A_916 = arith.constant 3648 : index
    %swap3A_917 = tpu.vector_load %arg5[%swap3A_916] {strides = array<i32>} : memref<6400xf32, #tpu.memory_space<vmem>>, vector<16xf32>,
    tpu.vector_store %arg5[%swap3A_916], %get3A_915 {strides = array<i32>} : memref<6400xf32, #tpu.memory_space<vmem>>, vector<16xf32>,
    %get3A_918 = arith.constant 0 : index
    %get3A_919 = tpu.vector_load %arg8[%get3A_918] {strides = array<i32>} : memref<16xf32, #tpu.memory_space<vmem>>, vector<16xf32>,
    %swap3A_920 = arith.constant 3664 : index
    %swap3A_921 = tpu.vector_load %arg5[%swap3A_920] {strides = array<i32>} : memref<6400xf32, #tpu.memory_space<vmem>>, vector<16xf32>,
    tpu.vector_store %arg5[%swap3A_920], %get3A_919 {strides = array<i32>} : memref<6400xf32, #tpu.memory_space<vmem>>, vector<16xf32>,
    %get3A_922 = arith.constant 0 : index
    %get3A_923 = tpu.vector_load %arg8[%get3A_922] {strides = array<i32>} : memref<16xf32, #tpu.memory_space<vmem>>, vector<16xf32>,
    %swap3A_924 = arith.constant 3680 : index
    %swap3A_925 = tpu.vector_load %arg5[%swap3A_924] {strides = array<i32>} : memref<6400xf32, #tpu.memory_space<vmem>>, vector<16xf32>,
    tpu.vector_store %arg5[%swap3A_924], %get3A_923 {strides = array<i32>} : memref<6400xf32, #tpu.memory_space<vmem>>, vector<16xf32>,
    %get3A_926 = arith.constant 0 : index
    %get3A_927 = tpu.vector_load %arg8[%get3A_926] {strides = array<i32>} : memref<16xf32, #tpu.memory_space<vmem>>, vector<16xf32>,
    %swap3A_928 = arith.constant 3696 : index
    %swap3A_929 = tpu.vector_load %arg5[%swap3A_928] {strides = array<i32>} : memref<6400xf32, #tpu.memory_space<vmem>>, vector<16xf32>,
    tpu.vector_store %arg5[%swap3A_928], %get3A_927 {strides = array<i32>} : memref<6400xf32, #tpu.memory_space<vmem>>, vector<16xf32>,
    %get3A_930 = arith.constant 0 : index
    %get3A_931 = tpu.vector_load %arg8[%get3A_930] {strides = array<i32>} : memref<16xf32, #tpu.memory_space<vmem>>, vector<16xf32>,
    %swap3A_932 = arith.constant 3712 : index
    %swap3A_933 = tpu.vector_load %arg5[%swap3A_932] {strides = array<i32>} : memref<6400xf32, #tpu.memory_space<vmem>>, vector<16xf32>,
    tpu.vector_store %arg5[%swap3A_932], %get3A_931 {strides = array<i32>} : memref<6400xf32, #tpu.memory_space<vmem>>, vector<16xf32>,
    %get3A_934 = arith.constant 0 : index
    %get3A_935 = tpu.vector_load %arg8[%get3A_934] {strides = array<i32>} : memref<16xf32, #tpu.memory_space<vmem>>, vector<16xf32>,
    %swap3A_936 = arith.constant 3728 : index
    %swap3A_937 = tpu.vector_load %arg5[%swap3A_936] {strides = array<i32>} : memref<6400xf32, #tpu.memory_space<vmem>>, vector<16xf32>,
    tpu.vector_store %arg5[%swap3A_936], %get3A_935 {strides = array<i32>} : memref<6400xf32, #tpu.memory_space<vmem>>, vector<16xf32>,
    %get3A_938 = arith.constant 0 : index
    %get3A_939 = tpu.vector_load %arg8[%get3A_938] {strides = array<i32>} : memref<16xf32, #tpu.memory_space<vmem>>, vector<16xf32>,
    %swap3A_940 = arith.constant 3744 : index
    %swap3A_941 = tpu.vector_load %arg5[%swap3A_940] {strides = array<i32>} : memref<6400xf32, #tpu.memory_space<vmem>>, vector<16xf32>,
    tpu.vector_store %arg5[%swap3A_940], %get3A_939 {strides = array<i32>} : memref<6400xf32, #tpu.memory_space<vmem>>, vector<16xf32>,
    %get3A_942 = arith.constant 0 : index
    %get3A_943 = tpu.vector_load %arg8[%get3A_942] {strides = array<i32>} : memref<16xf32, #tpu.memory_space<vmem>>, vector<16xf32>,
    %swap3A_944 = arith.constant 3760 : index
    %swap3A_945 = tpu.vector_load %arg5[%swap3A_944] {strides = array<i32>} : memref<6400xf32, #tpu.memory_space<vmem>>, vector<16xf32>,
    tpu.vector_store %arg5[%swap3A_944], %get3A_943 {strides = array<i32>} : memref<6400xf32, #tpu.memory_space<vmem>>, vector<16xf32>,
    %get3A_946 = arith.constant 0 : index
    %get3A_947 = tpu.vector_load %arg8[%get3A_946] {strides = array<i32>} : memref<16xf32, #tpu.memory_space<vmem>>, vector<16xf32>,
    %swap3A_948 = arith.constant 3776 : index
    %swap3A_949 = tpu.vector_load %arg5[%swap3A_948] {strides = array<i32>} : memref<6400xf32, #tpu.memory_space<vmem>>, vector<16xf32>,
    tpu.vector_store %arg5[%swap3A_948], %get3A_947 {strides = array<i32>} : memref<6400xf32, #tpu.memory_space<vmem>>, vector<16xf32>,
    %get3A_950 = arith.constant 0 : index
    %get3A_951 = tpu.vector_load %arg8[%get3A_950] {strides = array<i32>} : memref<16xf32, #tpu.memory_space<vmem>>, vector<16xf32>,
    %swap3A_952 = arith.constant 3792 : index
    %swap3A_953 = tpu.vector_load %arg5[%swap3A_952] {strides = array<i32>} : memref<6400xf32, #tpu.memory_space<vmem>>, vector<16xf32>,
    tpu.vector_store %arg5[%swap3A_952], %get3A_951 {strides = array<i32>} : memref<6400xf32, #tpu.memory_space<vmem>>, vector<16xf32>,
    %get3A_954 = arith.constant 0 : index
    %get3A_955 = tpu.vector_load %arg8[%get3A_954] {strides = array<i32>} : memref<16xf32, #tpu.memory_space<vmem>>, vector<16xf32>,
    %swap3A_956 = arith.constant 3808 : index
    %swap3A_957 = tpu.vector_load %arg5[%swap3A_956] {strides = array<i32>} : memref<6400xf32, #tpu.memory_space<vmem>>, vector<16xf32>,
    tpu.vector_store %arg5[%swap3A_956], %get3A_955 {strides = array<i32>} : memref<6400xf32, #tpu.memory_space<vmem>>, vector<16xf32>,
    %get3A_958 = arith.constant 0 : index
    %get3A_959 = tpu.vector_load %arg8[%get3A_958] {strides = array<i32>} : memref<16xf32, #tpu.memory_space<vmem>>, vector<16xf32>,
    %swap3A_960 = arith.constant 3824 : index
    %swap3A_961 = tpu.vector_load %arg5[%swap3A_960] {strides = array<i32>} : memref<6400xf32, #tpu.memory_space<vmem>>, vector<16xf32>,
    tpu.vector_store %arg5[%swap3A_960], %get3A_959 {strides = array<i32>} : memref<6400xf32, #tpu.memory_space<vmem>>, vector<16xf32>,
    %get3A_962 = arith.constant 0 : index
    %get3A_963 = tpu.vector_load %arg8[%get3A_962] {strides = array<i32>} : memref<16xf32, #tpu.memory_space<vmem>>, vector<16xf32>,
    %swap3A_964 = arith.constant 3840 : index
    %swap3A_965 = tpu.vector_load %arg5[%swap3A_964] {strides = array<i32>} : memref<6400xf32, #tpu.memory_space<vmem>>, vector<16xf32>,
    tpu.vector_store %arg5[%swap3A_964], %get3A_963 {strides = array<i32>} : memref<6400xf32, #tpu.memory_space<vmem>>, vector<16xf32>,
    %get3A_966 = arith.constant 0 : index
    %get3A_967 = tpu.vector_load %arg8[%get3A_966] {strides = array<i32>} : memref<16xf32, #tpu.memory_space<vmem>>, vector<16xf32>,
    %swap3A_968 = arith.constant 3856 : index
    %swap3A_969 = tpu.vector_load %arg5[%swap3A_968] {strides = array<i32>} : memref<6400xf32, #tpu.memory_space<vmem>>, vector<16xf32>,
    tpu.vector_store %arg5[%swap3A_968], %get3A_967 {strides = array<i32>} : memref<6400xf32, #tpu.memory_space<vmem>>, vector<16xf32>,
    %get3A_970 = arith.constant 0 : index
    %get3A_971 = tpu.vector_load %arg8[%get3A_970] {strides = array<i32>} : memref<16xf32, #tpu.memory_space<vmem>>, vector<16xf32>,
    %swap3A_972 = arith.constant 3872 : index
    %swap3A_973 = tpu.vector_load %arg5[%swap3A_972] {strides = array<i32>} : memref<6400xf32, #tpu.memory_space<vmem>>, vector<16xf32>,
    tpu.vector_store %arg5[%swap3A_972], %get3A_971 {strides = array<i32>} : memref<6400xf32, #tpu.memory_space<vmem>>, vector<16xf32>,
    %get3A_974 = arith.constant 0 : index
    %get3A_975 = tpu.vector_load %arg8[%get3A_974] {strides = array<i32>} : memref<16xf32, #tpu.memory_space<vmem>>, vector<16xf32>,
    %swap3A_976 = arith.constant 3888 : index
    %swap3A_977 = tpu.vector_load %arg5[%swap3A_976] {strides = array<i32>} : memref<6400xf32, #tpu.memory_space<vmem>>, vector<16xf32>,
    tpu.vector_store %arg5[%swap3A_976], %get3A_975 {strides = array<i32>} : memref<6400xf32, #tpu.memory_space<vmem>>, vector<16xf32>,
    %get3A_978 = arith.constant 0 : index
    %get3A_979 = tpu.vector_load %arg8[%get3A_978] {strides = array<i32>} : memref<16xf32, #tpu.memory_space<vmem>>, vector<16xf32>,
    %swap3A_980 = arith.constant 3904 : index
    %swap3A_981 = tpu.vector_load %arg5[%swap3A_980] {strides = array<i32>} : memref<6400xf32, #tpu.memory_space<vmem>>, vector<16xf32>,
    tpu.vector_store %arg5[%swap3A_980], %get3A_979 {strides = array<i32>} : memref<6400xf32, #tpu.memory_space<vmem>>, vector<16xf32>,
    %get3A_982 = arith.constant 0 : index
    %get3A_983 = tpu.vector_load %arg8[%get3A_982] {strides = array<i32>} : memref<16xf32, #tpu.memory_space<vmem>>, vector<16xf32>,
    %swap3A_984 = arith.constant 3920 : index
    %swap3A_985 = tpu.vector_load %arg5[%swap3A_984] {strides = array<i32>} : memref<6400xf32, #tpu.memory_space<vmem>>, vector<16xf32>,
    tpu.vector_store %arg5[%swap3A_984], %get3A_983 {strides = array<i32>} : memref<6400xf32, #tpu.memory_space<vmem>>, vector<16xf32>,
    %get3A_986 = arith.constant 0 : index
    %get3A_987 = tpu.vector_load %arg8[%get3A_986] {strides = array<i32>} : memref<16xf32, #tpu.memory_space<vmem>>, vector<16xf32>,
    %swap3A_988 = arith.constant 3936 : index
    %swap3A_989 = tpu.vector_load %arg5[%swap3A_988] {strides = array<i32>} : memref<6400xf32, #tpu.memory_space<vmem>>, vector<16xf32>,
    tpu.vector_store %arg5[%swap3A_988], %get3A_987 {strides = array<i32>} : memref<6400xf32, #tpu.memory_space<vmem>>, vector<16xf32>,
    %get3A_990 = arith.constant 0 : index
    %get3A_991 = tpu.vector_load %arg8[%get3A_990] {strides = array<i32>} : memref<16xf32, #tpu.memory_space<vmem>>, vector<16xf32>,
    %swap3A_992 = arith.constant 3952 : index
    %swap3A_993 = tpu.vector_load %arg5[%swap3A_992] {strides = array<i32>} : memref<6400xf32, #tpu.memory_space<vmem>>, vector<16xf32>,
    tpu.vector_store %arg5[%swap3A_992], %get3A_991 {strides = array<i32>} : memref<6400xf32, #tpu.memory_space<vmem>>, vector<16xf32>,
    %get3A_994 = arith.constant 0 : index
    %get3A_995 = tpu.vector_load %arg8[%get3A_994] {strides = array<i32>} : memref<16xf32, #tpu.memory_space<vmem>>, vector<16xf32>,
    %swap3A_996 = arith.constant 3968 : index
    %swap3A_997 = tpu.vector_load %arg5[%swap3A_996] {strides = array<i32>} : memref<6400xf32, #tpu.memory_space<vmem>>, vector<16xf32>,
    tpu.vector_store %arg5[%swap3A_996], %get3A_995 {strides = array<i32>} : memref<6400xf32, #tpu.memory_space<vmem>>, vector<16xf32>,
    %get3A_998 = arith.constant 0 : index
    %get3A_999 = tpu.vector_load %arg8[%get3A_998] {strides = array<i32>} : memref<16xf32, #tpu.memory_space<vmem>>, vector<16xf32>,
    %swap3A_1000 = arith.constant 3984 : index
    %swap3A_1001 = tpu.vector_load %arg5[%swap3A_1000] {strides = array<i32>} : memref<6400xf32, #tpu.memory_space<vmem>>, vector<16xf32>,
    tpu.vector_store %arg5[%swap3A_1000], %get3A_999 {strides = array<i32>} : memref<6400xf32, #tpu.memory_space<vmem>>, vector<16xf32>,
    %get3A_1002 = arith.constant 0 : index
    %get3A_1003 = tpu.vector_load %arg8[%get3A_1002] {strides = array<i32>} : memref<16xf32, #tpu.memory_space<vmem>>, vector<16xf32>,
    %swap3A_1004 = arith.constant 4000 : index
    %swap3A_1005 = tpu.vector_load %arg5[%swap3A_1004] {strides = array<i32>} : memref<6400xf32, #tpu.memory_space<vmem>>, vector<16xf32>,
    tpu.vector_store %arg5[%swap3A_1004], %get3A_1003 {strides = array<i32>} : memref<6400xf32, #tpu.memory_space<vmem>>, vector<16xf32>,
    %get3A_1006 = arith.constant 0 : index
    %get3A_1007 = tpu.vector_load %arg8[%get3A_1006] {strides = array<i32>} : memref<16xf32, #tpu.memory_space<vmem>>, vector<16xf32>,
    %swap3A_1008 = arith.constant 4016 : index
    %swap3A_1009 = tpu.vector_load %arg5[%swap3A_1008] {strides = array<i32>} : memref<6400xf32, #tpu.memory_space<vmem>>, vector<16xf32>,
    tpu.vector_store %arg5[%swap3A_1008], %get3A_1007 {strides = array<i32>} : memref<6400xf32, #tpu.memory_space<vmem>>, vector<16xf32>,
    %get3A_1010 = arith.constant 0 : index
    %get3A_1011 = tpu.vector_load %arg8[%get3A_1010] {strides = array<i32>} : memref<16xf32, #tpu.memory_space<vmem>>, vector<16xf32>,
    %swap3A_1012 = arith.constant 4032 : index
    %swap3A_1013 = tpu.vector_load %arg5[%swap3A_1012] {strides = array<i32>} : memref<6400xf32, #tpu.memory_space<vmem>>, vector<16xf32>,
    tpu.vector_store %arg5[%swap3A_1012], %get3A_1011 {strides = array<i32>} : memref<6400xf32, #tpu.memory_space<vmem>>, vector<16xf32>,
    %get3A_1014 = arith.constant 0 : index
    %get3A_1015 = tpu.vector_load %arg8[%get3A_1014] {strides = array<i32>} : memref<16xf32, #tpu.memory_space<vmem>>, vector<16xf32>,
    %swap3A_1016 = arith.constant 4048 : index
    %swap3A_1017 = tpu.vector_load %arg5[%swap3A_1016] {strides = array<i32>} : memref<6400xf32, #tpu.memory_space<vmem>>, vector<16xf32>,
    tpu.vector_store %arg5[%swap3A_1016], %get3A_1015 {strides = array<i32>} : memref<6400xf32, #tpu.memory_space<vmem>>, vector<16xf32>,
    %get3A_1018 = arith.constant 0 : index
    %get3A_1019 = tpu.vector_load %arg8[%get3A_1018] {strides = array<i32>} : memref<16xf32, #tpu.memory_space<vmem>>, vector<16xf32>,
    %swap3A_1020 = arith.constant 4064 : index
    %swap3A_1021 = tpu.vector_load %arg5[%swap3A_1020] {strides = array<i32>} : memref<6400xf32, #tpu.memory_space<vmem>>, vector<16xf32>,
    tpu.vector_store %arg5[%swap3A_1020], %get3A_1019 {strides = array<i32>} : memref<6400xf32, #tpu.memory_space<vmem>>, vector<16xf32>,
    %get3A_1022 = arith.constant 0 : index
    %get3A_1023 = tpu.vector_load %arg8[%get3A_1022] {strides = array<i32>} : memref<16xf32, #tpu.memory_space<vmem>>, vector<16xf32>,
    %swap3A_1024 = arith.constant 4080 : index
    %swap3A_1025 = tpu.vector_load %arg5[%swap3A_1024] {strides = array<i32>} : memref<6400xf32, #tpu.memory_space<vmem>>, vector<16xf32>,
    tpu.vector_store %arg5[%swap3A_1024], %get3A_1023 {strides = array<i32>} : memref<6400xf32, #tpu.memory_space<vmem>>, vector<16xf32>,
    %get3A_1026 = arith.constant 0 : index
    %get3A_1027 = tpu.vector_load %arg8[%get3A_1026] {strides = array<i32>} : memref<16xf32, #tpu.memory_space<vmem>>, vector<16xf32>,
    %swap3A_1028 = arith.constant 4096 : index
    %swap3A_1029 = tpu.vector_load %arg5[%swap3A_1028] {strides = array<i32>} : memref<6400xf32, #tpu.memory_space<vmem>>, vector<16xf32>,
    tpu.vector_store %arg5[%swap3A_1028], %get3A_1027 {strides = array<i32>} : memref<6400xf32, #tpu.memory_space<vmem>>, vector<16xf32>,
    %get3A_1030 = arith.constant 0 : index
    %get3A_1031 = tpu.vector_load %arg8[%get3A_1030] {strides = array<i32>} : memref<16xf32, #tpu.memory_space<vmem>>, vector<16xf32>,
    %swap3A_1032 = arith.constant 4112 : index
    %swap3A_1033 = tpu.vector_load %arg5[%swap3A_1032] {strides = array<i32>} : memref<6400xf32, #tpu.memory_space<vmem>>, vector<16xf32>,
    tpu.vector_store %arg5[%swap3A_1032], %get3A_1031 {strides = array<i32>} : memref<6400xf32, #tpu.memory_space<vmem>>, vector<16xf32>,
    %get3A_1034 = arith.constant 0 : index
    %get3A_1035 = tpu.vector_load %arg8[%get3A_1034] {strides = array<i32>} : memref<16xf32, #tpu.memory_space<vmem>>, vector<16xf32>,
    %swap3A_1036 = arith.constant 4128 : index
    %swap3A_1037 = tpu.vector_load %arg5[%swap3A_1036] {strides = array<i32>} : memref<6400xf32, #tpu.memory_space<vmem>>, vector<16xf32>,
    tpu.vector_store %arg5[%swap3A_1036], %get3A_1035 {strides = array<i32>} : memref<6400xf32, #tpu.memory_space<vmem>>, vector<16xf32>,
    %get3A_1038 = arith.constant 0 : index
    %get3A_1039 = tpu.vector_load %arg8[%get3A_1038] {strides = array<i32>} : memref<16xf32, #tpu.memory_space<vmem>>, vector<16xf32>,
    %swap3A_1040 = arith.constant 4144 : index
    %swap3A_1041 = tpu.vector_load %arg5[%swap3A_1040] {strides = array<i32>} : memref<6400xf32, #tpu.memory_space<vmem>>, vector<16xf32>,
    tpu.vector_store %arg5[%swap3A_1040], %get3A_1039 {strides = array<i32>} : memref<6400xf32, #tpu.memory_space<vmem>>, vector<16xf32>,
    %get3A_1042 = arith.constant 0 : index
    %get3A_1043 = tpu.vector_load %arg8[%get3A_1042] {strides = array<i32>} : memref<16xf32, #tpu.memory_space<vmem>>, vector<16xf32>,
    %swap3A_1044 = arith.constant 4160 : index
    %swap3A_1045 = tpu.vector_load %arg5[%swap3A_1044] {strides = array<i32>} : memref<6400xf32, #tpu.memory_space<vmem>>, vector<16xf32>,
    tpu.vector_store %arg5[%swap3A_1044], %get3A_1043 {strides = array<i32>} : memref<6400xf32, #tpu.memory_space<vmem>>, vector<16xf32>,
    %get3A_1046 = arith.constant 0 : index
    %get3A_1047 = tpu.vector_load %arg8[%get3A_1046] {strides = array<i32>} : memref<16xf32, #tpu.memory_space<vmem>>, vector<16xf32>,
    %swap3A_1048 = arith.constant 4176 : index
    %swap3A_1049 = tpu.vector_load %arg5[%swap3A_1048] {strides = array<i32>} : memref<6400xf32, #tpu.memory_space<vmem>>, vector<16xf32>,
    tpu.vector_store %arg5[%swap3A_1048], %get3A_1047 {strides = array<i32>} : memref<6400xf32, #tpu.memory_space<vmem>>, vector<16xf32>,
    %get3A_1050 = arith.constant 0 : index
    %get3A_1051 = tpu.vector_load %arg8[%get3A_1050] {strides = array<i32>} : memref<16xf32, #tpu.memory_space<vmem>>, vector<16xf32>,
    %swap3A_1052 = arith.constant 4192 : index
    %swap3A_1053 = tpu.vector_load %arg5[%swap3A_1052] {strides = array<i32>} : memref<6400xf32, #tpu.memory_space<vmem>>, vector<16xf32>,
    tpu.vector_store %arg5[%swap3A_1052], %get3A_1051 {strides = array<i32>} : memref<6400xf32, #tpu.memory_space<vmem>>, vector<16xf32>,
    %get3A_1054 = arith.constant 0 : index
    %get3A_1055 = tpu.vector_load %arg8[%get3A_1054] {strides = array<i32>} : memref<16xf32, #tpu.memory_space<vmem>>, vector<16xf32>,
    %swap3A_1056 = arith.constant 4208 : index
    %swap3A_1057 = tpu.vector_load %arg5[%swap3A_1056] {strides = array<i32>} : memref<6400xf32, #tpu.memory_space<vmem>>, vector<16xf32>,
    tpu.vector_store %arg5[%swap3A_1056], %get3A_1055 {strides = array<i32>} : memref<6400xf32, #tpu.memory_space<vmem>>, vector<16xf32>,
    %get3A_1058 = arith.constant 0 : index
    %get3A_1059 = tpu.vector_load %arg8[%get3A_1058] {strides = array<i32>} : memref<16xf32, #tpu.memory_space<vmem>>, vector<16xf32>,
    %swap3A_1060 = arith.constant 4224 : index
    %swap3A_1061 = tpu.vector_load %arg5[%swap3A_1060] {strides = array<i32>} : memref<6400xf32, #tpu.memory_space<vmem>>, vector<16xf32>,
    tpu.vector_store %arg5[%swap3A_1060], %get3A_1059 {strides = array<i32>} : memref<6400xf32, #tpu.memory_space<vmem>>, vector<16xf32>,
    %get3A_1062 = arith.constant 0 : index
    %get3A_1063 = tpu.vector_load %arg8[%get3A_1062] {strides = array<i32>} : memref<16xf32, #tpu.memory_space<vmem>>, vector<16xf32>,
    %swap3A_1064 = arith.constant 4240 : index
    %swap3A_1065 = tpu.vector_load %arg5[%swap3A_1064] {strides = array<i32>} : memref<6400xf32, #tpu.memory_space<vmem>>, vector<16xf32>,
    tpu.vector_store %arg5[%swap3A_1064], %get3A_1063 {strides = array<i32>} : memref<6400xf32, #tpu.memory_space<vmem>>, vector<16xf32>,
    %get3A_1066 = arith.constant 0 : index
    %get3A_1067 = tpu.vector_load %arg8[%get3A_1066] {strides = array<i32>} : memref<16xf32, #tpu.memory_space<vmem>>, vector<16xf32>,
    %swap3A_1068 = arith.constant 4256 : index
    %swap3A_1069 = tpu.vector_load %arg5[%swap3A_1068] {strides = array<i32>} : memref<6400xf32, #tpu.memory_space<vmem>>, vector<16xf32>,
    tpu.vector_store %arg5[%swap3A_1068], %get3A_1067 {strides = array<i32>} : memref<6400xf32, #tpu.memory_space<vmem>>, vector<16xf32>,
    %get3A_1070 = arith.constant 0 : index
    %get3A_1071 = tpu.vector_load %arg8[%get3A_1070] {strides = array<i32>} : memref<16xf32, #tpu.memory_space<vmem>>, vector<16xf32>,
    %swap3A_1072 = arith.constant 4272 : index
    %swap3A_1073 = tpu.vector_load %arg5[%swap3A_1072] {strides = array<i32>} : memref<6400xf32, #tpu.memory_space<vmem>>, vector<16xf32>,
    tpu.vector_store %arg5[%swap3A_1072], %get3A_1071 {strides = array<i32>} : memref<6400xf32, #tpu.memory_space<vmem>>, vector<16xf32>,
    %get3A_1074 = arith.constant 0 : index
    %get3A_1075 = tpu.vector_load %arg8[%get3A_1074] {strides = array<i32>} : memref<16xf32, #tpu.memory_space<vmem>>, vector<16xf32>,
    %swap3A_1076 = arith.constant 4288 : index
    %swap3A_1077 = tpu.vector_load %arg5[%swap3A_1076] {strides = array<i32>} : memref<6400xf32, #tpu.memory_space<vmem>>, vector<16xf32>,
    tpu.vector_store %arg5[%swap3A_1076], %get3A_1075 {strides = array<i32>} : memref<6400xf32, #tpu.memory_space<vmem>>, vector<16xf32>,
    %get3A_1078 = arith.constant 0 : index
    %get3A_1079 = tpu.vector_load %arg8[%get3A_1078] {strides = array<i32>} : memref<16xf32, #tpu.memory_space<vmem>>, vector<16xf32>,
    %swap3A_1080 = arith.constant 4304 : index
    %swap3A_1081 = tpu.vector_load %arg5[%swap3A_1080] {strides = array<i32>} : memref<6400xf32, #tpu.memory_space<vmem>>, vector<16xf32>,
    tpu.vector_store %arg5[%swap3A_1080], %get3A_1079 {strides = array<i32>} : memref<6400xf32, #tpu.memory_space<vmem>>, vector<16xf32>,
    %get3A_1082 = arith.constant 0 : index
    %get3A_1083 = tpu.vector_load %arg8[%get3A_1082] {strides = array<i32>} : memref<16xf32, #tpu.memory_space<vmem>>, vector<16xf32>,
    %swap3A_1084 = arith.constant 4320 : index
    %swap3A_1085 = tpu.vector_load %arg5[%swap3A_1084] {strides = array<i32>} : memref<6400xf32, #tpu.memory_space<vmem>>, vector<16xf32>,
    tpu.vector_store %arg5[%swap3A_1084], %get3A_1083 {strides = array<i32>} : memref<6400xf32, #tpu.memory_space<vmem>>, vector<16xf32>,
    %get3A_1086 = arith.constant 0 : index
    %get3A_1087 = tpu.vector_load %arg8[%get3A_1086] {strides = array<i32>} : memref<16xf32, #tpu.memory_space<vmem>>, vector<16xf32>,
    %swap3A_1088 = arith.constant 4336 : index
    %swap3A_1089 = tpu.vector_load %arg5[%swap3A_1088] {strides = array<i32>} : memref<6400xf32, #tpu.memory_space<vmem>>, vector<16xf32>,
    tpu.vector_store %arg5[%swap3A_1088], %get3A_1087 {strides = array<i32>} : memref<6400xf32, #tpu.memory_space<vmem>>, vector<16xf32>,
    %get3A_1090 = arith.constant 0 : index
    %get3A_1091 = tpu.vector_load %arg8[%get3A_1090] {strides = array<i32>} : memref<16xf32, #tpu.memory_space<vmem>>, vector<16xf32>,
    %swap3A_1092 = arith.constant 4352 : index
    %swap3A_1093 = tpu.vector_load %arg5[%swap3A_1092] {strides = array<i32>} : memref<6400xf32, #tpu.memory_space<vmem>>, vector<16xf32>,
    tpu.vector_store %arg5[%swap3A_1092], %get3A_1091 {strides = array<i32>} : memref<6400xf32, #tpu.memory_space<vmem>>, vector<16xf32>,
    %get3A_1094 = arith.constant 0 : index
    %get3A_1095 = tpu.vector_load %arg8[%get3A_1094] {strides = array<i32>} : memref<16xf32, #tpu.memory_space<vmem>>, vector<16xf32>,
    %swap3A_1096 = arith.constant 4368 : index
    %swap3A_1097 = tpu.vector_load %arg5[%swap3A_1096] {strides = array<i32>} : memref<6400xf32, #tpu.memory_space<vmem>>, vector<16xf32>,
    tpu.vector_store %arg5[%swap3A_1096], %get3A_1095 {strides = array<i32>} : memref<6400xf32, #tpu.memory_space<vmem>>, vector<16xf32>,
    %get3A_1098 = arith.constant 0 : index
    %get3A_1099 = tpu.vector_load %arg8[%get3A_1098] {strides = array<i32>} : memref<16xf32, #tpu.memory_space<vmem>>, vector<16xf32>,
    %swap3A_1100 = arith.constant 4384 : index
    %swap3A_1101 = tpu.vector_load %arg5[%swap3A_1100] {strides = array<i32>} : memref<6400xf32, #tpu.memory_space<vmem>>, vector<16xf32>,
    tpu.vector_store %arg5[%swap3A_1100], %get3A_1099 {strides = array<i32>} : memref<6400xf32, #tpu.memory_space<vmem>>, vector<16xf32>,
    %get3A_1102 = arith.constant 0 : index
    %get3A_1103 = tpu.vector_load %arg8[%get3A_1102] {strides = array<i32>} : memref<16xf32, #tpu.memory_space<vmem>>, vector<16xf32>,
    %swap3A_1104 = arith.constant 4400 : index
    %swap3A_1105 = tpu.vector_load %arg5[%swap3A_1104] {strides = array<i32>} : memref<6400xf32, #tpu.memory_space<vmem>>, vector<16xf32>,
    tpu.vector_store %arg5[%swap3A_1104], %get3A_1103 {strides = array<i32>} : memref<6400xf32, #tpu.memory_space<vmem>>, vector<16xf32>,
    %get3A_1106 = arith.constant 0 : index
    %get3A_1107 = tpu.vector_load %arg8[%get3A_1106] {strides = array<i32>} : memref<16xf32, #tpu.memory_space<vmem>>, vector<16xf32>,
    %swap3A_1108 = arith.constant 4416 : index
    %swap3A_1109 = tpu.vector_load %arg5[%swap3A_1108] {strides = array<i32>} : memref<6400xf32, #tpu.memory_space<vmem>>, vector<16xf32>,
    tpu.vector_store %arg5[%swap3A_1108], %get3A_1107 {strides = array<i32>} : memref<6400xf32, #tpu.memory_space<vmem>>, vector<16xf32>,
    %get3A_1110 = arith.constant 0 : index
    %get3A_1111 = tpu.vector_load %arg8[%get3A_1110] {strides = array<i32>} : memref<16xf32, #tpu.memory_space<vmem>>, vector<16xf32>,
    %swap3A_1112 = arith.constant 4432 : index
    %swap3A_1113 = tpu.vector_load %arg5[%swap3A_1112] {strides = array<i32>} : memref<6400xf32, #tpu.memory_space<vmem>>, vector<16xf32>,
    tpu.vector_store %arg5[%swap3A_1112], %get3A_1111 {strides = array<i32>} : memref<6400xf32, #tpu.memory_space<vmem>>, vector<16xf32>,
    %get3A_1114 = arith.constant 0 : index
    %get3A_1115 = tpu.vector_load %arg8[%get3A_1114] {strides = array<i32>} : memref<16xf32, #tpu.memory_space<vmem>>, vector<16xf32>,
    %swap3A_1116 = arith.constant 4448 : index
    %swap3A_1117 = tpu.vector_load %arg5[%swap3A_1116] {strides = array<i32>} : memref<6400xf32, #tpu.memory_space<vmem>>, vector<16xf32>,
    tpu.vector_store %arg5[%swap3A_1116], %get3A_1115 {strides = array<i32>} : memref<6400xf32, #tpu.memory_space<vmem>>, vector<16xf32>,
    %get3A_1118 = arith.constant 0 : index
    %get3A_1119 = tpu.vector_load %arg8[%get3A_1118] {strides = array<i32>} : memref<16xf32, #tpu.memory_space<vmem>>, vector<16xf32>,
    %swap3A_1120 = arith.constant 4464 : index
    %swap3A_1121 = tpu.vector_load %arg5[%swap3A_1120] {strides = array<i32>} : memref<6400xf32, #tpu.memory_space<vmem>>, vector<16xf32>,
    tpu.vector_store %arg5[%swap3A_1120], %get3A_1119 {strides = array<i32>} : memref<6400xf32, #tpu.memory_space<vmem>>, vector<16xf32>,
    %get3A_1122 = arith.constant 0 : index
    %get3A_1123 = tpu.vector_load %arg8[%get3A_1122] {strides = array<i32>} : memref<16xf32, #tpu.memory_space<vmem>>, vector<16xf32>,
    %swap3A_1124 = arith.constant 4480 : index
    %swap3A_1125 = tpu.vector_load %arg5[%swap3A_1124] {strides = array<i32>} : memref<6400xf32, #tpu.memory_space<vmem>>, vector<16xf32>,
    tpu.vector_store %arg5[%swap3A_1124], %get3A_1123 {strides = array<i32>} : memref<6400xf32, #tpu.memory_space<vmem>>, vector<16xf32>,
    %get3A_1126 = arith.constant 0 : index
    %get3A_1127 = tpu.vector_load %arg8[%get3A_1126] {strides = array<i32>} : memref<16xf32, #tpu.memory_space<vmem>>, vector<16xf32>,
    %swap3A_1128 = arith.constant 4496 : index
    %swap3A_1129 = tpu.vector_load %arg5[%swap3A_1128] {strides = array<i32>} : memref<6400xf32, #tpu.memory_space<vmem>>, vector<16xf32>,
    tpu.vector_store %arg5[%swap3A_1128], %get3A_1127 {strides = array<i32>} : memref<6400xf32, #tpu.memory_space<vmem>>, vector<16xf32>,
    %get3A_1130 = arith.constant 0 : index
    %get3A_1131 = tpu.vector_load %arg8[%get3A_1130] {strides = array<i32>} : memref<16xf32, #tpu.memory_space<vmem>>, vector<16xf32>,
    %swap3A_1132 = arith.constant 4512 : index
    %swap3A_1133 = tpu.vector_load %arg5[%swap3A_1132] {strides = array<i32>} : memref<6400xf32, #tpu.memory_space<vmem>>, vector<16xf32>,
    tpu.vector_store %arg5[%swap3A_1132], %get3A_1131 {strides = array<i32>} : memref<6400xf32, #tpu.memory_space<vmem>>, vector<16xf32>,
    %get3A_1134 = arith.constant 0 : index
    %get3A_1135 = tpu.vector_load %arg8[%get3A_1134] {strides = array<i32>} : memref<16xf32, #tpu.memory_space<vmem>>, vector<16xf32>,
    %swap3A_1136 = arith.constant 4528 : index
    %swap3A_1137 = tpu.vector_load %arg5[%swap3A_1136] {strides = array<i32>} : memref<6400xf32, #tpu.memory_space<vmem>>, vector<16xf32>,
    tpu.vector_store %arg5[%swap3A_1136], %get3A_1135 {strides = array<i32>} : memref<6400xf32, #tpu.memory_space<vmem>>, vector<16xf32>,
    %get3A_1138 = arith.constant 0 : index
    %get3A_1139 = tpu.vector_load %arg8[%get3A_1138] {strides = array<i32>} : memref<16xf32, #tpu.memory_space<vmem>>, vector<16xf32>,
    %swap3A_1140 = arith.constant 4544 : index
    %swap3A_1141 = tpu.vector_load %arg5[%swap3A_1140] {strides = array<i32>} : memref<6400xf32, #tpu.memory_space<vmem>>, vector<16xf32>,
    tpu.vector_store %arg5[%swap3A_1140], %get3A_1139 {strides = array<i32>} : memref<6400xf32, #tpu.memory_space<vmem>>, vector<16xf32>,
    %get3A_1142 = arith.constant 0 : index
    %get3A_1143 = tpu.vector_load %arg8[%get3A_1142] {strides = array<i32>} : memref<16xf32, #tpu.memory_space<vmem>>, vector<16xf32>,
    %swap3A_1144 = arith.constant 4560 : index
    %swap3A_1145 = tpu.vector_load %arg5[%swap3A_1144] {strides = array<i32>} : memref<6400xf32, #tpu.memory_space<vmem>>, vector<16xf32>,
    tpu.vector_store %arg5[%swap3A_1144], %get3A_1143 {strides = array<i32>} : memref<6400xf32, #tpu.memory_space<vmem>>, vector<16xf32>,
    %get3A_1146 = arith.constant 0 : index
    %get3A_1147 = tpu.vector_load %arg8[%get3A_1146] {strides = array<i32>} : memref<16xf32, #tpu.memory_space<vmem>>, vector<16xf32>,
    %swap3A_1148 = arith.constant 4576 : index
    %swap3A_1149 = tpu.vector_load %arg5[%swap3A_1148] {strides = array<i32>} : memref<6400xf32, #tpu.memory_space<vmem>>, vector<16xf32>,
    tpu.vector_store %arg5[%swap3A_1148], %get3A_1147 {strides = array<i32>} : memref<6400xf32, #tpu.memory_space<vmem>>, vector<16xf32>,
    %get3A_1150 = arith.constant 0 : index
    %get3A_1151 = tpu.vector_load %arg8[%get3A_1150] {strides = array<i32>} : memref<16xf32, #tpu.memory_space<vmem>>, vector<16xf32>,
    %swap3A_1152 = arith.constant 4592 : index
    %swap3A_1153 = tpu.vector_load %arg5[%swap3A_1152] {strides = array<i32>} : memref<6400xf32, #tpu.memory_space<vmem>>, vector<16xf32>,
    tpu.vector_store %arg5[%swap3A_1152], %get3A_1151 {strides = array<i32>} : memref<6400xf32, #tpu.memory_space<vmem>>, vector<16xf32>,
    %get3A_1154 = arith.constant 0 : index
    %get3A_1155 = tpu.vector_load %arg8[%get3A_1154] {strides = array<i32>} : memref<16xf32, #tpu.memory_space<vmem>>, vector<16xf32>,
    %swap3A_1156 = arith.constant 4608 : index
    %swap3A_1157 = tpu.vector_load %arg5[%swap3A_1156] {strides = array<i32>} : memref<6400xf32, #tpu.memory_space<vmem>>, vector<16xf32>,
    tpu.vector_store %arg5[%swap3A_1156], %get3A_1155 {strides = array<i32>} : memref<6400xf32, #tpu.memory_space<vmem>>, vector<16xf32>,
    %get3A_1158 = arith.constant 0 : index
    %get3A_1159 = tpu.vector_load %arg8[%get3A_1158] {strides = array<i32>} : memref<16xf32, #tpu.memory_space<vmem>>, vector<16xf32>,
    %swap3A_1160 = arith.constant 4624 : index
    %swap3A_1161 = tpu.vector_load %arg5[%swap3A_1160] {strides = array<i32>} : memref<6400xf32, #tpu.memory_space<vmem>>, vector<16xf32>,
    tpu.vector_store %arg5[%swap3A_1160], %get3A_1159 {strides = array<i32>} : memref<6400xf32, #tpu.memory_space<vmem>>, vector<16xf32>,
    %get3A_1162 = arith.constant 0 : index
    %get3A_1163 = tpu.vector_load %arg8[%get3A_1162] {strides = array<i32>} : memref<16xf32, #tpu.memory_space<vmem>>, vector<16xf32>,
    %swap3A_1164 = arith.constant 4640 : index
    %swap3A_1165 = tpu.vector_load %arg5[%swap3A_1164] {strides = array<i32>} : memref<6400xf32, #tpu.memory_space<vmem>>, vector<16xf32>,
    tpu.vector_store %arg5[%swap3A_1164], %get3A_1163 {strides = array<i32>} : memref<6400xf32, #tpu.memory_space<vmem>>, vector<16xf32>,
    %get3A_1166 = arith.constant 0 : index
    %get3A_1167 = tpu.vector_load %arg8[%get3A_1166] {strides = array<i32>} : memref<16xf32, #tpu.memory_space<vmem>>, vector<16xf32>,
    %swap3A_1168 = arith.constant 4656 : index
    %swap3A_1169 = tpu.vector_load %arg5[%swap3A_1168] {strides = array<i32>} : memref<6400xf32, #tpu.memory_space<vmem>>, vector<16xf32>,
    tpu.vector_store %arg5[%swap3A_1168], %get3A_1167 {strides = array<i32>} : memref<6400xf32, #tpu.memory_space<vmem>>, vector<16xf32>,
    %get3A_1170 = arith.constant 0 : index
    %get3A_1171 = tpu.vector_load %arg8[%get3A_1170] {strides = array<i32>} : memref<16xf32, #tpu.memory_space<vmem>>, vector<16xf32>,
    %swap3A_1172 = arith.constant 4672 : index
    %swap3A_1173 = tpu.vector_load %arg5[%swap3A_1172] {strides = array<i32>} : memref<6400xf32, #tpu.memory_space<vmem>>, vector<16xf32>,
    tpu.vector_store %arg5[%swap3A_1172], %get3A_1171 {strides = array<i32>} : memref<6400xf32, #tpu.memory_space<vmem>>, vector<16xf32>,
    %get3A_1174 = arith.constant 0 : index
    %get3A_1175 = tpu.vector_load %arg8[%get3A_1174] {strides = array<i32>} : memref<16xf32, #tpu.memory_space<vmem>>, vector<16xf32>,
    %swap3A_1176 = arith.constant 4688 : index
    %swap3A_1177 = tpu.vector_load %arg5[%swap3A_1176] {strides = array<i32>} : memref<6400xf32, #tpu.memory_space<vmem>>, vector<16xf32>,
    tpu.vector_store %arg5[%swap3A_1176], %get3A_1175 {strides = array<i32>} : memref<6400xf32, #tpu.memory_space<vmem>>, vector<16xf32>,
    %get3A_1178 = arith.constant 0 : index
    %get3A_1179 = tpu.vector_load %arg8[%get3A_1178] {strides = array<i32>} : memref<16xf32, #tpu.memory_space<vmem>>, vector<16xf32>,
    %swap3A_1180 = arith.constant 4704 : index
    %swap3A_1181 = tpu.vector_load %arg5[%swap3A_1180] {strides = array<i32>} : memref<6400xf32, #tpu.memory_space<vmem>>, vector<16xf32>,
    tpu.vector_store %arg5[%swap3A_1180], %get3A_1179 {strides = array<i32>} : memref<6400xf32, #tpu.memory_space<vmem>>, vector<16xf32>,
    %get3A_1182 = arith.constant 0 : index
    %get3A_1183 = tpu.vector_load %arg8[%get3A_1182] {strides = array<i32>} : memref<16xf32, #tpu.memory_space<vmem>>, vector<16xf32>,
    %swap3A_1184 = arith.constant 4720 : index
    %swap3A_1185 = tpu.vector_load %arg5[%swap3A_1184] {strides = array<i32>} : memref<6400xf32, #tpu.memory_space<vmem>>, vector<16xf32>,
    tpu.vector_store %arg5[%swap3A_1184], %get3A_1183 {strides = array<i32>} : memref<6400xf32, #tpu.memory_space<vmem>>, vector<16xf32>,
    %get3A_1186 = arith.constant 0 : index
    %get3A_1187 = tpu.vector_load %arg8[%get3A_1186] {strides = array<i32>} : memref<16xf32, #tpu.memory_space<vmem>>, vector<16xf32>,
    %swap3A_1188 = arith.constant 4736 : index
    %swap3A_1189 = tpu.vector_load %arg5[%swap3A_1188] {strides = array<i32>} : memref<6400xf32, #tpu.memory_space<vmem>>, vector<16xf32>,
    tpu.vector_store %arg5[%swap3A_1188], %get3A_1187 {strides = array<i32>} : memref<6400xf32, #tpu.memory_space<vmem>>, vector<16xf32>,
    %get3A_1190 = arith.constant 0 : index
    %get3A_1191 = tpu.vector_load %arg8[%get3A_1190] {strides = array<i32>} : memref<16xf32, #tpu.memory_space<vmem>>, vector<16xf32>,
    %swap3A_1192 = arith.constant 4752 : index
    %swap3A_1193 = tpu.vector_load %arg5[%swap3A_1192] {strides = array<i32>} : memref<6400xf32, #tpu.memory_space<vmem>>, vector<16xf32>,
    tpu.vector_store %arg5[%swap3A_1192], %get3A_1191 {strides = array<i32>} : memref<6400xf32, #tpu.memory_space<vmem>>, vector<16xf32>,
    %get3A_1194 = arith.constant 0 : index
    %get3A_1195 = tpu.vector_load %arg8[%get3A_1194] {strides = array<i32>} : memref<16xf32, #tpu.memory_space<vmem>>, vector<16xf32>,
    %swap3A_1196 = arith.constant 4768 : index
    %swap3A_1197 = tpu.vector_load %arg5[%swap3A_1196] {strides = array<i32>} : memref<6400xf32, #tpu.memory_space<vmem>>, vector<16xf32>,
    tpu.vector_store %arg5[%swap3A_1196], %get3A_1195 {strides = array<i32>} : memref<6400xf32, #tpu.memory_space<vmem>>, vector<16xf32>,
    %get3A_1198 = arith.constant 0 : index
    %get3A_1199 = tpu.vector_load %arg8[%get3A_1198] {strides = array<i32>} : memref<16xf32, #tpu.memory_space<vmem>>, vector<16xf32>,
    %swap3A_1200 = arith.constant 4784 : index
    %swap3A_1201 = tpu.vector_load %arg5[%swap3A_1200] {strides = array<i32>} : memref<6400xf32, #tpu.memory_space<vmem>>, vector<16xf32>,
    tpu.vector_store %arg5[%swap3A_1200], %get3A_1199 {strides = array<i32>} : memref<6400xf32, #tpu.memory_space<vmem>>, vector<16xf32>,
    %get3A_1202 = arith.constant 0 : index
    %get3A_1203 = tpu.vector_load %arg8[%get3A_1202] {strides = array<i32>} : memref<16xf32, #tpu.memory_space<vmem>>, vector<16xf32>,
    %swap3A_1204 = arith.constant 4800 : index
    %swap3A_1205 = tpu.vector_load %arg5[%swap3A_1204] {strides = array<i32>} : memref<6400xf32, #tpu.memory_space<vmem>>, vector<16xf32>,
    tpu.vector_store %arg5[%swap3A_1204], %get3A_1203 {strides = array<i32>} : memref<6400xf32, #tpu.memory_space<vmem>>, vector<16xf32>,
    %get3A_1206 = arith.constant 0 : index
    %get3A_1207 = tpu.vector_load %arg8[%get3A_1206] {strides = array<i32>} : memref<16xf32, #tpu.memory_space<vmem>>, vector<16xf32>,
    %swap3A_1208 = arith.constant 4816 : index
    %swap3A_1209 = tpu.vector_load %arg5[%swap3A_1208] {strides = array<i32>} : memref<6400xf32, #tpu.memory_space<vmem>>, vector<16xf32>,
    tpu.vector_store %arg5[%swap3A_1208], %get3A_1207 {strides = array<i32>} : memref<6400xf32, #tpu.memory_space<vmem>>, vector<16xf32>,
    %get3A_1210 = arith.constant 0 : index
    %get3A_1211 = tpu.vector_load %arg8[%get3A_1210] {strides = array<i32>} : memref<16xf32, #tpu.memory_space<vmem>>, vector<16xf32>,
    %swap3A_1212 = arith.constant 4832 : index
    %swap3A_1213 = tpu.vector_load %arg5[%swap3A_1212] {strides = array<i32>} : memref<6400xf32, #tpu.memory_space<vmem>>, vector<16xf32>,
    tpu.vector_store %arg5[%swap3A_1212], %get3A_1211 {strides = array<i32>} : memref<6400xf32, #tpu.memory_space<vmem>>, vector<16xf32>,
    %get3A_1214 = arith.constant 0 : index
    %get3A_1215 = tpu.vector_load %arg8[%get3A_1214] {strides = array<i32>} : memref<16xf32, #tpu.memory_space<vmem>>, vector<16xf32>,
    %swap3A_1216 = arith.constant 4848 : index
    %swap3A_1217 = tpu.vector_load %arg5[%swap3A_1216] {strides = array<i32>} : memref<6400xf32, #tpu.memory_space<vmem>>, vector<16xf32>,
    tpu.vector_store %arg5[%swap3A_1216], %get3A_1215 {strides = array<i32>} : memref<6400xf32, #tpu.memory_space<vmem>>, vector<16xf32>,
    %get3A_1218 = arith.constant 0 : index
    %get3A_1219 = tpu.vector_load %arg8[%get3A_1218] {strides = array<i32>} : memref<16xf32, #tpu.memory_space<vmem>>, vector<16xf32>,
    %swap3A_1220 = arith.constant 4864 : index
    %swap3A_1221 = tpu.vector_load %arg5[%swap3A_1220] {strides = array<i32>} : memref<6400xf32, #tpu.memory_space<vmem>>, vector<16xf32>,
    tpu.vector_store %arg5[%swap3A_1220], %get3A_1219 {strides = array<i32>} : memref<6400xf32, #tpu.memory_space<vmem>>, vector<16xf32>,
    %get3A_1222 = arith.constant 0 : index
    %get3A_1223 = tpu.vector_load %arg8[%get3A_1222] {strides = array<i32>} : memref<16xf32, #tpu.memory_space<vmem>>, vector<16xf32>,
    %swap3A_1224 = arith.constant 4880 : index
    %swap3A_1225 = tpu.vector_load %arg5[%swap3A_1224] {strides = array<i32>} : memref<6400xf32, #tpu.memory_space<vmem>>, vector<16xf32>,
    tpu.vector_store %arg5[%swap3A_1224], %get3A_1223 {strides = array<i32>} : memref<6400xf32, #tpu.memory_space<vmem>>, vector<16xf32>,
    %get3A_1226 = arith.constant 0 : index
    %get3A_1227 = tpu.vector_load %arg8[%get3A_1226] {strides = array<i32>} : memref<16xf32, #tpu.memory_space<vmem>>, vector<16xf32>,
    %swap3A_1228 = arith.constant 4896 : index
    %swap3A_1229 = tpu.vector_load %arg5[%swap3A_1228] {strides = array<i32>} : memref<6400xf32, #tpu.memory_space<vmem>>, vector<16xf32>,
    tpu.vector_store %arg5[%swap3A_1228], %get3A_1227 {strides = array<i32>} : memref<6400xf32, #tpu.memory_space<vmem>>, vector<16xf32>,
    %get3A_1230 = arith.constant 0 : index
    %get3A_1231 = tpu.vector_load %arg8[%get3A_1230] {strides = array<i32>} : memref<16xf32, #tpu.memory_space<vmem>>, vector<16xf32>,
    %swap3A_1232 = arith.constant 4912 : index
    %swap3A_1233 = tpu.vector_load %arg5[%swap3A_1232] {strides = array<i32>} : memref<6400xf32, #tpu.memory_space<vmem>>, vector<16xf32>,
    tpu.vector_store %arg5[%swap3A_1232], %get3A_1231 {strides = array<i32>} : memref<6400xf32, #tpu.memory_space<vmem>>, vector<16xf32>,
    %get3A_1234 = arith.constant 0 : index
    %get3A_1235 = tpu.vector_load %arg8[%get3A_1234] {strides = array<i32>} : memref<16xf32, #tpu.memory_space<vmem>>, vector<16xf32>,
    %swap3A_1236 = arith.constant 4928 : index
    %swap3A_1237 = tpu.vector_load %arg5[%swap3A_1236] {strides = array<i32>} : memref<6400xf32, #tpu.memory_space<vmem>>, vector<16xf32>,
    tpu.vector_store %arg5[%swap3A_1236], %get3A_1235 {strides = array<i32>} : memref<6400xf32, #tpu.memory_space<vmem>>, vector<16xf32>,
    %get3A_1238 = arith.constant 0 : index
    %get3A_1239 = tpu.vector_load %arg8[%get3A_1238] {strides = array<i32>} : memref<16xf32, #tpu.memory_space<vmem>>, vector<16xf32>,
    %swap3A_1240 = arith.constant 4944 : index
    %swap3A_1241 = tpu.vector_load %arg5[%swap3A_1240] {strides = array<i32>} : memref<6400xf32, #tpu.memory_space<vmem>>, vector<16xf32>,
    tpu.vector_store %arg5[%swap3A_1240], %get3A_1239 {strides = array<i32>} : memref<6400xf32, #tpu.memory_space<vmem>>, vector<16xf32>,
    %get3A_1242 = arith.constant 0 : index
    %get3A_1243 = tpu.vector_load %arg8[%get3A_1242] {strides = array<i32>} : memref<16xf32, #tpu.memory_space<vmem>>, vector<16xf32>,
    %swap3A_1244 = arith.constant 4960 : index
    %swap3A_1245 = tpu.vector_load %arg5[%swap3A_1244] {strides = array<i32>} : memref<6400xf32, #tpu.memory_space<vmem>>, vector<16xf32>,
    tpu.vector_store %arg5[%swap3A_1244], %get3A_1243 {strides = array<i32>} : memref<6400xf32, #tpu.memory_space<vmem>>, vector<16xf32>,
    %get3A_1246 = arith.constant 0 : index
    %get3A_1247 = tpu.vector_load %arg8[%get3A_1246] {strides = array<i32>} : memref<16xf32, #tpu.memory_space<vmem>>, vector<16xf32>,
    %swap3A_1248 = arith.constant 4976 : index
    %swap3A_1249 = tpu.vector_load %arg5[%swap3A_1248] {strides = array<i32>} : memref<6400xf32, #tpu.memory_space<vmem>>, vector<16xf32>,
    tpu.vector_store %arg5[%swap3A_1248], %get3A_1247 {strides = array<i32>} : memref<6400xf32, #tpu.memory_space<vmem>>, vector<16xf32>,
    %get3A_1250 = arith.constant 0 : index
    %get3A_1251 = tpu.vector_load %arg8[%get3A_1250] {strides = array<i32>} : memref<16xf32, #tpu.memory_space<vmem>>, vector<16xf32>,
    %swap3A_1252 = arith.constant 4992 : index
    %swap3A_1253 = tpu.vector_load %arg5[%swap3A_1252] {strides = array<i32>} : memref<6400xf32, #tpu.memory_space<vmem>>, vector<16xf32>,
    tpu.vector_store %arg5[%swap3A_1252], %get3A_1251 {strides = array<i32>} : memref<6400xf32, #tpu.memory_space<vmem>>, vector<16xf32>,
    %get3A_1254 = arith.constant 0 : index
    %get3A_1255 = tpu.vector_load %arg8[%get3A_1254] {strides = array<i32>} : memref<16xf32, #tpu.memory_space<vmem>>, vector<16xf32>,
    %swap3A_1256 = arith.constant 5008 : index
    %swap3A_1257 = tpu.vector_load %arg5[%swap3A_1256] {strides = array<i32>} : memref<6400xf32, #tpu.memory_space<vmem>>, vector<16xf32>,
    tpu.vector_store %arg5[%swap3A_1256], %get3A_1255 {strides = array<i32>} : memref<6400xf32, #tpu.memory_space<vmem>>, vector<16xf32>,
    %get3A_1258 = arith.constant 0 : index
    %get3A_1259 = tpu.vector_load %arg8[%get3A_1258] {strides = array<i32>} : memref<16xf32, #tpu.memory_space<vmem>>, vector<16xf32>,
    %swap3A_1260 = arith.constant 5024 : index
    %swap3A_1261 = tpu.vector_load %arg5[%swap3A_1260] {strides = array<i32>} : memref<6400xf32, #tpu.memory_space<vmem>>, vector<16xf32>,
    tpu.vector_store %arg5[%swap3A_1260], %get3A_1259 {strides = array<i32>} : memref<6400xf32, #tpu.memory_space<vmem>>, vector<16xf32>,
    %get3A_1262 = arith.constant 0 : index
    %get3A_1263 = tpu.vector_load %arg8[%get3A_1262] {strides = array<i32>} : memref<16xf32, #tpu.memory_space<vmem>>, vector<16xf32>,
    %swap3A_1264 = arith.constant 5040 : index
    %swap3A_1265 = tpu.vector_load %arg5[%swap3A_1264] {strides = array<i32>} : memref<6400xf32, #tpu.memory_space<vmem>>, vector<16xf32>,
    tpu.vector_store %arg5[%swap3A_1264], %get3A_1263 {strides = array<i32>} : memref<6400xf32, #tpu.memory_space<vmem>>, vector<16xf32>,
    %get3A_1266 = arith.constant 0 : index
    %get3A_1267 = tpu.vector_load %arg8[%get3A_1266] {strides = array<i32>} : memref<16xf32, #tpu.memory_space<vmem>>, vector<16xf32>,
    %swap3A_1268 = arith.constant 5056 : index
    %swap3A_1269 = tpu.vector_load %arg5[%swap3A_1268] {strides = array<i32>} : memref<6400xf32, #tpu.memory_space<vmem>>, vector<16xf32>,
    tpu.vector_store %arg5[%swap3A_1268], %get3A_1267 {strides = array<i32>} : memref<6400xf32, #tpu.memory_space<vmem>>, vector<16xf32>,
    %get3A_1270 = arith.constant 0 : index
    %get3A_1271 = tpu.vector_load %arg8[%get3A_1270] {strides = array<i32>} : memref<16xf32, #tpu.memory_space<vmem>>, vector<16xf32>,
    %swap3A_1272 = arith.constant 5072 : index
    %swap3A_1273 = tpu.vector_load %arg5[%swap3A_1272] {strides = array<i32>} : memref<6400xf32, #tpu.memory_space<vmem>>, vector<16xf32>,
    tpu.vector_store %arg5[%swap3A_1272], %get3A_1271 {strides = array<i32>} : memref<6400xf32, #tpu.memory_space<vmem>>, vector<16xf32>,
    %get3A_1274 = arith.constant 0 : index
    %get3A_1275 = tpu.vector_load %arg8[%get3A_1274] {strides = array<i32>} : memref<16xf32, #tpu.memory_space<vmem>>, vector<16xf32>,
    %swap3A_1276 = arith.constant 5088 : index
    %swap3A_1277 = tpu.vector_load %arg5[%swap3A_1276] {strides = array<i32>} : memref<6400xf32, #tpu.memory_space<vmem>>, vector<16xf32>,
    tpu.vector_store %arg5[%swap3A_1276], %get3A_1275 {strides = array<i32>} : memref<6400xf32, #tpu.memory_space<vmem>>, vector<16xf32>,
    %get3A_1278 = arith.constant 0 : index
    %get3A_1279 = tpu.vector_load %arg8[%get3A_1278] {strides = array<i32>} : memref<16xf32, #tpu.memory_space<vmem>>, vector<16xf32>,
    %swap3A_1280 = arith.constant 5104 : index
    %swap3A_1281 = tpu.vector_load %arg5[%swap3A_1280] {strides = array<i32>} : memref<6400xf32, #tpu.memory_space<vmem>>, vector<16xf32>,
    tpu.vector_store %arg5[%swap3A_1280], %get3A_1279 {strides = array<i32>} : memref<6400xf32, #tpu.memory_space<vmem>>, vector<16xf32>,
    %get3A_1282 = arith.constant 0 : index
    %get3A_1283 = tpu.vector_load %arg8[%get3A_1282] {strides = array<i32>} : memref<16xf32, #tpu.memory_space<vmem>>, vector<16xf32>,
    %swap3A_1284 = arith.constant 5120 : index
    %swap3A_1285 = tpu.vector_load %arg5[%swap3A_1284] {strides = array<i32>} : memref<6400xf32, #tpu.memory_space<vmem>>, vector<16xf32>,
    tpu.vector_store %arg5[%swap3A_1284], %get3A_1283 {strides = array<i32>} : memref<6400xf32, #tpu.memory_space<vmem>>, vector<16xf32>,
    %get3A_1286 = arith.constant 0 : index
    %get3A_1287 = tpu.vector_load %arg8[%get3A_1286] {strides = array<i32>} : memref<16xf32, #tpu.memory_space<vmem>>, vector<16xf32>,
    %swap3A_1288 = arith.constant 5136 : index
    %swap3A_1289 = tpu.vector_load %arg5[%swap3A_1288] {strides = array<i32>} : memref<6400xf32, #tpu.memory_space<vmem>>, vector<16xf32>,
    tpu.vector_store %arg5[%swap3A_1288], %get3A_1287 {strides = array<i32>} : memref<6400xf32, #tpu.memory_space<vmem>>, vector<16xf32>,
    %get3A_1290 = arith.constant 0 : index
    %get3A_1291 = tpu.vector_load %arg8[%get3A_1290] {strides = array<i32>} : memref<16xf32, #tpu.memory_space<vmem>>, vector<16xf32>,
    %swap3A_1292 = arith.constant 5152 : index
    %swap3A_1293 = tpu.vector_load %arg5[%swap3A_1292] {strides = array<i32>} : memref<6400xf32, #tpu.memory_space<vmem>>, vector<16xf32>,
    tpu.vector_store %arg5[%swap3A_1292], %get3A_1291 {strides = array<i32>} : memref<6400xf32, #tpu.memory_space<vmem>>, vector<16xf32>,
    %get3A_1294 = arith.constant 0 : index
    %get3A_1295 = tpu.vector_load %arg8[%get3A_1294] {strides = array<i32>} : memref<16xf32, #tpu.memory_space<vmem>>, vector<16xf32>,
    %swap3A_1296 = arith.constant 5168 : index
    %swap3A_1297 = tpu.vector_load %arg5[%swap3A_1296] {strides = array<i32>} : memref<6400xf32, #tpu.memory_space<vmem>>, vector<16xf32>,
    tpu.vector_store %arg5[%swap3A_1296], %get3A_1295 {strides = array<i32>} : memref<6400xf32, #tpu.memory_space<vmem>>, vector<16xf32>,
    %get3A_1298 = arith.constant 0 : index
    %get3A_1299 = tpu.vector_load %arg8[%get3A_1298] {strides = array<i32>} : memref<16xf32, #tpu.memory_space<vmem>>, vector<16xf32>,
    %swap3A_1300 = arith.constant 5184 : index
    %swap3A_1301 = tpu.vector_load %arg5[%swap3A_1300] {strides = array<i32>} : memref<6400xf32, #tpu.memory_space<vmem>>, vector<16xf32>,
    tpu.vector_store %arg5[%swap3A_1300], %get3A_1299 {strides = array<i32>} : memref<6400xf32, #tpu.memory_space<vmem>>, vector<16xf32>,
    %get3A_1302 = arith.constant 0 : index
    %get3A_1303 = tpu.vector_load %arg8[%get3A_1302] {strides = array<i32>} : memref<16xf32, #tpu.memory_space<vmem>>, vector<16xf32>,
    %swap3A_1304 = arith.constant 5200 : index
    %swap3A_1305 = tpu.vector_load %arg5[%swap3A_1304] {strides = array<i32>} : memref<6400xf32, #tpu.memory_space<vmem>>, vector<16xf32>,
    tpu.vector_store %arg5[%swap3A_1304], %get3A_1303 {strides = array<i32>} : memref<6400xf32, #tpu.memory_space<vmem>>, vector<16xf32>,
    %get3A_1306 = arith.constant 0 : index
    %get3A_1307 = tpu.vector_load %arg8[%get3A_1306] {strides = array<i32>} : memref<16xf32, #tpu.memory_space<vmem>>, vector<16xf32>,
    %swap3A_1308 = arith.constant 5216 : index
    %swap3A_1309 = tpu.vector_load %arg5[%swap3A_1308] {strides = array<i32>} : memref<6400xf32, #tpu.memory_space<vmem>>, vector<16xf32>,
    tpu.vector_store %arg5[%swap3A_1308], %get3A_1307 {strides = array<i32>} : memref<6400xf32, #tpu.memory_space<vmem>>, vector<16xf32>,
    %get3A_1310 = arith.constant 0 : index
    %get3A_1311 = tpu.vector_load %arg8[%get3A_1310] {strides = array<i32>} : memref<16xf32, #tpu.memory_space<vmem>>, vector<16xf32>,
    %swap3A_1312 = arith.constant 5232 : index
    %swap3A_1313 = tpu.vector_load %arg5[%swap3A_1312] {strides = array<i32>} : memref<6400xf32, #tpu.memory_space<vmem>>, vector<16xf32>,
    tpu.vector_store %arg5[%swap3A_1312], %get3A_1311 {strides = array<i32>} : memref<6400xf32, #tpu.memory_space<vmem>>, vector<16xf32>,
    %get3A_1314 = arith.constant 0 : index
    %get3A_1315 = tpu.vector_load %arg8[%get3A_1314] {strides = array<i32>} : memref<16xf32, #tpu.memory_space<vmem>>, vector<16xf32>,
    %swap3A_1316 = arith.constant 5248 : index
    %swap3A_1317 = tpu.vector_load %arg5[%swap3A_1316] {strides = array<i32>} : memref<6400xf32, #tpu.memory_space<vmem>>, vector<16xf32>,
    tpu.vector_store %arg5[%swap3A_1316], %get3A_1315 {strides = array<i32>} : memref<6400xf32, #tpu.memory_space<vmem>>, vector<16xf32>,
    %get3A_1318 = arith.constant 0 : index
    %get3A_1319 = tpu.vector_load %arg8[%get3A_1318] {strides = array<i32>} : memref<16xf32, #tpu.memory_space<vmem>>, vector<16xf32>,
    %swap3A_1320 = arith.constant 5264 : index
    %swap3A_1321 = tpu.vector_load %arg5[%swap3A_1320] {strides = array<i32>} : memref<6400xf32, #tpu.memory_space<vmem>>, vector<16xf32>,
    tpu.vector_store %arg5[%swap3A_1320], %get3A_1319 {strides = array<i32>} : memref<6400xf32, #tpu.memory_space<vmem>>, vector<16xf32>,
    %get3A_1322 = arith.constant 0 : index
    %get3A_1323 = tpu.vector_load %arg8[%get3A_1322] {strides = array<i32>} : memref<16xf32, #tpu.memory_space<vmem>>, vector<16xf32>,
    %swap3A_1324 = arith.constant 5280 : index
    %swap3A_1325 = tpu.vector_load %arg5[%swap3A_1324] {strides = array<i32>} : memref<6400xf32, #tpu.memory_space<vmem>>, vector<16xf32>,
    tpu.vector_store %arg5[%swap3A_1324], %get3A_1323 {strides = array<i32>} : memref<6400xf32, #tpu.memory_space<vmem>>, vector<16xf32>,
    %get3A_1326 = arith.constant 0 : index
    %get3A_1327 = tpu.vector_load %arg8[%get3A_1326] {strides = array<i32>} : memref<16xf32, #tpu.memory_space<vmem>>, vector<16xf32>,
    %swap3A_1328 = arith.constant 5296 : index
    %swap3A_1329 = tpu.vector_load %arg5[%swap3A_1328] {strides = array<i32>} : memref<6400xf32, #tpu.memory_space<vmem>>, vector<16xf32>,
    tpu.vector_store %arg5[%swap3A_1328], %get3A_1327 {strides = array<i32>} : memref<6400xf32, #tpu.memory_space<vmem>>, vector<16xf32>,
    %get3A_1330 = arith.constant 0 : index
    %get3A_1331 = tpu.vector_load %arg8[%get3A_1330] {strides = array<i32>} : memref<16xf32, #tpu.memory_space<vmem>>, vector<16xf32>,
    %swap3A_1332 = arith.constant 5312 : index
    %swap3A_1333 = tpu.vector_load %arg5[%swap3A_1332] {strides = array<i32>} : memref<6400xf32, #tpu.memory_space<vmem>>, vector<16xf32>,
    tpu.vector_store %arg5[%swap3A_1332], %get3A_1331 {strides = array<i32>} : memref<6400xf32, #tpu.memory_space<vmem>>, vector<16xf32>,
    %get3A_1334 = arith.constant 0 : index
    %get3A_1335 = tpu.vector_load %arg8[%get3A_1334] {strides = array<i32>} : memref<16xf32, #tpu.memory_space<vmem>>, vector<16xf32>,
    %swap3A_1336 = arith.constant 5328 : index
    %swap3A_1337 = tpu.vector_load %arg5[%swap3A_1336] {strides = array<i32>} : memref<6400xf32, #tpu.memory_space<vmem>>, vector<16xf32>,
    tpu.vector_store %arg5[%swap3A_1336], %get3A_1335 {strides = array<i32>} : memref<6400xf32, #tpu.memory_space<vmem>>, vector<16xf32>,
    %get3A_1338 = arith.constant 0 : index
    %get3A_1339 = tpu.vector_load %arg8[%get3A_1338] {strides = array<i32>} : memref<16xf32, #tpu.memory_space<vmem>>, vector<16xf32>,
    %swap3A_1340 = arith.constant 5344 : index
    %swap3A_1341 = tpu.vector_load %arg5[%swap3A_1340] {strides = array<i32>} : memref<6400xf32, #tpu.memory_space<vmem>>, vector<16xf32>,
    tpu.vector_store %arg5[%swap3A_1340], %get3A_1339 {strides = array<i32>} : memref<6400xf32, #tpu.memory_space<vmem>>, vector<16xf32>,
    %get3A_1342 = arith.constant 0 : index
    %get3A_1343 = tpu.vector_load %arg8[%get3A_1342] {strides = array<i32>} : memref<16xf32, #tpu.memory_space<vmem>>, vector<16xf32>,
    %swap3A_1344 = arith.constant 5360 : index
    %swap3A_1345 = tpu.vector_load %arg5[%swap3A_1344] {strides = array<i32>} : memref<6400xf32, #tpu.memory_space<vmem>>, vector<16xf32>,
    tpu.vector_store %arg5[%swap3A_1344], %get3A_1343 {strides = array<i32>} : memref<6400xf32, #tpu.memory_space<vmem>>, vector<16xf32>,
    %get3A_1346 = arith.constant 0 : index
    %get3A_1347 = tpu.vector_load %arg8[%get3A_1346] {strides = array<i32>} : memref<16xf32, #tpu.memory_space<vmem>>, vector<16xf32>,
    %swap3A_1348 = arith.constant 5376 : index
    %swap3A_1349 = tpu.vector_load %arg5[%swap3A_1348] {strides = array<i32>} : memref<6400xf32, #tpu.memory_space<vmem>>, vector<16xf32>,
    tpu.vector_store %arg5[%swap3A_1348], %get3A_1347 {strides = array<i32>} : memref<6400xf32, #tpu.memory_space<vmem>>, vector<16xf32>,
    %get3A_1350 = arith.constant 0 : index
    %get3A_1351 = tpu.vector_load %arg8[%get3A_1350] {strides = array<i32>} : memref<16xf32, #tpu.memory_space<vmem>>, vector<16xf32>,
    %swap3A_1352 = arith.constant 5392 : index
    %swap3A_1353 = tpu.vector_load %arg5[%swap3A_1352] {strides = array<i32>} : memref<6400xf32, #tpu.memory_space<vmem>>, vector<16xf32>,
    tpu.vector_store %arg5[%swap3A_1352], %get3A_1351 {strides = array<i32>} : memref<6400xf32, #tpu.memory_space<vmem>>, vector<16xf32>,
    %get3A_1354 = arith.constant 0 : index
    %get3A_1355 = tpu.vector_load %arg8[%get3A_1354] {strides = array<i32>} : memref<16xf32, #tpu.memory_space<vmem>>, vector<16xf32>,
    %swap3A_1356 = arith.constant 5408 : index
    %swap3A_1357 = tpu.vector_load %arg5[%swap3A_1356] {strides = array<i32>} : memref<6400xf32, #tpu.memory_space<vmem>>, vector<16xf32>,
    tpu.vector_store %arg5[%swap3A_1356], %get3A_1355 {strides = array<i32>} : memref<6400xf32, #tpu.memory_space<vmem>>, vector<16xf32>,
    %get3A_1358 = arith.constant 0 : index
    %get3A_1359 = tpu.vector_load %arg8[%get3A_1358] {strides = array<i32>} : memref<16xf32, #tpu.memory_space<vmem>>, vector<16xf32>,
    %swap3A_1360 = arith.constant 5424 : index
    %swap3A_1361 = tpu.vector_load %arg5[%swap3A_1360] {strides = array<i32>} : memref<6400xf32, #tpu.memory_space<vmem>>, vector<16xf32>,
    tpu.vector_store %arg5[%swap3A_1360], %get3A_1359 {strides = array<i32>} : memref<6400xf32, #tpu.memory_space<vmem>>, vector<16xf32>,
    %get3A_1362 = arith.constant 0 : index
    %get3A_1363 = tpu.vector_load %arg8[%get3A_1362] {strides = array<i32>} : memref<16xf32, #tpu.memory_space<vmem>>, vector<16xf32>,
    %swap3A_1364 = arith.constant 5440 : index
    %swap3A_1365 = tpu.vector_load %arg5[%swap3A_1364] {strides = array<i32>} : memref<6400xf32, #tpu.memory_space<vmem>>, vector<16xf32>,
    tpu.vector_store %arg5[%swap3A_1364], %get3A_1363 {strides = array<i32>} : memref<6400xf32, #tpu.memory_space<vmem>>, vector<16xf32>,
    %get3A_1366 = arith.constant 0 : index
    %get3A_1367 = tpu.vector_load %arg8[%get3A_1366] {strides = array<i32>} : memref<16xf32, #tpu.memory_space<vmem>>, vector<16xf32>,
    %swap3A_1368 = arith.constant 5456 : index
    %swap3A_1369 = tpu.vector_load %arg5[%swap3A_1368] {strides = array<i32>} : memref<6400xf32, #tpu.memory_space<vmem>>, vector<16xf32>,
    tpu.vector_store %arg5[%swap3A_1368], %get3A_1367 {strides = array<i32>} : memref<6400xf32, #tpu.memory_space<vmem>>, vector<16xf32>,
    %get3A_1370 = arith.constant 0 : index
    %get3A_1371 = tpu.vector_load %arg8[%get3A_1370] {strides = array<i32>} : memref<16xf32, #tpu.memory_space<vmem>>, vector<16xf32>,
    %swap3A_1372 = arith.constant 5472 : index
    %swap3A_1373 = tpu.vector_load %arg5[%swap3A_1372] {strides = array<i32>} : memref<6400xf32, #tpu.memory_space<vmem>>, vector<16xf32>,
    tpu.vector_store %arg5[%swap3A_1372], %get3A_1371 {strides = array<i32>} : memref<6400xf32, #tpu.memory_space<vmem>>, vector<16xf32>,
    %get3A_1374 = arith.constant 0 : index
    %get3A_1375 = tpu.vector_load %arg8[%get3A_1374] {strides = array<i32>} : memref<16xf32, #tpu.memory_space<vmem>>, vector<16xf32>,
    %swap3A_1376 = arith.constant 5488 : index
    %swap3A_1377 = tpu.vector_load %arg5[%swap3A_1376] {strides = array<i32>} : memref<6400xf32, #tpu.memory_space<vmem>>, vector<16xf32>,
    tpu.vector_store %arg5[%swap3A_1376], %get3A_1375 {strides = array<i32>} : memref<6400xf32, #tpu.memory_space<vmem>>, vector<16xf32>,
    %get3A_1378 = arith.constant 0 : index
    %get3A_1379 = tpu.vector_load %arg8[%get3A_1378] {strides = array<i32>} : memref<16xf32, #tpu.memory_space<vmem>>, vector<16xf32>,
    %swap3A_1380 = arith.constant 5504 : index
    %swap3A_1381 = tpu.vector_load %arg5[%swap3A_1380] {strides = array<i32>} : memref<6400xf32, #tpu.memory_space<vmem>>, vector<16xf32>,
    tpu.vector_store %arg5[%swap3A_1380], %get3A_1379 {strides = array<i32>} : memref<6400xf32, #tpu.memory_space<vmem>>, vector<16xf32>,
    %get3A_1382 = arith.constant 0 : index
    %get3A_1383 = tpu.vector_load %arg8[%get3A_1382] {strides = array<i32>} : memref<16xf32, #tpu.memory_space<vmem>>, vector<16xf32>,
    %swap3A_1384 = arith.constant 5520 : index
    %swap3A_1385 = tpu.vector_load %arg5[%swap3A_1384] {strides = array<i32>} : memref<6400xf32, #tpu.memory_space<vmem>>, vector<16xf32>,
    tpu.vector_store %arg5[%swap3A_1384], %get3A_1383 {strides = array<i32>} : memref<6400xf32, #tpu.memory_space<vmem>>, vector<16xf32>,
    %get3A_1386 = arith.constant 0 : index
    %get3A_1387 = tpu.vector_load %arg8[%get3A_1386] {strides = array<i32>} : memref<16xf32, #tpu.memory_space<vmem>>, vector<16xf32>,
    %swap3A_1388 = arith.constant 5536 : index
    %swap3A_1389 = tpu.vector_load %arg5[%swap3A_1388] {strides = array<i32>} : memref<6400xf32, #tpu.memory_space<vmem>>, vector<16xf32>,
    tpu.vector_store %arg5[%swap3A_1388], %get3A_1387 {strides = array<i32>} : memref<6400xf32, #tpu.memory_space<vmem>>, vector<16xf32>,
    %get3A_1390 = arith.constant 0 : index
    %get3A_1391 = tpu.vector_load %arg8[%get3A_1390] {strides = array<i32>} : memref<16xf32, #tpu.memory_space<vmem>>, vector<16xf32>,
    %swap3A_1392 = arith.constant 5552 : index
    %swap3A_1393 = tpu.vector_load %arg5[%swap3A_1392] {strides = array<i32>} : memref<6400xf32, #tpu.memory_space<vmem>>, vector<16xf32>,
    tpu.vector_store %arg5[%swap3A_1392], %get3A_1391 {strides = array<i32>} : memref<6400xf32, #tpu.memory_space<vmem>>, vector<16xf32>,
    %get3A_1394 = arith.constant 0 : index
    %get3A_1395 = tpu.vector_load %arg8[%get3A_1394] {strides = array<i32>} : memref<16xf32, #tpu.memory_space<vmem>>, vector<16xf32>,
    %swap3A_1396 = arith.constant 5568 : index
    %swap3A_1397 = tpu.vector_load %arg5[%swap3A_1396] {strides = array<i32>} : memref<6400xf32, #tpu.memory_space<vmem>>, vector<16xf32>,
    tpu.vector_store %arg5[%swap3A_1396], %get3A_1395 {strides = array<i32>} : memref<6400xf32, #tpu.memory_space<vmem>>, vector<16xf32>,
    %get3A_1398 = arith.constant 0 : index
    %get3A_1399 = tpu.vector_load %arg8[%get3A_1398] {strides = array<i32>} : memref<16xf32, #tpu.memory_space<vmem>>, vector<16xf32>,
    %swap3A_1400 = arith.constant 5584 : index
    %swap3A_1401 = tpu.vector_load %arg5[%swap3A_1400] {strides = array<i32>} : memref<6400xf32, #tpu.memory_space<vmem>>, vector<16xf32>,
    tpu.vector_store %arg5[%swap3A_1400], %get3A_1399 {strides = array<i32>} : memref<6400xf32, #tpu.memory_space<vmem>>, vector<16xf32>,
    %get3A_1402 = arith.constant 0 : index
    %get3A_1403 = tpu.vector_load %arg8[%get3A_1402] {strides = array<i32>} : memref<16xf32, #tpu.memory_space<vmem>>, vector<16xf32>,
    %swap3A_1404 = arith.constant 5600 : index
    %swap3A_1405 = tpu.vector_load %arg5[%swap3A_1404] {strides = array<i32>} : memref<6400xf32, #tpu.memory_space<vmem>>, vector<16xf32>,
    tpu.vector_store %arg5[%swap3A_1404], %get3A_1403 {strides = array<i32>} : memref<6400xf32, #tpu.memory_space<vmem>>, vector<16xf32>,
    %get3A_1406 = arith.constant 0 : index
    %get3A_1407 = tpu.vector_load %arg8[%get3A_1406] {strides = array<i32>} : memref<16xf32, #tpu.memory_space<vmem>>, vector<16xf32>,
    %swap3A_1408 = arith.constant 5616 : index
    %swap3A_1409 = tpu.vector_load %arg5[%swap3A_1408] {strides = array<i32>} : memref<6400xf32, #tpu.memory_space<vmem>>, vector<16xf32>,
    tpu.vector_store %arg5[%swap3A_1408], %get3A_1407 {strides = array<i32>} : memref<6400xf32, #tpu.memory_space<vmem>>, vector<16xf32>,
    %get3A_1410 = arith.constant 0 : index
    %get3A_1411 = tpu.vector_load %arg8[%get3A_1410] {strides = array<i32>} : memref<16xf32, #tpu.memory_space<vmem>>, vector<16xf32>,
    %swap3A_1412 = arith.constant 5632 : index
    %swap3A_1413 = tpu.vector_load %arg5[%swap3A_1412] {strides = array<i32>} : memref<6400xf32, #tpu.memory_space<vmem>>, vector<16xf32>,
    tpu.vector_store %arg5[%swap3A_1412], %get3A_1411 {strides = array<i32>} : memref<6400xf32, #tpu.memory_space<vmem>>, vector<16xf32>,
    %get3A_1414 = arith.constant 0 : index
    %get3A_1415 = tpu.vector_load %arg8[%get3A_1414] {strides = array<i32>} : memref<16xf32, #tpu.memory_space<vmem>>, vector<16xf32>,
    %swap3A_1416 = arith.constant 5648 : index
    %swap3A_1417 = tpu.vector_load %arg5[%swap3A_1416] {strides = array<i32>} : memref<6400xf32, #tpu.memory_space<vmem>>, vector<16xf32>,
    tpu.vector_store %arg5[%swap3A_1416], %get3A_1415 {strides = array<i32>} : memref<6400xf32, #tpu.memory_space<vmem>>, vector<16xf32>,
    %get3A_1418 = arith.constant 0 : index
    %get3A_1419 = tpu.vector_load %arg8[%get3A_1418] {strides = array<i32>} : memref<16xf32, #tpu.memory_space<vmem>>, vector<16xf32>,
    %swap3A_1420 = arith.constant 5664 : index
    %swap3A_1421 = tpu.vector_load %arg5[%swap3A_1420] {strides = array<i32>} : memref<6400xf32, #tpu.memory_space<vmem>>, vector<16xf32>,
    tpu.vector_store %arg5[%swap3A_1420], %get3A_1419 {strides = array<i32>} : memref<6400xf32, #tpu.memory_space<vmem>>, vector<16xf32>,
    %get3A_1422 = arith.constant 0 : index
    %get3A_1423 = tpu.vector_load %arg8[%get3A_1422] {strides = array<i32>} : memref<16xf32, #tpu.memory_space<vmem>>, vector<16xf32>,
    %swap3A_1424 = arith.constant 5680 : index
    %swap3A_1425 = tpu.vector_load %arg5[%swap3A_1424] {strides = array<i32>} : memref<6400xf32, #tpu.memory_space<vmem>>, vector<16xf32>,
    tpu.vector_store %arg5[%swap3A_1424], %get3A_1423 {strides = array<i32>} : memref<6400xf32, #tpu.memory_space<vmem>>, vector<16xf32>,
    %get3A_1426 = arith.constant 0 : index
    %get3A_1427 = tpu.vector_load %arg8[%get3A_1426] {strides = array<i32>} : memref<16xf32, #tpu.memory_space<vmem>>, vector<16xf32>,
    %swap3A_1428 = arith.constant 5696 : index
    %swap3A_1429 = tpu.vector_load %arg5[%swap3A_1428] {strides = array<i32>} : memref<6400xf32, #tpu.memory_space<vmem>>, vector<16xf32>,
    tpu.vector_store %arg5[%swap3A_1428], %get3A_1427 {strides = array<i32>} : memref<6400xf32, #tpu.memory_space<vmem>>, vector<16xf32>,
    %get3A_1430 = arith.constant 0 : index
    %get3A_1431 = tpu.vector_load %arg8[%get3A_1430] {strides = array<i32>} : memref<16xf32, #tpu.memory_space<vmem>>, vector<16xf32>,
    %swap3A_1432 = arith.constant 5712 : index
    %swap3A_1433 = tpu.vector_load %arg5[%swap3A_1432] {strides = array<i32>} : memref<6400xf32, #tpu.memory_space<vmem>>, vector<16xf32>,
    tpu.vector_store %arg5[%swap3A_1432], %get3A_1431 {strides = array<i32>} : memref<6400xf32, #tpu.memory_space<vmem>>, vector<16xf32>,
    %get3A_1434 = arith.constant 0 : index
    %get3A_1435 = tpu.vector_load %arg8[%get3A_1434] {strides = array<i32>} : memref<16xf32, #tpu.memory_space<vmem>>, vector<16xf32>,
    %swap3A_1436 = arith.constant 5728 : index
    %swap3A_1437 = tpu.vector_load %arg5[%swap3A_1436] {strides = array<i32>} : memref<6400xf32, #tpu.memory_space<vmem>>, vector<16xf32>,
    tpu.vector_store %arg5[%swap3A_1436], %get3A_1435 {strides = array<i32>} : memref<6400xf32, #tpu.memory_space<vmem>>, vector<16xf32>,
    %get3A_1438 = arith.constant 0 : index
    %get3A_1439 = tpu.vector_load %arg8[%get3A_1438] {strides = array<i32>} : memref<16xf32, #tpu.memory_space<vmem>>, vector<16xf32>,
    %swap3A_1440 = arith.constant 5744 : index
    %swap3A_1441 = tpu.vector_load %arg5[%swap3A_1440] {strides = array<i32>} : memref<6400xf32, #tpu.memory_space<vmem>>, vector<16xf32>,
    tpu.vector_store %arg5[%swap3A_1440], %get3A_1439 {strides = array<i32>} : memref<6400xf32, #tpu.memory_space<vmem>>, vector<16xf32>,
    %get3A_1442 = arith.constant 0 : index
    %get3A_1443 = tpu.vector_load %arg8[%get3A_1442] {strides = array<i32>} : memref<16xf32, #tpu.memory_space<vmem>>, vector<16xf32>,
    %swap3A_1444 = arith.constant 5760 : index
    %swap3A_1445 = tpu.vector_load %arg5[%swap3A_1444] {strides = array<i32>} : memref<6400xf32, #tpu.memory_space<vmem>>, vector<16xf32>,
    tpu.vector_store %arg5[%swap3A_1444], %get3A_1443 {strides = array<i32>} : memref<6400xf32, #tpu.memory_space<vmem>>, vector<16xf32>,
    %get3A_1446 = arith.constant 0 : index
    %get3A_1447 = tpu.vector_load %arg8[%get3A_1446] {strides = array<i32>} : memref<16xf32, #tpu.memory_space<vmem>>, vector<16xf32>,
    %swap3A_1448 = arith.constant 5776 : index
    %swap3A_1449 = tpu.vector_load %arg5[%swap3A_1448] {strides = array<i32>} : memref<6400xf32, #tpu.memory_space<vmem>>, vector<16xf32>,
    tpu.vector_store %arg5[%swap3A_1448], %get3A_1447 {strides = array<i32>} : memref<6400xf32, #tpu.memory_space<vmem>>, vector<16xf32>,
    %get3A_1450 = arith.constant 0 : index
    %get3A_1451 = tpu.vector_load %arg8[%get3A_1450] {strides = array<i32>} : memref<16xf32, #tpu.memory_space<vmem>>, vector<16xf32>,
    %swap3A_1452 = arith.constant 5792 : index
    %swap3A_1453 = tpu.vector_load %arg5[%swap3A_1452] {strides = array<i32>} : memref<6400xf32, #tpu.memory_space<vmem>>, vector<16xf32>,
    tpu.vector_store %arg5[%swap3A_1452], %get3A_1451 {strides = array<i32>} : memref<6400xf32, #tpu.memory_space<vmem>>, vector<16xf32>,
    %get3A_1454 = arith.constant 0 : index
    %get3A_1455 = tpu.vector_load %arg8[%get3A_1454] {strides = array<i32>} : memref<16xf32, #tpu.memory_space<vmem>>, vector<16xf32>,
    %swap3A_1456 = arith.constant 5808 : index
    %swap3A_1457 = tpu.vector_load %arg5[%swap3A_1456] {strides = array<i32>} : memref<6400xf32, #tpu.memory_space<vmem>>, vector<16xf32>,
    tpu.vector_store %arg5[%swap3A_1456], %get3A_1455 {strides = array<i32>} : memref<6400xf32, #tpu.memory_space<vmem>>, vector<16xf32>,
    %get3A_1458 = arith.constant 0 : index
    %get3A_1459 = tpu.vector_load %arg8[%get3A_1458] {strides = array<i32>} : memref<16xf32, #tpu.memory_space<vmem>>, vector<16xf32>,
    %swap3A_1460 = arith.constant 5824 : index
    %swap3A_1461 = tpu.vector_load %arg5[%swap3A_1460] {strides = array<i32>} : memref<6400xf32, #tpu.memory_space<vmem>>, vector<16xf32>,
    tpu.vector_store %arg5[%swap3A_1460], %get3A_1459 {strides = array<i32>} : memref<6400xf32, #tpu.memory_space<vmem>>, vector<16xf32>,
    %get3A_1462 = arith.constant 0 : index
    %get3A_1463 = tpu.vector_load %arg8[%get3A_1462] {strides = array<i32>} : memref<16xf32, #tpu.memory_space<vmem>>, vector<16xf32>,
    %swap3A_1464 = arith.constant 5840 : index
    %swap3A_1465 = tpu.vector_load %arg5[%swap3A_1464] {strides = array<i32>} : memref<6400xf32, #tpu.memory_space<vmem>>, vector<16xf32>,
    tpu.vector_store %arg5[%swap3A_1464], %get3A_1463 {strides = array<i32>} : memref<6400xf32, #tpu.memory_space<vmem>>, vector<16xf32>,
    %get3A_1466 = arith.constant 0 : index
    %get3A_1467 = tpu.vector_load %arg8[%get3A_1466] {strides = array<i32>} : memref<16xf32, #tpu.memory_space<vmem>>, vector<16xf32>,
    %swap3A_1468 = arith.constant 5856 : index
    %swap3A_1469 = tpu.vector_load %arg5[%swap3A_1468] {strides = array<i32>} : memref<6400xf32, #tpu.memory_space<vmem>>, vector<16xf32>,
    tpu.vector_store %arg5[%swap3A_1468], %get3A_1467 {strides = array<i32>} : memref<6400xf32, #tpu.memory_space<vmem>>, vector<16xf32>,
    %get3A_1470 = arith.constant 0 : index
    %get3A_1471 = tpu.vector_load %arg8[%get3A_1470] {strides = array<i32>} : memref<16xf32, #tpu.memory_space<vmem>>, vector<16xf32>,
    %swap3A_1472 = arith.constant 5872 : index
    %swap3A_1473 = tpu.vector_load %arg5[%swap3A_1472] {strides = array<i32>} : memref<6400xf32, #tpu.memory_space<vmem>>, vector<16xf32>,
    tpu.vector_store %arg5[%swap3A_1472], %get3A_1471 {strides = array<i32>} : memref<6400xf32, #tpu.memory_space<vmem>>, vector<16xf32>,
    %get3A_1474 = arith.constant 0 : index
    %get3A_1475 = tpu.vector_load %arg8[%get3A_1474] {strides = array<i32>} : memref<16xf32, #tpu.memory_space<vmem>>, vector<16xf32>,
    %swap3A_1476 = arith.constant 5888 : index
    %swap3A_1477 = tpu.vector_load %arg5[%swap3A_1476] {strides = array<i32>} : memref<6400xf32, #tpu.memory_space<vmem>>, vector<16xf32>,
    tpu.vector_store %arg5[%swap3A_1476], %get3A_1475 {strides = array<i32>} : memref<6400xf32, #tpu.memory_space<vmem>>, vector<16xf32>,
    %get3A_1478 = arith.constant 0 : index
    %get3A_1479 = tpu.vector_load %arg8[%get3A_1478] {strides = array<i32>} : memref<16xf32, #tpu.memory_space<vmem>>, vector<16xf32>,
    %swap3A_1480 = arith.constant 5904 : index
    %swap3A_1481 = tpu.vector_load %arg5[%swap3A_1480] {strides = array<i32>} : memref<6400xf32, #tpu.memory_space<vmem>>, vector<16xf32>,
    tpu.vector_store %arg5[%swap3A_1480], %get3A_1479 {strides = array<i32>} : memref<6400xf32, #tpu.memory_space<vmem>>, vector<16xf32>,
    %get3A_1482 = arith.constant 0 : index
    %get3A_1483 = tpu.vector_load %arg8[%get3A_1482] {strides = array<i32>} : memref<16xf32, #tpu.memory_space<vmem>>, vector<16xf32>,
    %swap3A_1484 = arith.constant 5920 : index
    %swap3A_1485 = tpu.vector_load %arg5[%swap3A_1484] {strides = array<i32>} : memref<6400xf32, #tpu.memory_space<vmem>>, vector<16xf32>,
    tpu.vector_store %arg5[%swap3A_1484], %get3A_1483 {strides = array<i32>} : memref<6400xf32, #tpu.memory_space<vmem>>, vector<16xf32>,
    %get3A_1486 = arith.constant 0 : index
    %get3A_1487 = tpu.vector_load %arg8[%get3A_1486] {strides = array<i32>} : memref<16xf32, #tpu.memory_space<vmem>>, vector<16xf32>,
    %swap3A_1488 = arith.constant 5936 : index
    %swap3A_1489 = tpu.vector_load %arg5[%swap3A_1488] {strides = array<i32>} : memref<6400xf32, #tpu.memory_space<vmem>>, vector<16xf32>,
    tpu.vector_store %arg5[%swap3A_1488], %get3A_1487 {strides = array<i32>} : memref<6400xf32, #tpu.memory_space<vmem>>, vector<16xf32>,
    %get3A_1490 = arith.constant 0 : index
    %get3A_1491 = tpu.vector_load %arg8[%get3A_1490] {strides = array<i32>} : memref<16xf32, #tpu.memory_space<vmem>>, vector<16xf32>,
    %swap3A_1492 = arith.constant 5952 : index
    %swap3A_1493 = tpu.vector_load %arg5[%swap3A_1492] {strides = array<i32>} : memref<6400xf32, #tpu.memory_space<vmem>>, vector<16xf32>,
    tpu.vector_store %arg5[%swap3A_1492], %get3A_1491 {strides = array<i32>} : memref<6400xf32, #tpu.memory_space<vmem>>, vector<16xf32>,
    %get3A_1494 = arith.constant 0 : index
    %get3A_1495 = tpu.vector_load %arg8[%get3A_1494] {strides = array<i32>} : memref<16xf32, #tpu.memory_space<vmem>>, vector<16xf32>,
    %swap3A_1496 = arith.constant 5968 : index
    %swap3A_1497 = tpu.vector_load %arg5[%swap3A_1496] {strides = array<i32>} : memref<6400xf32, #tpu.memory_space<vmem>>, vector<16xf32>,
    tpu.vector_store %arg5[%swap3A_1496], %get3A_1495 {strides = array<i32>} : memref<6400xf32, #tpu.memory_space<vmem>>, vector<16xf32>,
    %get3A_1498 = arith.constant 0 : index
    %get3A_1499 = tpu.vector_load %arg8[%get3A_1498] {strides = array<i32>} : memref<16xf32, #tpu.memory_space<vmem>>, vector<16xf32>,
    %swap3A_1500 = arith.constant 5984 : index
    %swap3A_1501 = tpu.vector_load %arg5[%swap3A_1500] {strides = array<i32>} : memref<6400xf32, #tpu.memory_space<vmem>>, vector<16xf32>,
    tpu.vector_store %arg5[%swap3A_1500], %get3A_1499 {strides = array<i32>} : memref<6400xf32, #tpu.memory_space<vmem>>, vector<16xf32>,
    %get3A_1502 = arith.constant 0 : index
    %get3A_1503 = tpu.vector_load %arg8[%get3A_1502] {strides = array<i32>} : memref<16xf32, #tpu.memory_space<vmem>>, vector<16xf32>,
    %swap3A_1504 = arith.constant 6000 : index
    %swap3A_1505 = tpu.vector_load %arg5[%swap3A_1504] {strides = array<i32>} : memref<6400xf32, #tpu.memory_space<vmem>>, vector<16xf32>,
    tpu.vector_store %arg5[%swap3A_1504], %get3A_1503 {strides = array<i32>} : memref<6400xf32, #tpu.memory_space<vmem>>, vector<16xf32>,
    %get3A_1506 = arith.constant 0 : index
    %get3A_1507 = tpu.vector_load %arg8[%get3A_1506] {strides = array<i32>} : memref<16xf32, #tpu.memory_space<vmem>>, vector<16xf32>,
    %swap3A_1508 = arith.constant 6016 : index
    %swap3A_1509 = tpu.vector_load %arg5[%swap3A_1508] {strides = array<i32>} : memref<6400xf32, #tpu.memory_space<vmem>>, vector<16xf32>,
    tpu.vector_store %arg5[%swap3A_1508], %get3A_1507 {strides = array<i32>} : memref<6400xf32, #tpu.memory_space<vmem>>, vector<16xf32>,
    %get3A_1510 = arith.constant 0 : index
    %get3A_1511 = tpu.vector_load %arg8[%get3A_1510] {strides = array<i32>} : memref<16xf32, #tpu.memory_space<vmem>>, vector<16xf32>,
    %swap3A_1512 = arith.constant 6032 : index
    %swap3A_1513 = tpu.vector_load %arg5[%swap3A_1512] {strides = array<i32>} : memref<6400xf32, #tpu.memory_space<vmem>>, vector<16xf32>,
    tpu.vector_store %arg5[%swap3A_1512], %get3A_1511 {strides = array<i32>} : memref<6400xf32, #tpu.memory_space<vmem>>, vector<16xf32>,
    %get3A_1514 = arith.constant 0 : index
    %get3A_1515 = tpu.vector_load %arg8[%get3A_1514] {strides = array<i32>} : memref<16xf32, #tpu.memory_space<vmem>>, vector<16xf32>,
    %swap3A_1516 = arith.constant 6048 : index
    %swap3A_1517 = tpu.vector_load %arg5[%swap3A_1516] {strides = array<i32>} : memref<6400xf32, #tpu.memory_space<vmem>>, vector<16xf32>,
    tpu.vector_store %arg5[%swap3A_1516], %get3A_1515 {strides = array<i32>} : memref<6400xf32, #tpu.memory_space<vmem>>, vector<16xf32>,
    %get3A_1518 = arith.constant 0 : index
    %get3A_1519 = tpu.vector_load %arg8[%get3A_1518] {strides = array<i32>} : memref<16xf32, #tpu.memory_space<vmem>>, vector<16xf32>,
    %swap3A_1520 = arith.constant 6064 : index
    %swap3A_1521 = tpu.vector_load %arg5[%swap3A_1520] {strides = array<i32>} : memref<6400xf32, #tpu.memory_space<vmem>>, vector<16xf32>,
    tpu.vector_store %arg5[%swap3A_1520], %get3A_1519 {strides = array<i32>} : memref<6400xf32, #tpu.memory_space<vmem>>, vector<16xf32>,
    %get3A_1522 = arith.constant 0 : index
    %get3A_1523 = tpu.vector_load %arg8[%get3A_1522] {strides = array<i32>} : memref<16xf32, #tpu.memory_space<vmem>>, vector<16xf32>,
    %swap3A_1524 = arith.constant 6080 : index
    %swap3A_1525 = tpu.vector_load %arg5[%swap3A_1524] {strides = array<i32>} : memref<6400xf32, #tpu.memory_space<vmem>>, vector<16xf32>,
    tpu.vector_store %arg5[%swap3A_1524], %get3A_1523 {strides = array<i32>} : memref<6400xf32, #tpu.memory_space<vmem>>, vector<16xf32>,
    %get3A_1526 = arith.constant 0 : index
    %get3A_1527 = tpu.vector_load %arg8[%get3A_1526] {strides = array<i32>} : memref<16xf32, #tpu.memory_space<vmem>>, vector<16xf32>,
    %swap3A_1528 = arith.constant 6096 : index
    %swap3A_1529 = tpu.vector_load %arg5[%swap3A_1528] {strides = array<i32>} : memref<6400xf32, #tpu.memory_space<vmem>>, vector<16xf32>,
    tpu.vector_store %arg5[%swap3A_1528], %get3A_1527 {strides = array<i32>} : memref<6400xf32, #tpu.memory_space<vmem>>, vector<16xf32>,
    %get3A_1530 = arith.constant 0 : index
    %get3A_1531 = tpu.vector_load %arg8[%get3A_1530] {strides = array<i32>} : memref<16xf32, #tpu.memory_space<vmem>>, vector<16xf32>,
    %swap3A_1532 = arith.constant 6112 : index
    %swap3A_1533 = tpu.vector_load %arg5[%swap3A_1532] {strides = array<i32>} : memref<6400xf32, #tpu.memory_space<vmem>>, vector<16xf32>,
    tpu.vector_store %arg5[%swap3A_1532], %get3A_1531 {strides = array<i32>} : memref<6400xf32, #tpu.memory_space<vmem>>, vector<16xf32>,
    %get3A_1534 = arith.constant 0 : index
    %get3A_1535 = tpu.vector_load %arg8[%get3A_1534] {strides = array<i32>} : memref<16xf32, #tpu.memory_space<vmem>>, vector<16xf32>,
    %swap3A_1536 = arith.constant 6128 : index
    %swap3A_1537 = tpu.vector_load %arg5[%swap3A_1536] {strides = array<i32>} : memref<6400xf32, #tpu.memory_space<vmem>>, vector<16xf32>,
    tpu.vector_store %arg5[%swap3A_1536], %get3A_1535 {strides = array<i32>} : memref<6400xf32, #tpu.memory_space<vmem>>, vector<16xf32>,
    %get3A_1538 = arith.constant 0 : index
    %get3A_1539 = tpu.vector_load %arg8[%get3A_1538] {strides = array<i32>} : memref<16xf32, #tpu.memory_space<vmem>>, vector<16xf32>,
    %swap3A_1540 = arith.constant 6144 : index
    %swap3A_1541 = tpu.vector_load %arg5[%swap3A_1540] {strides = array<i32>} : memref<6400xf32, #tpu.memory_space<vmem>>, vector<16xf32>,
    tpu.vector_store %arg5[%swap3A_1540], %get3A_1539 {strides = array<i32>} : memref<6400xf32, #tpu.memory_space<vmem>>, vector<16xf32>,
    %get3A_1542 = arith.constant 0 : index
    %get3A_1543 = tpu.vector_load %arg8[%get3A_1542] {strides = array<i32>} : memref<16xf32, #tpu.memory_space<vmem>>, vector<16xf32>,
    %swap3A_1544 = arith.constant 6160 : index
    %swap3A_1545 = tpu.vector_load %arg5[%swap3A_1544] {strides = array<i32>} : memref<6400xf32, #tpu.memory_space<vmem>>, vector<16xf32>,
    tpu.vector_store %arg5[%swap3A_1544], %get3A_1543 {strides = array<i32>} : memref<6400xf32, #tpu.memory_space<vmem>>, vector<16xf32>,
    %get3A_1546 = arith.constant 0 : index
    %get3A_1547 = tpu.vector_load %arg8[%get3A_1546] {strides = array<i32>} : memref<16xf32, #tpu.memory_space<vmem>>, vector<16xf32>,
    %swap3A_1548 = arith.constant 6176 : index
    %swap3A_1549 = tpu.vector_load %arg5[%swap3A_1548] {strides = array<i32>} : memref<6400xf32, #tpu.memory_space<vmem>>, vector<16xf32>,
    tpu.vector_store %arg5[%swap3A_1548], %get3A_1547 {strides = array<i32>} : memref<6400xf32, #tpu.memory_space<vmem>>, vector<16xf32>,
    %get3A_1550 = arith.constant 0 : index
    %get3A_1551 = tpu.vector_load %arg8[%get3A_1550] {strides = array<i32>} : memref<16xf32, #tpu.memory_space<vmem>>, vector<16xf32>,
    %swap3A_1552 = arith.constant 6192 : index
    %swap3A_1553 = tpu.vector_load %arg5[%swap3A_1552] {strides = array<i32>} : memref<6400xf32, #tpu.memory_space<vmem>>, vector<16xf32>,
    tpu.vector_store %arg5[%swap3A_1552], %get3A_1551 {strides = array<i32>} : memref<6400xf32, #tpu.memory_space<vmem>>, vector<16xf32>,
    %get3A_1554 = arith.constant 0 : index
    %get3A_1555 = tpu.vector_load %arg8[%get3A_1554] {strides = array<i32>} : memref<16xf32, #tpu.memory_space<vmem>>, vector<16xf32>,
    %swap3A_1556 = arith.constant 6208 : index
    %swap3A_1557 = tpu.vector_load %arg5[%swap3A_1556] {strides = array<i32>} : memref<6400xf32, #tpu.memory_space<vmem>>, vector<16xf32>,
    tpu.vector_store %arg5[%swap3A_1556], %get3A_1555 {strides = array<i32>} : memref<6400xf32, #tpu.memory_space<vmem>>, vector<16xf32>,
    %get3A_1558 = arith.constant 0 : index
    %get3A_1559 = tpu.vector_load %arg8[%get3A_1558] {strides = array<i32>} : memref<16xf32, #tpu.memory_space<vmem>>, vector<16xf32>,
    %swap3A_1560 = arith.constant 6224 : index
    %swap3A_1561 = tpu.vector_load %arg5[%swap3A_1560] {strides = array<i32>} : memref<6400xf32, #tpu.memory_space<vmem>>, vector<16xf32>,
    tpu.vector_store %arg5[%swap3A_1560], %get3A_1559 {strides = array<i32>} : memref<6400xf32, #tpu.memory_space<vmem>>, vector<16xf32>,
    %get3A_1562 = arith.constant 0 : index
    %get3A_1563 = tpu.vector_load %arg8[%get3A_1562] {strides = array<i32>} : memref<16xf32, #tpu.memory_space<vmem>>, vector<16xf32>,
    %swap3A_1564 = arith.constant 6240 : index
    %swap3A_1565 = tpu.vector_load %arg5[%swap3A_1564] {strides = array<i32>} : memref<6400xf32, #tpu.memory_space<vmem>>, vector<16xf32>,
    tpu.vector_store %arg5[%swap3A_1564], %get3A_1563 {strides = array<i32>} : memref<6400xf32, #tpu.memory_space<vmem>>, vector<16xf32>,
    %get3A_1566 = arith.constant 0 : index
    %get3A_1567 = tpu.vector_load %arg8[%get3A_1566] {strides = array<i32>} : memref<16xf32, #tpu.memory_space<vmem>>, vector<16xf32>,
    %swap3A_1568 = arith.constant 6256 : index
    %swap3A_1569 = tpu.vector_load %arg5[%swap3A_1568] {strides = array<i32>} : memref<6400xf32, #tpu.memory_space<vmem>>, vector<16xf32>,
    tpu.vector_store %arg5[%swap3A_1568], %get3A_1567 {strides = array<i32>} : memref<6400xf32, #tpu.memory_space<vmem>>, vector<16xf32>,
    %get3A_1570 = arith.constant 0 : index
    %get3A_1571 = tpu.vector_load %arg8[%get3A_1570] {strides = array<i32>} : memref<16xf32, #tpu.memory_space<vmem>>, vector<16xf32>,
    %swap3A_1572 = arith.constant 6272 : index
    %swap3A_1573 = tpu.vector_load %arg5[%swap3A_1572] {strides = array<i32>} : memref<6400xf32, #tpu.memory_space<vmem>>, vector<16xf32>,
    tpu.vector_store %arg5[%swap3A_1572], %get3A_1571 {strides = array<i32>} : memref<6400xf32, #tpu.memory_space<vmem>>, vector<16xf32>,
    %get3A_1574 = arith.constant 0 : index
    %get3A_1575 = tpu.vector_load %arg8[%get3A_1574] {strides = array<i32>} : memref<16xf32, #tpu.memory_space<vmem>>, vector<16xf32>,
    %swap3A_1576 = arith.constant 6288 : index
    %swap3A_1577 = tpu.vector_load %arg5[%swap3A_1576] {strides = array<i32>} : memref<6400xf32, #tpu.memory_space<vmem>>, vector<16xf32>,
    tpu.vector_store %arg5[%swap3A_1576], %get3A_1575 {strides = array<i32>} : memref<6400xf32, #tpu.memory_space<vmem>>, vector<16xf32>,
    %get3A_1578 = arith.constant 0 : index
    %get3A_1579 = tpu.vector_load %arg8[%get3A_1578] {strides = array<i32>} : memref<16xf32, #tpu.memory_space<vmem>>, vector<16xf32>,
    %swap3A_1580 = arith.constant 6304 : index
    %swap3A_1581 = tpu.vector_load %arg5[%swap3A_1580] {strides = array<i32>} : memref<6400xf32, #tpu.memory_space<vmem>>, vector<16xf32>,
    tpu.vector_store %arg5[%swap3A_1580], %get3A_1579 {strides = array<i32>} : memref<6400xf32, #tpu.memory_space<vmem>>, vector<16xf32>,
    %get3A_1582 = arith.constant 0 : index
    %get3A_1583 = tpu.vector_load %arg8[%get3A_1582] {strides = array<i32>} : memref<16xf32, #tpu.memory_space<vmem>>, vector<16xf32>,
    %swap3A_1584 = arith.constant 6320 : index
    %swap3A_1585 = tpu.vector_load %arg5[%swap3A_1584] {strides = array<i32>} : memref<6400xf32, #tpu.memory_space<vmem>>, vector<16xf32>,
    tpu.vector_store %arg5[%swap3A_1584], %get3A_1583 {strides = array<i32>} : memref<6400xf32, #tpu.memory_space<vmem>>, vector<16xf32>,
    %get3A_1586 = arith.constant 0 : index
    %get3A_1587 = tpu.vector_load %arg8[%get3A_1586] {strides = array<i32>} : memref<16xf32, #tpu.memory_space<vmem>>, vector<16xf32>,
    %swap3A_1588 = arith.constant 6336 : index
    %swap3A_1589 = tpu.vector_load %arg5[%swap3A_1588] {strides = array<i32>} : memref<6400xf32, #tpu.memory_space<vmem>>, vector<16xf32>,
    tpu.vector_store %arg5[%swap3A_1588], %get3A_1587 {strides = array<i32>} : memref<6400xf32, #tpu.memory_space<vmem>>, vector<16xf32>,
    %get3A_1590 = arith.constant 0 : index
    %get3A_1591 = tpu.vector_load %arg8[%get3A_1590] {strides = array<i32>} : memref<16xf32, #tpu.memory_space<vmem>>, vector<16xf32>,
    %swap3A_1592 = arith.constant 6352 : index
    %swap3A_1593 = tpu.vector_load %arg5[%swap3A_1592] {strides = array<i32>} : memref<6400xf32, #tpu.memory_space<vmem>>, vector<16xf32>,
    tpu.vector_store %arg5[%swap3A_1592], %get3A_1591 {strides = array<i32>} : memref<6400xf32, #tpu.memory_space<vmem>>, vector<16xf32>,
    %get3A_1594 = arith.constant 0 : index
    %get3A_1595 = tpu.vector_load %arg8[%get3A_1594] {strides = array<i32>} : memref<16xf32, #tpu.memory_space<vmem>>, vector<16xf32>,
    %swap3A_1596 = arith.constant 6368 : index
    %swap3A_1597 = tpu.vector_load %arg5[%swap3A_1596] {strides = array<i32>} : memref<6400xf32, #tpu.memory_space<vmem>>, vector<16xf32>,
    tpu.vector_store %arg5[%swap3A_1596], %get3A_1595 {strides = array<i32>} : memref<6400xf32, #tpu.memory_space<vmem>>, vector<16xf32>,
    %get3A_1598 = arith.constant 0 : index
    %get3A_1599 = tpu.vector_load %arg8[%get3A_1598] {strides = array<i32>} : memref<16xf32, #tpu.memory_space<vmem>>, vector<16xf32>,
    %swap3A_1600 = arith.constant 6384 : index
    %swap3A_1601 = tpu.vector_load %arg5[%swap3A_1600] {strides = array<i32>} : memref<6400xf32, #tpu.memory_space<vmem>>, vector<16xf32>,
    tpu.vector_store %arg5[%swap3A_1600], %get3A_1599 {strides = array<i32>} : memref<6400xf32, #tpu.memory_space<vmem>>, vector<16xf32>,
    %scan3A = arith.constant 0 : i32
    %scan3A_1602 = arith.constant 0 : i32
    %scan3A_1603 = arith.constant 16 : i32
    %scan3A_1604 = arith.addi %scan3A_1602, %scan3A_1603 : i32
    %scan3A_1605 = arith.constant 1 : i32
    %scan3A_1606 = scf.for %scan3A_1608 = %scan3A_1602 to %scan3A_1604 step %scan3A_1605 iter_args(%scan3A_1609 = %scan3A) -> (i32)  : i32 {
      %mul3A_1610 = arith.constant 16 : i32
      %mul3A_1611 = arith.muli %add3A, %mul3A_1610 : i32
      %add3A_1612 = arith.addi %mul3A_1611, %scan3A_1608 : i32
      "tpu.region"() ({
        %run_scoped3A = tpu.sem_alloc : memref<!tpu.dma_semaphore, #tpu.memory_space<semaphore_mem>>
        %dma_start3A = arith.constant 0 : i32
        %dma_start3A_1786 = tpu.memref_slice %arg2[%add3A_1612, %dma_start3A] : memref<512x64xi32, #tpu.memory_space<hbm>> -> memref<1x64xi32, #tpu.memory_space<hbm>>
        %dma_start3A_1787 = tpu.memref_squeeze %dma_start3A_1786 : memref<1x64xi32, #tpu.memory_space<hbm>> -> memref<64xi32, #tpu.memory_space<hbm>>
        %dma_start3A_1788 = arith.constant 0 : i32
        %dma_start3A_1789 = tpu.memref_slice %arg2[%add3A_1612, %dma_start3A_1788] : memref<512x64xi32, #tpu.memory_space<hbm>> -> memref<1x64xi32, #tpu.memory_space<hbm>>
        %dma_start3A_1790 = tpu.memref_squeeze %dma_start3A_1789 : memref<1x64xi32, #tpu.memory_space<hbm>> -> memref<64xi32, #tpu.memory_space<hbm>>
        tpu.enqueue_dma source(%dma_start3A_1790 : memref<64xi32, #tpu.memory_space<hbm>>) target(%arg6 : memref<64xi32, #tpu.memory_space<vmem>>) target_semaphore(%run_scoped3A : memref<!tpu.dma_semaphore, #tpu.memory_space<semaphore_mem>>)
        %dma_wait3A = arith.constant 0 : i32
        %dma_wait3A_1791 = tpu.memref_slice %arg2[%add3A_1612, %dma_wait3A] : memref<512x64xi32, #tpu.memory_space<hbm>> -> memref<1x64xi32, #tpu.memory_space<hbm>>
        %dma_wait3A_1792 = tpu.memref_squeeze %dma_wait3A_1791 : memref<1x64xi32, #tpu.memory_space<hbm>> -> memref<64xi32, #tpu.memory_space<hbm>>
        %dma_wait3A_1793 = arith.constant 0 : i32
        %dma_wait3A_1794 = tpu.memref_slice %arg2[%add3A_1612, %dma_wait3A_1793] : memref<512x64xi32, #tpu.memory_space<hbm>> -> memref<1x64xi32, #tpu.memory_space<hbm>>
        %dma_wait3A_1795 = tpu.memref_squeeze %dma_wait3A_1794 : memref<1x64xi32, #tpu.memory_space<hbm>> -> memref<64xi32, #tpu.memory_space<hbm>>
        tpu.wait_dma2 semaphore(%run_scoped3A : memref<!tpu.dma_semaphore, #tpu.memory_space<semaphore_mem>>) src(%dma_wait3A_1795 : memref<64xi32, #tpu.memory_space<hbm>>) dst(%arg6 : memref<64xi32, #tpu.memory_space<vmem>>)
        tpu.yield
      }) : () -> ()
      "tpu.region"() ({
        %run_scoped3A = tpu.sem_alloc : memref<!tpu.dma_semaphore, #tpu.memory_space<semaphore_mem>>
        %dma_start3A = arith.constant 0 : i32
        %dma_start3A_1786 = tpu.memref_slice %arg3[%add3A_1612, %dma_start3A] : memref<512x256xf32, #tpu.memory_space<hbm>> -> memref<1x256xf32, #tpu.memory_space<hbm>>
        %dma_start3A_1787 = tpu.memref_squeeze %dma_start3A_1786 : memref<1x256xf32, #tpu.memory_space<hbm>> -> memref<256xf32, #tpu.memory_space<hbm>>
        %dma_start3A_1788 = arith.constant 0 : i32
        %dma_start3A_1789 = tpu.memref_slice %arg3[%add3A_1612, %dma_start3A_1788] : memref<512x256xf32, #tpu.memory_space<hbm>> -> memref<1x256xf32, #tpu.memory_space<hbm>>
        %dma_start3A_1790 = tpu.memref_squeeze %dma_start3A_1789 : memref<1x256xf32, #tpu.memory_space<hbm>> -> memref<256xf32, #tpu.memory_space<hbm>>
        tpu.enqueue_dma source(%dma_start3A_1790 : memref<256xf32, #tpu.memory_space<hbm>>) target(%arg7 : memref<256xf32, #tpu.memory_space<vmem>>) target_semaphore(%run_scoped3A : memref<!tpu.dma_semaphore, #tpu.memory_space<semaphore_mem>>)
        %dma_wait3A = arith.constant 0 : i32
        %dma_wait3A_1791 = tpu.memref_slice %arg3[%add3A_1612, %dma_wait3A] : memref<512x256xf32, #tpu.memory_space<hbm>> -> memref<1x256xf32, #tpu.memory_space<hbm>>
        %dma_wait3A_1792 = tpu.memref_squeeze %dma_wait3A_1791 : memref<1x256xf32, #tpu.memory_space<hbm>> -> memref<256xf32, #tpu.memory_space<hbm>>
        %dma_wait3A_1793 = arith.constant 0 : i32
        %dma_wait3A_1794 = tpu.memref_slice %arg3[%add3A_1612, %dma_wait3A_1793] : memref<512x256xf32, #tpu.memory_space<hbm>> -> memref<1x256xf32, #tpu.memory_space<hbm>>
        %dma_wait3A_1795 = tpu.memref_squeeze %dma_wait3A_1794 : memref<1x256xf32, #tpu.memory_space<hbm>> -> memref<256xf32, #tpu.memory_space<hbm>>
        tpu.wait_dma2 semaphore(%run_scoped3A : memref<!tpu.dma_semaphore, #tpu.memory_space<semaphore_mem>>) src(%dma_wait3A_1795 : memref<256xf32, #tpu.memory_space<hbm>>) dst(%arg7 : memref<256xf32, #tpu.memory_space<vmem>>)
        tpu.yield
      }) : () -> ()
      %broadcast_in_dim3A_1613 = arith.constant 1.000000e+00 : f32
      %broadcast_in_dim3A_1614 = vector.broadcast %broadcast_in_dim3A_1613 : f32 to vector<16xf32>
      %get3A_1615 = arith.constant 0 : index
      %get3A_1616 = tpu.vector_load %arg6[%get3A_1615] {strides = array<i32>} : memref<64xi32, #tpu.memory_space<vmem>>, vector<16xi32>,
      %get3A_1617 = arith.constant 32 : index
      %get3A_1618 = tpu.vector_load %arg6[%get3A_1617] {strides = array<i32>} : memref<64xi32, #tpu.memory_space<vmem>>, vector<16xi32>,
      %get3A_1619 = arith.constant 0 : index
      %get3A_1620 = tpu.vector_load %arg7[%get3A_1619] {strides = array<i32>} : memref<256xf32, #tpu.memory_space<vmem>>, vector<16xf32>,
      %get3A_1621 = arith.constant 32 : index
      %get3A_1622 = tpu.vector_load %arg7[%get3A_1621] {strides = array<i32>} : memref<256xf32, #tpu.memory_space<vmem>>, vector<16xf32>,
      %get3A_1623 = arith.constant 64 : index
      %get3A_1624 = tpu.vector_load %arg7[%get3A_1623] {strides = array<i32>} : memref<256xf32, #tpu.memory_space<vmem>>, vector<16xf32>,
      %get3A_1625 = arith.constant 96 : index
      %get3A_1626 = tpu.vector_load %arg7[%get3A_1625] {strides = array<i32>} : memref<256xf32, #tpu.memory_space<vmem>>, vector<16xf32>,
      %get3A_1627 = arith.constant 128 : index
      %get3A_1628 = tpu.vector_load %arg7[%get3A_1627] {strides = array<i32>} : memref<256xf32, #tpu.memory_space<vmem>>, vector<16xf32>,
      %get3A_1629 = arith.constant 160 : index
      %get3A_1630 = tpu.vector_load %arg7[%get3A_1629] {strides = array<i32>} : memref<256xf32, #tpu.memory_space<vmem>>, vector<16xf32>,
      %get3A_1631 = arith.constant 192 : index
      %get3A_1632 = tpu.vector_load %arg7[%get3A_1631] {strides = array<i32>} : memref<256xf32, #tpu.memory_space<vmem>>, vector<16xf32>,
      %get3A_1633 = arith.constant 224 : index
      %get3A_1634 = tpu.vector_load %arg7[%get3A_1633] {strides = array<i32>} : memref<256xf32, #tpu.memory_space<vmem>>, vector<16xf32>,
      %add3A_1635 = arith.constant 0 : i32
      %add3A_1636 = vector.broadcast %add3A_1635 : i32 to vector<16xi32>
      %add3A_1637 = arith.addi %get3A_1616, %add3A_1636 : vector<16xi32>
      tpu.vector_store_idx %arg5[%add3A_1637], %get3A_1620 : memref<6400xf32, #tpu.memory_space<vmem>>[vector<16xi32>], vector<16xf32>,
      %add3A_1638 = arith.constant 640 : i32
      %add3A_1639 = vector.broadcast %add3A_1638 : i32 to vector<16xi32>
      %add3A_1640 = arith.addi %get3A_1616, %add3A_1639 : vector<16xi32>
      tpu.vector_store_idx %arg5[%add3A_1640], %get3A_1622 : memref<6400xf32, #tpu.memory_space<vmem>>[vector<16xi32>], vector<16xf32>,
      %add3A_1641 = arith.constant 1280 : i32
      %add3A_1642 = vector.broadcast %add3A_1641 : i32 to vector<16xi32>
      %add3A_1643 = arith.addi %get3A_1616, %add3A_1642 : vector<16xi32>
      tpu.vector_store_idx %arg5[%add3A_1643], %get3A_1624 : memref<6400xf32, #tpu.memory_space<vmem>>[vector<16xi32>], vector<16xf32>,
      %add3A_1644 = arith.constant 1920 : i32
      %add3A_1645 = vector.broadcast %add3A_1644 : i32 to vector<16xi32>
      %add3A_1646 = arith.addi %get3A_1616, %add3A_1645 : vector<16xi32>
      tpu.vector_store_idx %arg5[%add3A_1646], %get3A_1626 : memref<6400xf32, #tpu.memory_space<vmem>>[vector<16xi32>], vector<16xf32>,
      %add3A_1647 = arith.constant 2560 : i32
      %add3A_1648 = vector.broadcast %add3A_1647 : i32 to vector<16xi32>
      %add3A_1649 = arith.addi %get3A_1616, %add3A_1648 : vector<16xi32>
      tpu.vector_store_idx %arg5[%add3A_1649], %broadcast_in_dim3A_1614 : memref<6400xf32, #tpu.memory_space<vmem>>[vector<16xi32>], vector<16xf32>,
      %add3A_1650 = arith.constant 3200 : i32
      %add3A_1651 = vector.broadcast %add3A_1650 : i32 to vector<16xi32>
      %add3A_1652 = arith.addi %get3A_1618, %add3A_1651 : vector<16xi32>
      tpu.vector_store_idx %arg5[%add3A_1652], %get3A_1628 : memref<6400xf32, #tpu.memory_space<vmem>>[vector<16xi32>], vector<16xf32>,
      %add3A_1653 = arith.constant 3840 : i32
      %add3A_1654 = vector.broadcast %add3A_1653 : i32 to vector<16xi32>
      %add3A_1655 = arith.addi %get3A_1618, %add3A_1654 : vector<16xi32>
      tpu.vector_store_idx %arg5[%add3A_1655], %get3A_1630 : memref<6400xf32, #tpu.memory_space<vmem>>[vector<16xi32>], vector<16xf32>,
      %add3A_1656 = arith.constant 4480 : i32
      %add3A_1657 = vector.broadcast %add3A_1656 : i32 to vector<16xi32>
      %add3A_1658 = arith.addi %get3A_1618, %add3A_1657 : vector<16xi32>
      tpu.vector_store_idx %arg5[%add3A_1658], %get3A_1632 : memref<6400xf32, #tpu.memory_space<vmem>>[vector<16xi32>], vector<16xf32>,
      %add3A_1659 = arith.constant 5120 : i32
      %add3A_1660 = vector.broadcast %add3A_1659 : i32 to vector<16xi32>
      %add3A_1661 = arith.addi %get3A_1618, %add3A_1660 : vector<16xi32>
      tpu.vector_store_idx %arg5[%add3A_1661], %get3A_1634 : memref<6400xf32, #tpu.memory_space<vmem>>[vector<16xi32>], vector<16xf32>,
      %add3A_1662 = arith.constant 5760 : i32
      %add3A_1663 = vector.broadcast %add3A_1662 : i32 to vector<16xi32>
      %add3A_1664 = arith.addi %get3A_1618, %add3A_1663 : vector<16xi32>
      tpu.vector_store_idx %arg5[%add3A_1664], %broadcast_in_dim3A_1614 : memref<6400xf32, #tpu.memory_space<vmem>>[vector<16xi32>], vector<16xf32>,
      %get3A_1665 = arith.constant 16 : index
      %get3A_1666 = tpu.vector_load %arg6[%get3A_1665] {strides = array<i32>} : memref<64xi32, #tpu.memory_space<vmem>>, vector<16xi32>,
      %get3A_1667 = arith.constant 48 : index
      %get3A_1668 = tpu.vector_load %arg6[%get3A_1667] {strides = array<i32>} : memref<64xi32, #tpu.memory_space<vmem>>, vector<16xi32>,
      %get3A_1669 = arith.constant 16 : index
      %get3A_1670 = tpu.vector_load %arg7[%get3A_1669] {strides = array<i32>} : memref<256xf32, #tpu.memory_space<vmem>>, vector<16xf32>,
      %get3A_1671 = arith.constant 48 : index
      %get3A_1672 = tpu.vector_load %arg7[%get3A_1671] {strides = array<i32>} : memref<256xf32, #tpu.memory_space<vmem>>, vector<16xf32>,
      %get3A_1673 = arith.constant 80 : index
      %get3A_1674 = tpu.vector_load %arg7[%get3A_1673] {strides = array<i32>} : memref<256xf32, #tpu.memory_space<vmem>>, vector<16xf32>,
      %get3A_1675 = arith.constant 112 : index
      %get3A_1676 = tpu.vector_load %arg7[%get3A_1675] {strides = array<i32>} : memref<256xf32, #tpu.memory_space<vmem>>, vector<16xf32>,
      %get3A_1677 = arith.constant 144 : index
      %get3A_1678 = tpu.vector_load %arg7[%get3A_1677] {strides = array<i32>} : memref<256xf32, #tpu.memory_space<vmem>>, vector<16xf32>,
      %get3A_1679 = arith.constant 176 : index
      %get3A_1680 = tpu.vector_load %arg7[%get3A_1679] {strides = array<i32>} : memref<256xf32, #tpu.memory_space<vmem>>, vector<16xf32>,
      %get3A_1681 = arith.constant 208 : index
      %get3A_1682 = tpu.vector_load %arg7[%get3A_1681] {strides = array<i32>} : memref<256xf32, #tpu.memory_space<vmem>>, vector<16xf32>,
      %get3A_1683 = arith.constant 240 : index
      %get3A_1684 = tpu.vector_load %arg7[%get3A_1683] {strides = array<i32>} : memref<256xf32, #tpu.memory_space<vmem>>, vector<16xf32>,
      %add3A_1685 = arith.constant 0 : i32
      %add3A_1686 = vector.broadcast %add3A_1685 : i32 to vector<16xi32>
      %add3A_1687 = arith.addi %get3A_1666, %add3A_1686 : vector<16xi32>
      tpu.vector_store_idx %arg5[%add3A_1687], %get3A_1670 : memref<6400xf32, #tpu.memory_space<vmem>>[vector<16xi32>], vector<16xf32>,
      %add3A_1688 = arith.constant 640 : i32
      %add3A_1689 = vector.broadcast %add3A_1688 : i32 to vector<16xi32>
      %add3A_1690 = arith.addi %get3A_1666, %add3A_1689 : vector<16xi32>
      tpu.vector_store_idx %arg5[%add3A_1690], %get3A_1672 : memref<6400xf32, #tpu.memory_space<vmem>>[vector<16xi32>], vector<16xf32>,
      %add3A_1691 = arith.constant 1280 : i32
      %add3A_1692 = vector.broadcast %add3A_1691 : i32 to vector<16xi32>
      %add3A_1693 = arith.addi %get3A_1666, %add3A_1692 : vector<16xi32>
      tpu.vector_store_idx %arg5[%add3A_1693], %get3A_1674 : memref<6400xf32, #tpu.memory_space<vmem>>[vector<16xi32>], vector<16xf32>,
      %add3A_1694 = arith.constant 1920 : i32
      %add3A_1695 = vector.broadcast %add3A_1694 : i32 to vector<16xi32>
      %add3A_1696 = arith.addi %get3A_1666, %add3A_1695 : vector<16xi32>
      tpu.vector_store_idx %arg5[%add3A_1696], %get3A_1676 : memref<6400xf32, #tpu.memory_space<vmem>>[vector<16xi32>], vector<16xf32>,
      %add3A_1697 = arith.constant 2560 : i32
      %add3A_1698 = vector.broadcast %add3A_1697 : i32 to vector<16xi32>
      %add3A_1699 = arith.addi %get3A_1666, %add3A_1698 : vector<16xi32>
      tpu.vector_store_idx %arg5[%add3A_1699], %broadcast_in_dim3A_1614 : memref<6400xf32, #tpu.memory_space<vmem>>[vector<16xi32>], vector<16xf32>,
      %add3A_1700 = arith.constant 3200 : i32
      %add3A_1701 = vector.broadcast %add3A_1700 : i32 to vector<16xi32>
      %add3A_1702 = arith.addi %get3A_1668, %add3A_1701 : vector<16xi32>
      tpu.vector_store_idx %arg5[%add3A_1702], %get3A_1678 : memref<6400xf32, #tpu.memory_space<vmem>>[vector<16xi32>], vector<16xf32>,
      %add3A_1703 = arith.constant 3840 : i32
      %add3A_1704 = vector.broadcast %add3A_1703 : i32 to vector<16xi32>
      %add3A_1705 = arith.addi %get3A_1668, %add3A_1704 : vector<16xi32>
      tpu.vector_store_idx %arg5[%add3A_1705], %get3A_1680 : memref<6400xf32, #tpu.memory_space<vmem>>[vector<16xi32>], vector<16xf32>,
      %add3A_1706 = arith.constant 4480 : i32
      %add3A_1707 = vector.broadcast %add3A_1706 : i32 to vector<16xi32>
      %add3A_1708 = arith.addi %get3A_1668, %add3A_1707 : vector<16xi32>
      tpu.vector_store_idx %arg5[%add3A_1708], %get3A_1682 : memref<6400xf32, #tpu.memory_space<vmem>>[vector<16xi32>], vector<16xf32>,
      %add3A_1709 = arith.constant 5120 : i32
      %add3A_1710 = vector.broadcast %add3A_1709 : i32 to vector<16xi32>
      %add3A_1711 = arith.addi %get3A_1668, %add3A_1710 : vector<16xi32>
      tpu.vector_store_idx %arg5[%add3A_1711], %get3A_1684 : memref<6400xf32, #tpu.memory_space<vmem>>[vector<16xi32>], vector<16xf32>,
      %add3A_1712 = arith.constant 5760 : i32
      %add3A_1713 = vector.broadcast %add3A_1712 : i32 to vector<16xi32>
      %add3A_1714 = arith.addi %get3A_1668, %add3A_1713 : vector<16xi32>
      tpu.vector_store_idx %arg5[%add3A_1714], %broadcast_in_dim3A_1614 : memref<6400xf32, #tpu.memory_space<vmem>>[vector<16xi32>], vector<16xf32>,
      "tpu.region"() ({
        %run_scoped3A = tpu.sem_alloc : memref<!tpu.dma_semaphore, #tpu.memory_space<semaphore_mem>>
        %dma_start3A = arith.constant 0 : i32
        %dma_start3A_1786 = tpu.memref_slice %arg4[%add3A_1612, %dma_start3A] : memref<512x6400xf32, #tpu.memory_space<hbm>> -> memref<1x6400xf32, #tpu.memory_space<hbm>>
        %dma_start3A_1787 = tpu.memref_squeeze %dma_start3A_1786 : memref<1x6400xf32, #tpu.memory_space<hbm>> -> memref<6400xf32, #tpu.memory_space<hbm>>
        %dma_start3A_1788 = arith.constant 0 : i32
        %dma_start3A_1789 = tpu.memref_slice %arg4[%add3A_1612, %dma_start3A_1788] : memref<512x6400xf32, #tpu.memory_space<hbm>> -> memref<1x6400xf32, #tpu.memory_space<hbm>>
        %dma_start3A_1790 = tpu.memref_squeeze %dma_start3A_1789 : memref<1x6400xf32, #tpu.memory_space<hbm>> -> memref<6400xf32, #tpu.memory_space<hbm>>
        tpu.enqueue_dma source(%arg5 : memref<6400xf32, #tpu.memory_space<vmem>>) target(%dma_start3A_1790 : memref<6400xf32, #tpu.memory_space<hbm>>) target_semaphore(%run_scoped3A : memref<!tpu.dma_semaphore, #tpu.memory_space<semaphore_mem>>)
        %dma_wait3A = arith.constant 0 : i32
        %dma_wait3A_1791 = tpu.memref_slice %arg4[%add3A_1612, %dma_wait3A] : memref<512x6400xf32, #tpu.memory_space<hbm>> -> memref<1x6400xf32, #tpu.memory_space<hbm>>
        %dma_wait3A_1792 = tpu.memref_squeeze %dma_wait3A_1791 : memref<1x6400xf32, #tpu.memory_space<hbm>> -> memref<6400xf32, #tpu.memory_space<hbm>>
        %dma_wait3A_1793 = arith.constant 0 : i32
        %dma_wait3A_1794 = tpu.memref_slice %arg4[%add3A_1612, %dma_wait3A_1793] : memref<512x6400xf32, #tpu.memory_space<hbm>> -> memref<1x6400xf32, #tpu.memory_space<hbm>>
        %dma_wait3A_1795 = tpu.memref_squeeze %dma_wait3A_1794 : memref<1x6400xf32, #tpu.memory_space<hbm>> -> memref<6400xf32, #tpu.memory_space<hbm>>
        tpu.wait_dma2 semaphore(%run_scoped3A : memref<!tpu.dma_semaphore, #tpu.memory_space<semaphore_mem>>) src(%arg5 : memref<6400xf32, #tpu.memory_space<vmem>>) dst(%dma_wait3A_1795 : memref<6400xf32, #tpu.memory_space<hbm>>)
        tpu.yield
      }) : () -> ()
      %broadcast_in_dim3A_1715 = arith.constant 0.000000e+00 : f32
      %broadcast_in_dim3A_1716 = vector.broadcast %broadcast_in_dim3A_1715 : f32 to vector<16xf32>
      %get3A_1717 = arith.constant 0 : index
      %get3A_1718 = tpu.vector_load %arg6[%get3A_1717] {strides = array<i32>} : memref<64xi32, #tpu.memory_space<vmem>>, vector<16xi32>,
      %get3A_1719 = arith.constant 32 : index
      %get3A_1720 = tpu.vector_load %arg6[%get3A_1719] {strides = array<i32>} : memref<64xi32, #tpu.memory_space<vmem>>, vector<16xi32>,
      %add3A_1721 = arith.constant 0 : i32
      %add3A_1722 = vector.broadcast %add3A_1721 : i32 to vector<16xi32>
      %add3A_1723 = arith.addi %get3A_1718, %add3A_1722 : vector<16xi32>
      tpu.vector_store_idx %arg5[%add3A_1723], %broadcast_in_dim3A_1716 : memref<6400xf32, #tpu.memory_space<vmem>>[vector<16xi32>], vector<16xf32>,
      %add3A_1724 = arith.constant 640 : i32
      %add3A_1725 = vector.broadcast %add3A_1724 : i32 to vector<16xi32>
      %add3A_1726 = arith.addi %get3A_1718, %add3A_1725 : vector<16xi32>
      tpu.vector_store_idx %arg5[%add3A_1726], %broadcast_in_dim3A_1716 : memref<6400xf32, #tpu.memory_space<vmem>>[vector<16xi32>], vector<16xf32>,
      %add3A_1727 = arith.constant 1280 : i32
      %add3A_1728 = vector.broadcast %add3A_1727 : i32 to vector<16xi32>
      %add3A_1729 = arith.addi %get3A_1718, %add3A_1728 : vector<16xi32>
      tpu.vector_store_idx %arg5[%add3A_1729], %broadcast_in_dim3A_1716 : memref<6400xf32, #tpu.memory_space<vmem>>[vector<16xi32>], vector<16xf32>,
      %add3A_1730 = arith.constant 1920 : i32
      %add3A_1731 = vector.broadcast %add3A_1730 : i32 to vector<16xi32>
      %add3A_1732 = arith.addi %get3A_1718, %add3A_1731 : vector<16xi32>
      tpu.vector_store_idx %arg5[%add3A_1732], %broadcast_in_dim3A_1716 : memref<6400xf32, #tpu.memory_space<vmem>>[vector<16xi32>], vector<16xf32>,
      %add3A_1733 = arith.constant 2560 : i32
      %add3A_1734 = vector.broadcast %add3A_1733 : i32 to vector<16xi32>
      %add3A_1735 = arith.addi %get3A_1718, %add3A_1734 : vector<16xi32>
      tpu.vector_store_idx %arg5[%add3A_1735], %broadcast_in_dim3A_1716 : memref<6400xf32, #tpu.memory_space<vmem>>[vector<16xi32>], vector<16xf32>,
      %add3A_1736 = arith.constant 3200 : i32
      %add3A_1737 = vector.broadcast %add3A_1736 : i32 to vector<16xi32>
      %add3A_1738 = arith.addi %get3A_1720, %add3A_1737 : vector<16xi32>
      tpu.vector_store_idx %arg5[%add3A_1738], %broadcast_in_dim3A_1716 : memref<6400xf32, #tpu.memory_space<vmem>>[vector<16xi32>], vector<16xf32>,
      %add3A_1739 = arith.constant 3840 : i32
      %add3A_1740 = vector.broadcast %add3A_1739 : i32 to vector<16xi32>
      %add3A_1741 = arith.addi %get3A_1720, %add3A_1740 : vector<16xi32>
      tpu.vector_store_idx %arg5[%add3A_1741], %broadcast_in_dim3A_1716 : memref<6400xf32, #tpu.memory_space<vmem>>[vector<16xi32>], vector<16xf32>,
      %add3A_1742 = arith.constant 4480 : i32
      %add3A_1743 = vector.broadcast %add3A_1742 : i32 to vector<16xi32>
      %add3A_1744 = arith.addi %get3A_1720, %add3A_1743 : vector<16xi32>
      tpu.vector_store_idx %arg5[%add3A_1744], %broadcast_in_dim3A_1716 : memref<6400xf32, #tpu.memory_space<vmem>>[vector<16xi32>], vector<16xf32>,
      %add3A_1745 = arith.constant 5120 : i32
      %add3A_1746 = vector.broadcast %add3A_1745 : i32 to vector<16xi32>
      %add3A_1747 = arith.addi %get3A_1720, %add3A_1746 : vector<16xi32>
      tpu.vector_store_idx %arg5[%add3A_1747], %broadcast_in_dim3A_1716 : memref<6400xf32, #tpu.memory_space<vmem>>[vector<16xi32>], vector<16xf32>,
      %add3A_1748 = arith.constant 5760 : i32
      %add3A_1749 = vector.broadcast %add3A_1748 : i32 to vector<16xi32>
      %add3A_1750 = arith.addi %get3A_1720, %add3A_1749 : vector<16xi32>
      tpu.vector_store_idx %arg5[%add3A_1750], %broadcast_in_dim3A_1716 : memref<6400xf32, #tpu.memory_space<vmem>>[vector<16xi32>], vector<16xf32>,
      %get3A_1751 = arith.constant 16 : index
      %get3A_1752 = tpu.vector_load %arg6[%get3A_1751] {strides = array<i32>} : memref<64xi32, #tpu.memory_space<vmem>>, vector<16xi32>,
      %get3A_1753 = arith.constant 48 : index
      %get3A_1754 = tpu.vector_load %arg6[%get3A_1753] {strides = array<i32>} : memref<64xi32, #tpu.memory_space<vmem>>, vector<16xi32>,
      %add3A_1755 = arith.constant 0 : i32
      %add3A_1756 = vector.broadcast %add3A_1755 : i32 to vector<16xi32>
      %add3A_1757 = arith.addi %get3A_1752, %add3A_1756 : vector<16xi32>
      tpu.vector_store_idx %arg5[%add3A_1757], %broadcast_in_dim3A_1716 : memref<6400xf32, #tpu.memory_space<vmem>>[vector<16xi32>], vector<16xf32>,
      %add3A_1758 = arith.constant 640 : i32
      %add3A_1759 = vector.broadcast %add3A_1758 : i32 to vector<16xi32>
      %add3A_1760 = arith.addi %get3A_1752, %add3A_1759 : vector<16xi32>
      tpu.vector_store_idx %arg5[%add3A_1760], %broadcast_in_dim3A_1716 : memref<6400xf32, #tpu.memory_space<vmem>>[vector<16xi32>], vector<16xf32>,
      %add3A_1761 = arith.constant 1280 : i32
      %add3A_1762 = vector.broadcast %add3A_1761 : i32 to vector<16xi32>
      %add3A_1763 = arith.addi %get3A_1752, %add3A_1762 : vector<16xi32>
      tpu.vector_store_idx %arg5[%add3A_1763], %broadcast_in_dim3A_1716 : memref<6400xf32, #tpu.memory_space<vmem>>[vector<16xi32>], vector<16xf32>,
      %add3A_1764 = arith.constant 1920 : i32
      %add3A_1765 = vector.broadcast %add3A_1764 : i32 to vector<16xi32>
      %add3A_1766 = arith.addi %get3A_1752, %add3A_1765 : vector<16xi32>
      tpu.vector_store_idx %arg5[%add3A_1766], %broadcast_in_dim3A_1716 : memref<6400xf32, #tpu.memory_space<vmem>>[vector<16xi32>], vector<16xf32>,
      %add3A_1767 = arith.constant 2560 : i32
      %add3A_1768 = vector.broadcast %add3A_1767 : i32 to vector<16xi32>
      %add3A_1769 = arith.addi %get3A_1752, %add3A_1768 : vector<16xi32>
      tpu.vector_store_idx %arg5[%add3A_1769], %broadcast_in_dim3A_1716 : memref<6400xf32, #tpu.memory_space<vmem>>[vector<16xi32>], vector<16xf32>,
      %add3A_1770 = arith.constant 3200 : i32
      %add3A_1771 = vector.broadcast %add3A_1770 : i32 to vector<16xi32>
      %add3A_1772 = arith.addi %get3A_1754, %add3A_1771 : vector<16xi32>
      tpu.vector_store_idx %arg5[%add3A_1772], %broadcast_in_dim3A_1716 : memref<6400xf32, #tpu.memory_space<vmem>>[vector<16xi32>], vector<16xf32>,
      %add3A_1773 = arith.constant 3840 : i32
      %add3A_1774 = vector.broadcast %add3A_1773 : i32 to vector<16xi32>
      %add3A_1775 = arith.addi %get3A_1754, %add3A_1774 : vector<16xi32>
      tpu.vector_store_idx %arg5[%add3A_1775], %broadcast_in_dim3A_1716 : memref<6400xf32, #tpu.memory_space<vmem>>[vector<16xi32>], vector<16xf32>,
      %add3A_1776 = arith.constant 4480 : i32
      %add3A_1777 = vector.broadcast %add3A_1776 : i32 to vector<16xi32>
      %add3A_1778 = arith.addi %get3A_1754, %add3A_1777 : vector<16xi32>
      tpu.vector_store_idx %arg5[%add3A_1778], %broadcast_in_dim3A_1716 : memref<6400xf32, #tpu.memory_space<vmem>>[vector<16xi32>], vector<16xf32>,
      %add3A_1779 = arith.constant 5120 : i32
      %add3A_1780 = vector.broadcast %add3A_1779 : i32 to vector<16xi32>
      %add3A_1781 = arith.addi %get3A_1754, %add3A_1780 : vector<16xi32>
      tpu.vector_store_idx %arg5[%add3A_1781], %broadcast_in_dim3A_1716 : memref<6400xf32, #tpu.memory_space<vmem>>[vector<16xi32>], vector<16xf32>,
      %add3A_1782 = arith.constant 5760 : i32
      %add3A_1783 = vector.broadcast %add3A_1782 : i32 to vector<16xi32>
      %add3A_1784 = arith.addi %get3A_1754, %add3A_1783 : vector<16xi32>
      tpu.vector_store_idx %arg5[%add3A_1784], %broadcast_in_dim3A_1716 : memref<6400xf32, #tpu.memory_space<vmem>>[vector<16xi32>], vector<16xf32>,
      %scan3A_1785 = arith.constant 0 : i32
      scf.yield %scan3A_1785 : i32
    }
    %scan3A_1607 = arith.constant 16 : i32
    return
  }
}

module attributes {stable_mosaic.version = 14 : i64} {
  func.func @_k1_body(%arg0: i32, %arg1: memref<1x1024x32xf32, #tpu.memory_space<vmem>>, %arg2: memref<1024x640xf32, #tpu.memory_space<vmem>>, %arg3: memref<1024x640xf32, #tpu.memory_space<vmem>>, %arg4: memref<1x32x640xf32, #tpu.memory_space<vmem>>, %arg5: memref<1x32x640xf32, #tpu.memory_space<vmem>>, %arg6: memref<1x32x640xf32, #tpu.memory_space<vmem>>) attributes {dimension_semantics = [#tpu.dimension_semantics<arbitrary>], iteration_bounds = array<i64: 32>, scalar_prefetch = 0 : i64, scratch_operands = 0 : i64, tpu.core_type = #tpu.core_type<tc>, window_params = [{transform_indices = @transform_0, window_bounds = array<i64: 1, 1024, 32>}, {pipeline_mode = #tpu.pipeline_mode<synchronous>, transform_indices = @transform_1, window_bounds = array<i64: 1024, 640>}, {pipeline_mode = #tpu.pipeline_mode<synchronous>, transform_indices = @transform_2, window_bounds = array<i64: 1024, 640>}, {transform_indices = @transform_3, window_bounds = array<i64: 1, 32, 640>}, {transform_indices = @transform_4, window_bounds = array<i64: 1, 32, 640>}, {transform_indices = @transform_5, window_bounds = array<i64: 1, 32, 640>}]} {
    %get3A = arith.constant 0 : index
    %get3A_0 = arith.constant 0 : index
    %get3A_1 = arith.constant 0 : index
    %get3A_2 = vector.load %arg1[%get3A, %get3A_0, %get3A_1] : memref<1x1024x32xf32, #tpu.memory_space<vmem>>, vector<1x1024x32xf32>
    %get3A_3 = vector.shape_cast %get3A_2 : vector<1x1024x32xf32> to vector<1024x32xf32>
    %get3A_4 = arith.constant 0 : index
    %get3A_5 = arith.constant 0 : index
    %get3A_6 = vector.load %arg2[%get3A_4, %get3A_5] : memref<1024x640xf32, #tpu.memory_space<vmem>>, vector<1024x640xf32>
    %dot_general3A = arith.constant dense<0.000000e+00> : vector<32x640xf32>
    %dot_general3A_7 = tpu.matmul %get3A_3, %get3A_6, %dot_general3A {dimension_numbers = #tpu.dot_dimension_numbers<[0], [0], [1], [1], [0, 1, 1, 1], [], []>, precision = #tpu.contract_precision<fp32>, transpose_lhs_hint = false} : vector<1024x32xf32>, vector<1024x640xf32>, vector<32x640xf32> -> vector<32x640xf32>
    %get3A_8 = arith.constant 0 : index
    %get3A_9 = arith.constant 0 : index
    %get3A_10 = vector.load %arg3[%get3A_8, %get3A_9] : memref<1024x640xf32, #tpu.memory_space<vmem>>, vector<1024x640xf32>
    %dot_general3A_11 = arith.constant dense<0.000000e+00> : vector<32x640xf32>
    %dot_general3A_12 = tpu.matmul %get3A_3, %get3A_10, %dot_general3A_11 {dimension_numbers = #tpu.dot_dimension_numbers<[0], [0], [1], [1], [0, 1, 1, 1], [], []>, precision = #tpu.contract_precision<fp32>, transpose_lhs_hint = false} : vector<1024x32xf32>, vector<1024x640xf32>, vector<32x640xf32> -> vector<32x640xf32>
    %neg3A = arith.constant 0.000000e+00 : f32
    %neg3A_13 = vector.broadcast %neg3A : f32 to vector<32x640xf32>
    %neg3A_14 = arith.subf %neg3A_13, %dot_general3A_12 : vector<32x640xf32>
    %swap3A = arith.constant 0 : index
    %swap3A_15 = arith.constant 0 : index
    %swap3A_16 = arith.constant 0 : index
    %swap3A_17 = vector.load %arg4[%swap3A, %swap3A_15, %swap3A_16] : memref<1x32x640xf32, #tpu.memory_space<vmem>>, vector<1x32x640xf32>
    %swap3A_18 = vector.shape_cast %swap3A_17 : vector<1x32x640xf32> to vector<32x640xf32>
    %swap3A_19 = vector.shape_cast %dot_general3A_7 : vector<32x640xf32> to vector<1x32x640xf32>
    tpu.vector_store %arg4[%swap3A, %swap3A_15, %swap3A_16], %swap3A_19 {strides = array<i32>} : memref<1x32x640xf32, #tpu.memory_space<vmem>>, vector<1x32x640xf32>,
    %swap3A_20 = arith.constant 0 : index
    %swap3A_21 = arith.constant 0 : index
    %swap3A_22 = arith.constant 0 : index
    %swap3A_23 = vector.load %arg5[%swap3A_20, %swap3A_21, %swap3A_22] : memref<1x32x640xf32, #tpu.memory_space<vmem>>, vector<1x32x640xf32>
    %swap3A_24 = vector.shape_cast %swap3A_23 : vector<1x32x640xf32> to vector<32x640xf32>
    %swap3A_25 = vector.shape_cast %neg3A_14 : vector<32x640xf32> to vector<1x32x640xf32>
    tpu.vector_store %arg5[%swap3A_20, %swap3A_21, %swap3A_22], %swap3A_25 {strides = array<i32>} : memref<1x32x640xf32, #tpu.memory_space<vmem>>, vector<1x32x640xf32>,
    %iota3A = tpu.iota {dimensions = array<i32: 1>} : vector<32x640xi32>
    %lt3A = arith.constant 513 : i32
    %lt3A_26 = vector.broadcast %lt3A : i32 to vector<32x640xi32>
    %lt3A_27 = arith.cmpi slt, %iota3A, %lt3A_26 : vector<32x640xi32>
    %mul3A = arith.mulf %dot_general3A_7, %dot_general3A_7 : vector<32x640xf32>
    %mul3A_28 = arith.mulf %neg3A_14, %neg3A_14 : vector<32x640xf32>
    %add3A = arith.addf %mul3A, %mul3A_28 : vector<32x640xf32>
    %jit3A = arith.constant -1.000000e+00 : f32
    %broadcast_in_dim3A = vector.broadcast %jit3A : f32 to vector<32x640xf32>
    %select_n3A = arith.select %lt3A_27, %add3A, %broadcast_in_dim3A : vector<32x640xi1>, vector<32x640xf32>
    %swap3A_29 = arith.constant 0 : index
    %swap3A_30 = arith.constant 0 : index
    %swap3A_31 = arith.constant 0 : index
    %swap3A_32 = vector.load %arg6[%swap3A_29, %swap3A_30, %swap3A_31] : memref<1x32x640xf32, #tpu.memory_space<vmem>>, vector<1x32x640xf32>
    %swap3A_33 = vector.shape_cast %swap3A_32 : vector<1x32x640xf32> to vector<32x640xf32>
    %swap3A_34 = vector.shape_cast %select_n3A : vector<32x640xf32> to vector<1x32x640xf32>
    tpu.vector_store %arg6[%swap3A_29, %swap3A_30, %swap3A_31], %swap3A_34 {strides = array<i32>} : memref<1x32x640xf32, #tpu.memory_space<vmem>>, vector<1x32x640xf32>,
    return
  }
  func.func @transform_0(%arg0: i32) -> (i32, i32, i32) {
    %c0_i32 = arith.constant 0 : i32
    %c0_i32_0 = arith.constant 0 : i32
    %c0_i32_1 = arith.constant 0 : i32
    return %arg0, %c0_i32, %c0_i32_0 : i32, i32, i32
  }
  func.func @transform_1(%arg0: i32) -> (i32, i32) {
    %c0_i32 = arith.constant 0 : i32
    %c0_i32_0 = arith.constant 0 : i32
    %c0_i32_1 = arith.constant 0 : i32
    return %c0_i32, %c0_i32_0 : i32, i32
  }
  func.func @transform_2(%arg0: i32) -> (i32, i32) {
    %c0_i32 = arith.constant 0 : i32
    %c0_i32_0 = arith.constant 0 : i32
    %c0_i32_1 = arith.constant 0 : i32
    return %c0_i32, %c0_i32_0 : i32, i32
  }
  func.func @transform_3(%arg0: i32) -> (i32, i32, i32) {
    %c0_i32 = arith.constant 0 : i32
    %c0_i32_0 = arith.constant 0 : i32
    %c0_i32_1 = arith.constant 0 : i32
    return %arg0, %c0_i32, %c0_i32_0 : i32, i32, i32
  }
  func.func @transform_4(%arg0: i32) -> (i32, i32, i32) {
    %c0_i32 = arith.constant 0 : i32
    %c0_i32_0 = arith.constant 0 : i32
    %c0_i32_1 = arith.constant 0 : i32
    return %arg0, %c0_i32, %c0_i32_0 : i32, i32, i32
  }
  func.func @transform_5(%arg0: i32) -> (i32, i32, i32) {
    %c0_i32 = arith.constant 0 : i32
    %c0_i32_0 = arith.constant 0 : i32
    %c0_i32_1 = arith.constant 0 : i32
    return %arg0, %c0_i32, %c0_i32_0 : i32, i32, i32
  }
}

module attributes {stable_mosaic.version = 14 : i64} {
  func.func @_k2a_body(%arg0: i32, %arg1: memref<1x2x32x640xf32, #tpu.memory_space<vmem>>, %arg2: memref<1x2x32x640xf32, #tpu.memory_space<vmem>>, %arg3: memref<1x2x32x640xf32, #tpu.memory_space<vmem>>, %arg4: memref<1x32x64xi32, #tpu.memory_space<vmem>>, %arg5: memref<1x32x256xf32, #tpu.memory_space<vmem>>, %arg6: memref<2x32x640xf32, #tpu.memory_space<vmem>>) attributes {dimension_semantics = [#tpu.dimension_semantics<arbitrary>], iteration_bounds = array<i64: 16>, scalar_prefetch = 0 : i64, scratch_operands = 1 : i64, tpu.core_type = #tpu.core_type<tc>, window_params = [{transform_indices = @transform_0, window_bounds = array<i64: 1, 2, 32, 640>}, {transform_indices = @transform_1, window_bounds = array<i64: 1, 2, 32, 640>}, {transform_indices = @transform_2, window_bounds = array<i64: 1, 2, 32, 640>}, {transform_indices = @transform_3, window_bounds = array<i64: 1, 32, 64>}, {transform_indices = @transform_4, window_bounds = array<i64: 1, 32, 256>}]} {
    %get3A = arith.constant 0 : index
    %get3A_0 = arith.constant 0 : index
    %get3A_1 = arith.constant 0 : index
    %get3A_2 = arith.constant 0 : index
    %get3A_3 = vector.load %arg1[%get3A, %get3A_0, %get3A_1, %get3A_2] : memref<1x2x32x640xf32, #tpu.memory_space<vmem>>, vector<1x1x32x640xf32>
    %get3A_4 = vector.shape_cast %get3A_3 : vector<1x1x32x640xf32> to vector<32x640xf32>
    %swap3A = arith.constant 0 : index
    %swap3A_5 = arith.constant 0 : index
    %swap3A_6 = arith.constant 0 : index
    %swap3A_7 = vector.load %arg6[%swap3A, %swap3A_5, %swap3A_6] : memref<2x32x640xf32, #tpu.memory_space<vmem>>, vector<1x32x640xf32>
    %swap3A_8 = vector.shape_cast %swap3A_7 : vector<1x32x640xf32> to vector<32x640xf32>
    %swap3A_9 = vector.shape_cast %get3A_4 : vector<32x640xf32> to vector<1x32x640xf32>
    tpu.vector_store %arg6[%swap3A, %swap3A_5, %swap3A_6], %swap3A_9 {strides = array<i32>} : memref<2x32x640xf32, #tpu.memory_space<vmem>>, vector<1x32x640xf32>,
    %get3A_10 = arith.constant 0 : index
    %get3A_11 = arith.constant 1 : index
    %get3A_12 = arith.constant 0 : index
    %get3A_13 = arith.constant 0 : index
    %get3A_14 = vector.load %arg1[%get3A_10, %get3A_11, %get3A_12, %get3A_13] : memref<1x2x32x640xf32, #tpu.memory_space<vmem>>, vector<1x1x32x640xf32>
    %get3A_15 = vector.shape_cast %get3A_14 : vector<1x1x32x640xf32> to vector<32x640xf32>
    %swap3A_16 = arith.constant 1 : index
    %swap3A_17 = arith.constant 0 : index
    %swap3A_18 = arith.constant 0 : index
    %swap3A_19 = vector.load %arg6[%swap3A_16, %swap3A_17, %swap3A_18] : memref<2x32x640xf32, #tpu.memory_space<vmem>>, vector<1x32x640xf32>
    %swap3A_20 = vector.shape_cast %swap3A_19 : vector<1x32x640xf32> to vector<32x640xf32>
    %swap3A_21 = vector.shape_cast %get3A_15 : vector<32x640xf32> to vector<1x32x640xf32>
    tpu.vector_store %arg6[%swap3A_16, %swap3A_17, %swap3A_18], %swap3A_21 {strides = array<i32>} : memref<2x32x640xf32, #tpu.memory_space<vmem>>, vector<1x32x640xf32>,
    %get3A_22 = arith.constant 0 : index
    %get3A_23 = arith.constant 0 : index
    %get3A_24 = arith.constant 0 : index
    %get3A_25 = arith.constant 0 : index
    %get3A_26 = vector.load %arg2[%get3A_22, %get3A_23, %get3A_24, %get3A_25] : memref<1x2x32x640xf32, #tpu.memory_space<vmem>>, vector<1x1x32x640xf32>
    %get3A_27 = vector.shape_cast %get3A_26 : vector<1x1x32x640xf32> to vector<32x640xf32>
    %get3A_28 = arith.constant 0 : index
    %get3A_29 = arith.constant 0 : index
    %get3A_30 = arith.constant 0 : index
    %get3A_31 = arith.constant 0 : index
    %get3A_32 = vector.load %arg3[%get3A_28, %get3A_29, %get3A_30, %get3A_31] : memref<1x2x32x640xf32, #tpu.memory_space<vmem>>, vector<1x1x32x640xf32>
    %get3A_33 = vector.shape_cast %get3A_32 : vector<1x1x32x640xf32> to vector<32x640xf32>
    %get3A_34 = arith.constant 0 : index
    %get3A_35 = arith.constant 1 : index
    %get3A_36 = arith.constant 0 : index
    %get3A_37 = arith.constant 0 : index
    %get3A_38 = vector.load %arg2[%get3A_34, %get3A_35, %get3A_36, %get3A_37] : memref<1x2x32x640xf32, #tpu.memory_space<vmem>>, vector<1x1x32x640xf32>
    %get3A_39 = vector.shape_cast %get3A_38 : vector<1x1x32x640xf32> to vector<32x640xf32>
    %get3A_40 = arith.constant 0 : index
    %get3A_41 = arith.constant 1 : index
    %get3A_42 = arith.constant 0 : index
    %get3A_43 = arith.constant 0 : index
    %get3A_44 = vector.load %arg3[%get3A_40, %get3A_41, %get3A_42, %get3A_43] : memref<1x2x32x640xf32, #tpu.memory_space<vmem>>, vector<1x1x32x640xf32>
    %get3A_45 = vector.shape_cast %get3A_44 : vector<1x1x32x640xf32> to vector<32x640xf32>
    %iota3A = tpu.iota {dimensions = array<i32: 1>} : vector<32x640xi32>
    %iota3A_46 = tpu.iota {dimensions = array<i32: 1>} : vector<32x64xi32>
    %iota3A_47 = tpu.iota {dimensions = array<i32: 1>} : vector<32x128xi32>
    %broadcast_in_dim3A = arith.constant 0 : i32
    %broadcast_in_dim3A_48 = vector.broadcast %broadcast_in_dim3A : i32 to vector<32x64xi32>
    %broadcast_in_dim3A_49 = arith.constant 0.000000e+00 : f32
    %broadcast_in_dim3A_50 = vector.broadcast %broadcast_in_dim3A_49 : f32 to vector<32x128xf32>
    %scan3A = arith.constant 0 : i32
    %scan3A_51 = arith.constant 32 : i32
    %scan3A_52 = arith.addi %scan3A, %scan3A_51 : i32
    %scan3A_53 = arith.constant 1 : i32
    %scan3A_54:2 = scf.for %scan3A_71 = %scan3A to %scan3A_52 step %scan3A_53 iter_args(%scan3A_72 = %broadcast_in_dim3A_48, %scan3A_73 = %broadcast_in_dim3A_50) -> (vector<32x64xi32>, vector<32x128xf32>)  : i32 {
      %get3A_74 = arith.constant 0 : index
      %get3A_75 = arith.constant 0 : index
      %get3A_76 = arith.constant 0 : index
      %get3A_77 = vector.load %arg6[%get3A_74, %get3A_75, %get3A_76] : memref<2x32x640xf32, #tpu.memory_space<vmem>>, vector<1x32x640xf32>
      %get3A_78 = vector.shape_cast %get3A_77 : vector<1x32x640xf32> to vector<32x640xf32>
      %get3A_79 = arith.constant 1 : index
      %get3A_80 = arith.constant 0 : index
      %get3A_81 = arith.constant 0 : index
      %get3A_82 = vector.load %arg6[%get3A_79, %get3A_80, %get3A_81] : memref<2x32x640xf32, #tpu.memory_space<vmem>>, vector<1x32x640xf32>
      %get3A_83 = vector.shape_cast %get3A_82 : vector<1x32x640xf32> to vector<32x640xf32>
      %reduce_max3A = arith.constant dense<0xFF800000> : vector<32xf32>
      %reduce_max3A_84 = vector.multi_reduction <maximumf>, %get3A_78, %reduce_max3A [1] : vector<32x640xf32> to vector<32xf32>
      %broadcast_in_dim3A_85 = vector.shape_cast %reduce_max3A_84 : vector<32xf32> to vector<32x1xf32>
      %reduce_max3A_86 = arith.constant dense<0xFF800000> : vector<32xf32>
      %reduce_max3A_87 = vector.multi_reduction <maximumf>, %get3A_83, %reduce_max3A_86 [1] : vector<32x640xf32> to vector<32xf32>
      %broadcast_in_dim3A_88 = vector.shape_cast %reduce_max3A_87 : vector<32xf32> to vector<32x1xf32>
      %eq3A = vector.broadcast %broadcast_in_dim3A_85 : vector<32x1xf32> to vector<32x640xf32>
      %eq3A_89 = arith.cmpf oeq, %get3A_78, %eq3A : vector<32x640xf32>
      %jit3A = arith.constant 640 : i32
      %broadcast_in_dim3A_90 = vector.broadcast %jit3A : i32 to vector<32x640xi32>
      %select_n3A = arith.select %eq3A_89, %iota3A, %broadcast_in_dim3A_90 : vector<32x640xi1>, vector<32x640xi32>
      %reduce_min3A = arith.constant dense<2147483647> : vector<32xi32>
      %reduce_min3A_91 = vector.multi_reduction <minsi>, %select_n3A, %reduce_min3A [1] : vector<32x640xi32> to vector<32xi32>
      %broadcast_in_dim3A_92 = vector.shape_cast %reduce_min3A_91 : vector<32xi32> to vector<32x1xi32>
      %eq3A_93 = vector.broadcast %broadcast_in_dim3A_88 : vector<32x1xf32> to vector<32x640xf32>
      %eq3A_94 = arith.cmpf oeq, %get3A_83, %eq3A_93 : vector<32x640xf32>
      %jit3A_95 = arith.constant 640 : i32
      %broadcast_in_dim3A_96 = vector.broadcast %jit3A_95 : i32 to vector<32x640xi32>
      %select_n3A_97 = arith.select %eq3A_94, %iota3A, %broadcast_in_dim3A_96 : vector<32x640xi1>, vector<32x640xi32>
      %reduce_min3A_98 = arith.constant dense<2147483647> : vector<32xi32>
      %reduce_min3A_99 = vector.multi_reduction <minsi>, %select_n3A_97, %reduce_min3A_98 [1] : vector<32x640xi32> to vector<32xi32>
      %broadcast_in_dim3A_100 = vector.shape_cast %reduce_min3A_99 : vector<32xi32> to vector<32x1xi32>
      %eq3A_101 = vector.broadcast %broadcast_in_dim3A_92 : vector<32x1xi32> to vector<32x640xi32>
      %eq3A_102 = arith.cmpi eq, %iota3A, %eq3A_101 : vector<32x640xi32>
      %eq3A_103 = vector.broadcast %broadcast_in_dim3A_100 : vector<32x1xi32> to vector<32x640xi32>
      %eq3A_104 = arith.cmpi eq, %iota3A, %eq3A_103 : vector<32x640xi32>
      %jit3A_105 = arith.constant 0.000000e+00 : f32
      %broadcast_in_dim3A_106 = vector.broadcast %jit3A_105 : f32 to vector<32x640xf32>
      %select_n3A_107 = arith.select %eq3A_102, %get3A_27, %broadcast_in_dim3A_106 : vector<32x640xi1>, vector<32x640xf32>
      %reduce_sum3A = arith.constant dense<0.000000e+00> : vector<32xf32>
      %reduce_sum3A_108 = vector.multi_reduction <add>, %select_n3A_107, %reduce_sum3A [1] : vector<32x640xf32> to vector<32xf32>
      %broadcast_in_dim3A_109 = vector.shape_cast %reduce_sum3A_108 : vector<32xf32> to vector<32x1xf32>
      %jit3A_110 = arith.constant 0.000000e+00 : f32
      %broadcast_in_dim3A_111 = vector.broadcast %jit3A_110 : f32 to vector<32x640xf32>
      %select_n3A_112 = arith.select %eq3A_102, %get3A_33, %broadcast_in_dim3A_111 : vector<32x640xi1>, vector<32x640xf32>
      %reduce_sum3A_113 = arith.constant dense<0.000000e+00> : vector<32xf32>
      %reduce_sum3A_114 = vector.multi_reduction <add>, %select_n3A_112, %reduce_sum3A_113 [1] : vector<32x640xf32> to vector<32xf32>
      %broadcast_in_dim3A_115 = vector.shape_cast %reduce_sum3A_114 : vector<32xf32> to vector<32x1xf32>
      %jit3A_116 = arith.constant 0.000000e+00 : f32
      %broadcast_in_dim3A_117 = vector.broadcast %jit3A_116 : f32 to vector<32x640xf32>
      %select_n3A_118 = arith.select %eq3A_104, %get3A_39, %broadcast_in_dim3A_117 : vector<32x640xi1>, vector<32x640xf32>
      %reduce_sum3A_119 = arith.constant dense<0.000000e+00> : vector<32xf32>
      %reduce_sum3A_120 = vector.multi_reduction <add>, %select_n3A_118, %reduce_sum3A_119 [1] : vector<32x640xf32> to vector<32xf32>
      %broadcast_in_dim3A_121 = vector.shape_cast %reduce_sum3A_120 : vector<32xf32> to vector<32x1xf32>
      %jit3A_122 = arith.constant 0.000000e+00 : f32
      %broadcast_in_dim3A_123 = vector.broadcast %jit3A_122 : f32 to vector<32x640xf32>
      %select_n3A_124 = arith.select %eq3A_104, %get3A_45, %broadcast_in_dim3A_123 : vector<32x640xi1>, vector<32x640xf32>
      %reduce_sum3A_125 = arith.constant dense<0.000000e+00> : vector<32xf32>
      %reduce_sum3A_126 = vector.multi_reduction <add>, %select_n3A_124, %reduce_sum3A_125 [1] : vector<32x640xf32> to vector<32xf32>
      %broadcast_in_dim3A_127 = vector.shape_cast %reduce_sum3A_126 : vector<32xf32> to vector<32x1xf32>
      %eq3A_128 = vector.broadcast %scan3A_71 : i32 to vector<32x64xi32>
      %eq3A_129 = arith.cmpi eq, %iota3A_46, %eq3A_128 : vector<32x64xi32>
      %broadcast_in_dim3A_130 = vector.shape_cast %broadcast_in_dim3A_92 : vector<32x1xi32> to vector<32x1xi32>
      %broadcast_in_dim3A_131 = vector.broadcast %broadcast_in_dim3A_130 : vector<32x1xi32> to vector<32x64xi32>
      %select_n3A_132 = arith.select %eq3A_129, %broadcast_in_dim3A_131, %scan3A_72 : vector<32x64xi1>, vector<32x64xi32>
      %add3A = arith.constant 32 : i32
      %add3A_133 = arith.addi %add3A, %scan3A_71 : i32
      %eq3A_134 = vector.broadcast %add3A_133 : i32 to vector<32x64xi32>
      %eq3A_135 = arith.cmpi eq, %iota3A_46, %eq3A_134 : vector<32x64xi32>
      %broadcast_in_dim3A_136 = vector.shape_cast %broadcast_in_dim3A_100 : vector<32x1xi32> to vector<32x1xi32>
      %broadcast_in_dim3A_137 = vector.broadcast %broadcast_in_dim3A_136 : vector<32x1xi32> to vector<32x64xi32>
      %select_n3A_138 = arith.select %eq3A_135, %broadcast_in_dim3A_137, %select_n3A_132 : vector<32x64xi1>, vector<32x64xi32>
      %eq3A_139 = vector.broadcast %scan3A_71 : i32 to vector<32x128xi32>
      %eq3A_140 = arith.cmpi eq, %iota3A_47, %eq3A_139 : vector<32x128xi32>
      %broadcast_in_dim3A_141 = vector.shape_cast %broadcast_in_dim3A_109 : vector<32x1xf32> to vector<32x1xf32>
      %broadcast_in_dim3A_142 = vector.broadcast %broadcast_in_dim3A_141 : vector<32x1xf32> to vector<32x128xf32>
      %select_n3A_143 = arith.select %eq3A_140, %broadcast_in_dim3A_142, %scan3A_73 : vector<32x128xi1>, vector<32x128xf32>
      %add3A_144 = arith.constant 32 : i32
      %add3A_145 = arith.addi %add3A_144, %scan3A_71 : i32
      %eq3A_146 = vector.broadcast %add3A_145 : i32 to vector<32x128xi32>
      %eq3A_147 = arith.cmpi eq, %iota3A_47, %eq3A_146 : vector<32x128xi32>
      %broadcast_in_dim3A_148 = vector.shape_cast %broadcast_in_dim3A_115 : vector<32x1xf32> to vector<32x1xf32>
      %broadcast_in_dim3A_149 = vector.broadcast %broadcast_in_dim3A_148 : vector<32x1xf32> to vector<32x128xf32>
      %select_n3A_150 = arith.select %eq3A_147, %broadcast_in_dim3A_149, %select_n3A_143 : vector<32x128xi1>, vector<32x128xf32>
      %add3A_151 = arith.constant 64 : i32
      %add3A_152 = arith.addi %add3A_151, %scan3A_71 : i32
      %eq3A_153 = vector.broadcast %add3A_152 : i32 to vector<32x128xi32>
      %eq3A_154 = arith.cmpi eq, %iota3A_47, %eq3A_153 : vector<32x128xi32>
      %broadcast_in_dim3A_155 = vector.shape_cast %broadcast_in_dim3A_121 : vector<32x1xf32> to vector<32x1xf32>
      %broadcast_in_dim3A_156 = vector.broadcast %broadcast_in_dim3A_155 : vector<32x1xf32> to vector<32x128xf32>
      %select_n3A_157 = arith.select %eq3A_154, %broadcast_in_dim3A_156, %select_n3A_150 : vector<32x128xi1>, vector<32x128xf32>
      %add3A_158 = arith.constant 96 : i32
      %add3A_159 = arith.addi %add3A_158, %scan3A_71 : i32
      %eq3A_160 = vector.broadcast %add3A_159 : i32 to vector<32x128xi32>
      %eq3A_161 = arith.cmpi eq, %iota3A_47, %eq3A_160 : vector<32x128xi32>
      %broadcast_in_dim3A_162 = vector.shape_cast %broadcast_in_dim3A_127 : vector<32x1xf32> to vector<32x1xf32>
      %broadcast_in_dim3A_163 = vector.broadcast %broadcast_in_dim3A_162 : vector<32x1xf32> to vector<32x128xf32>
      %select_n3A_164 = arith.select %eq3A_161, %broadcast_in_dim3A_163, %select_n3A_157 : vector<32x128xi1>, vector<32x128xf32>
      %jit3A_165 = arith.constant -1.000000e+00 : f32
      %broadcast_in_dim3A_166 = vector.broadcast %jit3A_165 : f32 to vector<32x640xf32>
      %select_n3A_167 = arith.select %eq3A_102, %broadcast_in_dim3A_166, %get3A_78 : vector<32x640xi1>, vector<32x640xf32>
      %swap3A_168 = arith.constant 0 : index
      %swap3A_169 = arith.constant 0 : index
      %swap3A_170 = arith.constant 0 : index
      %swap3A_171 = vector.load %arg6[%swap3A_168, %swap3A_169, %swap3A_170] : memref<2x32x640xf32, #tpu.memory_space<vmem>>, vector<1x32x640xf32>
      %swap3A_172 = vector.shape_cast %swap3A_171 : vector<1x32x640xf32> to vector<32x640xf32>
      %swap3A_173 = vector.shape_cast %select_n3A_167 : vector<32x640xf32> to vector<1x32x640xf32>
      tpu.vector_store %arg6[%swap3A_168, %swap3A_169, %swap3A_170], %swap3A_173 {strides = array<i32>} : memref<2x32x640xf32, #tpu.memory_space<vmem>>, vector<1x32x640xf32>,
      %jit3A_174 = arith.constant -1.000000e+00 : f32
      %broadcast_in_dim3A_175 = vector.broadcast %jit3A_174 : f32 to vector<32x640xf32>
      %select_n3A_176 = arith.select %eq3A_104, %broadcast_in_dim3A_175, %get3A_83 : vector<32x640xi1>, vector<32x640xf32>
      %swap3A_177 = arith.constant 1 : index
      %swap3A_178 = arith.constant 0 : index
      %swap3A_179 = arith.constant 0 : index
      %swap3A_180 = vector.load %arg6[%swap3A_177, %swap3A_178, %swap3A_179] : memref<2x32x640xf32, #tpu.memory_space<vmem>>, vector<1x32x640xf32>
      %swap3A_181 = vector.shape_cast %swap3A_180 : vector<1x32x640xf32> to vector<32x640xf32>
      %swap3A_182 = vector.shape_cast %select_n3A_176 : vector<32x640xf32> to vector<1x32x640xf32>
      tpu.vector_store %arg6[%swap3A_177, %swap3A_178, %swap3A_179], %swap3A_182 {strides = array<i32>} : memref<2x32x640xf32, #tpu.memory_space<vmem>>, vector<1x32x640xf32>,
      scf.yield %select_n3A_138, %select_n3A_164 : vector<32x64xi32>, vector<32x128xf32>
    }
    %scan3A_55 = arith.constant 32 : i32
    %swap3A_56 = arith.constant 0 : index
    %swap3A_57 = arith.constant 0 : index
    %swap3A_58 = arith.constant 0 : index
    %swap3A_59 = vector.load %arg4[%swap3A_56, %swap3A_57, %swap3A_58] : memref<1x32x64xi32, #tpu.memory_space<vmem>>, vector<1x32x64xi32>
    %swap3A_60 = vector.shape_cast %swap3A_59 : vector<1x32x64xi32> to vector<32x64xi32>
    %swap3A_61 = vector.shape_cast %scan3A_54#0 : vector<32x64xi32> to vector<1x32x64xi32>
    tpu.vector_store %arg4[%swap3A_56, %swap3A_57, %swap3A_58], %swap3A_61 {strides = array<i32>} : memref<1x32x64xi32, #tpu.memory_space<vmem>>, vector<1x32x64xi32>,
    %slice3A = vector.extract_strided_slice %scan3A_54#1 {offsets = [0, 0], sizes = [32, 32], strides = [1, 1]} : vector<32x128xf32> to vector<32x32xf32>
    %slice3A_62 = vector.extract_strided_slice %scan3A_54#1 {offsets = [0, 32], sizes = [32, 32], strides = [1, 1]} : vector<32x128xf32> to vector<32x32xf32>
    %slice3A_63 = vector.extract_strided_slice %scan3A_54#1 {offsets = [0, 64], sizes = [32, 32], strides = [1, 1]} : vector<32x128xf32> to vector<32x32xf32>
    %slice3A_64 = vector.extract_strided_slice %scan3A_54#1 {offsets = [0, 96], sizes = [32, 32], strides = [1, 1]} : vector<32x128xf32> to vector<32x32xf32>
    %concatenate3A = tpu.concatenate %slice3A, %slice3A_62, %slice3A_63, %slice3A_64, %slice3A, %slice3A_62, %slice3A_63, %slice3A_64 in 1 : vector<32x32xf32>, vector<32x32xf32>, vector<32x32xf32>, vector<32x32xf32>, vector<32x32xf32>, vector<32x32xf32>, vector<32x32xf32>, vector<32x32xf32> -> vector<32x256xf32>
    %swap3A_65 = arith.constant 0 : index
    %swap3A_66 = arith.constant 0 : index
    %swap3A_67 = arith.constant 0 : index
    %swap3A_68 = vector.load %arg5[%swap3A_65, %swap3A_66, %swap3A_67] : memref<1x32x256xf32, #tpu.memory_space<vmem>>, vector<1x32x256xf32>
    %swap3A_69 = vector.shape_cast %swap3A_68 : vector<1x32x256xf32> to vector<32x256xf32>
    %swap3A_70 = vector.shape_cast %concatenate3A : vector<32x256xf32> to vector<1x32x256xf32>
    tpu.vector_store %arg5[%swap3A_65, %swap3A_66, %swap3A_67], %swap3A_70 {strides = array<i32>} : memref<1x32x256xf32, #tpu.memory_space<vmem>>, vector<1x32x256xf32>,
    return
  }
  func.func @transform_0(%arg0: i32) -> (i32, i32, i32, i32) {
    %c0_i32 = arith.constant 0 : i32
    %c0_i32_0 = arith.constant 0 : i32
    %c0_i32_1 = arith.constant 0 : i32
    %c0_i32_2 = arith.constant 0 : i32
    return %arg0, %c0_i32, %c0_i32_0, %c0_i32_1 : i32, i32, i32, i32
  }
  func.func @transform_1(%arg0: i32) -> (i32, i32, i32, i32) {
    %c0_i32 = arith.constant 0 : i32
    %c0_i32_0 = arith.constant 0 : i32
    %c0_i32_1 = arith.constant 0 : i32
    %c0_i32_2 = arith.constant 0 : i32
    return %arg0, %c0_i32, %c0_i32_0, %c0_i32_1 : i32, i32, i32, i32
  }
  func.func @transform_2(%arg0: i32) -> (i32, i32, i32, i32) {
    %c0_i32 = arith.constant 0 : i32
    %c0_i32_0 = arith.constant 0 : i32
    %c0_i32_1 = arith.constant 0 : i32
    %c0_i32_2 = arith.constant 0 : i32
    return %arg0, %c0_i32, %c0_i32_0, %c0_i32_1 : i32, i32, i32, i32
  }
  func.func @transform_3(%arg0: i32) -> (i32, i32, i32) {
    %c0_i32 = arith.constant 0 : i32
    %c0_i32_0 = arith.constant 0 : i32
    %c0_i32_1 = arith.constant 0 : i32
    return %arg0, %c0_i32, %c0_i32_0 : i32, i32, i32
  }
  func.func @transform_4(%arg0: i32) -> (i32, i32, i32) {
    %c0_i32 = arith.constant 0 : i32
    %c0_i32_0 = arith.constant 0 : i32
    %c0_i32_1 = arith.constant 0 : i32
    return %arg0, %c0_i32, %c0_i32_0 : i32, i32, i32
  }
}

module attributes {stable_mosaic.version = 14 : i64} {
  func.func @_k3a_body(%arg0: i32, %arg1: memref<1x32xf32, #tpu.memory_space<vmem>>, %arg2: memref<32x32xf32, #tpu.memory_space<vmem>>, %arg3: memref<32x32xf32, #tpu.memory_space<vmem>>, %arg4: memref<32x32xf32, #tpu.memory_space<vmem>>, %arg5: memref<32x32xf32, #tpu.memory_space<vmem>>, %arg6: memref<1x32xf32, #tpu.memory_space<vmem>>, %arg7: memref<1x32xf32, #tpu.memory_space<vmem>>, %arg8: memref<1x32xf32, #tpu.memory_space<vmem>>, %arg9: memref<1x32xf32, #tpu.memory_space<vmem>>, %arg10: memref<32x16384xf32, #tpu.memory_space<vmem>>, %arg11: memref<8x16384xf32, #tpu.memory_space<vmem>>) attributes {dimension_semantics = [#tpu.dimension_semantics<arbitrary>], iteration_bounds = array<i64: 12>, scalar_prefetch = 0 : i64, scratch_operands = 0 : i64, tpu.core_type = #tpu.core_type<tc>, window_params = [{pipeline_mode = #tpu.pipeline_mode<synchronous>, transform_indices = @transform_0, window_bounds = array<i64: 1, 32>}, {pipeline_mode = #tpu.pipeline_mode<synchronous>, transform_indices = @transform_1, window_bounds = array<i64: 32, 32>}, {pipeline_mode = #tpu.pipeline_mode<synchronous>, transform_indices = @transform_2, window_bounds = array<i64: 32, 32>}, {pipeline_mode = #tpu.pipeline_mode<synchronous>, transform_indices = @transform_3, window_bounds = array<i64: 32, 32>}, {pipeline_mode = #tpu.pipeline_mode<synchronous>, transform_indices = @transform_4, window_bounds = array<i64: 32, 32>}, {pipeline_mode = #tpu.pipeline_mode<synchronous>, transform_indices = @transform_5, window_bounds = array<i64: 1, 32>}, {pipeline_mode = #tpu.pipeline_mode<synchronous>, transform_indices = @transform_6, window_bounds = array<i64: 1, 32>}, {pipeline_mode = #tpu.pipeline_mode<synchronous>, transform_indices = @transform_7, window_bounds = array<i64: 1, 32>}, {pipeline_mode = #tpu.pipeline_mode<synchronous>, transform_indices = @transform_8, window_bounds = array<i64: 1, 32>}, {transform_indices = @transform_9, window_bounds = array<i64: 32, 16384>}, {transform_indices = @transform_10, window_bounds = array<i64: 8, 16384>}]} {
    %get3A = arith.constant 0 : index
    %get3A_0 = arith.constant 0 : index
    %get3A_1 = vector.load %arg1[%get3A, %get3A_0] : memref<1x32xf32, #tpu.memory_space<vmem>>, vector<1x32xf32>
    %get3A_2 = arith.constant 0 : index
    %get3A_3 = arith.constant 0 : index
    %get3A_4 = vector.load %arg2[%get3A_2, %get3A_3] : memref<32x32xf32, #tpu.memory_space<vmem>>, vector<32x32xf32>
    %dot_general3A = arith.constant dense<0.000000e+00> : vector<1x32xf32>
    %dot_general3A_5 = tpu.matmul %get3A_1, %get3A_4, %dot_general3A {dimension_numbers = #tpu.dot_dimension_numbers<[1], [0], [0], [1], [0, 0, 1, 1], [], []>, precision = #tpu.contract_precision<fp32>, transpose_lhs_hint = false} : vector<1x32xf32>, vector<32x32xf32>, vector<1x32xf32> -> vector<1x32xf32>
    %get3A_6 = arith.constant 0 : index
    %get3A_7 = arith.constant 0 : index
    %get3A_8 = vector.load %arg3[%get3A_6, %get3A_7] : memref<32x32xf32, #tpu.memory_space<vmem>>, vector<32x32xf32>
    %dot_general3A_9 = arith.constant dense<0.000000e+00> : vector<1x32xf32>
    %dot_general3A_10 = tpu.matmul %get3A_1, %get3A_8, %dot_general3A_9 {dimension_numbers = #tpu.dot_dimension_numbers<[1], [0], [0], [1], [0, 0, 1, 1], [], []>, precision = #tpu.contract_precision<fp32>, transpose_lhs_hint = false} : vector<1x32xf32>, vector<32x32xf32>, vector<1x32xf32> -> vector<1x32xf32>
    %get3A_11 = arith.constant 0 : index
    %get3A_12 = arith.constant 0 : index
    %get3A_13 = vector.load %arg4[%get3A_11, %get3A_12] : memref<32x32xf32, #tpu.memory_space<vmem>>, vector<32x32xf32>
    %dot_general3A_14 = arith.constant dense<0.000000e+00> : vector<1x32xf32>
    %dot_general3A_15 = tpu.matmul %get3A_1, %get3A_13, %dot_general3A_14 {dimension_numbers = #tpu.dot_dimension_numbers<[1], [0], [0], [1], [0, 0, 1, 1], [], []>, precision = #tpu.contract_precision<fp32>, transpose_lhs_hint = false} : vector<1x32xf32>, vector<32x32xf32>, vector<1x32xf32> -> vector<1x32xf32>
    %get3A_16 = arith.constant 0 : index
    %get3A_17 = arith.constant 0 : index
    %get3A_18 = vector.load %arg5[%get3A_16, %get3A_17] : memref<32x32xf32, #tpu.memory_space<vmem>>, vector<32x32xf32>
    %dot_general3A_19 = arith.constant dense<0.000000e+00> : vector<1x32xf32>
    %dot_general3A_20 = tpu.matmul %get3A_1, %get3A_18, %dot_general3A_19 {dimension_numbers = #tpu.dot_dimension_numbers<[1], [0], [0], [1], [0, 0, 1, 1], [], []>, precision = #tpu.contract_precision<fp32>, transpose_lhs_hint = false} : vector<1x32xf32>, vector<32x32xf32>, vector<1x32xf32> -> vector<1x32xf32>
    %get3A_21 = arith.constant 0 : index
    %get3A_22 = arith.constant 0 : index
    %get3A_23 = vector.load %arg6[%get3A_21, %get3A_22] : memref<1x32xf32, #tpu.memory_space<vmem>>, vector<1x32xf32>
    %get3A_24 = arith.constant 0 : index
    %get3A_25 = arith.constant 0 : index
    %get3A_26 = vector.load %arg7[%get3A_24, %get3A_25] : memref<1x32xf32, #tpu.memory_space<vmem>>, vector<1x32xf32>
    %get3A_27 = arith.constant 0 : index
    %get3A_28 = arith.constant 0 : index
    %get3A_29 = vector.load %arg8[%get3A_27, %get3A_28] : memref<1x32xf32, #tpu.memory_space<vmem>>, vector<1x32xf32>
    %get3A_30 = arith.constant 0 : index
    %get3A_31 = arith.constant 0 : index
    %get3A_32 = vector.load %arg9[%get3A_30, %get3A_31] : memref<1x32xf32, #tpu.memory_space<vmem>>, vector<1x32xf32>
    %concatenate3A = tpu.concatenate %dot_general3A_5, %dot_general3A_10, %dot_general3A_15, %dot_general3A_20, %get3A_23, %get3A_26, %get3A_29, %get3A_32 in 0 : vector<1x32xf32>, vector<1x32xf32>, vector<1x32xf32>, vector<1x32xf32>, vector<1x32xf32>, vector<1x32xf32>, vector<1x32xf32>, vector<1x32xf32> -> vector<8x32xf32>
    %get3A_33 = arith.constant 0 : index
    %get3A_34 = arith.constant 0 : index
    %get3A_35 = vector.load %arg10[%get3A_33, %get3A_34] : memref<32x16384xf32, #tpu.memory_space<vmem>>, vector<32x16384xf32>
    %dot_general3A_36 = arith.constant dense<0.000000e+00> : vector<8x16384xf32>
    %dot_general3A_37 = tpu.matmul %concatenate3A, %get3A_35, %dot_general3A_36 {dimension_numbers = #tpu.dot_dimension_numbers<[1], [0], [0], [1], [0, 0, 1, 1], [], []>, precision = #tpu.contract_precision<fp32>, transpose_lhs_hint = false} : vector<8x32xf32>, vector<32x16384xf32>, vector<8x16384xf32> -> vector<8x16384xf32>
    %swap3A = arith.constant 0 : index
    %swap3A_38 = arith.constant 0 : index
    %swap3A_39 = vector.load %arg11[%swap3A, %swap3A_38] : memref<8x16384xf32, #tpu.memory_space<vmem>>, vector<8x16384xf32>
    tpu.vector_store %arg11[%swap3A, %swap3A_38], %dot_general3A_37 {strides = array<i32>} : memref<8x16384xf32, #tpu.memory_space<vmem>>, vector<8x16384xf32>,
    return
  }
  func.func @transform_0(%arg0: i32) -> (i32, i32) {
    %c0_i32 = arith.constant 0 : i32
    %c0_i32_0 = arith.constant 0 : i32
    %c0_i32_1 = arith.constant 0 : i32
    return %c0_i32, %c0_i32_0 : i32, i32
  }
  func.func @transform_1(%arg0: i32) -> (i32, i32) {
    %c0_i32 = arith.constant 0 : i32
    %c0_i32_0 = arith.constant 0 : i32
    %c0_i32_1 = arith.constant 0 : i32
    return %c0_i32, %c0_i32_0 : i32, i32
  }
  func.func @transform_2(%arg0: i32) -> (i32, i32) {
    %c0_i32 = arith.constant 0 : i32
    %c0_i32_0 = arith.constant 0 : i32
    %c0_i32_1 = arith.constant 0 : i32
    return %c0_i32, %c0_i32_0 : i32, i32
  }
  func.func @transform_3(%arg0: i32) -> (i32, i32) {
    %c0_i32 = arith.constant 0 : i32
    %c0_i32_0 = arith.constant 0 : i32
    %c0_i32_1 = arith.constant 0 : i32
    return %c0_i32, %c0_i32_0 : i32, i32
  }
  func.func @transform_4(%arg0: i32) -> (i32, i32) {
    %c0_i32 = arith.constant 0 : i32
    %c0_i32_0 = arith.constant 0 : i32
    %c0_i32_1 = arith.constant 0 : i32
    return %c0_i32, %c0_i32_0 : i32, i32
  }
  func.func @transform_5(%arg0: i32) -> (i32, i32) {
    %c0_i32 = arith.constant 0 : i32
    %c0_i32_0 = arith.constant 0 : i32
    %c0_i32_1 = arith.constant 0 : i32
    return %c0_i32, %c0_i32_0 : i32, i32
  }
  func.func @transform_6(%arg0: i32) -> (i32, i32) {
    %c0_i32 = arith.constant 0 : i32
    %c0_i32_0 = arith.constant 0 : i32
    %c0_i32_1 = arith.constant 0 : i32
    return %c0_i32, %c0_i32_0 : i32, i32
  }
  func.func @transform_7(%arg0: i32) -> (i32, i32) {
    %c0_i32 = arith.constant 0 : i32
    %c0_i32_0 = arith.constant 0 : i32
    %c0_i32_1 = arith.constant 0 : i32
    return %c0_i32, %c0_i32_0 : i32, i32
  }
  func.func @transform_8(%arg0: i32) -> (i32, i32) {
    %c0_i32 = arith.constant 0 : i32
    %c0_i32_0 = arith.constant 0 : i32
    %c0_i32_1 = arith.constant 0 : i32
    return %c0_i32, %c0_i32_0 : i32, i32
  }
  func.func @transform_9(%arg0: i32) -> (i32, i32) {
    %c0_i32 = arith.constant 0 : i32
    %c0_i32_0 = arith.constant 0 : i32
    return %c0_i32, %arg0 : i32, i32
  }
  func.func @transform_10(%arg0: i32) -> (i32, i32) {
    %c0_i32 = arith.constant 0 : i32
    %c0_i32_0 = arith.constant 0 : i32
    return %c0_i32, %arg0 : i32, i32
  }
}

module attributes {stable_mosaic.version = 14 : i64} {
  func.func @_k3b_body2(%arg0: i32, %arg1: i32, %arg2: i32, %arg3: memref<1x1x512x640xf32, #tpu.memory_space<vmem>>, %arg4: memref<1x1x512x128xf32, #tpu.memory_space<vmem>>, %arg5: memref<1x1x640x128xf32, #tpu.memory_space<vmem>>) attributes {dimension_semantics = [#tpu.dimension_semantics<arbitrary>, #tpu.dimension_semantics<arbitrary>, #tpu.dimension_semantics<arbitrary>], iteration_bounds = array<i64: 2, 10, 2>, scalar_prefetch = 0 : i64, scratch_operands = 0 : i64, tpu.core_type = #tpu.core_type<tc>, window_params = [{transform_indices = @transform_0, window_bounds = array<i64: 1, 1, 512, 640>}, {transform_indices = @transform_1, window_bounds = array<i64: 1, 1, 512, 128>}, {transform_indices = @transform_2, window_bounds = array<i64: 1, 1, 640, 128>}]} {
    %add3A = arith.addi %arg0, %arg2 : i32
    %jit3A = arith.constant 2 : i32
    %eq3A = arith.constant 0 : i32
    %eq3A_0 = arith.cmpi eq, %jit3A, %eq3A : i32
    %jit3A_1 = arith.constant 1 : i32
    %select_n3A = arith.select %eq3A_0, %jit3A_1, %jit3A : i32
    %rem3A = arith.remsi %add3A, %select_n3A : i32
    %ne3A = arith.constant 0 : i32
    %ne3A_2 = arith.cmpi ne, %rem3A, %ne3A : i32
    %lt3A = arith.constant 0 : i32
    %lt3A_3 = arith.cmpi slt, %rem3A, %lt3A : i32
    %lt3A_4 = arith.constant 0 : i32
    %lt3A_5 = arith.cmpi slt, %select_n3A, %lt3A_4 : i32
    %ne3A_6 = arith.xori %lt3A_3, %lt3A_5 : i1
    %and3A = arith.andi %ne3A_6, %ne3A_2 : i1
    %add3A_7 = arith.addi %rem3A, %select_n3A : i32
    %select_n3A_8 = arith.select %and3A, %add3A_7, %rem3A : i32
    %eq3A_9 = arith.constant 0 : i32
    %eq3A_10 = arith.cmpi eq, %select_n3A_8, %eq3A_9 : i32
    %jit3A_11 = arith.constant 1.000000e+00 : f32
    %jit3A_12 = arith.constant 5.000000e-01 : f32
    %select_n3A_13 = arith.select %eq3A_10, %jit3A_11, %jit3A_12 : f32
    %get3A = arith.constant 0 : index
    %get3A_14 = arith.constant 0 : index
    %get3A_15 = arith.constant 0 : index
    %get3A_16 = arith.constant 0 : index
    %get3A_17 = vector.load %arg4[%get3A, %get3A_14, %get3A_15, %get3A_16] : memref<1x1x512x128xf32, #tpu.memory_space<vmem>>, vector<1x1x512x128xf32>
    %get3A_18 = vector.shape_cast %get3A_17 : vector<1x1x512x128xf32> to vector<512x128xf32>
    %mul3A = vector.broadcast %select_n3A_13 : f32 to vector<512x128xf32>
    %mul3A_19 = arith.mulf %get3A_18, %mul3A : vector<512x128xf32>
    %get3A_20 = arith.constant 0 : index
    %get3A_21 = arith.constant 0 : index
    %get3A_22 = arith.constant 0 : index
    %get3A_23 = arith.constant 0 : index
    %get3A_24 = vector.load %arg3[%get3A_20, %get3A_21, %get3A_22, %get3A_23] : memref<1x1x512x640xf32, #tpu.memory_space<vmem>>, vector<1x1x512x640xf32>
    %get3A_25 = vector.shape_cast %get3A_24 : vector<1x1x512x640xf32> to vector<512x640xf32>
    %dot_general3A = arith.constant dense<0.000000e+00> : vector<640x128xf32>
    %dot_general3A_26 = tpu.matmul %get3A_25, %mul3A_19, %dot_general3A {dimension_numbers = #tpu.dot_dimension_numbers<[0], [0], [1], [1], [0, 1, 1, 1], [], []>, precision = #tpu.contract_precision<fp32>, transpose_lhs_hint = false} : vector<512x640xf32>, vector<512x128xf32>, vector<640x128xf32> -> vector<640x128xf32>
    %eq3A_27 = arith.constant 0 : i32
    %eq3A_28 = arith.cmpi eq, %arg2, %eq3A_27 : i32
    %convert_element_type3A = arith.extui %eq3A_28 : i1 to i32
    %cond3A = arith.constant 0 : i32
    %cond3A_29 = arith.cmpi ne, %convert_element_type3A, %cond3A : i32
    scf.if %cond3A_29 {
      %swap3A = arith.constant 0 : index
      %swap3A_35 = arith.constant 0 : index
      %swap3A_36 = arith.constant 0 : index
      %swap3A_37 = arith.constant 0 : index
      %swap3A_38 = vector.load %arg5[%swap3A, %swap3A_35, %swap3A_36, %swap3A_37] : memref<1x1x640x128xf32, #tpu.memory_space<vmem>>, vector<1x1x640x128xf32>
      %swap3A_39 = vector.shape_cast %swap3A_38 : vector<1x1x640x128xf32> to vector<640x128xf32>
      %swap3A_40 = vector.shape_cast %dot_general3A_26 : vector<640x128xf32> to vector<1x1x640x128xf32>
      tpu.vector_store %arg5[%swap3A, %swap3A_35, %swap3A_36, %swap3A_37], %swap3A_40 {strides = array<i32>} : memref<1x1x640x128xf32, #tpu.memory_space<vmem>>, vector<1x1x640x128xf32>,
    } else {
    }
    %ne3A_30 = arith.constant 0 : i32
    %ne3A_31 = arith.cmpi ne, %arg2, %ne3A_30 : i32
    %convert_element_type3A_32 = arith.extui %ne3A_31 : i1 to i32
    %cond3A_33 = arith.constant 0 : i32
    %cond3A_34 = arith.cmpi ne, %convert_element_type3A_32, %cond3A_33 : i32
    scf.if %cond3A_34 {
      %get3A_35 = arith.constant 0 : index
      %get3A_36 = arith.constant 0 : index
      %get3A_37 = arith.constant 0 : index
      %get3A_38 = arith.constant 0 : index
      %get3A_39 = vector.load %arg5[%get3A_35, %get3A_36, %get3A_37, %get3A_38] : memref<1x1x640x128xf32, #tpu.memory_space<vmem>>, vector<1x1x640x128xf32>
      %get3A_40 = vector.shape_cast %get3A_39 : vector<1x1x640x128xf32> to vector<640x128xf32>
      %add3A_41 = arith.addf %get3A_40, %dot_general3A_26 : vector<640x128xf32>
      %swap3A = arith.constant 0 : index
      %swap3A_42 = arith.constant 0 : index
      %swap3A_43 = arith.constant 0 : index
      %swap3A_44 = arith.constant 0 : index
      %swap3A_45 = vector.load %arg5[%swap3A, %swap3A_42, %swap3A_43, %swap3A_44] : memref<1x1x640x128xf32, #tpu.memory_space<vmem>>, vector<1x1x640x128xf32>
      %swap3A_46 = vector.shape_cast %swap3A_45 : vector<1x1x640x128xf32> to vector<640x128xf32>
      %swap3A_47 = vector.shape_cast %add3A_41 : vector<640x128xf32> to vector<1x1x640x128xf32>
      tpu.vector_store %arg5[%swap3A, %swap3A_42, %swap3A_43, %swap3A_44], %swap3A_47 {strides = array<i32>} : memref<1x1x640x128xf32, #tpu.memory_space<vmem>>, vector<1x1x640x128xf32>,
    } else {
    }
    return
  }
  func.func @transform_0(%arg0: i32, %arg1: i32, %arg2: i32) -> (i32, i32, i32, i32) {
    %jit3A = arith.constant 5 : i32
    %div3A = arith.divsi %arg1, %jit3A : i32
    %sign3A = arith.constant 0 : i32
    %sign3A_0 = arith.cmpi sgt, %arg1, %sign3A : i32
    %sign3A_1 = arith.extui %sign3A_0 : i1 to i32
    %sign3A_2 = arith.constant 0 : i32
    %sign3A_3 = arith.cmpi slt, %arg1, %sign3A_2 : i32
    %sign3A_4 = arith.extui %sign3A_3 : i1 to i32
    %sign3A_5 = arith.subi %sign3A_1, %sign3A_4 : i32
    %sign3A_6 = arith.constant 0 : i32
    %sign3A_7 = arith.cmpi sgt, %jit3A, %sign3A_6 : i32
    %sign3A_8 = arith.extui %sign3A_7 : i1 to i32
    %sign3A_9 = arith.constant 0 : i32
    %sign3A_10 = arith.cmpi slt, %jit3A, %sign3A_9 : i32
    %sign3A_11 = arith.extui %sign3A_10 : i1 to i32
    %sign3A_12 = arith.subi %sign3A_8, %sign3A_11 : i32
    %ne3A = arith.cmpi ne, %sign3A_5, %sign3A_12 : i32
    %rem3A = arith.remsi %arg1, %jit3A : i32
    %ne3A_13 = arith.constant 0 : i32
    %ne3A_14 = arith.cmpi ne, %rem3A, %ne3A_13 : i32
    %and3A = arith.andi %ne3A, %ne3A_14 : i1
    %sub3A = arith.constant 1 : i32
    %sub3A_15 = arith.subi %div3A, %sub3A : i32
    %select_n3A = arith.select %and3A, %sub3A_15, %div3A : i32
    %c0_i32 = arith.constant 0 : i32
    %c0_i32_16 = arith.constant 0 : i32
    %c0_i32_17 = arith.constant 0 : i32
    return %select_n3A, %arg2, %c0_i32, %c0_i32_16 : i32, i32, i32, i32
  }
  func.func @transform_1(%arg0: i32, %arg1: i32, %arg2: i32) -> (i32, i32, i32, i32) {
    %jit3A = arith.constant 5 : i32
    %div3A = arith.divsi %arg1, %jit3A : i32
    %sign3A = arith.constant 0 : i32
    %sign3A_0 = arith.cmpi sgt, %arg1, %sign3A : i32
    %sign3A_1 = arith.extui %sign3A_0 : i1 to i32
    %sign3A_2 = arith.constant 0 : i32
    %sign3A_3 = arith.cmpi slt, %arg1, %sign3A_2 : i32
    %sign3A_4 = arith.extui %sign3A_3 : i1 to i32
    %sign3A_5 = arith.subi %sign3A_1, %sign3A_4 : i32
    %sign3A_6 = arith.constant 0 : i32
    %sign3A_7 = arith.cmpi sgt, %jit3A, %sign3A_6 : i32
    %sign3A_8 = arith.extui %sign3A_7 : i1 to i32
    %sign3A_9 = arith.constant 0 : i32
    %sign3A_10 = arith.cmpi slt, %jit3A, %sign3A_9 : i32
    %sign3A_11 = arith.extui %sign3A_10 : i1 to i32
    %sign3A_12 = arith.subi %sign3A_8, %sign3A_11 : i32
    %ne3A = arith.cmpi ne, %sign3A_5, %sign3A_12 : i32
    %rem3A = arith.remsi %arg1, %jit3A : i32
    %ne3A_13 = arith.constant 0 : i32
    %ne3A_14 = arith.cmpi ne, %rem3A, %ne3A_13 : i32
    %and3A = arith.andi %ne3A, %ne3A_14 : i1
    %sub3A = arith.constant 1 : i32
    %sub3A_15 = arith.subi %div3A, %sub3A : i32
    %select_n3A = arith.select %and3A, %sub3A_15, %div3A : i32
    %jit3A_16 = arith.constant 5 : i32
    %eq3A = arith.constant 0 : i32
    %eq3A_17 = arith.cmpi eq, %jit3A_16, %eq3A : i32
    %jit3A_18 = arith.constant 1 : i32
    %select_n3A_19 = arith.select %eq3A_17, %jit3A_18, %jit3A_16 : i32
    %rem3A_20 = arith.remsi %arg1, %select_n3A_19 : i32
    %ne3A_21 = arith.constant 0 : i32
    %ne3A_22 = arith.cmpi ne, %rem3A_20, %ne3A_21 : i32
    %lt3A = arith.constant 0 : i32
    %lt3A_23 = arith.cmpi slt, %rem3A_20, %lt3A : i32
    %lt3A_24 = arith.constant 0 : i32
    %lt3A_25 = arith.cmpi slt, %select_n3A_19, %lt3A_24 : i32
    %ne3A_26 = arith.xori %lt3A_23, %lt3A_25 : i1
    %and3A_27 = arith.andi %ne3A_26, %ne3A_22 : i1
    %add3A = arith.addi %rem3A_20, %select_n3A_19 : i32
    %select_n3A_28 = arith.select %and3A_27, %add3A, %rem3A_20 : i32
    %mul3A = arith.constant 2 : i32
    %mul3A_29 = arith.muli %mul3A, %arg0 : i32
    %add3A_30 = arith.addi %mul3A_29, %select_n3A : i32
    %lt3A_31 = arith.constant 4 : i32
    %lt3A_32 = arith.cmpi slt, %select_n3A_28, %lt3A_31 : i32
    %xor3A = arith.xori %select_n3A_28, %add3A_30 : i32
    %add3A_33 = arith.constant 4 : i32
    %add3A_34 = arith.addi %add3A_33, %add3A_30 : i32
    %select_n3A_35 = arith.select %lt3A_32, %xor3A, %add3A_34 : i32
    %add3A_36 = arith.addi %arg0, %arg2 : i32
    %c0_i32 = arith.constant 0 : i32
    %c0_i32_37 = arith.constant 0 : i32
    %c0_i32_38 = arith.constant 0 : i32
    return %select_n3A_35, %add3A_36, %c0_i32, %c0_i32_37 : i32, i32, i32, i32
  }
  func.func @transform_2(%arg0: i32, %arg1: i32, %arg2: i32) -> (i32, i32, i32, i32) {
    %c0_i32 = arith.constant 0 : i32
    %c0_i32_0 = arith.constant 0 : i32
    %c0_i32_1 = arith.constant 0 : i32
    return %arg0, %arg1, %c0_i32, %c0_i32_0 : i32, i32, i32, i32
  }
}

module attributes {stable_mosaic.version = 14 : i64} {
  func.func @_k4_body(%arg0: i32, %arg1: memref<512x6400xf32, #tpu.memory_space<vmem>>, %arg2: memref<6400x128xf32, #tpu.memory_space<vmem>>, %arg3: memref<1x128xf32, #tpu.memory_space<vmem>>, %arg4: memref<128x96xf32, #tpu.memory_space<vmem>>, %arg5: memref<1x96xf32, #tpu.memory_space<vmem>>, %arg6: memref<512x96xf32, #tpu.memory_space<vmem>>) attributes {dimension_semantics = [#tpu.dimension_semantics<arbitrary>], iteration_bounds = array<i64: 1>, scalar_prefetch = 0 : i64, scratch_operands = 0 : i64, tpu.core_type = #tpu.core_type<tc>, window_params = [{pipeline_mode = #tpu.pipeline_mode<synchronous>, transform_indices = @transform_0, window_bounds = array<i64: 512, 6400>}, {pipeline_mode = #tpu.pipeline_mode<synchronous>, transform_indices = @transform_1, window_bounds = array<i64: 6400, 128>}, {pipeline_mode = #tpu.pipeline_mode<synchronous>, transform_indices = @transform_2, window_bounds = array<i64: 1, 128>}, {pipeline_mode = #tpu.pipeline_mode<synchronous>, transform_indices = @transform_3, window_bounds = array<i64: 128, 96>}, {pipeline_mode = #tpu.pipeline_mode<synchronous>, transform_indices = @transform_4, window_bounds = array<i64: 1, 96>}, {pipeline_mode = #tpu.pipeline_mode<synchronous>, transform_indices = @transform_5, window_bounds = array<i64: 512, 96>}]} {
    %get3A = arith.constant 0 : index
    %get3A_0 = arith.constant 0 : index
    %get3A_1 = vector.load %arg1[%get3A, %get3A_0] : memref<512x6400xf32, #tpu.memory_space<vmem>>, vector<512x6400xf32>
    %get3A_2 = arith.constant 0 : index
    %get3A_3 = arith.constant 0 : index
    %get3A_4 = vector.load %arg2[%get3A_2, %get3A_3] : memref<6400x128xf32, #tpu.memory_space<vmem>>, vector<6400x128xf32>
    %dot_general3A = arith.constant dense<0.000000e+00> : vector<512x128xf32>
    %dot_general3A_5 = tpu.matmul %get3A_1, %get3A_4, %dot_general3A {dimension_numbers = #tpu.dot_dimension_numbers<[1], [0], [0], [1], [0, 0, 1, 1], [], []>, precision = #tpu.contract_precision<fp32>, transpose_lhs_hint = false} : vector<512x6400xf32>, vector<6400x128xf32>, vector<512x128xf32> -> vector<512x128xf32>
    %get3A_6 = arith.constant 0 : index
    %get3A_7 = arith.constant 0 : index
    %get3A_8 = vector.load %arg3[%get3A_6, %get3A_7] : memref<1x128xf32, #tpu.memory_space<vmem>>, vector<1x128xf32>
    %add3A = vector.broadcast %get3A_8 : vector<1x128xf32> to vector<512x128xf32>
    %add3A_9 = arith.addf %dot_general3A_5, %add3A : vector<512x128xf32>
    %ge3A = arith.constant 0.000000e+00 : f32
    %ge3A_10 = vector.broadcast %ge3A : f32 to vector<512x128xf32>
    %ge3A_11 = arith.cmpf oge, %add3A_9, %ge3A_10 : vector<512x128xf32>
    %mul3A = arith.constant 0.00999999977 : f32
    %mul3A_12 = vector.broadcast %mul3A : f32 to vector<512x128xf32>
    %mul3A_13 = arith.mulf %mul3A_12, %add3A_9 : vector<512x128xf32>
    %select_n3A = arith.select %ge3A_11, %add3A_9, %mul3A_13 : vector<512x128xi1>, vector<512x128xf32>
    %get3A_14 = arith.constant 0 : index
    %get3A_15 = arith.constant 0 : index
    %get3A_16 = vector.load %arg4[%get3A_14, %get3A_15] : memref<128x96xf32, #tpu.memory_space<vmem>>, vector<128x96xf32>
    %dot_general3A_17 = arith.constant dense<0.000000e+00> : vector<512x96xf32>
    %dot_general3A_18 = tpu.matmul %select_n3A, %get3A_16, %dot_general3A_17 {dimension_numbers = #tpu.dot_dimension_numbers<[1], [0], [0], [1], [0, 0, 1, 1], [], []>, precision = #tpu.contract_precision<fp32>, transpose_lhs_hint = false} : vector<512x128xf32>, vector<128x96xf32>, vector<512x96xf32> -> vector<512x96xf32>
    %get3A_19 = arith.constant 0 : index
    %get3A_20 = arith.constant 0 : index
    %get3A_21 = vector.load %arg5[%get3A_19, %get3A_20] : memref<1x96xf32, #tpu.memory_space<vmem>>, vector<1x96xf32>
    %add3A_22 = vector.broadcast %get3A_21 : vector<1x96xf32> to vector<512x96xf32>
    %add3A_23 = arith.addf %dot_general3A_18, %add3A_22 : vector<512x96xf32>
    %swap3A = arith.constant 0 : index
    %swap3A_24 = arith.constant 0 : index
    %swap3A_25 = vector.load %arg6[%swap3A, %swap3A_24] : memref<512x96xf32, #tpu.memory_space<vmem>>, vector<512x96xf32>
    tpu.vector_store %arg6[%swap3A, %swap3A_24], %add3A_23 {strides = array<i32>} : memref<512x96xf32, #tpu.memory_space<vmem>>, vector<512x96xf32>,
    return
  }
  func.func @transform_0(%arg0: i32) -> (i32, i32) {
    %c0_i32 = arith.constant 0 : i32
    %c0_i32_0 = arith.constant 0 : i32
    %c0_i32_1 = arith.constant 0 : i32
    return %c0_i32, %c0_i32_0 : i32, i32
  }
  func.func @transform_1(%arg0: i32) -> (i32, i32) {
    %c0_i32 = arith.constant 0 : i32
    %c0_i32_0 = arith.constant 0 : i32
    %c0_i32_1 = arith.constant 0 : i32
    return %c0_i32, %c0_i32_0 : i32, i32
  }
  func.func @transform_2(%arg0: i32) -> (i32, i32) {
    %c0_i32 = arith.constant 0 : i32
    %c0_i32_0 = arith.constant 0 : i32
    %c0_i32_1 = arith.constant 0 : i32
    return %c0_i32, %c0_i32_0 : i32, i32
  }
  func.func @transform_3(%arg0: i32) -> (i32, i32) {
    %c0_i32 = arith.constant 0 : i32
    %c0_i32_0 = arith.constant 0 : i32
    %c0_i32_1 = arith.constant 0 : i32
    return %c0_i32, %c0_i32_0 : i32, i32
  }
  func.func @transform_4(%arg0: i32) -> (i32, i32) {
    %c0_i32 = arith.constant 0 : i32
    %c0_i32_0 = arith.constant 0 : i32
    %c0_i32_1 = arith.constant 0 : i32
    return %c0_i32, %c0_i32_0 : i32, i32
  }
  func.func @transform_5(%arg0: i32) -> (i32, i32) {
    %c0_i32 = arith.constant 0 : i32
    %c0_i32_0 = arith.constant 0 : i32
    %c0_i32_1 = arith.constant 0 : i32
    return %c0_i32, %c0_i32_0 : i32, i32
  }
}

</mosaic_0001>

<sc_bundles>
// kernel: kernel.8.cloned.1.call-start
scs
__scs_entry_jumppad:
0x0: {  	(pc) =	sbr.rel $0x88, $3  }
0x1: {  	(tag) =	ssettag $0x0;
	lr =	simm.s32 $0x1  }
0x2: {  	[smem:$0x3F93] =	sst lr;
	_ =	strace $0xD0000000  }
0x3: {  	_ = 	snop  }
0x4: {  	_ = 	snop  }
0x5: {  	_ = 	snop  }
0x6: {  	_ = 	snop  }
0x7: {  	_ = 	snop  }
__scs_overlays_trampoline_lowered:
0x8: {  	[smem:$0x3FA2] =	sst s0  }
0x9: {  	[smem:$0x3FA3] =	sst s1  }
0xa: {  	[smem:$0x3FA4] =	sst s2  }
0xb: {  	[smem:$0x3FA5] =	sst s3  }
0xc: {  	[smem:$0x3FA6] =	sst s4  }
0xd: {  	[smem:$0x3FA7] =	sst s5  }
0xe: {  	[smem:$0x3FA8] =	sst s6  }
0xf: {  	[smem:$0x3FA9] =	sst s7  }
0x10: {  	[smem:$0x3FAA] =	sst s8  }
0x11: {  	[smem:$0x3FAB] =	sst s9;
	s0 =	simm.s32 @!p0 $0x0  }
0x12: {  	s1 =	sld [smem:$0x3F91];
	s0 =	simm.s32 @p0 $0x1  }
0x13: {  	[smem:$0x3FAC] =	sst s0;
	s0 =	simm.s32 @!p1 $0x0  }
0x14: {  	s2 =	sld [smem:$0x3F90];
	s0 =	simm.s32 @p1 $0x1  }
0x15: {  	[smem:$0x3FAD] =	sst s0;
	s0 =	simm.s32 @!p2 $0x0  }
0x16: {  	s3 =	sld [smem:$0x3FDB];
	s0 =	simm.s32 @p2 $0x1  }
0x17: {  	s4 =	simm.s32 $0x1BF5;
	[smem:$0x3FAF] =	sst s0  }
0x18: {  	s0 =	sld [smem:$0x3F92];
	_ =	swait.ge [sflag:s4], $0x0  }
0x19: {  	s7 =	sld [smem:$0x3F93]  }
0x1a: {  	s8 =	sadd.s32 $0xFFFFE003, lr  }
0x1b: {  	s9 =	sadd.s32 $0xFFFFFEF7, lr;
	s5 =	simm.s32 $0xFFFFFFFF;
	p2 =	slt.u32 s8, $0xFFFFF086  }
0x1c: {  	p1 =	slt.u32 s9, $0xF7A;
	s5 =	simm.s32 @!p2 $0x0  }
0x1d: {  	s5 =	simm.s32 @p1 $0x1;
	p0 =	seq.s32 s7, s2  }
0x1e: {  	s7 =	smul.u32 @!p0 $0xF7A, s2;
	p2 =	seq.s32 @!p0 s5, $0x0  }
0x1f: {  	s9 =	smul.u32 $0xF7A, s1;
	s8 =	simm.s32 @!p0 $0x1BF5;
	p2 =	por !p2, p0  }
0x20: {  	[sflag:s8] =	ssyncset.s32 @!p0 $0xFFFFF086;
	s6 =	sadd.s32 @!p0 s3, s7;
	s7 =	simm.s32 @!p0 $0x108  }
0x21: {  	s3 =	sadd.s32 s3, s9;
	s6 =	sadd.s32 @!p0 $0x88, s6;
	s7 =	simm.s32 @p2 $0x1082  }
0x22: {  	[simem:s7], [sflag:s8] =	dma.local @!p0 [hbm:s6], $0xF7A  }
0x23: {  	s9 =	sor.u32 $0xD0000000, s2;
	s6 =	simm.s32 $0x108;
	_ =	swait.ge @!p0 [sflag:s8], $0x0  }
0x24: {  	s3 =	sadd.s32 $0x88, s3;
	s6 =	simm.s32 @!p1 $0x1082;
	[sflag:s4] =	ssyncset.s32 $0xFFFFF086  }
0x25: {  	[simem:s6], [sflag:s4] =	dma.local [hbm:s3], $0xF7A  }
0x26: {  	[smem:$0x3F93] =	sst s1;
	(tag) =	ssettag s2;
	_ =	strace s9  }
0x27: {  	s1 =	sld [smem:$0x3FA3]  }
0x28: {  	s2 =	sld [smem:$0x3FA4]  }
0x29: {  	s4 =	sld [smem:$0x3FA6]  }
0x2a: {  	p0 =	seq.s32 s5, $0x0;
	s5 =	sld [smem:$0x3FA7]  }
0x2b: {  	s6 =	sld [smem:$0x3FA8]  }
0x2c: {  	s7 =	sld [smem:$0x3FA9]  }
0x2d: {  	s3 =	simm.s32 $0x108;
	s8 =	sld [smem:$0x3FAA]  }
0x2e: {  	s3 =	simm.s32 @!p0 $0x1082;
	s9 =	sld [smem:$0x3FAB]  }
0x2f: {  	lr =	sadd.s32 s0, s3;
	s0 =	sld [smem:$0x3FA2]  }
0x30: {  	s3 =	sld [smem:$0x3FA5]  }
0x31: {  	[smem:$0x3FAE] =	sst s10  }
0x32: {  	s10 =	sld [smem:$0x3FAC];
	_ =	sdelay $0x3  }
0x33: {  	p0 =	seq.s32 s10, $0x1;
	s10 =	sld [smem:$0x3FAE];
	_ =	sdelay $0x3  }
0x34: {  	[smem:$0x3FAE] =	sst s10  }
0x35: {  	s10 =	sld [smem:$0x3FAD];
	_ =	sdelay $0x3  }
0x36: {  	p1 =	seq.s32 s10, $0x1;
	s10 =	sld [smem:$0x3FAE];
	_ =	sdelay $0x3  }
0x37: {  	[smem:$0x3FAE] =	sst s10  }
0x38: {  	s10 =	sld [smem:$0x3FAF]  }
0x39: {  	_ = 	snop;
	(pc) =	sbr.ind lr, $3  }
0x3a: {  	_ = 	snop  }
0x3b: {  	_ = 	snop  }
0x3c: {  	p2 =	seq.s32 s10, $0x1;
	s10 =	sld [smem:$0x3FAE]  }
0x3d: {  	_ =	shalt  }
0x3e: {  	_ =	shalt  }
0x3f: {  	_ =	shalt  }
0x40: {  	_ =	shalt  }
0x41: {  	_ =	shalt  }
0x42: {  	_ =	shalt  }
0x43: {  	_ =	shalt  }
0x44: {  	_ =	shalt  }
0x45: {  	_ =	shalt  }
0x46: {  	_ =	shalt  }
0x47: {  	_ =	shalt  }
0x48: {  	_ =	shalt  }
0x49: {  	_ =	shalt  }
0x4a: {  	_ =	shalt  }
0x4b: {  	_ =	shalt  }
0x4c: {  	_ =	shalt  }
0x4d: {  	_ =	shalt  }
0x4e: {  	_ =	shalt  }
0x4f: {  	_ =	shalt  }
0x50: {  	_ =	shalt  }
0x51: {  	_ =	shalt  }
0x52: {  	_ =	shalt  }
0x53: {  	_ =	shalt  }
0x54: {  	_ =	shalt  }
0x55: {  	_ =	shalt  }
0x56: {  	_ =	shalt  }
0x57: {  	_ =	shalt  }
0x58: {  	_ =	shalt  }
0x59: {  	_ =	shalt  }
0x5a: {  	_ =	shalt  }
0x5b: {  	_ =	shalt  }
0x5c: {  	_ =	shalt  }
0x5d: {  	_ =	shalt  }
0x5e: {  	_ =	shalt  }
0x5f: {  	_ =	shalt  }
0x60: {  	_ =	shalt  }
0x61: {  	_ =	shalt  }
0x62: {  	_ =	shalt  }
0x63: {  	_ =	shalt  }
0x64: {  	_ =	shalt  }
0x65: {  	_ =	shalt  }
0x66: {  	_ =	shalt  }
0x67: {  	_ =	shalt  }
0x68: {  	_ =	shalt  }
0x69: {  	_ =	shalt  }
0x6a: {  	_ =	shalt  }
0x6b: {  	_ =	shalt  }
0x6c: {  	_ =	shalt  }
0x6d: {  	_ =	shalt  }
0x6e: {  	_ =	shalt  }
0x6f: {  	_ =	shalt  }
0x70: {  	_ =	shalt  }
0x71: {  	_ =	shalt  }
0x72: {  	_ =	shalt  }
0x73: {  	_ =	shalt  }
0x74: {  	_ =	shalt  }
0x75: {  	_ =	shalt  }
0x76: {  	_ =	shalt  }
0x77: {  	_ =	shalt  }
0x78: {  	_ =	shalt  }
0x79: {  	_ =	shalt  }
0x7a: {  	_ =	shalt  }
0x7b: {  	_ =	shalt  }
0x7c: {  	_ =	shalt  }
0x7d: {  	_ =	shalt  }
0x7e: {  	_ =	shalt  }
0x7f: {  	_ =	shalt  }
0x80: {  	_ =	shalt  }
0x81: {  	_ =	shalt  }
0x82: {  	_ =	shalt  }
0x83: {  	_ =	shalt  }
0x84: {  	_ =	shalt  }
0x85: {  	_ =	shalt  }
0x86: {  	_ =	shalt  }
0x87: {  	_ =	shalt  }
.Lfunc_end0:
.L_simem_size_0:
called_computation_lowered:
.L_overlay_start_0:
0x88: {  	s2 =	sld [smem:$0x3FD9]  }
0x89: {  	s3 =	sld [smem:$0x3FFE];
	_ =	sdelay $0x1  }
0x8a: {  	s1 =	srdreg.scid  }
0x8b: {  	s0 =	sand.u32 $0x1, s1  }
0x8c: {  	s17 =	sshll.u32 s0, $0xA;
	s2 =	sadd.s32 s3, s2  }
0x8d: {  	s2 =	sadd.s32 s2, s17  }
0x8e: {  	[smem:$0x3FBA] =	sst s2  }
0x8f: {  	_ = 	snop  }
0x90: {  	s2 =	sld [smem:$0x3FD0];
	(tm) =	ssettm $0x1  }
0x91: {  	s18 =	sld [smem:$0x3FFB];
	_ =	sdelay $0x3  }
0x92: {  	_ =	strace s18  }
0x93: {  	s3 =	sld [smem:$0x3FFC];
	_ =	sdelay $0x3  }
0x94: {  	_ =	strace s3  }
0x95: {  	s3 =	sld [smem:$0x3FFD];
	_ =	sdelay $0x3  }
0x96: {  	_ =	strace s3  }
0x97: {  	_ =	strace $0x8FFFFFFF  }
0x98: {  	s19 =	sld [smem:$0x3FDB];
	_ =	sdelay $0x1  }
0x99: {  	s4 =	simm.s32 $_scs_section_size  }
0x9a: {  	s5 =	simm.s32 $_size__tile_overlayer_lowered;
	s6 =	simm.s32 $_tile_overlayer_lowered  }
0x9b: {  	s22 =	simm.s32 $0x1BFF;
	s21 =	sshll.u32 s6, $0x1;
	s3 =	sadd.s32 s4, s19  }
0x9c: {  	s7 =	simm.s32 $0x0;
	s20 =	sshll.u32 s5, $0x1;
	s5 =	sadd.s32 s21, s3  }
0x9d: {  	[timem:s7], [sflag:s22] =	dma.local [hbm:s5], s20  }
0x9e: {  	_ =	swait.ge [sflag:s22], s20  }
0x9f: {  	s4 =	ssub.s32 $0x0, s20;
	[sflag:s22] =	ssyncset.done $0x0  }
0xa0: {  	[sflag:s22] =	ssyncadd.s32 s4;
	_ =	sdelay $0x1  }
0xa1: {  	s23 =	simm.s32 $0x1B8B  }
0xa2: {  	_ =	swait.ge [sflag:s23], $0x1  }
0xa3: {  	[sflag:s23] =	ssyncset.done $0x0  }
0xa4: {  	s25 =	simm.s32 $0x1B8E;
	s24 =	sld [smem:$0x3FFE];
	[sflag:s23] =	ssyncadd.s32 $0xFFFFFFFF  }
0xa5: {  	s26 =	simm.s32 $execute0_lowered;
	[smem:$0x3FD2] =	sst s25  }
0xa6: {  	s5 =	sshll.u32 s26, $0x1;
	_ =	strace $0x80000046;
	[dreg:$0x1] =	wrdreg $0xFFFFFFFF  }
0xa7: {  	s28 =	simm.s32 $_size_execute0_lowered;
	s3 =	sadd.s32 s3, s5;
	[dreg:$0x0] =	wrdreg $0x0  }
0xa8: {  	s5 =	sshll.u32 s28, $0x1;
	[dreg:$0x2] =	wrdreg s3  }
0xa9: {  	[dreg:$0x3] =	wrdreg s5  }
0xaa: {  	[dreg:$0x4] =	wrdreg $0xC0  }
0xab: {  	_ =	task [dreg:s7], $0x5FFFF  }
0xac: {  	[dreg:$0x1] =	wrdreg $0xFFFFFFFF  }
0xad: {  	[dreg:$0x0] =	wrdreg $0x60  }
0xae: {  	[dreg:$0x2] =	wrdreg s2  }
0xaf: {  	[dreg:$0x3] =	wrdreg s24  }
0xb0: {  	[dreg:$0x4] =	wrdreg $0x9  }
0xb1: {  	_ =	task.clear_ibuf [dreg:s7], $0x5FFFF;
	_ =	strace $0x90000046  }
0xb2: {  	s29 =	simm.s32 $0x9;
	_ =	strace $0x80000048  }
0xb3: {  	_ =	swait.ge [sflag:s29], $0x1  }
0xb4: {  	[sflag:s29] =	ssyncadd.s32 $0xFFFFFFFF  }
0xb5: {  	_ =	strace $0x90000048  }
0xb6: {  	_ =	sfence  }
0xb7: {  	s30 =	sld [smem:$0x0];
	_ =	sdelay $0x2  }
0xb8: {  	s31 =	sshll.u32 s1, $0xD;
	s1 =	sshrl.u32 s1, $0x2  }
0xb9: {  	s3 =	sand.u32 $0x4000, s31;
	s1 =	sadd.s32 s1, s30  }
0xba: {  	s0 =	sor.u32 s3, s0;
	s1 =	sshll.u32 s1, $0x11  }
0xbb: {  	s0 =	sor.u32 s1, s0  }
0xbc: {  	s0 =	sadd.s32 $0x8F2B, s0  }
0xbd: {  	[sflag:s0] =	ssyncadd.remote.s32 $0x1  }
0xbe: {  	_ =	sfence.sel $0xFFFF  }
0xbf: {  	[dreg:$0x0] =	wrdreg $0xFFFFFFFF;
	(pc) =	sbr.abs _section_cstart, $3  }
0xc0: {  	[dreg:$0x1] =	wrdreg $0xFFFFFFFF  }
0xc1: {  	_ =	task.clear_ibuf [dreg:s7], $0x2FFFF;
	_ =	strace $0x9FFFFFFF  }
0xc2: {  	(tm) =	ssettm $0x7FFFFFFF  }
0xc3: {  	_ =	shalt  }
tec
execute0_lowered:
.L_overlay_start_1:
0x0: {  	(tag) =	ssettag $0x1  }
0x1: {  	s1 =	rddreg [dreg:$0x0]  }
0x2: {  	s5 =	rddreg [dreg:$0x1]  }
0x3: {  	s0 =	rddreg [dreg:$0x2]  }
0x4: {  	s2 =	simm.s32 $0x0;
	s3 =	srdreg.scid;
	s10 =	simm.s32 $0x80  }
0x5: {  	s11 =	simm.s32 $0x400;
	s12 =	simm.s32 $0x1980;
	s13 =	simm.s32 $0x0  }
0x6: {  	[smem:$0x7FF] =	sst s2;
	s6 =	sand.u32 $0x1, s3;
	s4 =	sadd.s32 $0x3800, s5  }
0x7: {  	s3 =	stileid.u32;
	s5 =	sadd.s32 $0x7800, s5;
	s7 =	ssub.s32 $0x2, s6  }
0x8: {  	_ =	strace $0x80000047;
	s31 =	sshll.u32 s3, $0x5;
	s8 =	sshrl.u32 s7, $0x1  }
0x9: {  	s9 =	sshll.u32 s6, $0x4;
	s7 =	ssub.s32 s7, s8;
	s8 =	simm.s32 $0x1900  }
0xa: {  	v0 =	vimm.f32 $0.0e+00;
	v1 =	vimm.f32 $1.000000000e+00;
	s6 =	smax.u32 s7, $0x1;
	s7 =	sor.u32 s9, s31;
	s9 =	simm.s32 $0x1  }
.LBB2_1:
0xb: {  	[tilespmem:$0x1A80] =	vst v0  }
0xc: {  	v2 =	vld [tilespmem:$0x1A80];
	_ =	sdelay $0x1  }
0xd: {  	v3 =	vld [tilespmem:$0x1A80];
	_ =	sdelay $0x1  }
0xe: {  	[tilespmem:$0x0] =	vst v0;
	v4 =	vld [tilespmem:$0x1A80]  }
0xf: {  	[tilespmem:$0x10] =	vst v2  }
0x10: {  	v55 =	vld [tilespmem:$0x1A80];
	[tilespmem:$0x20] =	vst v2  }
0x11: {  	[tilespmem:$0x30] =	vst v3  }
0x12: {  	v2 =	vld [tilespmem:$0x1A80];
	[tilespmem:$0x40] =	vst v3  }
0x13: {  	[tilespmem:$0x50] =	vst v4  }
0x14: {  	v3 =	vld [tilespmem:$0x1A80];
	[tilespmem:$0x60] =	vst v4  }
0x15: {  	[tilespmem:$0xB0] =	vst v55  }
0x16: {  	v56 =	vld [tilespmem:$0x1A80];
	[tilespmem:$0xC0] =	vst v55  }
0x17: {  	[tilespmem:$0x70] =	vst v2  }
0x18: {  	[tilespmem:$0x80] =	vst v2;
	v2 =	vld [tilespmem:$0x1A80]  }
0x19: {  	[tilespmem:$0x90] =	vst v3  }
0x1a: {  	[tilespmem:$0xA0] =	vst v3;
	v3 =	vld [tilespmem:$0x1A80]  }
0x1b: {  	[tilespmem:$0x110] =	vst v56  }
0x1c: {  	v57 =	vld [tilespmem:$0x1A80];
	[tilespmem:$0x120] =	vst v56  }
0x1d: {  	[tilespmem:$0xD0] =	vst v2  }
0x1e: {  	[tilespmem:$0xE0] =	vst v2;
	v2 =	vld [tilespmem:$0x1A80]  }
0x1f: {  	[tilespmem:$0xF0] =	vst v3  }
0x20: {  	[tilespmem:$0x100] =	vst v3;
	v3 =	vld [tilespmem:$0x1A80]  }
0x21: {  	[tilespmem:$0x170] =	vst v57  }
0x22: {  	v58 =	vld [tilespmem:$0x1A80];
	[tilespmem:$0x180] =	vst v57  }
0x23: {  	[tilespmem:$0x130] =	vst v2  }
0x24: {  	[tilespmem:$0x140] =	vst v2;
	v2 =	vld [tilespmem:$0x1A80]  }
0x25: {  	[tilespmem:$0x150] =	vst v3  }
0x26: {  	[tilespmem:$0x160] =	vst v3;
	v3 =	vld [tilespmem:$0x1A80]  }
0x27: {  	[tilespmem:$0x1D0] =	vst v58  }
0x28: {  	v59 =	vld [tilespmem:$0x1A80];
	[tilespmem:$0x1E0] =	vst v58  }
0x29: {  	[tilespmem:$0x190] =	vst v2  }
0x2a: {  	[tilespmem:$0x1A0] =	vst v2;
	v2 =	vld [tilespmem:$0x1A80]  }
0x2b: {  	[tilespmem:$0x1B0] =	vst v3  }
0x2c: {  	[tilespmem:$0x1C0] =	vst v3;
	v3 =	vld [tilespmem:$0x1A80]  }
0x2d: {  	[tilespmem:$0x230] =	vst v59  }
0x2e: {  	v60 =	vld [tilespmem:$0x1A80];
	[tilespmem:$0x240] =	vst v59  }
0x2f: {  	[tilespmem:$0x1F0] =	vst v2  }
0x30: {  	[tilespmem:$0x200] =	vst v2;
	v2 =	vld [tilespmem:$0x1A80]  }
0x31: {  	[tilespmem:$0x210] =	vst v3  }
0x32: {  	[tilespmem:$0x220] =	vst v3;
	v3 =	vld [tilespmem:$0x1A80]  }
0x33: {  	[tilespmem:$0x290] =	vst v60  }
0x34: {  	v61 =	vld [tilespmem:$0x1A80];
	[tilespmem:$0x2A0] =	vst v60  }
0x35: {  	[tilespmem:$0x250] =	vst v2  }
0x36: {  	[tilespmem:$0x260] =	vst v2;
	v2 =	vld [tilespmem:$0x1A80]  }
0x37: {  	[tilespmem:$0x270] =	vst v3  }
0x38: {  	[tilespmem:$0x280] =	vst v3;
	v3 =	vld [tilespmem:$0x1A80]  }
0x39: {  	[tilespmem:$0x2F0] =	vst v61  }
0x3a: {  	v62 =	vld [tilespmem:$0x1A80];
	[tilespmem:$0x300] =	vst v61  }
0x3b: {  	[tilespmem:$0x2B0] =	vst v2  }
0x3c: {  	[tilespmem:$0x2C0] =	vst v2;
	v2 =	vld [tilespmem:$0x1A80]  }
0x3d: {  	[tilespmem:$0x2D0] =	vst v3  }
0x3e: {  	[tilespmem:$0x2E0] =	vst v3;
	v3 =	vld [tilespmem:$0x1A80]  }
0x3f: {  	[tilespmem:$0x350] =	vst v62  }
0x40: {  	v63 =	vld [tilespmem:$0x1A80];
	[tilespmem:$0x360] =	vst v62  }
0x41: {  	[tilespmem:$0x310] =	vst v2  }
0x42: {  	[tilespmem:$0x320] =	vst v2;
	v2 =	vld [tilespmem:$0x1A80]  }
0x43: {  	[tilespmem:$0x330] =	vst v3  }
0x44: {  	[tilespmem:$0x340] =	vst v3;
	v3 =	vld [tilespmem:$0x1A80]  }
0x45: {  	[tilespmem:$0x3B0] =	vst v63  }
0x46: {  	v8 =	vld [tilespmem:$0x1A80];
	[tilespmem:$0x3C0] =	vst v63  }
0x47: {  	[tilespmem:$0x370] =	vst v2  }
0x48: {  	[tilespmem:$0x380] =	vst v2;
	v2 =	vld [tilespmem:$0x1A80]  }
0x49: {  	[tilespmem:$0x390] =	vst v3  }
0x4a: {  	[tilespmem:$0x3A0] =	vst v3;
	v3 =	vld [tilespmem:$0x1A80]  }
0x4b: {  	[tilespmem:$0x410] =	vst v8  }
0x4c: {  	[tilespmem:$0x420] =	vst v8  }
0x4d: {  	[tilespmem:$0x3D0] =	vst v2  }
0x4e: {  	[tilespmem:$0x3E0] =	vst v2  }
0x4f: {  	[tilespmem:$0x3F0] =	vst v3  }
0x50: {  	[tilespmem:$0x400] =	vst v3  }
0x51: {  	v2 =	vld [tilespmem:$0x1A80];
	_ =	sdelay $0x1  }
0x52: {  	v3 =	vld [tilespmem:$0x1A80];
	_ =	sdelay $0x1  }
0x53: {  	v9 =	vld [tilespmem:$0x1A80]  }
0x54: {  	[tilespmem:$0x430] =	vst v2  }
0x55: {  	[tilespmem:$0x440] =	vst v2;
	v2 =	vld [tilespmem:$0x1A80]  }
0x56: {  	[tilespmem:$0x450] =	vst v3  }
0x57: {  	[tilespmem:$0x460] =	vst v3;
	v3 =	vld [tilespmem:$0x1A80]  }
0x58: {  	[tilespmem:$0x470] =	vst v9  }
0x59: {  	v10 =	vld [tilespmem:$0x1A80];
	[tilespmem:$0x480] =	vst v9  }
0x5a: {  	[tilespmem:$0x490] =	vst v2  }
0x5b: {  	[tilespmem:$0x4A0] =	vst v2;
	v2 =	vld [tilespmem:$0x1A80]  }
0x5c: {  	[tilespmem:$0x4B0] =	vst v3  }
0x5d: {  	[tilespmem:$0x4C0] =	vst v3;
	v3 =	vld [tilespmem:$0x1A80]  }
0x5e: {  	[tilespmem:$0x4D0] =	vst v10  }
0x5f: {  	v11 =	vld [tilespmem:$0x1A80];
	[tilespmem:$0x4E0] =	vst v10  }
0x60: {  	[tilespmem:$0x4F0] =	vst v2  }
0x61: {  	[tilespmem:$0x500] =	vst v2;
	v2 =	vld [tilespmem:$0x1A80]  }
0x62: {  	[tilespmem:$0x510] =	vst v3  }
0x63: {  	[tilespmem:$0x520] =	vst v3;
	v3 =	vld [tilespmem:$0x1A80]  }
0x64: {  	[tilespmem:$0x530] =	vst v11  }
0x65: {  	v12 =	vld [tilespmem:$0x1A80];
	[tilespmem:$0x540] =	vst v11  }
0x66: {  	[tilespmem:$0x550] =	vst v2  }
0x67: {  	[tilespmem:$0x560] =	vst v2;
	v2 =	vld [tilespmem:$0x1A80]  }
0x68: {  	[tilespmem:$0x570] =	vst v3  }
0x69: {  	[tilespmem:$0x580] =	vst v3;
	v3 =	vld [tilespmem:$0x1A80]  }
0x6a: {  	[tilespmem:$0x590] =	vst v12  }
0x6b: {  	v13 =	vld [tilespmem:$0x1A80];
	[tilespmem:$0x5A0] =	vst v12  }
0x6c: {  	[tilespmem:$0x5B0] =	vst v2  }
0x6d: {  	[tilespmem:$0x5C0] =	vst v2;
	v2 =	vld [tilespmem:$0x1A80]  }
0x6e: {  	[tilespmem:$0x5D0] =	vst v3  }
0x6f: {  	[tilespmem:$0x5E0] =	vst v3;
	v3 =	vld [tilespmem:$0x1A80]  }
0x70: {  	[tilespmem:$0x5F0] =	vst v13  }
0x71: {  	v14 =	vld [tilespmem:$0x1A80];
	[tilespmem:$0x600] =	vst v13  }
0x72: {  	[tilespmem:$0x610] =	vst v2  }
0x73: {  	[tilespmem:$0x620] =	vst v2;
	v2 =	vld [tilespmem:$0x1A80]  }
0x74: {  	[tilespmem:$0x630] =	vst v3  }
0x75: {  	[tilespmem:$0x640] =	vst v3;
	v3 =	vld [tilespmem:$0x1A80]  }
0x76: {  	[tilespmem:$0x650] =	vst v14  }
0x77: {  	v15 =	vld [tilespmem:$0x1A80];
	[tilespmem:$0x660] =	vst v14  }
0x78: {  	[tilespmem:$0x670] =	vst v2  }
0x79: {  	[tilespmem:$0x680] =	vst v2;
	v2 =	vld [tilespmem:$0x1A80]  }
0x7a: {  	[tilespmem:$0x690] =	vst v3  }
0x7b: {  	[tilespmem:$0x6A0] =	vst v3;
	v3 =	vld [tilespmem:$0x1A80]  }
0x7c: {  	[tilespmem:$0x6B0] =	vst v15  }
0x7d: {  	v16 =	vld [tilespmem:$0x1A80];
	[tilespmem:$0x6C0] =	vst v15  }
0x7e: {  	[tilespmem:$0x6D0] =	vst v2  }
0x7f: {  	[tilespmem:$0x6E0] =	vst v2;
	v2 =	vld [tilespmem:$0x1A80]  }
0x80: {  	[tilespmem:$0x6F0] =	vst v3  }
0x81: {  	[tilespmem:$0x700] =	vst v3;
	v3 =	vld [tilespmem:$0x1A80]  }
0x82: {  	[tilespmem:$0x710] =	vst v16  }
0x83: {  	v17 =	vld [tilespmem:$0x1A80];
	[tilespmem:$0x720] =	vst v16  }
0x84: {  	[tilespmem:$0x730] =	vst v2  }
0x85: {  	[tilespmem:$0x740] =	vst v2;
	v2 =	vld [tilespmem:$0x1A80]  }
0x86: {  	[tilespmem:$0x750] =	vst v3  }
0x87: {  	[tilespmem:$0x760] =	vst v3;
	v3 =	vld [tilespmem:$0x1A80]  }
0x88: {  	[tilespmem:$0x770] =	vst v17  }
0x89: {  	v18 =	vld [tilespmem:$0x1A80];
	[tilespmem:$0x780] =	vst v17  }
0x8a: {  	[tilespmem:$0x790] =	vst v2  }
0x8b: {  	[tilespmem:$0x7A0] =	vst v2;
	v2 =	vld [tilespmem:$0x1A80]  }
0x8c: {  	[tilespmem:$0x7B0] =	vst v3  }
0x8d: {  	[tilespmem:$0x7C0] =	vst v3;
	v3 =	vld [tilespmem:$0x1A80]  }
0x8e: {  	[tilespmem:$0x7D0] =	vst v18  }
0x8f: {  	v19 =	vld [tilespmem:$0x1A80];
	[tilespmem:$0x7E0] =	vst v18  }
0x90: {  	[tilespmem:$0x7F0] =	vst v2  }
0x91: {  	[tilespmem:$0x800] =	vst v2;
	v2 =	vld [tilespmem:$0x1A80]  }
0x92: {  	[tilespmem:$0x810] =	vst v3  }
0x93: {  	[tilespmem:$0x820] =	vst v3;
	v3 =	vld [tilespmem:$0x1A80]  }
0x94: {  	[tilespmem:$0x830] =	vst v19  }
0x95: {  	v20 =	vld [tilespmem:$0x1A80];
	[tilespmem:$0x840] =	vst v19  }
0x96: {  	[tilespmem:$0x850] =	vst v2  }
0x97: {  	[tilespmem:$0x860] =	vst v2;
	v2 =	vld [tilespmem:$0x1A80]  }
0x98: {  	[tilespmem:$0x870] =	vst v3  }
0x99: {  	[tilespmem:$0x880] =	vst v3;
	v3 =	vld [tilespmem:$0x1A80]  }
0x9a: {  	[tilespmem:$0x890] =	vst v20  }
0x9b: {  	v21 =	vld [tilespmem:$0x1A80];
	[tilespmem:$0x8A0] =	vst v20  }
0x9c: {  	[tilespmem:$0x8B0] =	vst v2  }
0x9d: {  	[tilespmem:$0x8C0] =	vst v2;
	v2 =	vld [tilespmem:$0x1A80]  }
0x9e: {  	[tilespmem:$0x8D0] =	vst v3  }
0x9f: {  	[tilespmem:$0x8E0] =	vst v3;
	v3 =	vld [tilespmem:$0x1A80]  }
0xa0: {  	[tilespmem:$0x8F0] =	vst v21  }
0xa1: {  	v22 =	vld [tilespmem:$0x1A80];
	[tilespmem:$0x900] =	vst v21  }
0xa2: {  	[tilespmem:$0x910] =	vst v2  }
0xa3: {  	[tilespmem:$0x920] =	vst v2;
	v2 =	vld [tilespmem:$0x1A80]  }
0xa4: {  	[tilespmem:$0x930] =	vst v3  }
0xa5: {  	[tilespmem:$0x940] =	vst v3;
	v3 =	vld [tilespmem:$0x1A80]  }
0xa6: {  	[tilespmem:$0x950] =	vst v22  }
0xa7: {  	v23 =	vld [tilespmem:$0x1A80];
	[tilespmem:$0x960] =	vst v22  }
0xa8: {  	[tilespmem:$0x970] =	vst v2  }
0xa9: {  	[tilespmem:$0x980] =	vst v2;
	v2 =	vld [tilespmem:$0x1A80]  }
0xaa: {  	[tilespmem:$0x990] =	vst v3  }
0xab: {  	[tilespmem:$0x9A0] =	vst v3;
	v3 =	vld [tilespmem:$0x1A80]  }
0xac: {  	[tilespmem:$0x9B0] =	vst v23  }
0xad: {  	v24 =	vld [tilespmem:$0x1A80];
	[tilespmem:$0x9C0] =	vst v23  }
0xae: {  	[tilespmem:$0x9D0] =	vst v2  }
0xaf: {  	[tilespmem:$0x9E0] =	vst v2;
	v2 =	vld [tilespmem:$0x1A80]  }
0xb0: {  	[tilespmem:$0x9F0] =	vst v3  }
0xb1: {  	[tilespmem:$0xA00] =	vst v3;
	v3 =	vld [tilespmem:$0x1A80]  }
0xb2: {  	[tilespmem:$0xA10] =	vst v24  }
0xb3: {  	v25 =	vld [tilespmem:$0x1A80];
	[tilespmem:$0xA20] =	vst v24  }
0xb4: {  	[tilespmem:$0xA30] =	vst v2  }
0xb5: {  	[tilespmem:$0xA40] =	vst v2;
	v2 =	vld [tilespmem:$0x1A80]  }
0xb6: {  	[tilespmem:$0xA50] =	vst v3  }
0xb7: {  	[tilespmem:$0xA60] =	vst v3;
	v3 =	vld [tilespmem:$0x1A80]  }
0xb8: {  	[tilespmem:$0xA70] =	vst v25  }
0xb9: {  	v26 =	vld [tilespmem:$0x1A80];
	[tilespmem:$0xA80] =	vst v25  }
0xba: {  	[tilespmem:$0xA90] =	vst v2  }
0xbb: {  	[tilespmem:$0xAA0] =	vst v2;
	v2 =	vld [tilespmem:$0x1A80]  }
0xbc: {  	[tilespmem:$0xAB0] =	vst v3  }
0xbd: {  	[tilespmem:$0xAC0] =	vst v3;
	v3 =	vld [tilespmem:$0x1A80]  }
0xbe: {  	[tilespmem:$0xAD0] =	vst v26  }
0xbf: {  	v27 =	vld [tilespmem:$0x1A80];
	[tilespmem:$0xAE0] =	vst v26  }
0xc0: {  	[tilespmem:$0xAF0] =	vst v2  }
0xc1: {  	[tilespmem:$0xB00] =	vst v2;
	v2 =	vld [tilespmem:$0x1A80]  }
0xc2: {  	[tilespmem:$0xB10] =	vst v3  }
0xc3: {  	[tilespmem:$0xB20] =	vst v3;
	v3 =	vld [tilespmem:$0x1A80]  }
0xc4: {  	[tilespmem:$0xB30] =	vst v27  }
0xc5: {  	v28 =	vld [tilespmem:$0x1A80];
	[tilespmem:$0xB40] =	vst v27  }
0xc6: {  	[tilespmem:$0xB50] =	vst v2  }
0xc7: {  	[tilespmem:$0xB60] =	vst v2;
	v2 =	vld [tilespmem:$0x1A80]  }
0xc8: {  	[tilespmem:$0xB70] =	vst v3  }
0xc9: {  	[tilespmem:$0xB80] =	vst v3;
	v3 =	vld [tilespmem:$0x1A80]  }
0xca: {  	[tilespmem:$0xB90] =	vst v28  }
0xcb: {  	v29 =	vld [tilespmem:$0x1A80];
	[tilespmem:$0xBA0] =	vst v28  }
0xcc: {  	[tilespmem:$0xBB0] =	vst v2  }
0xcd: {  	[tilespmem:$0xBC0] =	vst v2;
	v2 =	vld [tilespmem:$0x1A80]  }
0xce: {  	[tilespmem:$0xBD0] =	vst v3  }
0xcf: {  	[tilespmem:$0xBE0] =	vst v3;
	v3 =	vld [tilespmem:$0x1A80]  }
0xd0: {  	[tilespmem:$0xBF0] =	vst v29  }
0xd1: {  	v30 =	vld [tilespmem:$0x1A80];
	[tilespmem:$0xC00] =	vst v29  }
0xd2: {  	[tilespmem:$0xC10] =	vst v2  }
0xd3: {  	[tilespmem:$0xC20] =	vst v2;
	v2 =	vld [tilespmem:$0x1A80]  }
0xd4: {  	[tilespmem:$0xC30] =	vst v3  }
0xd5: {  	[tilespmem:$0xC40] =	vst v3;
	v3 =	vld [tilespmem:$0x1A80]  }
0xd6: {  	[tilespmem:$0xC50] =	vst v30  }
0xd7: {  	v31 =	vld [tilespmem:$0x1A80];
	[tilespmem:$0xC60] =	vst v30  }
0xd8: {  	[tilespmem:$0xC70] =	vst v2  }
0xd9: {  	[tilespmem:$0xC80] =	vst v2;
	v2 =	vld [tilespmem:$0x1A80]  }
0xda: {  	[tilespmem:$0xC90] =	vst v3  }
0xdb: {  	[tilespmem:$0xCA0] =	vst v3;
	v3 =	vld [tilespmem:$0x1A80]  }
0xdc: {  	[tilespmem:$0xCB0] =	vst v31  }
0xdd: {  	v32 =	vld [tilespmem:$0x1A80];
	[tilespmem:$0xCC0] =	vst v31  }
0xde: {  	[tilespmem:$0xCD0] =	vst v2  }
0xdf: {  	[tilespmem:$0xCE0] =	vst v2;
	v2 =	vld [tilespmem:$0x1A80]  }
0xe0: {  	[tilespmem:$0xCF0] =	vst v3  }
0xe1: {  	[tilespmem:$0xD00] =	vst v3;
	v3 =	vld [tilespmem:$0x1A80]  }
0xe2: {  	[tilespmem:$0xD10] =	vst v32  }
0xe3: {  	v33 =	vld [tilespmem:$0x1A80];
	[tilespmem:$0xD20] =	vst v32  }
0xe4: {  	[tilespmem:$0xD30] =	vst v2  }
0xe5: {  	[tilespmem:$0xD40] =	vst v2;
	v2 =	vld [tilespmem:$0x1A80]  }
0xe6: {  	[tilespmem:$0xD50] =	vst v3  }
0xe7: {  	[tilespmem:$0xD60] =	vst v3;
	v3 =	vld [tilespmem:$0x1A80]  }
0xe8: {  	[tilespmem:$0xD70] =	vst v33  }
0xe9: {  	v34 =	vld [tilespmem:$0x1A80];
	[tilespmem:$0xD80] =	vst v33  }
0xea: {  	[tilespmem:$0xD90] =	vst v2  }
0xeb: {  	[tilespmem:$0xDA0] =	vst v2;
	v2 =	vld [tilespmem:$0x1A80]  }
0xec: {  	[tilespmem:$0xDB0] =	vst v3  }
0xed: {  	[tilespmem:$0xDC0] =	vst v3;
	v3 =	vld [tilespmem:$0x1A80]  }
0xee: {  	[tilespmem:$0xDD0] =	vst v34  }
0xef: {  	v35 =	vld [tilespmem:$0x1A80];
	[tilespmem:$0xDE0] =	vst v34  }
0xf0: {  	[tilespmem:$0xDF0] =	vst v2  }
0xf1: {  	[tilespmem:$0xE00] =	vst v2;
	v2 =	vld [tilespmem:$0x1A80]  }
0xf2: {  	[tilespmem:$0xE10] =	vst v3  }
0xf3: {  	[tilespmem:$0xE20] =	vst v3;
	v3 =	vld [tilespmem:$0x1A80]  }
0xf4: {  	[tilespmem:$0xE30] =	vst v35  }
0xf5: {  	v36 =	vld [tilespmem:$0x1A80];
	[tilespmem:$0xE40] =	vst v35  }
0xf6: {  	[tilespmem:$0xE50] =	vst v2  }
0xf7: {  	[tilespmem:$0xE60] =	vst v2;
	v2 =	vld [tilespmem:$0x1A80]  }
0xf8: {  	[tilespmem:$0xE70] =	vst v3  }
0xf9: {  	[tilespmem:$0xE80] =	vst v3;
	v3 =	vld [tilespmem:$0x1A80]  }
0xfa: {  	[tilespmem:$0xE90] =	vst v36  }
0xfb: {  	v37 =	vld [tilespmem:$0x1A80];
	[tilespmem:$0xEA0] =	vst v36  }
0xfc: {  	[tilespmem:$0xEB0] =	vst v2  }
0xfd: {  	[tilespmem:$0xEC0] =	vst v2;
	v2 =	vld [tilespmem:$0x1A80]  }
0xfe: {  	[tilespmem:$0xED0] =	vst v3  }
0xff: {  	[tilespmem:$0xEE0] =	vst v3;
	v3 =	vld [tilespmem:$0x1A80]  }
0x100: {  	[tilespmem:$0xEF0] =	vst v37  }
0x101: {  	v38 =	vld [tilespmem:$0x1A80];
	[tilespmem:$0xF00] =	vst v37  }
0x102: {  	[tilespmem:$0xF10] =	vst v2  }
0x103: {  	[tilespmem:$0xF20] =	vst v2;
	v2 =	vld [tilespmem:$0x1A80]  }
0x104: {  	[tilespmem:$0xF30] =	vst v3  }
0x105: {  	[tilespmem:$0xF40] =	vst v3;
	v3 =	vld [tilespmem:$0x1A80]  }
0x106: {  	[tilespmem:$0xF50] =	vst v38  }
0x107: {  	v39 =	vld [tilespmem:$0x1A80];
	[tilespmem:$0xF60] =	vst v38  }
0x108: {  	[tilespmem:$0xF70] =	vst v2  }
0x109: {  	[tilespmem:$0xF80] =	vst v2;
	v2 =	vld [tilespmem:$0x1A80]  }
0x10a: {  	[tilespmem:$0xF90] =	vst v3  }
0x10b: {  	[tilespmem:$0xFA0] =	vst v3;
	v3 =	vld [tilespmem:$0x1A80]  }
0x10c: {  	[tilespmem:$0xFB0] =	vst v39  }
0x10d: {  	v40 =	vld [tilespmem:$0x1A80];
	[tilespmem:$0xFC0] =	vst v39  }
0x10e: {  	[tilespmem:$0xFD0] =	vst v2  }
0x10f: {  	[tilespmem:$0xFE0] =	vst v2;
	v2 =	vld [tilespmem:$0x1A80]  }
0x110: {  	[tilespmem:$0xFF0] =	vst v3  }
0x111: {  	[tilespmem:$0x1000] =	vst v3;
	v3 =	vld [tilespmem:$0x1A80]  }
0x112: {  	[tilespmem:$0x1010] =	vst v40  }
0x113: {  	v41 =	vld [tilespmem:$0x1A80];
	[tilespmem:$0x1020] =	vst v40  }
0x114: {  	[tilespmem:$0x1030] =	vst v2  }
0x115: {  	[tilespmem:$0x1040] =	vst v2;
	v2 =	vld [tilespmem:$0x1A80]  }
0x116: {  	[tilespmem:$0x1050] =	vst v3  }
0x117: {  	[tilespmem:$0x1060] =	vst v3;
	v3 =	vld [tilespmem:$0x1A80]  }
0x118: {  	[tilespmem:$0x1070] =	vst v41  }
0x119: {  	v42 =	vld [tilespmem:$0x1A80];
	[tilespmem:$0x1080] =	vst v41  }
0x11a: {  	[tilespmem:$0x1090] =	vst v2  }
0x11b: {  	[tilespmem:$0x10A0] =	vst v2;
	v2 =	vld [tilespmem:$0x1A80]  }
0x11c: {  	[tilespmem:$0x10B0] =	vst v3  }
0x11d: {  	[tilespmem:$0x10C0] =	vst v3;
	v3 =	vld [tilespmem:$0x1A80]  }
0x11e: {  	[tilespmem:$0x10D0] =	vst v42  }
0x11f: {  	v43 =	vld [tilespmem:$0x1A80];
	[tilespmem:$0x10E0] =	vst v42  }
0x120: {  	[tilespmem:$0x10F0] =	vst v2  }
0x121: {  	[tilespmem:$0x1100] =	vst v2;
	v2 =	vld [tilespmem:$0x1A80]  }
0x122: {  	[tilespmem:$0x1110] =	vst v3  }
0x123: {  	[tilespmem:$0x1120] =	vst v3;
	v3 =	vld [tilespmem:$0x1A80]  }
0x124: {  	[tilespmem:$0x1130] =	vst v43  }
0x125: {  	v44 =	vld [tilespmem:$0x1A80];
	[tilespmem:$0x1140] =	vst v43  }
0x126: {  	[tilespmem:$0x1150] =	vst v2  }
0x127: {  	[tilespmem:$0x1160] =	vst v2;
	v2 =	vld [tilespmem:$0x1A80]  }
0x128: {  	[tilespmem:$0x1170] =	vst v3  }
0x129: {  	[tilespmem:$0x1180] =	vst v3;
	v3 =	vld [tilespmem:$0x1A80]  }
0x12a: {  	[tilespmem:$0x1190] =	vst v44  }
0x12b: {  	v45 =	vld [tilespmem:$0x1A80];
	[tilespmem:$0x11A0] =	vst v44  }
0x12c: {  	[tilespmem:$0x11B0] =	vst v2  }
0x12d: {  	[tilespmem:$0x11C0] =	vst v2;
	v2 =	vld [tilespmem:$0x1A80]  }
0x12e: {  	[tilespmem:$0x11D0] =	vst v3  }
0x12f: {  	[tilespmem:$0x11E0] =	vst v3;
	v3 =	vld [tilespmem:$0x1A80]  }
0x130: {  	[tilespmem:$0x11F0] =	vst v45  }
0x131: {  	v46 =	vld [tilespmem:$0x1A80];
	[tilespmem:$0x1200] =	vst v45  }
0x132: {  	[tilespmem:$0x1210] =	vst v2  }
0x133: {  	[tilespmem:$0x1220] =	vst v2;
	v2 =	vld [tilespmem:$0x1A80]  }
0x134: {  	[tilespmem:$0x1230] =	vst v3  }
0x135: {  	[tilespmem:$0x1240] =	vst v3;
	v3 =	vld [tilespmem:$0x1A80]  }
0x136: {  	[tilespmem:$0x1250] =	vst v46  }
0x137: {  	v47 =	vld [tilespmem:$0x1A80];
	[tilespmem:$0x1260] =	vst v46  }
0x138: {  	[tilespmem:$0x1270] =	vst v2  }
0x139: {  	[tilespmem:$0x1280] =	vst v2;
	v2 =	vld [tilespmem:$0x1A80]  }
0x13a: {  	[tilespmem:$0x1290] =	vst v3  }
0x13b: {  	[tilespmem:$0x12A0] =	vst v3;
	v3 =	vld [tilespmem:$0x1A80]  }
0x13c: {  	[tilespmem:$0x12B0] =	vst v47  }
0x13d: {  	v48 =	vld [tilespmem:$0x1A80];
	[tilespmem:$0x12C0] =	vst v47  }
0x13e: {  	[tilespmem:$0x12D0] =	vst v2  }
0x13f: {  	[tilespmem:$0x12E0] =	vst v2;
	v2 =	vld [tilespmem:$0x1A80]  }
0x140: {  	[tilespmem:$0x12F0] =	vst v3  }
0x141: {  	[tilespmem:$0x1300] =	vst v3;
	v3 =	vld [tilespmem:$0x1A80]  }
0x142: {  	[tilespmem:$0x1310] =	vst v48  }
0x143: {  	v49 =	vld [tilespmem:$0x1A80];
	[tilespmem:$0x1320] =	vst v48  }
0x144: {  	[tilespmem:$0x1330] =	vst v2  }
0x145: {  	[tilespmem:$0x1340] =	vst v2;
	v2 =	vld [tilespmem:$0x1A80]  }
0x146: {  	[tilespmem:$0x1350] =	vst v3  }
0x147: {  	[tilespmem:$0x1360] =	vst v3;
	v3 =	vld [tilespmem:$0x1A80]  }
0x148: {  	[tilespmem:$0x1370] =	vst v49  }
0x149: {  	v50 =	vld [tilespmem:$0x1A80];
	[tilespmem:$0x1380] =	vst v49  }
0x14a: {  	[tilespmem:$0x1390] =	vst v2  }
0x14b: {  	[tilespmem:$0x13A0] =	vst v2;
	v2 =	vld [tilespmem:$0x1A80]  }
0x14c: {  	[tilespmem:$0x13B0] =	vst v3  }
0x14d: {  	[tilespmem:$0x13C0] =	vst v3;
	v3 =	vld [tilespmem:$0x1A80]  }
0x14e: {  	[tilespmem:$0x13D0] =	vst v50  }
0x14f: {  	v51 =	vld [tilespmem:$0x1A80];
	[tilespmem:$0x13E0] =	vst v50  }
0x150: {  	[tilespmem:$0x13F0] =	vst v2  }
0x151: {  	[tilespmem:$0x1400] =	vst v2;
	v2 =	vld [tilespmem:$0x1A80]  }
0x152: {  	[tilespmem:$0x1410] =	vst v3  }
0x153: {  	[tilespmem:$0x1420] =	vst v3;
	v3 =	vld [tilespmem:$0x1A80]  }
0x154: {  	[tilespmem:$0x1430] =	vst v51  }
0x155: {  	v52 =	vld [tilespmem:$0x1A80];
	[tilespmem:$0x1440] =	vst v51  }
0x156: {  	[tilespmem:$0x1450] =	vst v2  }
0x157: {  	[tilespmem:$0x1460] =	vst v2;
	v2 =	vld [tilespmem:$0x1A80]  }
0x158: {  	[tilespmem:$0x1470] =	vst v3  }
0x159: {  	[tilespmem:$0x1480] =	vst v3;
	v3 =	vld [tilespmem:$0x1A80]  }
0x15a: {  	[tilespmem:$0x1490] =	vst v52  }
0x15b: {  	v53 =	vld [tilespmem:$0x1A80];
	[tilespmem:$0x14A0] =	vst v52  }
0x15c: {  	[tilespmem:$0x14B0] =	vst v2  }
0x15d: {  	[tilespmem:$0x14C0] =	vst v2;
	v2 =	vld [tilespmem:$0x1A80]  }
0x15e: {  	[tilespmem:$0x14D0] =	vst v3  }
0x15f: {  	[tilespmem:$0x14E0] =	vst v3;
	v3 =	vld [tilespmem:$0x1A80]  }
0x160: {  	[tilespmem:$0x14F0] =	vst v53  }
0x161: {  	v54 =	vld [tilespmem:$0x1A80];
	[tilespmem:$0x1500] =	vst v53  }
0x162: {  	[tilespmem:$0x1510] =	vst v2  }
0x163: {  	[tilespmem:$0x1520] =	vst v2;
	v2 =	vld [tilespmem:$0x1A80]  }
0x164: {  	[tilespmem:$0x1530] =	vst v3  }
0x165: {  	[tilespmem:$0x1540] =	vst v3;
	v3 =	vld [tilespmem:$0x1A80]  }
0x166: {  	[tilespmem:$0x1550] =	vst v54  }
0x167: {  	v55 =	vld [tilespmem:$0x1A80];
	[tilespmem:$0x1560] =	vst v54  }
0x168: {  	[tilespmem:$0x1570] =	vst v2  }
0x169: {  	[tilespmem:$0x1580] =	vst v2;
	v2 =	vld [tilespmem:$0x1A80]  }
0x16a: {  	[tilespmem:$0x1590] =	vst v3  }
0x16b: {  	[tilespmem:$0x15A0] =	vst v3;
	v3 =	vld [tilespmem:$0x1A80]  }
0x16c: {  	[tilespmem:$0x15B0] =	vst v55  }
0x16d: {  	v56 =	vld [tilespmem:$0x1A80];
	[tilespmem:$0x15C0] =	vst v55  }
0x16e: {  	[tilespmem:$0x15D0] =	vst v2  }
0x16f: {  	[tilespmem:$0x15E0] =	vst v2;
	v2 =	vld [tilespmem:$0x1A80]  }
0x170: {  	[tilespmem:$0x15F0] =	vst v3  }
0x171: {  	[tilespmem:$0x1600] =	vst v3;
	v3 =	vld [tilespmem:$0x1A80]  }
0x172: {  	[tilespmem:$0x1610] =	vst v56  }
0x173: {  	v57 =	vld [tilespmem:$0x1A80];
	[tilespmem:$0x1620] =	vst v56  }
0x174: {  	[tilespmem:$0x1630] =	vst v2  }
0x175: {  	[tilespmem:$0x1640] =	vst v2;
	v2 =	vld [tilespmem:$0x1A80]  }
0x176: {  	[tilespmem:$0x1650] =	vst v3  }
0x177: {  	[tilespmem:$0x1660] =	vst v3;
	v3 =	vld [tilespmem:$0x1A80]  }
0x178: {  	[tilespmem:$0x1670] =	vst v57  }
0x179: {  	v58 =	vld [tilespmem:$0x1A80];
	[tilespmem:$0x1680] =	vst v57  }
0x17a: {  	[tilespmem:$0x1690] =	vst v2  }
0x17b: {  	[tilespmem:$0x16A0] =	vst v2;
	v2 =	vld [tilespmem:$0x1A80]  }
0x17c: {  	[tilespmem:$0x16B0] =	vst v3  }
0x17d: {  	[tilespmem:$0x16C0] =	vst v3;
	v3 =	vld [tilespmem:$0x1A80]  }
0x17e: {  	[tilespmem:$0x16D0] =	vst v58  }
0x17f: {  	v59 =	vld [tilespmem:$0x1A80];
	[tilespmem:$0x16E0] =	vst v58  }
0x180: {  	[tilespmem:$0x16F0] =	vst v2  }
0x181: {  	[tilespmem:$0x1700] =	vst v2;
	v2 =	vld [tilespmem:$0x1A80]  }
0x182: {  	[tilespmem:$0x1710] =	vst v3  }
0x183: {  	[tilespmem:$0x1720] =	vst v3;
	v3 =	vld [tilespmem:$0x1A80]  }
0x184: {  	[tilespmem:$0x1730] =	vst v59  }
0x185: {  	v60 =	vld [tilespmem:$0x1A80];
	[tilespmem:$0x1740] =	vst v59  }
0x186: {  	[tilespmem:$0x1750] =	vst v2  }
0x187: {  	[tilespmem:$0x1760] =	vst v2;
	v2 =	vld [tilespmem:$0x1A80]  }
0x188: {  	[tilespmem:$0x1770] =	vst v3  }
0x189: {  	[tilespmem:$0x1780] =	vst v3;
	v3 =	vld [tilespmem:$0x1A80]  }
0x18a: {  	[tilespmem:$0x1790] =	vst v60  }
0x18b: {  	v61 =	vld [tilespmem:$0x1A80];
	[tilespmem:$0x17A0] =	vst v60  }
0x18c: {  	[tilespmem:$0x17B0] =	vst v2  }
0x18d: {  	[tilespmem:$0x17C0] =	vst v2;
	v2 =	vld [tilespmem:$0x1A80]  }
0x18e: {  	[tilespmem:$0x17D0] =	vst v3  }
0x18f: {  	[tilespmem:$0x17E0] =	vst v3;
	v3 =	vld [tilespmem:$0x1A80]  }
0x190: {  	[tilespmem:$0x17F0] =	vst v61  }
0x191: {  	v62 =	vld [tilespmem:$0x1A80];
	[tilespmem:$0x1800] =	vst v61  }
0x192: {  	[tilespmem:$0x1810] =	vst v2  }
0x193: {  	[tilespmem:$0x1820] =	vst v2;
	v2 =	vld [tilespmem:$0x1A80]  }
0x194: {  	[tilespmem:$0x1830] =	vst v3  }
0x195: {  	[tilespmem:$0x1840] =	vst v3;
	v3 =	vld [tilespmem:$0x1A80]  }
0x196: {  	[tilespmem:$0x1850] =	vst v62  }
0x197: {  	v63 =	vld [tilespmem:$0x1A80];
	[tilespmem:$0x1860] =	vst v62  }
0x198: {  	[tilespmem:$0x1870] =	vst v2  }
0x199: {  	[tilespmem:$0x1880] =	vst v2;
	v2 =	vld [tilespmem:$0x1A80]  }
0x19a: {  	[tilespmem:$0x1890] =	vst v3  }
0x19b: {  	[tilespmem:$0x18A0] =	vst v3;
	v3 =	vld [tilespmem:$0x1A80]  }
0x19c: {  	[tilespmem:$0x18B0] =	vst v63  }
0x19d: {  	[tilespmem:$0x18C0] =	vst v63  }
0x19e: {  	[tilespmem:$0x18D0] =	vst v2  }
0x19f: {  	[tilespmem:$0x18E0] =	vst v2  }
0x1a0: {  	s14 =	smov.u32 s7;
	s15 =	simm.s32 $0x0;
	[tilespmem:$0x18F0] =	vst v3  }
.LBB2_2:
0x1a1: {  	s17 =	sshrl.u32 s14, $0x3  }
0x1a2: {  	s16 =	sand.u32 $0x380, s15;
	s18 =	sshll.u32 s17, $0xA  }
0x1a3: {  	s18 =	sor.u32 s16, s18  }
0x1a4: {  	s18 =	sshrl.u32 s18, $0x3  }
0x1a5: {  	s31 =	sshll.u32 s17, $0xB;
	s18 =	sadd.s32 s1, s18  }
0x1a6: {  	[tilespmem:s8], [sflag:$0x1] =	stream.linear.gather [hbm4b:s18+s2], $0x80, $0x38;
	[tilespmem:$0x1B00] =	vst v63  }
0x1a7: {  	s18 =	sor.u32 s16, s31;
	_ =	swait.ge [sflag:s9], $0x80  }
0x1a8: {  	s18 =	sshrl.u32 s18, $0x3;
	[sflag:s9] =	ssyncset.done $0x0  }
0x1a9: {  	s18 =	sadd.s32 s4, s18;
	[sflag:s9] =	ssyncadd.s32 $0xFFFFFF80  }
0x1aa: {  	[tilespmem:s12], [sflag:$0x1] =	stream.strided.gather [hbm4b:s18+s10], $0x100, s11, s10, $0x38;
	[tilespmem:$0x1B00] =	vst v63  }
0x1ab: {  	_ =	swait.ge [sflag:s9], $0x100  }
0x1ac: {  	[sflag:s9] =	ssyncset.done $0x0  }
0x1ad: {  	[sflag:s9] =	ssyncadd.s32 $0xFFFFFF00  }
0x1ae: {  	v2 =	vld [tilespmem:$0x1900]  }
0x1af: {  	v3 =	vld [tilespmem:$0x1920]  }
0x1b0: {  	v4 =	vld [tilespmem:$0x1980]  }
0x1b1: {  	v5 =	vld [tilespmem:$0x19A0]  }
0x1b2: {  	v6 =	vld [tilespmem:$0x19C0]  }
0x1b3: {  	v7 =	vld [tilespmem:$0x19E0];
	v9 =	vadd.s32 $0x280, v2  }
0x1b4: {  	v8 =	vld [tilespmem:$0x1A00];
	v11 =	vadd.s32 $0x500, v2  }
0x1b5: {  	v10 =	vld [tilespmem:$0x1A20];
	v13 =	vadd.s32 $0x780, v2  }
0x1b6: {  	v12 =	vld [tilespmem:$0x1A40];
	v15 =	vadd.s32 $0xA00, v2  }
0x1b7: {  	v14 =	vld [tilespmem:$0x1A60];
	[tilespmem:v2+s2+$0x0] =	vst.idx.msk $0xffff, v4;
	v2 =	vadd.s32 $0xC80, v3  }
0x1b8: {  	v40 =	vadd.s32 $0xF00, v3;
	[tilespmem:v9+s2+$0x0] =	vst.idx.msk $0xffff, v5  }
0x1b9: {  	v41 =	vadd.s32 $0x1180, v3;
	[tilespmem:v11+s2+$0x0] =	vst.idx.msk $0xffff, v6  }
0x1ba: {  	v42 =	vadd.s32 $0x1400, v3;
	[tilespmem:v13+s2+$0x0] =	vst.idx.msk $0xffff, v7  }
0x1bb: {  	v3 =	vadd.s32 $0x1680, v3;
	[tilespmem:v15+s2+$0x0] =	vst.idx.msk $0xffff, v1  }
0x1bc: {  	[tilespmem:v2+s2+$0x0] =	vst.idx.msk $0xffff, v8  }
0x1bd: {  	[tilespmem:v40+s2+$0x0] =	vst.idx.msk $0xffff, v10  }
0x1be: {  	[tilespmem:v41+s2+$0x0] =	vst.idx.msk $0xffff, v12  }
0x1bf: {  	[tilespmem:v42+s2+$0x0] =	vst.idx.msk $0xffff, v14  }
0x1c0: {  	[tilespmem:v3+s2+$0x0] =	vst.idx.msk $0xffff, v1  }
0x1c1: {  	v2 =	vld [tilespmem:$0x1910]  }
0x1c2: {  	v3 =	vld [tilespmem:$0x1930]  }
0x1c3: {  	v4 =	vld [tilespmem:$0x1990]  }
0x1c4: {  	v5 =	vld [tilespmem:$0x19B0]  }
0x1c5: {  	v6 =	vld [tilespmem:$0x19D0]  }
0x1c6: {  	v7 =	vld [tilespmem:$0x19F0];
	v43 =	vadd.s32 $0x280, v2  }
0x1c7: {  	v8 =	vld [tilespmem:$0x1A10];
	v44 =	vadd.s32 $0x500, v2  }
0x1c8: {  	v10 =	vld [tilespmem:$0x1A30];
	v45 =	vadd.s32 $0x780, v2  }
0x1c9: {  	v12 =	vld [tilespmem:$0x1A50];
	v46 =	vadd.s32 $0xA00, v2  }
0x1ca: {  	v14 =	vld [tilespmem:$0x1A70];
	[tilespmem:v2+s2+$0x0] =	vst.idx.msk $0xffff, v4;
	v2 =	vadd.s32 $0xC80, v3  }
0x1cb: {  	v47 =	vadd.s32 $0xF00, v3;
	[tilespmem:v43+s2+$0x0] =	vst.idx.msk $0xffff, v5  }
0x1cc: {  	v48 =	vadd.s32 $0x1180, v3;
	[tilespmem:v44+s2+$0x0] =	vst.idx.msk $0xffff, v6  }
0x1cd: {  	v49 =	vadd.s32 $0x1400, v3;
	[tilespmem:v45+s2+$0x0] =	vst.idx.msk $0xffff, v7  }
0x1ce: {  	v3 =	vadd.s32 $0x1680, v3;
	[tilespmem:v46+s2+$0x0] =	vst.idx.msk $0xffff, v1  }
0x1cf: {  	s17 =	smul.u32 $0xC800, s17;
	[tilespmem:v2+s2+$0x0] =	vst.idx.msk $0xffff, v8  }
0x1d0: {  	[tilespmem:v47+s2+$0x0] =	vst.idx.msk $0xffff, v10  }
0x1d1: {  	s16 =	sor.u32 s16, s17;
	[tilespmem:v48+s2+$0x0] =	vst.idx.msk $0xffff, v12  }
0x1d2: {  	s16 =	sshrl.u32 s16, $0x3;
	[tilespmem:v49+s2+$0x0] =	vst.idx.msk $0xffff, v14  }
0x1d3: {  	s16 =	sadd.s32 s5, s16;
	[tilespmem:v3+s2+$0x0] =	vst.idx.msk $0xffff, v1  }
0x1d4: {  	[hbm4b:s16+s10] =	stream.strided.scatter [tilespmem:s2], [sflag:$0x1], $0x1900, s11, s10, $0x38;
	[tilespmem:$0x1B00] =	vst v63  }
0x1d5: {  	_ =	swait.ge [sflag:s9], $0x1900  }
0x1d6: {  	[sflag:s9] =	ssyncset.done $0x0  }
0x1d7: {  	[sflag:s9] =	ssyncadd.s32 $0xFFFFE700  }
0x1d8: {  	v2 =	vld [tilespmem:$0x1900];
	_ =	sdelay $0x3  }
0x1d9: {  	v3 =	vld [tilespmem:$0x1920]  }
0x1da: {  	v50 =	vadd.s32 $0x280, v2  }
0x1db: {  	v51 =	vadd.s32 $0x500, v2  }
0x1dc: {  	v52 =	vadd.s32 $0x780, v2  }
0x1dd: {  	v53 =	vadd.s32 $0xA00, v2  }
0x1de: {  	[tilespmem:v2+s2+$0x0] =	vst.idx.msk $0xffff, v0;
	v2 =	vadd.s32 $0xC80, v3  }
0x1df: {  	v54 =	vadd.s32 $0xF00, v3;
	[tilespmem:v50+s2+$0x0] =	vst.idx.msk $0xffff, v0  }
0x1e0: {  	v55 =	vadd.s32 $0x1180, v3;
	[tilespmem:v51+s2+$0x0] =	vst.idx.msk $0xffff, v0  }
0x1e1: {  	v56 =	vadd.s32 $0x1400, v3;
	[tilespmem:v52+s2+$0x0] =	vst.idx.msk $0xffff, v0  }
0x1e2: {  	v3 =	vadd.s32 $0x1680, v3;
	[tilespmem:v53+s2+$0x0] =	vst.idx.msk $0xffff, v0  }
0x1e3: {  	[tilespmem:v2+s2+$0x0] =	vst.idx.msk $0xffff, v0  }
0x1e4: {  	[tilespmem:v54+s2+$0x0] =	vst.idx.msk $0xffff, v0  }
0x1e5: {  	[tilespmem:v55+s2+$0x0] =	vst.idx.msk $0xffff, v0  }
0x1e6: {  	[tilespmem:v56+s2+$0x0] =	vst.idx.msk $0xffff, v0  }
0x1e7: {  	[tilespmem:v3+s2+$0x0] =	vst.idx.msk $0xffff, v0  }
0x1e8: {  	v2 =	vld [tilespmem:$0x1910];
	_ =	sdelay $0x3  }
0x1e9: {  	v3 =	vld [tilespmem:$0x1930]  }
0x1ea: {  	v57 =	vadd.s32 $0x280, v2  }
0x1eb: {  	v58 =	vadd.s32 $0x500, v2  }
0x1ec: {  	v59 =	vadd.s32 $0x780, v2  }
0x1ed: {  	v60 =	vadd.s32 $0xA00, v2  }
0x1ee: {  	[tilespmem:v2+s2+$0x0] =	vst.idx.msk $0xffff, v0;
	v2 =	vadd.s32 $0xC80, v3  }
0x1ef: {  	v61 =	vadd.s32 $0xF00, v3;
	[tilespmem:v57+s2+$0x0] =	vst.idx.msk $0xffff, v0  }
0x1f0: {  	v62 =	vadd.s32 $0x1180, v3;
	[tilespmem:v58+s2+$0x0] =	vst.idx.msk $0xffff, v0  }
0x1f1: {  	v63 =	vadd.s32 $0x1400, v3;
	[tilespmem:v59+s2+$0x0] =	vst.idx.msk $0xffff, v0  }
0x1f2: {  	p0 =	sne.s32 s15, $0x780;
	v3 =	vadd.s32 $0x1680, v3;
	[tilespmem:v60+s2+$0x0] =	vst.idx.msk $0xffff, v0  }
.Ltmp0:
0x1f3: {  	[tilespmem:v2+s2+$0x0] =	vst.idx.msk $0xffff, v0;
	(pc) =	sbr.rel @p0 .LBB2_2-.Ltmp0, $4  }
0x1f4: {  	[tilespmem:v61+s2+$0x0] =	vst.idx.msk $0xffff, v0  }
0x1f5: {  	[tilespmem:v62+s2+$0x0] =	vst.idx.msk $0xffff, v0  }
0x1f6: {  	[tilespmem:v63+s2+$0x0] =	vst.idx.msk $0xffff, v0  }
0x1f7: {  	s14 =	sadd.s32 $0x1, s14;
	s15 =	sadd.s32 $0x80, s15;
	[tilespmem:v3+s2+$0x0] =	vst.idx.msk $0xffff, v0  }
0x1f8: {  	s13 =	sadd.s32 $0x1, s13  }
0x1f9: {  	p0 =	sne.s32 s13, s6  }
.Ltmp1:
0x1fa: {  	_ = 	snop;
	(pc) =	sbr.rel @p0 .LBB2_1-.Ltmp1, $1  }
0x1fb: {  	_ =	sdelay $0x3  }
0x1fc: {  	_ =	sfence.sel $0x180000  }
0x1fd: {  	[bflag:$0x0] =	sbarrier.arrive $0xFFFF  }
0x1fe: {  	p0 =	sne.s32 s3, $0x0;
	_ =	strace $0x90000047  }
0x1ff: {  	s0 =	sadd.s32 @!p0 $0x100000, s0;
	[bflag:$0x2] =	sbarrier.arrive $0xFFFF  }
0x200: {  	[sflag:s0] =	ssyncadd.tile.s32 @!p0 $0x1;
	_ =	shalt  }
.Lfunc_end2:
_tile_overlayer_lowered:
.L_overlay_start_2:
0x201: {  	(tag) =	ssettag $0x2  }
0x202: {  	s0 =	rddreg [dreg:$0x0];
	s2 =	stileid.u32  }
0x203: {  	s1 =	rddreg [dreg:$0x1];
	p0 =	sne.s32 s2, $0x0  }
0x204: {  	s3 =	rddreg [dreg:$0x2];
	[bflag:$0x3] =	sbarrier.arrive $0xFFFF;
	s2 =	simm.s32 @!p0 $0x1C01  }
0x205: {  	[timem:s3], [sflag:s2] =	dma.local @!p0 [hbm:s0], s1  }
0x206: {  	s0 =	simm.s32 @!p0 $0x1  }
0x207: {  	_ =	swait.ge @!p0 [sflag:s0], s1  }
0x208: {  	s1 =	ssub.s32 @!p0 $0x0, s1;
	[sflag:s0] =	ssyncset.done @!p0 $0x0  }
0x209: {  	[sflag:s0] =	ssyncadd.s32 @!p0 s1  }
0x20a: {  	[bflag:$0x3] =	sbarrier.arrive $0xFFFF  }
0x20b: {  	_ =	shalt  }

</sc_bundles>
